<compile_context>
chip_gen: v7x
topology: tpu7x:2x2x1
jax: 0.10.2.dev20260603
libtpu: 0.0.44.dev20260713+nightly
codegen_flags: <defaults>
</compile_context>

<pallas_src>
import jax
import jax.numpy as jnp
from jax import lax
from jax.experimental import pallas as pl
from jax.experimental.pallas import tpu as pltpu
from jax.experimental.pallas import tpu_sc as plsc

NC, NS, LANES = 2, 16, 16
NW = NC * NS
CHUNK = 128


def _tc_prep(x_ref, w_ref, b_ref, c_ref, ab_ref, h_ref, hb_ref, s_ref):
    i = pl.program_id(0)
    x = x_ref[0]
    h = jnp.dot(x, w_ref[...].T, preferred_element_type=jnp.float32) + b_ref[...]
    h_ref[0] = h
    hb_ref[0] = h.astype(jnp.bfloat16)
    s = jnp.dot(h, c_ref[0, 0][:, None], preferred_element_type=jnp.float32)[:, 0]
    s_ref[0, 0] = s + jnp.where(i == 0, ab_ref[0, 0], 0.0)


def _sc_edges(e0_hbm, i1_hbm, i2_hbm, hb_hbm, sflat_hbm,
              partb_hbm, partd_hbm,
              e0_v, i1_v, i2_v, s_v, p_v, buf1, buf2, comb, d_v,
              acc_sh,
              se0, se1, se2, sr1, sr2, ssc):
    c = lax.axis_index("c")
    s = lax.axis_index("s")
    wid = s * NC + c
    n3 = sflat_hbm.shape[0]
    n = n3 // 3
    h = hb_hbm.shape[1]
    e = e0_hbm.shape[0]
    total_chunks = e // CHUNK
    base_chunks = total_chunks // NW
    extra = total_chunks - base_chunks * NW
    nw = base_chunks + jnp.where(wid < extra, 1, 0)
    zrows = n // 10
    bf16 = jnp.bfloat16

    pltpu.sync_copy(sflat_hbm, s_v)

    zb = jnp.zeros((2 * LANES,), bf16)
    zf = jnp.zeros((LANES,), jnp.float32)
    iota = lax.iota(jnp.int32, LANES)

    def _zd(j, carry):
        d_v[pl.ds(j * LANES, LANES)] = zf
        return carry

    lax.fori_loop(0, n // LANES, _zd, 0)

    def _zcomb(j, carry):
        for blk in range(h // (2 * LANES)):
            comb[j, pl.ds(blk * 2 * LANES, 2 * LANES)] = zb
        return carry

    lax.fori_loop(0, CHUNK, _zcomb, 0)

    zpc = CHUNK - 3

    @pl.when(s < 10)
    def _zero_acc():
        def _zcp(k, carry):
            r0 = s * zrows + k * zpc
            pltpu.sync_copy(comb.at[pl.ds(0, zpc)],
                            acc_sh.at[pl.ds(r0, zpc)])
            return carry

        lax.fori_loop(0, zrows // zpc, _zcp, 0)

    plsc.subcore_barrier()

    def fire_idx(chunk_id, slot):
        off = chunk_id * CHUNK
        pltpu.async_copy(e0_hbm.at[pl.ds(off, CHUNK)], e0_v.at[slot], se0)
        pltpu.async_copy(i1_hbm.at[pl.ds(off, CHUNK)], i1_v.at[slot], se1)
        pltpu.async_copy(i2_hbm.at[pl.ds(off, CHUNK)], i2_v.at[slot], se2)

    def fire_rows(islot, bslot):
        pltpu.async_copy(hb_hbm.at[i1_v.at[islot]], buf1.at[bslot], sr1)
        pltpu.async_copy(hb_hbm.at[i2_v.at[islot]], buf2.at[bslot], sr2)

    def wait_idx(islot):
        pltpu.make_async_copy(
            e0_hbm.at[pl.ds(0, CHUNK)], e0_v.at[islot], se0).wait()
        pltpu.make_async_copy(
            i1_hbm.at[pl.ds(0, CHUNK)], i1_v.at[islot], se1).wait()
        pltpu.make_async_copy(
            i2_hbm.at[pl.ds(0, CHUNK)], i2_v.at[islot], se2).wait()

    def wait_rows(islot, bslot):
        pltpu.make_async_copy(hb_hbm.at[i1_v.at[islot]], buf1.at[bslot],
                              sr1).wait()
        pltpu.make_async_copy(hb_hbm.at[i2_v.at[islot]], buf2.at[bslot],
                              sr2).wait()

    fire_idx(wid, 0)
    wait_idx(0)
    fire_rows(0, 0)
    fire_idx(wid + NW, 1)

    def chunk_body(t, carry):
        islot = lax.rem(t, 3)
        bslot = lax.rem(t, 2)
        wait_rows(islot, bslot)

        @pl.when(t + 1 < nw)
        def _prefetch_rows():
            wait_idx(lax.rem(t + 1, 3))
            fire_rows(lax.rem(t + 1, 3), 1 - bslot)

        @pl.when(t > 0)
        def _drain_sc():
            pltpu.make_async_copy(comb, acc_sh.at[e0_v.at[islot]],
                                  ssc).wait()

        @pl.when(t + 2 < nw)
        def _prefetch_idx():
            fire_idx(wid + NW * (t + 2), lax.rem(t + 2, 3))

        def pgrp(j, carry2):
            sl = pl.ds(j * LANES, LANES)
            idx0 = e0_v[islot, sl]
            g0 = plsc.load_gather(s_v, [idx0])
            g1 = plsc.load_gather(s_v, [i1_v[islot, sl]])
            g2 = plsc.load_gather(s_v, [i2_v[islot, sl]])
            ee = g0 + g1 + g2
            ex = jnp.exp(ee + ee)
            th = 1.0 - 2.0 / (ex + 1.0)
            p = jnp.exp(th)
            p_v[sl] = p
            for r in range(LANES):
                plsc.addupdate_scatter(d_v, [idx0], p, mask=iota == r)
            return carry2

        lax.fori_loop(0, CHUNK // LANES, pgrp, 0)

        def rowgrp(g, carry3):
            bs = g * LANES
            pv = p_v[pl.ds(bs, LANES)]
            for r in range(LANES):
                pf = jnp.full((LANES,), pv[r], jnp.float32)
                pvec = plsc.pack(pf, pf, format=plsc.PackFormat.INTERLEAVED)
                j = bs + r
                for blk in range(h // (2 * LANES)):
                    sl = pl.ds(blk * 2 * LANES, 2 * LANES)
                    comb[j, sl] = (buf1[bslot, j, sl] + buf2[bslot, j, sl]) * pvec
            return carry3

        lax.fori_loop(0, CHUNK // LANES, rowgrp, 0)
        pltpu.async_copy(comb, acc_sh.at[e0_v.at[islot]], ssc, add=True)
        return carry

    lax.fori_loop(0, nw, chunk_body, 0)
    pltpu.make_async_copy(comb, acc_sh.at[e0_v.at[0]], ssc).wait()
    pltpu.sync_copy(d_v, partd_hbm.at[wid])
    plsc.subcore_barrier()

    @pl.when(s < 10)
    def _dump_acc():
        pltpu.sync_copy(acc_sh.at[pl.ds(s * zrows, zrows)],
                        partb_hbm.at[c].at[pl.ds(s * zrows, zrows)])


def _tc_fin(h_ref, partb_ref, partd_ref, bias_ref, o_ref):
    f32 = jnp.float32
    d = jnp.sum(partd_ref[...], axis=0)
    p = partb_ref[0].astype(f32) + partb_ref[1].astype(f32)
    h0 = h_ref[0]
    t = jnp.where(d > 0.0, 1.0, 0.0)
    r = 1.0 / jnp.maximum(d, 1e-16)
    o_ref[...] = (h0 * t[:, None] + p * r[:, None]) * (1.0 / 3.0) + bias_ref[...]


def kernel(edge_list, feature_dict, node_type_list, W, b_lin, att_W, att_b, bias):
    l, n, fin = feature_dict.shape
    hdim = W.shape[0]
    e = edge_list.shape[1]
    f32 = jnp.float32

    a1 = att_W[0, :hdim]
    a2 = att_W[0, hdim:]
    c_all = jnp.stack([a1 + a2 / 3.0, a2 / 3.0, a2 / 3.0], 0)

    h_all, hb_all, s_all = pl.pallas_call(
        _tc_prep,
        grid=(l,),
        in_specs=[
            pl.BlockSpec((1, n, fin), lambda i: (i, 0, 0)),
            pl.BlockSpec((hdim, fin), lambda i: (0, 0)),
            pl.BlockSpec((1, hdim), lambda i: (0, 0)),
            pl.BlockSpec((1, 1, hdim), lambda i: (i, 0, 0)),
            pl.BlockSpec((1, 1), lambda i: (0, 0)),
        ],
        out_specs=[
            pl.BlockSpec((1, n, hdim), lambda i: (i, 0, 0)),
            pl.BlockSpec((1, n, hdim), lambda i: (i, 0, 0)),
            pl.BlockSpec((1, 1, n), lambda i: (i, 0, 0)),
        ],
        out_shape=[
            jax.ShapeDtypeStruct((l, n, hdim), f32),
            jax.ShapeDtypeStruct((l, n, hdim), jnp.bfloat16),
            jax.ShapeDtypeStruct((l, 1, n), f32),
        ],
    )(feature_dict, W, b_lin.reshape(1, hdim), c_all.reshape(l, 1, hdim),
      att_b.reshape(1, 1))

    e0 = edge_list[0]
    i1 = edge_list[1] + n
    i2 = edge_list[2] + 2 * n
    hb = hb_all.reshape(l * n, hdim)
    s_flat = s_all.reshape(l * n)

    mesh = plsc.VectorSubcoreMesh(core_axis_name="c", subcore_axis_name="s")
    sc_fn = pl.kernel(
        _sc_edges,
        out_type=[
            jax.ShapeDtypeStruct((NC, n, hdim), jnp.bfloat16),
            jax.ShapeDtypeStruct((NW, n), f32),
        ],
        mesh=mesh,
        compiler_params=pltpu.CompilerParams(needs_layout_passes=False,
                                             use_tc_tiling_on_sc=False),
        scratch_types=[
            pltpu.VMEM((3, CHUNK), jnp.int32),
            pltpu.VMEM((3, CHUNK), jnp.int32),
            pltpu.VMEM((3, CHUNK), jnp.int32),
            pltpu.VMEM((l * n,), f32),
            pltpu.VMEM((CHUNK,), f32),
            pltpu.VMEM((2, CHUNK, hdim), jnp.bfloat16),
            pltpu.VMEM((2, CHUNK, hdim), jnp.bfloat16),
            pltpu.VMEM((CHUNK, hdim), jnp.bfloat16),
            pltpu.VMEM((n,), f32),
            pltpu.VMEM_SHARED((n, hdim), jnp.bfloat16),
        ] + [pltpu.SemaphoreType.DMA] * 6,
    )
    partb, partd = sc_fn(e0, i1, i2, hb, s_flat)

    out = pl.pallas_call(
        _tc_fin,
        grid=(1,),
        in_specs=[
            pl.BlockSpec((1, n, hdim), lambda i: (0, 0, 0)),
            pl.BlockSpec((NC, n, hdim), lambda i: (0, 0, 0)),
            pl.BlockSpec((NW, n), lambda i: (0, 0)),
            pl.BlockSpec((1, hdim), lambda i: (0, 0)),
        ],
        out_specs=pl.BlockSpec((n, hdim), lambda i: (0, 0)),
        out_shape=jax.ShapeDtypeStruct((n, hdim), f32),
    )(h_all, partb, partd, bias.reshape(1, hdim))
    return out

# --- scband reference (transcript-rebuilt; emitter-appended) ---
"""Pipeline reference for scband-intra-metapath-conv-9689446220159 (READ-ONLY COPY).

The authoritative reference and input builder live on the scoring server;
editing this copy changes nothing except your own understanding.
"""

import jax, jax.numpy as jnp
import numpy as np

L, N, E, FIN, H = 3, 10000, 320000, 128, 128

def setup_inputs(seed: int = 0) -> dict:
    key = jax.random.key(seed)
    ks = jax.random.split(key, 8)
    edge_list = jax.random.randint(ks[0], (L, E), 0, N, dtype=jnp.int32)
    feature_dict = jax.random.normal(ks[1], (L, N, FIN), dtype=jnp.float32)
    node_type_list = jnp.arange(L, dtype=jnp.int32)
    s = 1.0 / np.sqrt(FIN)
    W = jax.random.uniform(ks[2], (H, FIN), minval=-s, maxval=s, dtype=jnp.float32)
    b_lin = jax.random.uniform(ks[3], (H,), minval=-s, maxval=s, dtype=jnp.float32)
    s2 = 1.0 / np.sqrt(2 * H)
    att_W = jax.random.uniform(ks[4], (1, 2 * H), minval=-s2, maxval=s2, dtype=jnp.float32)
    att_b = jax.random.uniform(ks[5], (1,), minval=-s2, maxval=s2, dtype=jnp.float32)
    bias = jnp.zeros((H,), dtype=jnp.float32)
    return {"edge_list": edge_list, "feature_dict": feature_dict, "node_type_list": node_type_list,
            "W": W, "b_lin": b_lin, "att_W": att_W, "att_b": att_b, "bias": bias}

def reference(edge_list, feature_dict, node_type_list, W, b_lin, att_W, att_b, bias):
    num_paths = feature_dict.shape[0]
    feature_h_list = []
    for i in range(num_paths):
        h = feature_dict[i] @ W.T + b_lin          # [N, H] linear per node type
        feature_h_list.append(h[edge_list[i]])      # gather -> [E, H]
    feature_h_encoder = jnp.mean(jnp.stack(feature_h_list, 0), 0)   # [E, H]
    a_input = jnp.concatenate([feature_h_list[0], feature_h_encoder], axis=1)  # [E, 2H]
    e = jnp.tanh(a_input @ att_W.T + att_b)[:, 0]   # [E]
    seg = edge_list[0]                               # head node per edge
    n0 = feature_dict.shape[1]
    # sparse softmax over each head node's incident edges (dim=1 of sparse [N0, E])
    seg_max = jax.ops.segment_max(e, seg, num_segments=n0)
    seg_max = jnp.where(jnp.isfinite(seg_max), seg_max, 0.0)
    exp_e = jnp.exp(e - seg_max[seg])
    denom = jax.ops.segment_sum(exp_e, seg, num_segments=n0)
    attn = exp_e / jnp.maximum(denom[seg], 1e-16)
    # h_prime = attention @ feature_h_encoder  (sparse mm == weighted scatter-add)
    h_prime = jax.ops.segment_sum(attn[:, None] * feature_h_encoder, seg, num_segments=n0)
    return h_prime + bias

if __name__ == "__main__":
    import jax
    _d = setup_inputs()
    print(jax.jit(kernel)(*tuple(_d.values())))

</pallas_src>

<mosaic_0001>
#map = affine_map<(d0, d1) -> (0)>
#map1 = affine_map<(d0, d1) -> (0, 0)>
#map2 = affine_map<(d0, d1) -> (0, 0, 0)>
module attributes {stable_mosaic.version = 14 : i64} {
  func.func @_sc_edges(%arg0: i32, %arg1: i32, %arg2: memref<320000xi32, #tpu.memory_space<hbm>>, %arg3: memref<320000xi32, #tpu.memory_space<hbm>>, %arg4: memref<320000xi32, #tpu.memory_space<hbm>>, %arg5: memref<30000x128xbf16, #tpu.memory_space<hbm>>, %arg6: memref<30000xf32, #tpu.memory_space<hbm>>, %arg7: memref<2x10000x128xbf16, #tpu.memory_space<hbm>>, %arg8: memref<32x10000xf32, #tpu.memory_space<hbm>>, %arg9: memref<3x128xi32, #tpu.memory_space<vmem>>, %arg10: memref<3x128xi32, #tpu.memory_space<vmem>>, %arg11: memref<3x128xi32, #tpu.memory_space<vmem>>, %arg12: memref<30000xf32, #tpu.memory_space<vmem>>, %arg13: memref<128xf32, #tpu.memory_space<vmem>>, %arg14: memref<2x128x128xbf16, #tpu.memory_space<vmem>>, %arg15: memref<2x128x128xbf16, #tpu.memory_space<vmem>>, %arg16: memref<128x128xbf16, #tpu.memory_space<vmem>>, %arg17: memref<10000xf32, #tpu.memory_space<vmem>>, %arg18: memref<10000x128xbf16, #tpu.memory_space<vmem_shared>>, %arg19: memref<!tpu.dma_semaphore, #tpu.memory_space<semaphore_mem>>, %arg20: memref<!tpu.dma_semaphore, #tpu.memory_space<semaphore_mem>>, %arg21: memref<!tpu.dma_semaphore, #tpu.memory_space<semaphore_mem>>, %arg22: memref<!tpu.dma_semaphore, #tpu.memory_space<semaphore_mem>>, %arg23: memref<!tpu.dma_semaphore, #tpu.memory_space<semaphore_mem>>, %arg24: memref<!tpu.dma_semaphore, #tpu.memory_space<semaphore_mem>>) attributes {dimension_semantics = [#tpu.dimension_semantics<core_parallel>, #tpu.dimension_semantics<subcore_parallel>], iteration_bounds = array<i64: 2, 16>, scalar_prefetch = 0 : i64, scratch_operands = 16 : i64, tpu.core_type = #tpu.core_type<sc_vector_subcore>, window_params = [{transform_indices = #map}, {transform_indices = #map}, {transform_indices = #map}, {transform_indices = #map1}, {transform_indices = #map}, {transform_indices = #map2}, {transform_indices = #map1}]} {
    %mul3A = arith.constant 2 : i32
    %mul3A_0 = arith.muli %arg1, %mul3A : i32
    %add3A = arith.addi %mul3A_0, %arg0 : i32
    %lt3A = arith.constant 4 : i32
    %lt3A_1 = arith.cmpi slt, %add3A, %lt3A : i32
    %jit3A = arith.constant 1 : i32
    %jit3A_2 = arith.constant 0 : i32
    %select_n3A = arith.select %lt3A_1, %jit3A, %jit3A_2 : i32
    %add3A_3 = arith.constant 78 : i32
    %add3A_4 = arith.addi %add3A_3, %select_n3A : i32
    "tpu.region"() ({
      %run_scoped3A = tpu.sem_alloc : memref<!tpu.dma_semaphore, #tpu.memory_space<semaphore_mem>>
      tpu.enqueue_dma source(%arg6 : memref<30000xf32, #tpu.memory_space<hbm>>) target(%arg12 : memref<30000xf32, #tpu.memory_space<vmem>>) target_semaphore(%run_scoped3A : memref<!tpu.dma_semaphore, #tpu.memory_space<semaphore_mem>>)
      tpu.wait_dma2 semaphore(%run_scoped3A : memref<!tpu.dma_semaphore, #tpu.memory_space<semaphore_mem>>) src(%arg6 : memref<30000xf32, #tpu.memory_space<hbm>>) dst(%arg12 : memref<30000xf32, #tpu.memory_space<vmem>>)
      tpu.yield
    }) : () -> ()
    %broadcast_in_dim3A = arith.constant 0.000000e+00 : bf16
    %broadcast_in_dim3A_5 = vector.broadcast %broadcast_in_dim3A : bf16 to vector<32xbf16>
    %broadcast_in_dim3A_6 = arith.constant 0.000000e+00 : f32
    %broadcast_in_dim3A_7 = vector.broadcast %broadcast_in_dim3A_6 : f32 to vector<16xf32>
    %iota3A = tpu.iota {dimensions = array<i32: 0>} : vector<16xi32>
    %scan3A = arith.constant 0 : i32
    %scan3A_8 = arith.constant 0 : i32
    %scan3A_9 = arith.constant 625 : i32
    %scan3A_10 = arith.addi %scan3A_8, %scan3A_9 : i32
    %scan3A_11 = arith.constant 1 : i32
    scf.for %scan3A_159 = %scan3A_8 to %scan3A_10 step %scan3A_11  : i32 {
      %mul3A_160 = arith.constant 16 : i32
      %mul3A_161 = arith.muli %scan3A_159, %mul3A_160 : i32
      %swap3A = arith.index_cast %mul3A_161 : i32 to index
      %swap3A_162 = tpu.vector_load %arg17[%swap3A] {strides = array<i32>} : memref<10000xf32, #tpu.memory_space<vmem>>, vector<16xf32>,
      tpu.vector_store %arg17[%swap3A], %broadcast_in_dim3A_7 {strides = array<i32>} : memref<10000xf32, #tpu.memory_space<vmem>>, vector<16xf32>,
    }
    %scan3A_12 = arith.constant 625 : i32
    %scan3A_13 = arith.constant 0 : i32
    %scan3A_14 = arith.constant 0 : i32
    %scan3A_15 = arith.constant 128 : i32
    %scan3A_16 = arith.addi %scan3A_14, %scan3A_15 : i32
    %scan3A_17 = arith.constant 1 : i32
    scf.for %scan3A_159 = %scan3A_14 to %scan3A_16 step %scan3A_17  : i32 {
      %swap3A = arith.index_cast %scan3A_159 : i32 to index
      %swap3A_160 = arith.constant 0 : index
      %swap3A_161 = tpu.vector_load %arg16[%swap3A, %swap3A_160] {strides = array<i32>} : memref<128x128xbf16, #tpu.memory_space<vmem>>, vector<32xbf16>,
      tpu.vector_store %arg16[%swap3A, %swap3A_160], %broadcast_in_dim3A_5 {strides = array<i32>} : memref<128x128xbf16, #tpu.memory_space<vmem>>, vector<32xbf16>,
      %swap3A_162 = arith.index_cast %scan3A_159 : i32 to index
      %swap3A_163 = arith.constant 32 : index
      %swap3A_164 = tpu.vector_load %arg16[%swap3A_162, %swap3A_163] {strides = array<i32>} : memref<128x128xbf16, #tpu.memory_space<vmem>>, vector<32xbf16>,
      tpu.vector_store %arg16[%swap3A_162, %swap3A_163], %broadcast_in_dim3A_5 {strides = array<i32>} : memref<128x128xbf16, #tpu.memory_space<vmem>>, vector<32xbf16>,
      %swap3A_165 = arith.index_cast %scan3A_159 : i32 to index
      %swap3A_166 = arith.constant 64 : index
      %swap3A_167 = tpu.vector_load %arg16[%swap3A_165, %swap3A_166] {strides = array<i32>} : memref<128x128xbf16, #tpu.memory_space<vmem>>, vector<32xbf16>,
      tpu.vector_store %arg16[%swap3A_165, %swap3A_166], %broadcast_in_dim3A_5 {strides = array<i32>} : memref<128x128xbf16, #tpu.memory_space<vmem>>, vector<32xbf16>,
      %swap3A_168 = arith.index_cast %scan3A_159 : i32 to index
      %swap3A_169 = arith.constant 96 : index
      %swap3A_170 = tpu.vector_load %arg16[%swap3A_168, %swap3A_169] {strides = array<i32>} : memref<128x128xbf16, #tpu.memory_space<vmem>>, vector<32xbf16>,
      tpu.vector_store %arg16[%swap3A_168, %swap3A_169], %broadcast_in_dim3A_5 {strides = array<i32>} : memref<128x128xbf16, #tpu.memory_space<vmem>>, vector<32xbf16>,
    }
    %scan3A_18 = arith.constant 128 : i32
    %lt3A_19 = arith.constant 10 : i32
    %lt3A_20 = arith.cmpi slt, %arg1, %lt3A_19 : i32
    %convert_element_type3A = arith.extui %lt3A_20 : i1 to i32
    %cond3A = arith.constant 0 : i32
    %cond3A_21 = arith.cmpi ne, %convert_element_type3A, %cond3A : i32
    scf.if %cond3A_21 {
      %scan3A_159 = arith.constant 0 : i32
      %scan3A_160 = arith.constant 0 : i32
      %scan3A_161 = arith.constant 8 : i32
      %scan3A_162 = arith.addi %scan3A_160, %scan3A_161 : i32
      %scan3A_163 = arith.constant 1 : i32
      scf.for %scan3A_165 = %scan3A_160 to %scan3A_162 step %scan3A_163  : i32 {
        %mul3A_166 = arith.constant 1000 : i32
        %mul3A_167 = arith.muli %arg1, %mul3A_166 : i32
        %mul3A_168 = arith.constant 125 : i32
        %mul3A_169 = arith.muli %scan3A_165, %mul3A_168 : i32
        %add3A_170 = arith.addi %mul3A_167, %mul3A_169 : i32
        "tpu.region"() ({
          %run_scoped3A = tpu.sem_alloc : memref<!tpu.dma_semaphore, #tpu.memory_space<semaphore_mem>>
          %dma_start3A_171 = arith.constant 0 : i32
          %dma_start3A_172 = arith.constant 0 : i32
          %dma_start3A_173 = tpu.memref_slice %arg16[%dma_start3A_171, %dma_start3A_172] : memref<128x128xbf16, #tpu.memory_space<vmem>> -> memref<125x128xbf16, #tpu.memory_space<vmem>>
          %dma_start3A_174 = arith.constant 0 : i32
          %dma_start3A_175 = tpu.memref_slice %arg18[%add3A_170, %dma_start3A_174] : memref<10000x128xbf16, #tpu.memory_space<vmem_shared>> -> memref<125x128xbf16, #tpu.memory_space<vmem_shared>>
          %dma_start3A_176 = arith.constant 0 : i32
          %dma_start3A_177 = tpu.memref_slice %arg18[%add3A_170, %dma_start3A_176] : memref<10000x128xbf16, #tpu.memory_space<vmem_shared>> -> memref<125x128xbf16, #tpu.memory_space<vmem_shared>>
          %dma_start3A_178 = arith.constant 0 : i32
          %dma_start3A_179 = arith.constant 0 : i32
          %dma_start3A_180 = tpu.memref_slice %arg16[%dma_start3A_178, %dma_start3A_179] : memref<128x128xbf16, #tpu.memory_space<vmem>> -> memref<125x128xbf16, #tpu.memory_space<vmem>>
          tpu.enqueue_dma source(%dma_start3A_180 : memref<125x128xbf16, #tpu.memory_space<vmem>>) target(%dma_start3A_177 : memref<125x128xbf16, #tpu.memory_space<vmem_shared>>) target_semaphore(%run_scoped3A : memref<!tpu.dma_semaphore, #tpu.memory_space<semaphore_mem>>)
          %dma_wait3A_181 = arith.constant 0 : i32
          %dma_wait3A_182 = arith.constant 0 : i32
          %dma_wait3A_183 = tpu.memref_slice %arg16[%dma_wait3A_181, %dma_wait3A_182] : memref<128x128xbf16, #tpu.memory_space<vmem>> -> memref<125x128xbf16, #tpu.memory_space<vmem>>
          %dma_wait3A_184 = arith.constant 0 : i32
          %dma_wait3A_185 = tpu.memref_slice %arg18[%add3A_170, %dma_wait3A_184] : memref<10000x128xbf16, #tpu.memory_space<vmem_shared>> -> memref<125x128xbf16, #tpu.memory_space<vmem_shared>>
          %dma_wait3A_186 = arith.constant 0 : i32
          %dma_wait3A_187 = tpu.memref_slice %arg18[%add3A_170, %dma_wait3A_186] : memref<10000x128xbf16, #tpu.memory_space<vmem_shared>> -> memref<125x128xbf16, #tpu.memory_space<vmem_shared>>
          %dma_wait3A_188 = arith.constant 0 : i32
          %dma_wait3A_189 = arith.constant 0 : i32
          %dma_wait3A_190 = tpu.memref_slice %arg16[%dma_wait3A_188, %dma_wait3A_189] : memref<128x128xbf16, #tpu.memory_space<vmem>> -> memref<125x128xbf16, #tpu.memory_space<vmem>>
          tpu.wait_dma2 semaphore(%run_scoped3A : memref<!tpu.dma_semaphore, #tpu.memory_space<semaphore_mem>>) src(%dma_wait3A_190 : memref<125x128xbf16, #tpu.memory_space<vmem>>) dst(%dma_wait3A_187 : memref<125x128xbf16, #tpu.memory_space<vmem_shared>>)
          tpu.yield
        }) : () -> ()
      }
      %scan3A_164 = arith.constant 8 : i32
    } else {
    }
    %barrier3A = arith.constant 0 : index
    tpu.barrier barrier_id(%barrier3A)
    %mul3A_22 = arith.constant 128 : i32
    %mul3A_23 = arith.muli %add3A, %mul3A_22 : i32
    %dma_start3A = arith.constant 0 : i32
    %dma_start3A_24 = arith.constant 0 : i32
    %dma_start3A_25 = tpu.memref_slice %arg9[%dma_start3A, %dma_start3A_24] : memref<3x128xi32, #tpu.memory_space<vmem>> -> memref<1x128xi32, #tpu.memory_space<vmem>>
    %dma_start3A_26 = tpu.memref_squeeze %dma_start3A_25 : memref<1x128xi32, #tpu.memory_space<vmem>> -> memref<128xi32, #tpu.memory_space<vmem>>
    %dma_start3A_27 = tpu.memref_slice %arg2[%mul3A_23] : memref<320000xi32, #tpu.memory_space<hbm>> -> memref<128xi32, #tpu.memory_space<hbm>>
    %dma_start3A_28 = arith.constant 0 : i32
    %dma_start3A_29 = tpu.memref_slice %arg9[%dma_start3A, %dma_start3A_28] : memref<3x128xi32, #tpu.memory_space<vmem>> -> memref<1x128xi32, #tpu.memory_space<vmem>>
    %dma_start3A_30 = tpu.memref_squeeze %dma_start3A_29 : memref<1x128xi32, #tpu.memory_space<vmem>> -> memref<128xi32, #tpu.memory_space<vmem>>
    %dma_start3A_31 = tpu.memref_slice %arg2[%mul3A_23] : memref<320000xi32, #tpu.memory_space<hbm>> -> memref<128xi32, #tpu.memory_space<hbm>>
    tpu.enqueue_dma source(%dma_start3A_31 : memref<128xi32, #tpu.memory_space<hbm>>) target(%dma_start3A_30 : memref<128xi32, #tpu.memory_space<vmem>>) target_semaphore(%arg19 : memref<!tpu.dma_semaphore, #tpu.memory_space<semaphore_mem>>)
    %dma_start3A_32 = arith.constant 0 : i32
    %dma_start3A_33 = arith.constant 0 : i32
    %dma_start3A_34 = tpu.memref_slice %arg10[%dma_start3A_32, %dma_start3A_33] : memref<3x128xi32, #tpu.memory_space<vmem>> -> memref<1x128xi32, #tpu.memory_space<vmem>>
    %dma_start3A_35 = tpu.memref_squeeze %dma_start3A_34 : memref<1x128xi32, #tpu.memory_space<vmem>> -> memref<128xi32, #tpu.memory_space<vmem>>
    %dma_start3A_36 = tpu.memref_slice %arg3[%mul3A_23] : memref<320000xi32, #tpu.memory_space<hbm>> -> memref<128xi32, #tpu.memory_space<hbm>>
    %dma_start3A_37 = arith.constant 0 : i32
    %dma_start3A_38 = tpu.memref_slice %arg10[%dma_start3A_32, %dma_start3A_37] : memref<3x128xi32, #tpu.memory_space<vmem>> -> memref<1x128xi32, #tpu.memory_space<vmem>>
    %dma_start3A_39 = tpu.memref_squeeze %dma_start3A_38 : memref<1x128xi32, #tpu.memory_space<vmem>> -> memref<128xi32, #tpu.memory_space<vmem>>
    %dma_start3A_40 = tpu.memref_slice %arg3[%mul3A_23] : memref<320000xi32, #tpu.memory_space<hbm>> -> memref<128xi32, #tpu.memory_space<hbm>>
    tpu.enqueue_dma source(%dma_start3A_40 : memref<128xi32, #tpu.memory_space<hbm>>) target(%dma_start3A_39 : memref<128xi32, #tpu.memory_space<vmem>>) target_semaphore(%arg20 : memref<!tpu.dma_semaphore, #tpu.memory_space<semaphore_mem>>)
    %dma_start3A_41 = arith.constant 0 : i32
    %dma_start3A_42 = arith.constant 0 : i32
    %dma_start3A_43 = tpu.memref_slice %arg11[%dma_start3A_41, %dma_start3A_42] : memref<3x128xi32, #tpu.memory_space<vmem>> -> memref<1x128xi32, #tpu.memory_space<vmem>>
    %dma_start3A_44 = tpu.memref_squeeze %dma_start3A_43 : memref<1x128xi32, #tpu.memory_space<vmem>> -> memref<128xi32, #tpu.memory_space<vmem>>
    %dma_start3A_45 = tpu.memref_slice %arg4[%mul3A_23] : memref<320000xi32, #tpu.memory_space<hbm>> -> memref<128xi32, #tpu.memory_space<hbm>>
    %dma_start3A_46 = arith.constant 0 : i32
    %dma_start3A_47 = tpu.memref_slice %arg11[%dma_start3A_41, %dma_start3A_46] : memref<3x128xi32, #tpu.memory_space<vmem>> -> memref<1x128xi32, #tpu.memory_space<vmem>>
    %dma_start3A_48 = tpu.memref_squeeze %dma_start3A_47 : memref<1x128xi32, #tpu.memory_space<vmem>> -> memref<128xi32, #tpu.memory_space<vmem>>
    %dma_start3A_49 = tpu.memref_slice %arg4[%mul3A_23] : memref<320000xi32, #tpu.memory_space<hbm>> -> memref<128xi32, #tpu.memory_space<hbm>>
    tpu.enqueue_dma source(%dma_start3A_49 : memref<128xi32, #tpu.memory_space<hbm>>) target(%dma_start3A_48 : memref<128xi32, #tpu.memory_space<vmem>>) target_semaphore(%arg21 : memref<!tpu.dma_semaphore, #tpu.memory_space<semaphore_mem>>)
    %dma_wait3A = arith.constant 0 : i32
    %dma_wait3A_50 = arith.constant 0 : i32
    %dma_wait3A_51 = tpu.memref_slice %arg9[%dma_wait3A, %dma_wait3A_50] : memref<3x128xi32, #tpu.memory_space<vmem>> -> memref<1x128xi32, #tpu.memory_space<vmem>>
    %dma_wait3A_52 = tpu.memref_squeeze %dma_wait3A_51 : memref<1x128xi32, #tpu.memory_space<vmem>> -> memref<128xi32, #tpu.memory_space<vmem>>
    %dma_wait3A_53 = arith.constant 0 : i32
    %dma_wait3A_54 = tpu.memref_slice %arg2[%dma_wait3A_53] : memref<320000xi32, #tpu.memory_space<hbm>> -> memref<128xi32, #tpu.memory_space<hbm>>
    %dma_wait3A_55 = arith.constant 0 : i32
    %dma_wait3A_56 = tpu.memref_slice %arg9[%dma_wait3A, %dma_wait3A_55] : memref<3x128xi32, #tpu.memory_space<vmem>> -> memref<1x128xi32, #tpu.memory_space<vmem>>
    %dma_wait3A_57 = tpu.memref_squeeze %dma_wait3A_56 : memref<1x128xi32, #tpu.memory_space<vmem>> -> memref<128xi32, #tpu.memory_space<vmem>>
    %dma_wait3A_58 = arith.constant 0 : i32
    %dma_wait3A_59 = tpu.memref_slice %arg2[%dma_wait3A_58] : memref<320000xi32, #tpu.memory_space<hbm>> -> memref<128xi32, #tpu.memory_space<hbm>>
    tpu.wait_dma2 semaphore(%arg19 : memref<!tpu.dma_semaphore, #tpu.memory_space<semaphore_mem>>) src(%dma_wait3A_59 : memref<128xi32, #tpu.memory_space<hbm>>) dst(%dma_wait3A_57 : memref<128xi32, #tpu.memory_space<vmem>>)
    %dma_wait3A_60 = arith.constant 0 : i32
    %dma_wait3A_61 = arith.constant 0 : i32
    %dma_wait3A_62 = tpu.memref_slice %arg10[%dma_wait3A_60, %dma_wait3A_61] : memref<3x128xi32, #tpu.memory_space<vmem>> -> memref<1x128xi32, #tpu.memory_space<vmem>>
    %dma_wait3A_63 = tpu.memref_squeeze %dma_wait3A_62 : memref<1x128xi32, #tpu.memory_space<vmem>> -> memref<128xi32, #tpu.memory_space<vmem>>
    %dma_wait3A_64 = arith.constant 0 : i32
    %dma_wait3A_65 = tpu.memref_slice %arg3[%dma_wait3A_64] : memref<320000xi32, #tpu.memory_space<hbm>> -> memref<128xi32, #tpu.memory_space<hbm>>
    %dma_wait3A_66 = arith.constant 0 : i32
    %dma_wait3A_67 = tpu.memref_slice %arg10[%dma_wait3A_60, %dma_wait3A_66] : memref<3x128xi32, #tpu.memory_space<vmem>> -> memref<1x128xi32, #tpu.memory_space<vmem>>
    %dma_wait3A_68 = tpu.memref_squeeze %dma_wait3A_67 : memref<1x128xi32, #tpu.memory_space<vmem>> -> memref<128xi32, #tpu.memory_space<vmem>>
    %dma_wait3A_69 = arith.constant 0 : i32
    %dma_wait3A_70 = tpu.memref_slice %arg3[%dma_wait3A_69] : memref<320000xi32, #tpu.memory_space<hbm>> -> memref<128xi32, #tpu.memory_space<hbm>>
    tpu.wait_dma2 semaphore(%arg20 : memref<!tpu.dma_semaphore, #tpu.memory_space<semaphore_mem>>) src(%dma_wait3A_70 : memref<128xi32, #tpu.memory_space<hbm>>) dst(%dma_wait3A_68 : memref<128xi32, #tpu.memory_space<vmem>>)
    %dma_wait3A_71 = arith.constant 0 : i32
    %dma_wait3A_72 = arith.constant 0 : i32
    %dma_wait3A_73 = tpu.memref_slice %arg11[%dma_wait3A_71, %dma_wait3A_72] : memref<3x128xi32, #tpu.memory_space<vmem>> -> memref<1x128xi32, #tpu.memory_space<vmem>>
    %dma_wait3A_74 = tpu.memref_squeeze %dma_wait3A_73 : memref<1x128xi32, #tpu.memory_space<vmem>> -> memref<128xi32, #tpu.memory_space<vmem>>
    %dma_wait3A_75 = arith.constant 0 : i32
    %dma_wait3A_76 = tpu.memref_slice %arg4[%dma_wait3A_75] : memref<320000xi32, #tpu.memory_space<hbm>> -> memref<128xi32, #tpu.memory_space<hbm>>
    %dma_wait3A_77 = arith.constant 0 : i32
    %dma_wait3A_78 = tpu.memref_slice %arg11[%dma_wait3A_71, %dma_wait3A_77] : memref<3x128xi32, #tpu.memory_space<vmem>> -> memref<1x128xi32, #tpu.memory_space<vmem>>
    %dma_wait3A_79 = tpu.memref_squeeze %dma_wait3A_78 : memref<1x128xi32, #tpu.memory_space<vmem>> -> memref<128xi32, #tpu.memory_space<vmem>>
    %dma_wait3A_80 = arith.constant 0 : i32
    %dma_wait3A_81 = tpu.memref_slice %arg4[%dma_wait3A_80] : memref<320000xi32, #tpu.memory_space<hbm>> -> memref<128xi32, #tpu.memory_space<hbm>>
    tpu.wait_dma2 semaphore(%arg21 : memref<!tpu.dma_semaphore, #tpu.memory_space<semaphore_mem>>) src(%dma_wait3A_81 : memref<128xi32, #tpu.memory_space<hbm>>) dst(%dma_wait3A_79 : memref<128xi32, #tpu.memory_space<vmem>>)
    %dma_start3A_82 = arith.constant 0 : i32
    %dma_start3A_83 = arith.constant 0 : i32
    %dma_start3A_84 = arith.constant 0 : i32
    %dma_start3A_85 = arith.constant 0 : i32
    %dma_start3A_86 = tpu.memref_slice %arg14[%dma_start3A_83, %dma_start3A_84, %dma_start3A_85] : memref<2x128x128xbf16, #tpu.memory_space<vmem>> -> memref<1x128x128xbf16, #tpu.memory_space<vmem>>
    %dma_start3A_87 = tpu.memref_squeeze %dma_start3A_86 : memref<1x128x128xbf16, #tpu.memory_space<vmem>> -> memref<128x128xbf16, #tpu.memory_space<vmem>>
    %dma_start3A_88 = arith.constant 0 : i32
    %dma_start3A_89 = tpu.memref_slice %arg10[%dma_start3A_82, %dma_start3A_88] : memref<3x128xi32, #tpu.memory_space<vmem>> -> memref<1x128xi32, #tpu.memory_space<vmem>>
    %dma_start3A_90 = tpu.memref_squeeze %dma_start3A_89 : memref<1x128xi32, #tpu.memory_space<vmem>> -> memref<128xi32, #tpu.memory_space<vmem>>
    %dma_start3A_91 = arith.constant 0 : i32
    %dma_start3A_92 = arith.constant 0 : i32
    %dma_start3A_93 = tpu.memref_slice %arg5[%dma_start3A_91, %dma_start3A_92] : memref<30000x128xbf16, #tpu.memory_space<hbm>> -> memref<30000x128xbf16, #tpu.memory_space<hbm>>
    tpu.enqueue_indirect_dma source(%dma_start3A_93 : memref<30000x128xbf16, #tpu.memory_space<hbm>>) target(%dma_start3A_87 : memref<128x128xbf16, #tpu.memory_space<vmem>>) offsets(%dma_start3A_90 : memref<128xi32, #tpu.memory_space<vmem>>) semaphore(%arg22 : memref<!tpu.dma_semaphore, #tpu.memory_space<semaphore_mem>>)
    %dma_start3A_94 = arith.constant 0 : i32
    %dma_start3A_95 = arith.constant 0 : i32
    %dma_start3A_96 = arith.constant 0 : i32
    %dma_start3A_97 = arith.constant 0 : i32
    %dma_start3A_98 = tpu.memref_slice %arg15[%dma_start3A_95, %dma_start3A_96, %dma_start3A_97] : memref<2x128x128xbf16, #tpu.memory_space<vmem>> -> memref<1x128x128xbf16, #tpu.memory_space<vmem>>
    %dma_start3A_99 = tpu.memref_squeeze %dma_start3A_98 : memref<1x128x128xbf16, #tpu.memory_space<vmem>> -> memref<128x128xbf16, #tpu.memory_space<vmem>>
    %dma_start3A_100 = arith.constant 0 : i32
    %dma_start3A_101 = tpu.memref_slice %arg11[%dma_start3A_94, %dma_start3A_100] : memref<3x128xi32, #tpu.memory_space<vmem>> -> memref<1x128xi32, #tpu.memory_space<vmem>>
    %dma_start3A_102 = tpu.memref_squeeze %dma_start3A_101 : memref<1x128xi32, #tpu.memory_space<vmem>> -> memref<128xi32, #tpu.memory_space<vmem>>
    %dma_start3A_103 = arith.constant 0 : i32
    %dma_start3A_104 = arith.constant 0 : i32
    %dma_start3A_105 = tpu.memref_slice %arg5[%dma_start3A_103, %dma_start3A_104] : memref<30000x128xbf16, #tpu.memory_space<hbm>> -> memref<30000x128xbf16, #tpu.memory_space<hbm>>
    tpu.enqueue_indirect_dma source(%dma_start3A_105 : memref<30000x128xbf16, #tpu.memory_space<hbm>>) target(%dma_start3A_99 : memref<128x128xbf16, #tpu.memory_space<vmem>>) offsets(%dma_start3A_102 : memref<128xi32, #tpu.memory_space<vmem>>) semaphore(%arg23 : memref<!tpu.dma_semaphore, #tpu.memory_space<semaphore_mem>>)
    %add3A_106 = arith.constant 32 : i32
    %add3A_107 = arith.addi %add3A, %add3A_106 : i32
    %mul3A_108 = arith.constant 128 : i32
    %mul3A_109 = arith.muli %add3A_107, %mul3A_108 : i32
    %dma_start3A_110 = arith.constant 1 : i32
    %dma_start3A_111 = arith.constant 0 : i32
    %dma_start3A_112 = tpu.memref_slice %arg9[%dma_start3A_110, %dma_start3A_111] : memref<3x128xi32, #tpu.memory_space<vmem>> -> memref<1x128xi32, #tpu.memory_space<vmem>>
    %dma_start3A_113 = tpu.memref_squeeze %dma_start3A_112 : memref<1x128xi32, #tpu.memory_space<vmem>> -> memref<128xi32, #tpu.memory_space<vmem>>
    %dma_start3A_114 = tpu.memref_slice %arg2[%mul3A_109] : memref<320000xi32, #tpu.memory_space<hbm>> -> memref<128xi32, #tpu.memory_space<hbm>>
    %dma_start3A_115 = arith.constant 0 : i32
    %dma_start3A_116 = tpu.memref_slice %arg9[%dma_start3A_110, %dma_start3A_115] : memref<3x128xi32, #tpu.memory_space<vmem>> -> memref<1x128xi32, #tpu.memory_space<vmem>>
    %dma_start3A_117 = tpu.memref_squeeze %dma_start3A_116 : memref<1x128xi32, #tpu.memory_space<vmem>> -> memref<128xi32, #tpu.memory_space<vmem>>
    %dma_start3A_118 = tpu.memref_slice %arg2[%mul3A_109] : memref<320000xi32, #tpu.memory_space<hbm>> -> memref<128xi32, #tpu.memory_space<hbm>>
    tpu.enqueue_dma source(%dma_start3A_118 : memref<128xi32, #tpu.memory_space<hbm>>) target(%dma_start3A_117 : memref<128xi32, #tpu.memory_space<vmem>>) target_semaphore(%arg19 : memref<!tpu.dma_semaphore, #tpu.memory_space<semaphore_mem>>)
    %dma_start3A_119 = arith.constant 1 : i32
    %dma_start3A_120 = arith.constant 0 : i32
    %dma_start3A_121 = tpu.memref_slice %arg10[%dma_start3A_119, %dma_start3A_120] : memref<3x128xi32, #tpu.memory_space<vmem>> -> memref<1x128xi32, #tpu.memory_space<vmem>>
    %dma_start3A_122 = tpu.memref_squeeze %dma_start3A_121 : memref<1x128xi32, #tpu.memory_space<vmem>> -> memref<128xi32, #tpu.memory_space<vmem>>
    %dma_start3A_123 = tpu.memref_slice %arg3[%mul3A_109] : memref<320000xi32, #tpu.memory_space<hbm>> -> memref<128xi32, #tpu.memory_space<hbm>>
    %dma_start3A_124 = arith.constant 0 : i32
    %dma_start3A_125 = tpu.memref_slice %arg10[%dma_start3A_119, %dma_start3A_124] : memref<3x128xi32, #tpu.memory_space<vmem>> -> memref<1x128xi32, #tpu.memory_space<vmem>>
    %dma_start3A_126 = tpu.memref_squeeze %dma_start3A_125 : memref<1x128xi32, #tpu.memory_space<vmem>> -> memref<128xi32, #tpu.memory_space<vmem>>
    %dma_start3A_127 = tpu.memref_slice %arg3[%mul3A_109] : memref<320000xi32, #tpu.memory_space<hbm>> -> memref<128xi32, #tpu.memory_space<hbm>>
    tpu.enqueue_dma source(%dma_start3A_127 : memref<128xi32, #tpu.memory_space<hbm>>) target(%dma_start3A_126 : memref<128xi32, #tpu.memory_space<vmem>>) target_semaphore(%arg20 : memref<!tpu.dma_semaphore, #tpu.memory_space<semaphore_mem>>)
    %dma_start3A_128 = arith.constant 1 : i32
    %dma_start3A_129 = arith.constant 0 : i32
    %dma_start3A_130 = tpu.memref_slice %arg11[%dma_start3A_128, %dma_start3A_129] : memref<3x128xi32, #tpu.memory_space<vmem>> -> memref<1x128xi32, #tpu.memory_space<vmem>>
    %dma_start3A_131 = tpu.memref_squeeze %dma_start3A_130 : memref<1x128xi32, #tpu.memory_space<vmem>> -> memref<128xi32, #tpu.memory_space<vmem>>
    %dma_start3A_132 = tpu.memref_slice %arg4[%mul3A_109] : memref<320000xi32, #tpu.memory_space<hbm>> -> memref<128xi32, #tpu.memory_space<hbm>>
    %dma_start3A_133 = arith.constant 0 : i32
    %dma_start3A_134 = tpu.memref_slice %arg11[%dma_start3A_128, %dma_start3A_133] : memref<3x128xi32, #tpu.memory_space<vmem>> -> memref<1x128xi32, #tpu.memory_space<vmem>>
    %dma_start3A_135 = tpu.memref_squeeze %dma_start3A_134 : memref<1x128xi32, #tpu.memory_space<vmem>> -> memref<128xi32, #tpu.memory_space<vmem>>
    %dma_start3A_136 = tpu.memref_slice %arg4[%mul3A_109] : memref<320000xi32, #tpu.memory_space<hbm>> -> memref<128xi32, #tpu.memory_space<hbm>>
    tpu.enqueue_dma source(%dma_start3A_136 : memref<128xi32, #tpu.memory_space<hbm>>) target(%dma_start3A_135 : memref<128xi32, #tpu.memory_space<vmem>>) target_semaphore(%arg21 : memref<!tpu.dma_semaphore, #tpu.memory_space<semaphore_mem>>)
    %while3A = arith.constant 0 : i32
    %while3A_137 = arith.constant 0 : i32
    %while3A_138 = arith.subi %add3A_4, %while3A_137 : i32
    %while3A_139 = arith.addi %while3A_137, %while3A_138 : i32
    %while3A_140 = arith.constant 1 : i32
    %while3A_141 = arith.divsi %while3A_138, %while3A_140 : i32
    %while3A_142 = arith.muli %while3A_141, %while3A_140 : i32
    %while3A_143 = arith.addi %while3A_137, %while3A_142 : i32
    %while3A_144 = arith.constant 1 : i32
    scf.for %while3A_159 = %while3A_137 to %while3A_143 step %while3A_144  : i32 {
      %rem3A = arith.constant 3 : i32
      %rem3A_160 = arith.remsi %while3A_159, %rem3A : i32
      %rem3A_161 = arith.constant 2 : i32
      %rem3A_162 = arith.remsi %while3A_159, %rem3A_161 : i32
      %dma_wait3A_163 = arith.constant 0 : i32
      %dma_wait3A_164 = arith.constant 0 : i32
      %dma_wait3A_165 = tpu.memref_slice %arg14[%rem3A_162, %dma_wait3A_163, %dma_wait3A_164] : memref<2x128x128xbf16, #tpu.memory_space<vmem>> -> memref<1x128x128xbf16, #tpu.memory_space<vmem>>
      %dma_wait3A_166 = tpu.memref_squeeze %dma_wait3A_165 : memref<1x128x128xbf16, #tpu.memory_space<vmem>> -> memref<128x128xbf16, #tpu.memory_space<vmem>>
      %dma_wait3A_167 = arith.constant 0 : i32
      %dma_wait3A_168 = tpu.memref_slice %arg10[%rem3A_160, %dma_wait3A_167] : memref<3x128xi32, #tpu.memory_space<vmem>> -> memref<1x128xi32, #tpu.memory_space<vmem>>
      %dma_wait3A_169 = tpu.memref_squeeze %dma_wait3A_168 : memref<1x128xi32, #tpu.memory_space<vmem>> -> memref<128xi32, #tpu.memory_space<vmem>>
      %dma_wait3A_170 = arith.constant 0 : i32
      %dma_wait3A_171 = arith.constant 0 : i32
      %dma_wait3A_172 = tpu.memref_slice %arg5[%dma_wait3A_170, %dma_wait3A_171] : memref<30000x128xbf16, #tpu.memory_space<hbm>> -> memref<30000x128xbf16, #tpu.memory_space<hbm>>
      tpu.wait_indirect_dma semaphore(%arg22 : memref<!tpu.dma_semaphore, #tpu.memory_space<semaphore_mem>>) src(%dma_wait3A_172 : memref<30000x128xbf16, #tpu.memory_space<hbm>>) dst(%dma_wait3A_166 : memref<128x128xbf16, #tpu.memory_space<vmem>>)
      %dma_wait3A_173 = arith.constant 0 : i32
      %dma_wait3A_174 = arith.constant 0 : i32
      %dma_wait3A_175 = tpu.memref_slice %arg15[%rem3A_162, %dma_wait3A_173, %dma_wait3A_174] : memref<2x128x128xbf16, #tpu.memory_space<vmem>> -> memref<1x128x128xbf16, #tpu.memory_space<vmem>>
      %dma_wait3A_176 = tpu.memref_squeeze %dma_wait3A_175 : memref<1x128x128xbf16, #tpu.memory_space<vmem>> -> memref<128x128xbf16, #tpu.memory_space<vmem>>
      %dma_wait3A_177 = arith.constant 0 : i32
      %dma_wait3A_178 = tpu.memref_slice %arg11[%rem3A_160, %dma_wait3A_177] : memref<3x128xi32, #tpu.memory_space<vmem>> -> memref<1x128xi32, #tpu.memory_space<vmem>>
      %dma_wait3A_179 = tpu.memref_squeeze %dma_wait3A_178 : memref<1x128xi32, #tpu.memory_space<vmem>> -> memref<128xi32, #tpu.memory_space<vmem>>
      %dma_wait3A_180 = arith.constant 0 : i32
      %dma_wait3A_181 = arith.constant 0 : i32
      %dma_wait3A_182 = tpu.memref_slice %arg5[%dma_wait3A_180, %dma_wait3A_181] : memref<30000x128xbf16, #tpu.memory_space<hbm>> -> memref<30000x128xbf16, #tpu.memory_space<hbm>>
      tpu.wait_indirect_dma semaphore(%arg23 : memref<!tpu.dma_semaphore, #tpu.memory_space<semaphore_mem>>) src(%dma_wait3A_182 : memref<30000x128xbf16, #tpu.memory_space<hbm>>) dst(%dma_wait3A_176 : memref<128x128xbf16, #tpu.memory_space<vmem>>)
      %add3A_183 = arith.constant 1 : i32
      %add3A_184 = arith.addi %while3A_159, %add3A_183 : i32
      %lt3A_185 = arith.cmpi slt, %add3A_184, %add3A_4 : i32
      %convert_element_type3A_186 = arith.extui %lt3A_185 : i1 to i32
      %cond3A_187 = arith.constant 0 : i32
      %cond3A_188 = arith.cmpi ne, %convert_element_type3A_186, %cond3A_187 : i32
      scf.if %cond3A_188 {
        %add3A_217 = arith.constant 1 : i32
        %add3A_218 = arith.addi %while3A_159, %add3A_217 : i32
        %rem3A_219 = arith.constant 3 : i32
        %rem3A_220 = arith.remsi %add3A_218, %rem3A_219 : i32
        %dma_wait3A_221 = arith.constant 0 : i32
        %dma_wait3A_222 = tpu.memref_slice %arg9[%rem3A_220, %dma_wait3A_221] : memref<3x128xi32, #tpu.memory_space<vmem>> -> memref<1x128xi32, #tpu.memory_space<vmem>>
        %dma_wait3A_223 = tpu.memref_squeeze %dma_wait3A_222 : memref<1x128xi32, #tpu.memory_space<vmem>> -> memref<128xi32, #tpu.memory_space<vmem>>
        %dma_wait3A_224 = arith.constant 0 : i32
        %dma_wait3A_225 = tpu.memref_slice %arg2[%dma_wait3A_224] : memref<320000xi32, #tpu.memory_space<hbm>> -> memref<128xi32, #tpu.memory_space<hbm>>
        %dma_wait3A_226 = arith.constant 0 : i32
        %dma_wait3A_227 = tpu.memref_slice %arg9[%rem3A_220, %dma_wait3A_226] : memref<3x128xi32, #tpu.memory_space<vmem>> -> memref<1x128xi32, #tpu.memory_space<vmem>>
        %dma_wait3A_228 = tpu.memref_squeeze %dma_wait3A_227 : memref<1x128xi32, #tpu.memory_space<vmem>> -> memref<128xi32, #tpu.memory_space<vmem>>
        %dma_wait3A_229 = arith.constant 0 : i32
        %dma_wait3A_230 = tpu.memref_slice %arg2[%dma_wait3A_229] : memref<320000xi32, #tpu.memory_space<hbm>> -> memref<128xi32, #tpu.memory_space<hbm>>
        tpu.wait_dma2 semaphore(%arg19 : memref<!tpu.dma_semaphore, #tpu.memory_space<semaphore_mem>>) src(%dma_wait3A_230 : memref<128xi32, #tpu.memory_space<hbm>>) dst(%dma_wait3A_228 : memref<128xi32, #tpu.memory_space<vmem>>)
        %dma_wait3A_231 = arith.constant 0 : i32
        %dma_wait3A_232 = tpu.memref_slice %arg10[%rem3A_220, %dma_wait3A_231] : memref<3x128xi32, #tpu.memory_space<vmem>> -> memref<1x128xi32, #tpu.memory_space<vmem>>
        %dma_wait3A_233 = tpu.memref_squeeze %dma_wait3A_232 : memref<1x128xi32, #tpu.memory_space<vmem>> -> memref<128xi32, #tpu.memory_space<vmem>>
        %dma_wait3A_234 = arith.constant 0 : i32
        %dma_wait3A_235 = tpu.memref_slice %arg3[%dma_wait3A_234] : memref<320000xi32, #tpu.memory_space<hbm>> -> memref<128xi32, #tpu.memory_space<hbm>>
        %dma_wait3A_236 = arith.constant 0 : i32
        %dma_wait3A_237 = tpu.memref_slice %arg10[%rem3A_220, %dma_wait3A_236] : memref<3x128xi32, #tpu.memory_space<vmem>> -> memref<1x128xi32, #tpu.memory_space<vmem>>
        %dma_wait3A_238 = tpu.memref_squeeze %dma_wait3A_237 : memref<1x128xi32, #tpu.memory_space<vmem>> -> memref<128xi32, #tpu.memory_space<vmem>>
        %dma_wait3A_239 = arith.constant 0 : i32
        %dma_wait3A_240 = tpu.memref_slice %arg3[%dma_wait3A_239] : memref<320000xi32, #tpu.memory_space<hbm>> -> memref<128xi32, #tpu.memory_space<hbm>>
        tpu.wait_dma2 semaphore(%arg20 : memref<!tpu.dma_semaphore, #tpu.memory_space<semaphore_mem>>) src(%dma_wait3A_240 : memref<128xi32, #tpu.memory_space<hbm>>) dst(%dma_wait3A_238 : memref<128xi32, #tpu.memory_space<vmem>>)
        %dma_wait3A_241 = arith.constant 0 : i32
        %dma_wait3A_242 = tpu.memref_slice %arg11[%rem3A_220, %dma_wait3A_241] : memref<3x128xi32, #tpu.memory_space<vmem>> -> memref<1x128xi32, #tpu.memory_space<vmem>>
        %dma_wait3A_243 = tpu.memref_squeeze %dma_wait3A_242 : memref<1x128xi32, #tpu.memory_space<vmem>> -> memref<128xi32, #tpu.memory_space<vmem>>
        %dma_wait3A_244 = arith.constant 0 : i32
        %dma_wait3A_245 = tpu.memref_slice %arg4[%dma_wait3A_244] : memref<320000xi32, #tpu.memory_space<hbm>> -> memref<128xi32, #tpu.memory_space<hbm>>
        %dma_wait3A_246 = arith.constant 0 : i32
        %dma_wait3A_247 = tpu.memref_slice %arg11[%rem3A_220, %dma_wait3A_246] : memref<3x128xi32, #tpu.memory_space<vmem>> -> memref<1x128xi32, #tpu.memory_space<vmem>>
        %dma_wait3A_248 = tpu.memref_squeeze %dma_wait3A_247 : memref<1x128xi32, #tpu.memory_space<vmem>> -> memref<128xi32, #tpu.memory_space<vmem>>
        %dma_wait3A_249 = arith.constant 0 : i32
        %dma_wait3A_250 = tpu.memref_slice %arg4[%dma_wait3A_249] : memref<320000xi32, #tpu.memory_space<hbm>> -> memref<128xi32, #tpu.memory_space<hbm>>
        tpu.wait_dma2 semaphore(%arg21 : memref<!tpu.dma_semaphore, #tpu.memory_space<semaphore_mem>>) src(%dma_wait3A_250 : memref<128xi32, #tpu.memory_space<hbm>>) dst(%dma_wait3A_248 : memref<128xi32, #tpu.memory_space<vmem>>)
        %add3A_251 = arith.constant 1 : i32
        %add3A_252 = arith.addi %while3A_159, %add3A_251 : i32
        %rem3A_253 = arith.constant 3 : i32
        %rem3A_254 = arith.remsi %add3A_252, %rem3A_253 : i32
        %sub3A = arith.constant 1 : i32
        %sub3A_255 = arith.subi %sub3A, %rem3A_162 : i32
        %dma_start3A_256 = arith.constant 0 : i32
        %dma_start3A_257 = arith.constant 0 : i32
        %dma_start3A_258 = tpu.memref_slice %arg14[%sub3A_255, %dma_start3A_256, %dma_start3A_257] : memref<2x128x128xbf16, #tpu.memory_space<vmem>> -> memref<1x128x128xbf16, #tpu.memory_space<vmem>>
        %dma_start3A_259 = tpu.memref_squeeze %dma_start3A_258 : memref<1x128x128xbf16, #tpu.memory_space<vmem>> -> memref<128x128xbf16, #tpu.memory_space<vmem>>
        %dma_start3A_260 = arith.constant 0 : i32
        %dma_start3A_261 = tpu.memref_slice %arg10[%rem3A_254, %dma_start3A_260] : memref<3x128xi32, #tpu.memory_space<vmem>> -> memref<1x128xi32, #tpu.memory_space<vmem>>
        %dma_start3A_262 = tpu.memref_squeeze %dma_start3A_261 : memref<1x128xi32, #tpu.memory_space<vmem>> -> memref<128xi32, #tpu.memory_space<vmem>>
        %dma_start3A_263 = arith.constant 0 : i32
        %dma_start3A_264 = arith.constant 0 : i32
        %dma_start3A_265 = tpu.memref_slice %arg5[%dma_start3A_263, %dma_start3A_264] : memref<30000x128xbf16, #tpu.memory_space<hbm>> -> memref<30000x128xbf16, #tpu.memory_space<hbm>>
        tpu.enqueue_indirect_dma source(%dma_start3A_265 : memref<30000x128xbf16, #tpu.memory_space<hbm>>) target(%dma_start3A_259 : memref<128x128xbf16, #tpu.memory_space<vmem>>) offsets(%dma_start3A_262 : memref<128xi32, #tpu.memory_space<vmem>>) semaphore(%arg22 : memref<!tpu.dma_semaphore, #tpu.memory_space<semaphore_mem>>)
        %dma_start3A_266 = arith.constant 0 : i32
        %dma_start3A_267 = arith.constant 0 : i32
        %dma_start3A_268 = tpu.memref_slice %arg15[%sub3A_255, %dma_start3A_266, %dma_start3A_267] : memref<2x128x128xbf16, #tpu.memory_space<vmem>> -> memref<1x128x128xbf16, #tpu.memory_space<vmem>>
        %dma_start3A_269 = tpu.memref_squeeze %dma_start3A_268 : memref<1x128x128xbf16, #tpu.memory_space<vmem>> -> memref<128x128xbf16, #tpu.memory_space<vmem>>
        %dma_start3A_270 = arith.constant 0 : i32
        %dma_start3A_271 = tpu.memref_slice %arg11[%rem3A_254, %dma_start3A_270] : memref<3x128xi32, #tpu.memory_space<vmem>> -> memref<1x128xi32, #tpu.memory_space<vmem>>
        %dma_start3A_272 = tpu.memref_squeeze %dma_start3A_271 : memref<1x128xi32, #tpu.memory_space<vmem>> -> memref<128xi32, #tpu.memory_space<vmem>>
        %dma_start3A_273 = arith.constant 0 : i32
        %dma_start3A_274 = arith.constant 0 : i32
        %dma_start3A_275 = tpu.memref_slice %arg5[%dma_start3A_273, %dma_start3A_274] : memref<30000x128xbf16, #tpu.memory_space<hbm>> -> memref<30000x128xbf16, #tpu.memory_space<hbm>>
        tpu.enqueue_indirect_dma source(%dma_start3A_275 : memref<30000x128xbf16, #tpu.memory_space<hbm>>) target(%dma_start3A_269 : memref<128x128xbf16, #tpu.memory_space<vmem>>) offsets(%dma_start3A_272 : memref<128xi32, #tpu.memory_space<vmem>>) semaphore(%arg23 : memref<!tpu.dma_semaphore, #tpu.memory_space<semaphore_mem>>)
      } else {
      }
      %gt3A = arith.constant 0 : i32
      %gt3A_189 = arith.cmpi sgt, %while3A_159, %gt3A : i32
      %convert_element_type3A_190 = arith.extui %gt3A_189 : i1 to i32
      %cond3A_191 = arith.constant 0 : i32
      %cond3A_192 = arith.cmpi ne, %convert_element_type3A_190, %cond3A_191 : i32
      scf.if %cond3A_192 {
        %dma_wait3A_217 = arith.constant 0 : i32
        %dma_wait3A_218 = tpu.memref_slice %arg9[%rem3A_160, %dma_wait3A_217] : memref<3x128xi32, #tpu.memory_space<vmem>> -> memref<1x128xi32, #tpu.memory_space<vmem>>
        %dma_wait3A_219 = tpu.memref_squeeze %dma_wait3A_218 : memref<1x128xi32, #tpu.memory_space<vmem>> -> memref<128xi32, #tpu.memory_space<vmem>>
        %dma_wait3A_220 = arith.constant 0 : i32
        %dma_wait3A_221 = arith.constant 0 : i32
        %dma_wait3A_222 = tpu.memref_slice %arg18[%dma_wait3A_220, %dma_wait3A_221] : memref<10000x128xbf16, #tpu.memory_space<vmem_shared>> -> memref<10000x128xbf16, #tpu.memory_space<vmem_shared>>
        tpu.wait_indirect_dma semaphore(%arg24 : memref<!tpu.dma_semaphore, #tpu.memory_space<semaphore_mem>>) src(%arg16 : memref<128x128xbf16, #tpu.memory_space<vmem>>) dst(%dma_wait3A_222 : memref<10000x128xbf16, #tpu.memory_space<vmem_shared>>)
      } else {
      }
      %add3A_193 = arith.constant 2 : i32
      %add3A_194 = arith.addi %while3A_159, %add3A_193 : i32
      %lt3A_195 = arith.cmpi slt, %add3A_194, %add3A_4 : i32
      %convert_element_type3A_196 = arith.extui %lt3A_195 : i1 to i32
      %cond3A_197 = arith.constant 0 : i32
      %cond3A_198 = arith.cmpi ne, %convert_element_type3A_196, %cond3A_197 : i32
      scf.if %cond3A_198 {
        %add3A_217 = arith.constant 2 : i32
        %add3A_218 = arith.addi %while3A_159, %add3A_217 : i32
        %mul3A_219 = arith.constant 32 : i32
        %mul3A_220 = arith.muli %mul3A_219, %add3A_218 : i32
        %add3A_221 = arith.addi %add3A, %mul3A_220 : i32
        %add3A_222 = arith.constant 2 : i32
        %add3A_223 = arith.addi %while3A_159, %add3A_222 : i32
        %rem3A_224 = arith.constant 3 : i32
        %rem3A_225 = arith.remsi %add3A_223, %rem3A_224 : i32
        %mul3A_226 = arith.constant 128 : i32
        %mul3A_227 = arith.muli %add3A_221, %mul3A_226 : i32
        %dma_start3A_228 = arith.constant 0 : i32
        %dma_start3A_229 = tpu.memref_slice %arg9[%rem3A_225, %dma_start3A_228] : memref<3x128xi32, #tpu.memory_space<vmem>> -> memref<1x128xi32, #tpu.memory_space<vmem>>
        %dma_start3A_230 = tpu.memref_squeeze %dma_start3A_229 : memref<1x128xi32, #tpu.memory_space<vmem>> -> memref<128xi32, #tpu.memory_space<vmem>>
        %dma_start3A_231 = tpu.memref_slice %arg2[%mul3A_227] : memref<320000xi32, #tpu.memory_space<hbm>> -> memref<128xi32, #tpu.memory_space<hbm>>
        %dma_start3A_232 = arith.constant 0 : i32
        %dma_start3A_233 = tpu.memref_slice %arg9[%rem3A_225, %dma_start3A_232] : memref<3x128xi32, #tpu.memory_space<vmem>> -> memref<1x128xi32, #tpu.memory_space<vmem>>
        %dma_start3A_234 = tpu.memref_squeeze %dma_start3A_233 : memref<1x128xi32, #tpu.memory_space<vmem>> -> memref<128xi32, #tpu.memory_space<vmem>>
        %dma_start3A_235 = tpu.memref_slice %arg2[%mul3A_227] : memref<320000xi32, #tpu.memory_space<hbm>> -> memref<128xi32, #tpu.memory_space<hbm>>
        tpu.enqueue_dma source(%dma_start3A_235 : memref<128xi32, #tpu.memory_space<hbm>>) target(%dma_start3A_234 : memref<128xi32, #tpu.memory_space<vmem>>) target_semaphore(%arg19 : memref<!tpu.dma_semaphore, #tpu.memory_space<semaphore_mem>>)
        %dma_start3A_236 = arith.constant 0 : i32
        %dma_start3A_237 = tpu.memref_slice %arg10[%rem3A_225, %dma_start3A_236] : memref<3x128xi32, #tpu.memory_space<vmem>> -> memref<1x128xi32, #tpu.memory_space<vmem>>
        %dma_start3A_238 = tpu.memref_squeeze %dma_start3A_237 : memref<1x128xi32, #tpu.memory_space<vmem>> -> memref<128xi32, #tpu.memory_space<vmem>>
        %dma_start3A_239 = tpu.memref_slice %arg3[%mul3A_227] : memref<320000xi32, #tpu.memory_space<hbm>> -> memref<128xi32, #tpu.memory_space<hbm>>
        %dma_start3A_240 = arith.constant 0 : i32
        %dma_start3A_241 = tpu.memref_slice %arg10[%rem3A_225, %dma_start3A_240] : memref<3x128xi32, #tpu.memory_space<vmem>> -> memref<1x128xi32, #tpu.memory_space<vmem>>
        %dma_start3A_242 = tpu.memref_squeeze %dma_start3A_241 : memref<1x128xi32, #tpu.memory_space<vmem>> -> memref<128xi32, #tpu.memory_space<vmem>>
        %dma_start3A_243 = tpu.memref_slice %arg3[%mul3A_227] : memref<320000xi32, #tpu.memory_space<hbm>> -> memref<128xi32, #tpu.memory_space<hbm>>
        tpu.enqueue_dma source(%dma_start3A_243 : memref<128xi32, #tpu.memory_space<hbm>>) target(%dma_start3A_242 : memref<128xi32, #tpu.memory_space<vmem>>) target_semaphore(%arg20 : memref<!tpu.dma_semaphore, #tpu.memory_space<semaphore_mem>>)
        %dma_start3A_244 = arith.constant 0 : i32
        %dma_start3A_245 = tpu.memref_slice %arg11[%rem3A_225, %dma_start3A_244] : memref<3x128xi32, #tpu.memory_space<vmem>> -> memref<1x128xi32, #tpu.memory_space<vmem>>
        %dma_start3A_246 = tpu.memref_squeeze %dma_start3A_245 : memref<1x128xi32, #tpu.memory_space<vmem>> -> memref<128xi32, #tpu.memory_space<vmem>>
        %dma_start3A_247 = tpu.memref_slice %arg4[%mul3A_227] : memref<320000xi32, #tpu.memory_space<hbm>> -> memref<128xi32, #tpu.memory_space<hbm>>
        %dma_start3A_248 = arith.constant 0 : i32
        %dma_start3A_249 = tpu.memref_slice %arg11[%rem3A_225, %dma_start3A_248] : memref<3x128xi32, #tpu.memory_space<vmem>> -> memref<1x128xi32, #tpu.memory_space<vmem>>
        %dma_start3A_250 = tpu.memref_squeeze %dma_start3A_249 : memref<1x128xi32, #tpu.memory_space<vmem>> -> memref<128xi32, #tpu.memory_space<vmem>>
        %dma_start3A_251 = tpu.memref_slice %arg4[%mul3A_227] : memref<320000xi32, #tpu.memory_space<hbm>> -> memref<128xi32, #tpu.memory_space<hbm>>
        tpu.enqueue_dma source(%dma_start3A_251 : memref<128xi32, #tpu.memory_space<hbm>>) target(%dma_start3A_250 : memref<128xi32, #tpu.memory_space<vmem>>) target_semaphore(%arg21 : memref<!tpu.dma_semaphore, #tpu.memory_space<semaphore_mem>>)
      } else {
      }
      %scan3A_199 = arith.constant 0 : i32
      %scan3A_200 = arith.constant 0 : i32
      %scan3A_201 = arith.constant 8 : i32
      %scan3A_202 = arith.addi %scan3A_200, %scan3A_201 : i32
      %scan3A_203 = arith.constant 1 : i32
      scf.for %scan3A_217 = %scan3A_200 to %scan3A_202 step %scan3A_203  : i32 {
        %mul3A_218 = arith.constant 16 : i32
        %mul3A_219 = arith.muli %scan3A_217, %mul3A_218 : i32
        %get3A = arith.index_cast %rem3A_160 : i32 to index
        %get3A_220 = arith.index_cast %mul3A_219 : i32 to index
        %get3A_221 = tpu.vector_load %arg9[%get3A, %get3A_220] {strides = array<i32>} : memref<3x128xi32, #tpu.memory_space<vmem>>, vector<16xi32>,
        %gather3A = tpu.vector_load_idx %arg12[%get3A_221] : memref<30000xf32, #tpu.memory_space<vmem>>[vector<16xi32>], vector<16xf32>,
        %get3A_222 = arith.index_cast %rem3A_160 : i32 to index
        %get3A_223 = arith.index_cast %mul3A_219 : i32 to index
        %get3A_224 = tpu.vector_load %arg10[%get3A_222, %get3A_223] {strides = array<i32>} : memref<3x128xi32, #tpu.memory_space<vmem>>, vector<16xi32>,
        %gather3A_225 = tpu.vector_load_idx %arg12[%get3A_224] : memref<30000xf32, #tpu.memory_space<vmem>>[vector<16xi32>], vector<16xf32>,
        %get3A_226 = arith.index_cast %rem3A_160 : i32 to index
        %get3A_227 = arith.index_cast %mul3A_219 : i32 to index
        %get3A_228 = tpu.vector_load %arg11[%get3A_226, %get3A_227] {strides = array<i32>} : memref<3x128xi32, #tpu.memory_space<vmem>>, vector<16xi32>,
        %gather3A_229 = tpu.vector_load_idx %arg12[%get3A_228] : memref<30000xf32, #tpu.memory_space<vmem>>[vector<16xi32>], vector<16xf32>,
        %add3A_230 = arith.addf %gather3A, %gather3A_225 : vector<16xf32>
        %add3A_231 = arith.addf %add3A_230, %gather3A_229 : vector<16xf32>
        %add3A_232 = arith.addf %add3A_231, %add3A_231 : vector<16xf32>
        %exp3A = math.exp %add3A_232 : vector<16xf32>
        %add3A_233 = arith.constant 1.000000e+00 : f32
        %add3A_234 = vector.broadcast %add3A_233 : f32 to vector<16xf32>
        %add3A_235 = arith.addf %exp3A, %add3A_234 : vector<16xf32>
        %div3A = arith.constant 2.000000e+00 : f32
        %div3A_236 = vector.broadcast %div3A : f32 to vector<16xf32>
        %div3A_237 = arith.divf %div3A_236, %add3A_235 : vector<16xf32>
        %sub3A = arith.constant 1.000000e+00 : f32
        %sub3A_238 = vector.broadcast %sub3A : f32 to vector<16xf32>
        %sub3A_239 = arith.subf %sub3A_238, %div3A_237 : vector<16xf32>
        %exp3A_240 = math.exp %sub3A_239 : vector<16xf32>
        %swap3A = arith.index_cast %mul3A_219 : i32 to index
        %swap3A_241 = tpu.vector_load %arg13[%swap3A] {strides = array<i32>} : memref<128xf32, #tpu.memory_space<vmem>>, vector<16xf32>,
        tpu.vector_store %arg13[%swap3A], %exp3A_240 {strides = array<i32>} : memref<128xf32, #tpu.memory_space<vmem>>, vector<16xf32>,
        %eq3A = arith.constant 0 : i32
        %eq3A_242 = vector.broadcast %eq3A : i32 to vector<16xi32>
        %eq3A_243 = arith.cmpi eq, %iota3A, %eq3A_242 : vector<16xi32>
        tpu.vector_store_idx %arg17[%get3A_221], %exp3A_240 masked %eq3A_243 {add = true} : memref<10000xf32, #tpu.memory_space<vmem>>[vector<16xi32>], vector<16xf32>, vector<16xi1>
        %eq3A_244 = arith.constant 1 : i32
        %eq3A_245 = vector.broadcast %eq3A_244 : i32 to vector<16xi32>
        %eq3A_246 = arith.cmpi eq, %iota3A, %eq3A_245 : vector<16xi32>
        tpu.vector_store_idx %arg17[%get3A_221], %exp3A_240 masked %eq3A_246 {add = true} : memref<10000xf32, #tpu.memory_space<vmem>>[vector<16xi32>], vector<16xf32>, vector<16xi1>
        %eq3A_247 = arith.constant 2 : i32
        %eq3A_248 = vector.broadcast %eq3A_247 : i32 to vector<16xi32>
        %eq3A_249 = arith.cmpi eq, %iota3A, %eq3A_248 : vector<16xi32>
        tpu.vector_store_idx %arg17[%get3A_221], %exp3A_240 masked %eq3A_249 {add = true} : memref<10000xf32, #tpu.memory_space<vmem>>[vector<16xi32>], vector<16xf32>, vector<16xi1>
        %eq3A_250 = arith.constant 3 : i32
        %eq3A_251 = vector.broadcast %eq3A_250 : i32 to vector<16xi32>
        %eq3A_252 = arith.cmpi eq, %iota3A, %eq3A_251 : vector<16xi32>
        tpu.vector_store_idx %arg17[%get3A_221], %exp3A_240 masked %eq3A_252 {add = true} : memref<10000xf32, #tpu.memory_space<vmem>>[vector<16xi32>], vector<16xf32>, vector<16xi1>
        %eq3A_253 = arith.constant 4 : i32
        %eq3A_254 = vector.broadcast %eq3A_253 : i32 to vector<16xi32>
        %eq3A_255 = arith.cmpi eq, %iota3A, %eq3A_254 : vector<16xi32>
        tpu.vector_store_idx %arg17[%get3A_221], %exp3A_240 masked %eq3A_255 {add = true} : memref<10000xf32, #tpu.memory_space<vmem>>[vector<16xi32>], vector<16xf32>, vector<16xi1>
        %eq3A_256 = arith.constant 5 : i32
        %eq3A_257 = vector.broadcast %eq3A_256 : i32 to vector<16xi32>
        %eq3A_258 = arith.cmpi eq, %iota3A, %eq3A_257 : vector<16xi32>
        tpu.vector_store_idx %arg17[%get3A_221], %exp3A_240 masked %eq3A_258 {add = true} : memref<10000xf32, #tpu.memory_space<vmem>>[vector<16xi32>], vector<16xf32>, vector<16xi1>
        %eq3A_259 = arith.constant 6 : i32
        %eq3A_260 = vector.broadcast %eq3A_259 : i32 to vector<16xi32>
        %eq3A_261 = arith.cmpi eq, %iota3A, %eq3A_260 : vector<16xi32>
        tpu.vector_store_idx %arg17[%get3A_221], %exp3A_240 masked %eq3A_261 {add = true} : memref<10000xf32, #tpu.memory_space<vmem>>[vector<16xi32>], vector<16xf32>, vector<16xi1>
        %eq3A_262 = arith.constant 7 : i32
        %eq3A_263 = vector.broadcast %eq3A_262 : i32 to vector<16xi32>
        %eq3A_264 = arith.cmpi eq, %iota3A, %eq3A_263 : vector<16xi32>
        tpu.vector_store_idx %arg17[%get3A_221], %exp3A_240 masked %eq3A_264 {add = true} : memref<10000xf32, #tpu.memory_space<vmem>>[vector<16xi32>], vector<16xf32>, vector<16xi1>
        %eq3A_265 = arith.constant 8 : i32
        %eq3A_266 = vector.broadcast %eq3A_265 : i32 to vector<16xi32>
        %eq3A_267 = arith.cmpi eq, %iota3A, %eq3A_266 : vector<16xi32>
        tpu.vector_store_idx %arg17[%get3A_221], %exp3A_240 masked %eq3A_267 {add = true} : memref<10000xf32, #tpu.memory_space<vmem>>[vector<16xi32>], vector<16xf32>, vector<16xi1>
        %eq3A_268 = arith.constant 9 : i32
        %eq3A_269 = vector.broadcast %eq3A_268 : i32 to vector<16xi32>
        %eq3A_270 = arith.cmpi eq, %iota3A, %eq3A_269 : vector<16xi32>
        tpu.vector_store_idx %arg17[%get3A_221], %exp3A_240 masked %eq3A_270 {add = true} : memref<10000xf32, #tpu.memory_space<vmem>>[vector<16xi32>], vector<16xf32>, vector<16xi1>
        %eq3A_271 = arith.constant 10 : i32
        %eq3A_272 = vector.broadcast %eq3A_271 : i32 to vector<16xi32>
        %eq3A_273 = arith.cmpi eq, %iota3A, %eq3A_272 : vector<16xi32>
        tpu.vector_store_idx %arg17[%get3A_221], %exp3A_240 masked %eq3A_273 {add = true} : memref<10000xf32, #tpu.memory_space<vmem>>[vector<16xi32>], vector<16xf32>, vector<16xi1>
        %eq3A_274 = arith.constant 11 : i32
        %eq3A_275 = vector.broadcast %eq3A_274 : i32 to vector<16xi32>
        %eq3A_276 = arith.cmpi eq, %iota3A, %eq3A_275 : vector<16xi32>
        tpu.vector_store_idx %arg17[%get3A_221], %exp3A_240 masked %eq3A_276 {add = true} : memref<10000xf32, #tpu.memory_space<vmem>>[vector<16xi32>], vector<16xf32>, vector<16xi1>
        %eq3A_277 = arith.constant 12 : i32
        %eq3A_278 = vector.broadcast %eq3A_277 : i32 to vector<16xi32>
        %eq3A_279 = arith.cmpi eq, %iota3A, %eq3A_278 : vector<16xi32>
        tpu.vector_store_idx %arg17[%get3A_221], %exp3A_240 masked %eq3A_279 {add = true} : memref<10000xf32, #tpu.memory_space<vmem>>[vector<16xi32>], vector<16xf32>, vector<16xi1>
        %eq3A_280 = arith.constant 13 : i32
        %eq3A_281 = vector.broadcast %eq3A_280 : i32 to vector<16xi32>
        %eq3A_282 = arith.cmpi eq, %iota3A, %eq3A_281 : vector<16xi32>
        tpu.vector_store_idx %arg17[%get3A_221], %exp3A_240 masked %eq3A_282 {add = true} : memref<10000xf32, #tpu.memory_space<vmem>>[vector<16xi32>], vector<16xf32>, vector<16xi1>
        %eq3A_283 = arith.constant 14 : i32
        %eq3A_284 = vector.broadcast %eq3A_283 : i32 to vector<16xi32>
        %eq3A_285 = arith.cmpi eq, %iota3A, %eq3A_284 : vector<16xi32>
        tpu.vector_store_idx %arg17[%get3A_221], %exp3A_240 masked %eq3A_285 {add = true} : memref<10000xf32, #tpu.memory_space<vmem>>[vector<16xi32>], vector<16xf32>, vector<16xi1>
        %eq3A_286 = arith.constant 15 : i32
        %eq3A_287 = vector.broadcast %eq3A_286 : i32 to vector<16xi32>
        %eq3A_288 = arith.cmpi eq, %iota3A, %eq3A_287 : vector<16xi32>
        tpu.vector_store_idx %arg17[%get3A_221], %exp3A_240 masked %eq3A_288 {add = true} : memref<10000xf32, #tpu.memory_space<vmem>>[vector<16xi32>], vector<16xf32>, vector<16xi1>
      }
      %scan3A_204 = arith.constant 8 : i32
      %scan3A_205 = arith.constant 0 : i32
      %scan3A_206 = arith.constant 0 : i32
      %scan3A_207 = arith.constant 8 : i32
      %scan3A_208 = arith.addi %scan3A_206, %scan3A_207 : i32
      %scan3A_209 = arith.constant 1 : i32
      scf.for %scan3A_217 = %scan3A_206 to %scan3A_208 step %scan3A_209  : i32 {
        %mul3A_218 = arith.constant 16 : i32
        %mul3A_219 = arith.muli %scan3A_217, %mul3A_218 : i32
        %get3A = arith.index_cast %mul3A_219 : i32 to index
        %get3A_220 = tpu.vector_load %arg13[%get3A] {strides = array<i32>} : memref<128xf32, #tpu.memory_space<vmem>>, vector<16xf32>,
        %slice3A = vector.extract_strided_slice %get3A_220 {offsets = [0], sizes = [1], strides = [1]} : vector<16xf32> to vector<1xf32>
        %squeeze3A = vector.extract %slice3A[0] : f32 from vector<1xf32>
        %broadcast_in_dim3A_221 = vector.broadcast %squeeze3A : f32 to vector<16xf32>
        %pack3A = tpu.pack_subelements %broadcast_in_dim3A_221, %broadcast_in_dim3A_221 {pack_format = #tpu.pack_format<interleaved>, positions = array<i32: 0, 1>} : vector<16xf32>, vector<16xf32> -> vector<32xbf16>
        %add3A_222 = arith.constant 0 : i32
        %add3A_223 = arith.addi %mul3A_219, %add3A_222 : i32
        %get3A_224 = arith.index_cast %rem3A_162 : i32 to index
        %get3A_225 = arith.index_cast %add3A_223 : i32 to index
        %get3A_226 = arith.constant 0 : index
        %get3A_227 = tpu.vector_load %arg14[%get3A_224, %get3A_225, %get3A_226] {strides = array<i32>} : memref<2x128x128xbf16, #tpu.memory_space<vmem>>, vector<32xbf16>,
        %get3A_228 = arith.index_cast %rem3A_162 : i32 to index
        %get3A_229 = arith.index_cast %add3A_223 : i32 to index
        %get3A_230 = arith.constant 0 : index
        %get3A_231 = tpu.vector_load %arg15[%get3A_228, %get3A_229, %get3A_230] {strides = array<i32>} : memref<2x128x128xbf16, #tpu.memory_space<vmem>>, vector<32xbf16>,
        %add3A_232 = arith.addf %get3A_227, %get3A_231 : vector<32xbf16>
        %mul3A_233 = arith.mulf %add3A_232, %pack3A : vector<32xbf16>
        %swap3A = arith.index_cast %add3A_223 : i32 to index
        %swap3A_234 = arith.constant 0 : index
        %swap3A_235 = tpu.vector_load %arg16[%swap3A, %swap3A_234] {strides = array<i32>} : memref<128x128xbf16, #tpu.memory_space<vmem>>, vector<32xbf16>,
        tpu.vector_store %arg16[%swap3A, %swap3A_234], %mul3A_233 {strides = array<i32>} : memref<128x128xbf16, #tpu.memory_space<vmem>>, vector<32xbf16>,
        %get3A_236 = arith.index_cast %rem3A_162 : i32 to index
        %get3A_237 = arith.index_cast %add3A_223 : i32 to index
        %get3A_238 = arith.constant 32 : index
        %get3A_239 = tpu.vector_load %arg14[%get3A_236, %get3A_237, %get3A_238] {strides = array<i32>} : memref<2x128x128xbf16, #tpu.memory_space<vmem>>, vector<32xbf16>,
        %get3A_240 = arith.index_cast %rem3A_162 : i32 to index
        %get3A_241 = arith.index_cast %add3A_223 : i32 to index
        %get3A_242 = arith.constant 32 : index
        %get3A_243 = tpu.vector_load %arg15[%get3A_240, %get3A_241, %get3A_242] {strides = array<i32>} : memref<2x128x128xbf16, #tpu.memory_space<vmem>>, vector<32xbf16>,
        %add3A_244 = arith.addf %get3A_239, %get3A_243 : vector<32xbf16>
        %mul3A_245 = arith.mulf %add3A_244, %pack3A : vector<32xbf16>
        %swap3A_246 = arith.index_cast %add3A_223 : i32 to index
        %swap3A_247 = arith.constant 32 : index
        %swap3A_248 = tpu.vector_load %arg16[%swap3A_246, %swap3A_247] {strides = array<i32>} : memref<128x128xbf16, #tpu.memory_space<vmem>>, vector<32xbf16>,
        tpu.vector_store %arg16[%swap3A_246, %swap3A_247], %mul3A_245 {strides = array<i32>} : memref<128x128xbf16, #tpu.memory_space<vmem>>, vector<32xbf16>,
        %get3A_249 = arith.index_cast %rem3A_162 : i32 to index
        %get3A_250 = arith.index_cast %add3A_223 : i32 to index
        %get3A_251 = arith.constant 64 : index
        %get3A_252 = tpu.vector_load %arg14[%get3A_249, %get3A_250, %get3A_251] {strides = array<i32>} : memref<2x128x128xbf16, #tpu.memory_space<vmem>>, vector<32xbf16>,
        %get3A_253 = arith.index_cast %rem3A_162 : i32 to index
        %get3A_254 = arith.index_cast %add3A_223 : i32 to index
        %get3A_255 = arith.constant 64 : index
        %get3A_256 = tpu.vector_load %arg15[%get3A_253, %get3A_254, %get3A_255] {strides = array<i32>} : memref<2x128x128xbf16, #tpu.memory_space<vmem>>, vector<32xbf16>,
        %add3A_257 = arith.addf %get3A_252, %get3A_256 : vector<32xbf16>
        %mul3A_258 = arith.mulf %add3A_257, %pack3A : vector<32xbf16>
        %swap3A_259 = arith.index_cast %add3A_223 : i32 to index
        %swap3A_260 = arith.constant 64 : index
        %swap3A_261 = tpu.vector_load %arg16[%swap3A_259, %swap3A_260] {strides = array<i32>} : memref<128x128xbf16, #tpu.memory_space<vmem>>, vector<32xbf16>,
        tpu.vector_store %arg16[%swap3A_259, %swap3A_260], %mul3A_258 {strides = array<i32>} : memref<128x128xbf16, #tpu.memory_space<vmem>>, vector<32xbf16>,
        %get3A_262 = arith.index_cast %rem3A_162 : i32 to index
        %get3A_263 = arith.index_cast %add3A_223 : i32 to index
        %get3A_264 = arith.constant 96 : index
        %get3A_265 = tpu.vector_load %arg14[%get3A_262, %get3A_263, %get3A_264] {strides = array<i32>} : memref<2x128x128xbf16, #tpu.memory_space<vmem>>, vector<32xbf16>,
        %get3A_266 = arith.index_cast %rem3A_162 : i32 to index
        %get3A_267 = arith.index_cast %add3A_223 : i32 to index
        %get3A_268 = arith.constant 96 : index
        %get3A_269 = tpu.vector_load %arg15[%get3A_266, %get3A_267, %get3A_268] {strides = array<i32>} : memref<2x128x128xbf16, #tpu.memory_space<vmem>>, vector<32xbf16>,
        %add3A_270 = arith.addf %get3A_265, %get3A_269 : vector<32xbf16>
        %mul3A_271 = arith.mulf %add3A_270, %pack3A : vector<32xbf16>
        %swap3A_272 = arith.index_cast %add3A_223 : i32 to index
        %swap3A_273 = arith.constant 96 : index
        %swap3A_274 = tpu.vector_load %arg16[%swap3A_272, %swap3A_273] {strides = array<i32>} : memref<128x128xbf16, #tpu.memory_space<vmem>>, vector<32xbf16>,
        tpu.vector_store %arg16[%swap3A_272, %swap3A_273], %mul3A_271 {strides = array<i32>} : memref<128x128xbf16, #tpu.memory_space<vmem>>, vector<32xbf16>,
        %slice3A_275 = vector.extract_strided_slice %get3A_220 {offsets = [1], sizes = [1], strides = [1]} : vector<16xf32> to vector<1xf32>
        %squeeze3A_276 = vector.extract %slice3A_275[0] : f32 from vector<1xf32>
        %broadcast_in_dim3A_277 = vector.broadcast %squeeze3A_276 : f32 to vector<16xf32>
        %pack3A_278 = tpu.pack_subelements %broadcast_in_dim3A_277, %broadcast_in_dim3A_277 {pack_format = #tpu.pack_format<interleaved>, positions = array<i32: 0, 1>} : vector<16xf32>, vector<16xf32> -> vector<32xbf16>
        %add3A_279 = arith.constant 1 : i32
        %add3A_280 = arith.addi %mul3A_219, %add3A_279 : i32
        %get3A_281 = arith.index_cast %rem3A_162 : i32 to index
        %get3A_282 = arith.index_cast %add3A_280 : i32 to index
        %get3A_283 = arith.constant 0 : index
        %get3A_284 = tpu.vector_load %arg14[%get3A_281, %get3A_282, %get3A_283] {strides = array<i32>} : memref<2x128x128xbf16, #tpu.memory_space<vmem>>, vector<32xbf16>,
        %get3A_285 = arith.index_cast %rem3A_162 : i32 to index
        %get3A_286 = arith.index_cast %add3A_280 : i32 to index
        %get3A_287 = arith.constant 0 : index
        %get3A_288 = tpu.vector_load %arg15[%get3A_285, %get3A_286, %get3A_287] {strides = array<i32>} : memref<2x128x128xbf16, #tpu.memory_space<vmem>>, vector<32xbf16>,
        %add3A_289 = arith.addf %get3A_284, %get3A_288 : vector<32xbf16>
        %mul3A_290 = arith.mulf %add3A_289, %pack3A_278 : vector<32xbf16>
        %swap3A_291 = arith.index_cast %add3A_280 : i32 to index
        %swap3A_292 = arith.constant 0 : index
        %swap3A_293 = tpu.vector_load %arg16[%swap3A_291, %swap3A_292] {strides = array<i32>} : memref<128x128xbf16, #tpu.memory_space<vmem>>, vector<32xbf16>,
        tpu.vector_store %arg16[%swap3A_291, %swap3A_292], %mul3A_290 {strides = array<i32>} : memref<128x128xbf16, #tpu.memory_space<vmem>>, vector<32xbf16>,
        %get3A_294 = arith.index_cast %rem3A_162 : i32 to index
        %get3A_295 = arith.index_cast %add3A_280 : i32 to index
        %get3A_296 = arith.constant 32 : index
        %get3A_297 = tpu.vector_load %arg14[%get3A_294, %get3A_295, %get3A_296] {strides = array<i32>} : memref<2x128x128xbf16, #tpu.memory_space<vmem>>, vector<32xbf16>,
        %get3A_298 = arith.index_cast %rem3A_162 : i32 to index
        %get3A_299 = arith.index_cast %add3A_280 : i32 to index
        %get3A_300 = arith.constant 32 : index
        %get3A_301 = tpu.vector_load %arg15[%get3A_298, %get3A_299, %get3A_300] {strides = array<i32>} : memref<2x128x128xbf16, #tpu.memory_space<vmem>>, vector<32xbf16>,
        %add3A_302 = arith.addf %get3A_297, %get3A_301 : vector<32xbf16>
        %mul3A_303 = arith.mulf %add3A_302, %pack3A_278 : vector<32xbf16>
        %swap3A_304 = arith.index_cast %add3A_280 : i32 to index
        %swap3A_305 = arith.constant 32 : index
        %swap3A_306 = tpu.vector_load %arg16[%swap3A_304, %swap3A_305] {strides = array<i32>} : memref<128x128xbf16, #tpu.memory_space<vmem>>, vector<32xbf16>,
        tpu.vector_store %arg16[%swap3A_304, %swap3A_305], %mul3A_303 {strides = array<i32>} : memref<128x128xbf16, #tpu.memory_space<vmem>>, vector<32xbf16>,
        %get3A_307 = arith.index_cast %rem3A_162 : i32 to index
        %get3A_308 = arith.index_cast %add3A_280 : i32 to index
        %get3A_309 = arith.constant 64 : index
        %get3A_310 = tpu.vector_load %arg14[%get3A_307, %get3A_308, %get3A_309] {strides = array<i32>} : memref<2x128x128xbf16, #tpu.memory_space<vmem>>, vector<32xbf16>,
        %get3A_311 = arith.index_cast %rem3A_162 : i32 to index
        %get3A_312 = arith.index_cast %add3A_280 : i32 to index
        %get3A_313 = arith.constant 64 : index
        %get3A_314 = tpu.vector_load %arg15[%get3A_311, %get3A_312, %get3A_313] {strides = array<i32>} : memref<2x128x128xbf16, #tpu.memory_space<vmem>>, vector<32xbf16>,
        %add3A_315 = arith.addf %get3A_310, %get3A_314 : vector<32xbf16>
        %mul3A_316 = arith.mulf %add3A_315, %pack3A_278 : vector<32xbf16>
        %swap3A_317 = arith.index_cast %add3A_280 : i32 to index
        %swap3A_318 = arith.constant 64 : index
        %swap3A_319 = tpu.vector_load %arg16[%swap3A_317, %swap3A_318] {strides = array<i32>} : memref<128x128xbf16, #tpu.memory_space<vmem>>, vector<32xbf16>,
        tpu.vector_store %arg16[%swap3A_317, %swap3A_318], %mul3A_316 {strides = array<i32>} : memref<128x128xbf16, #tpu.memory_space<vmem>>, vector<32xbf16>,
        %get3A_320 = arith.index_cast %rem3A_162 : i32 to index
        %get3A_321 = arith.index_cast %add3A_280 : i32 to index
        %get3A_322 = arith.constant 96 : index
        %get3A_323 = tpu.vector_load %arg14[%get3A_320, %get3A_321, %get3A_322] {strides = array<i32>} : memref<2x128x128xbf16, #tpu.memory_space<vmem>>, vector<32xbf16>,
        %get3A_324 = arith.index_cast %rem3A_162 : i32 to index
        %get3A_325 = arith.index_cast %add3A_280 : i32 to index
        %get3A_326 = arith.constant 96 : index
        %get3A_327 = tpu.vector_load %arg15[%get3A_324, %get3A_325, %get3A_326] {strides = array<i32>} : memref<2x128x128xbf16, #tpu.memory_space<vmem>>, vector<32xbf16>,
        %add3A_328 = arith.addf %get3A_323, %get3A_327 : vector<32xbf16>
        %mul3A_329 = arith.mulf %add3A_328, %pack3A_278 : vector<32xbf16>
        %swap3A_330 = arith.index_cast %add3A_280 : i32 to index
        %swap3A_331 = arith.constant 96 : index
        %swap3A_332 = tpu.vector_load %arg16[%swap3A_330, %swap3A_331] {strides = array<i32>} : memref<128x128xbf16, #tpu.memory_space<vmem>>, vector<32xbf16>,
        tpu.vector_store %arg16[%swap3A_330, %swap3A_331], %mul3A_329 {strides = array<i32>} : memref<128x128xbf16, #tpu.memory_space<vmem>>, vector<32xbf16>,
        %slice3A_333 = vector.extract_strided_slice %get3A_220 {offsets = [2], sizes = [1], strides = [1]} : vector<16xf32> to vector<1xf32>
        %squeeze3A_334 = vector.extract %slice3A_333[0] : f32 from vector<1xf32>
        %broadcast_in_dim3A_335 = vector.broadcast %squeeze3A_334 : f32 to vector<16xf32>
        %pack3A_336 = tpu.pack_subelements %broadcast_in_dim3A_335, %broadcast_in_dim3A_335 {pack_format = #tpu.pack_format<interleaved>, positions = array<i32: 0, 1>} : vector<16xf32>, vector<16xf32> -> vector<32xbf16>
        %add3A_337 = arith.constant 2 : i32
        %add3A_338 = arith.addi %mul3A_219, %add3A_337 : i32
        %get3A_339 = arith.index_cast %rem3A_162 : i32 to index
        %get3A_340 = arith.index_cast %add3A_338 : i32 to index
        %get3A_341 = arith.constant 0 : index
        %get3A_342 = tpu.vector_load %arg14[%get3A_339, %get3A_340, %get3A_341] {strides = array<i32>} : memref<2x128x128xbf16, #tpu.memory_space<vmem>>, vector<32xbf16>,
        %get3A_343 = arith.index_cast %rem3A_162 : i32 to index
        %get3A_344 = arith.index_cast %add3A_338 : i32 to index
        %get3A_345 = arith.constant 0 : index
        %get3A_346 = tpu.vector_load %arg15[%get3A_343, %get3A_344, %get3A_345] {strides = array<i32>} : memref<2x128x128xbf16, #tpu.memory_space<vmem>>, vector<32xbf16>,
        %add3A_347 = arith.addf %get3A_342, %get3A_346 : vector<32xbf16>
        %mul3A_348 = arith.mulf %add3A_347, %pack3A_336 : vector<32xbf16>
        %swap3A_349 = arith.index_cast %add3A_338 : i32 to index
        %swap3A_350 = arith.constant 0 : index
        %swap3A_351 = tpu.vector_load %arg16[%swap3A_349, %swap3A_350] {strides = array<i32>} : memref<128x128xbf16, #tpu.memory_space<vmem>>, vector<32xbf16>,
        tpu.vector_store %arg16[%swap3A_349, %swap3A_350], %mul3A_348 {strides = array<i32>} : memref<128x128xbf16, #tpu.memory_space<vmem>>, vector<32xbf16>,
        %get3A_352 = arith.index_cast %rem3A_162 : i32 to index
        %get3A_353 = arith.index_cast %add3A_338 : i32 to index
        %get3A_354 = arith.constant 32 : index
        %get3A_355 = tpu.vector_load %arg14[%get3A_352, %get3A_353, %get3A_354] {strides = array<i32>} : memref<2x128x128xbf16, #tpu.memory_space<vmem>>, vector<32xbf16>,
        %get3A_356 = arith.index_cast %rem3A_162 : i32 to index
        %get3A_357 = arith.index_cast %add3A_338 : i32 to index
        %get3A_358 = arith.constant 32 : index
        %get3A_359 = tpu.vector_load %arg15[%get3A_356, %get3A_357, %get3A_358] {strides = array<i32>} : memref<2x128x128xbf16, #tpu.memory_space<vmem>>, vector<32xbf16>,
        %add3A_360 = arith.addf %get3A_355, %get3A_359 : vector<32xbf16>
        %mul3A_361 = arith.mulf %add3A_360, %pack3A_336 : vector<32xbf16>
        %swap3A_362 = arith.index_cast %add3A_338 : i32 to index
        %swap3A_363 = arith.constant 32 : index
        %swap3A_364 = tpu.vector_load %arg16[%swap3A_362, %swap3A_363] {strides = array<i32>} : memref<128x128xbf16, #tpu.memory_space<vmem>>, vector<32xbf16>,
        tpu.vector_store %arg16[%swap3A_362, %swap3A_363], %mul3A_361 {strides = array<i32>} : memref<128x128xbf16, #tpu.memory_space<vmem>>, vector<32xbf16>,
        %get3A_365 = arith.index_cast %rem3A_162 : i32 to index
        %get3A_366 = arith.index_cast %add3A_338 : i32 to index
        %get3A_367 = arith.constant 64 : index
        %get3A_368 = tpu.vector_load %arg14[%get3A_365, %get3A_366, %get3A_367] {strides = array<i32>} : memref<2x128x128xbf16, #tpu.memory_space<vmem>>, vector<32xbf16>,
        %get3A_369 = arith.index_cast %rem3A_162 : i32 to index
        %get3A_370 = arith.index_cast %add3A_338 : i32 to index
        %get3A_371 = arith.constant 64 : index
        %get3A_372 = tpu.vector_load %arg15[%get3A_369, %get3A_370, %get3A_371] {strides = array<i32>} : memref<2x128x128xbf16, #tpu.memory_space<vmem>>, vector<32xbf16>,
        %add3A_373 = arith.addf %get3A_368, %get3A_372 : vector<32xbf16>
        %mul3A_374 = arith.mulf %add3A_373, %pack3A_336 : vector<32xbf16>
        %swap3A_375 = arith.index_cast %add3A_338 : i32 to index
        %swap3A_376 = arith.constant 64 : index
        %swap3A_377 = tpu.vector_load %arg16[%swap3A_375, %swap3A_376] {strides = array<i32>} : memref<128x128xbf16, #tpu.memory_space<vmem>>, vector<32xbf16>,
        tpu.vector_store %arg16[%swap3A_375, %swap3A_376], %mul3A_374 {strides = array<i32>} : memref<128x128xbf16, #tpu.memory_space<vmem>>, vector<32xbf16>,
        %get3A_378 = arith.index_cast %rem3A_162 : i32 to index
        %get3A_379 = arith.index_cast %add3A_338 : i32 to index
        %get3A_380 = arith.constant 96 : index
        %get3A_381 = tpu.vector_load %arg14[%get3A_378, %get3A_379, %get3A_380] {strides = array<i32>} : memref<2x128x128xbf16, #tpu.memory_space<vmem>>, vector<32xbf16>,
        %get3A_382 = arith.index_cast %rem3A_162 : i32 to index
        %get3A_383 = arith.index_cast %add3A_338 : i32 to index
        %get3A_384 = arith.constant 96 : index
        %get3A_385 = tpu.vector_load %arg15[%get3A_382, %get3A_383, %get3A_384] {strides = array<i32>} : memref<2x128x128xbf16, #tpu.memory_space<vmem>>, vector<32xbf16>,
        %add3A_386 = arith.addf %get3A_381, %get3A_385 : vector<32xbf16>
        %mul3A_387 = arith.mulf %add3A_386, %pack3A_336 : vector<32xbf16>
        %swap3A_388 = arith.index_cast %add3A_338 : i32 to index
        %swap3A_389 = arith.constant 96 : index
        %swap3A_390 = tpu.vector_load %arg16[%swap3A_388, %swap3A_389] {strides = array<i32>} : memref<128x128xbf16, #tpu.memory_space<vmem>>, vector<32xbf16>,
        tpu.vector_store %arg16[%swap3A_388, %swap3A_389], %mul3A_387 {strides = array<i32>} : memref<128x128xbf16, #tpu.memory_space<vmem>>, vector<32xbf16>,
        %slice3A_391 = vector.extract_strided_slice %get3A_220 {offsets = [3], sizes = [1], strides = [1]} : vector<16xf32> to vector<1xf32>
        %squeeze3A_392 = vector.extract %slice3A_391[0] : f32 from vector<1xf32>
        %broadcast_in_dim3A_393 = vector.broadcast %squeeze3A_392 : f32 to vector<16xf32>
        %pack3A_394 = tpu.pack_subelements %broadcast_in_dim3A_393, %broadcast_in_dim3A_393 {pack_format = #tpu.pack_format<interleaved>, positions = array<i32: 0, 1>} : vector<16xf32>, vector<16xf32> -> vector<32xbf16>
        %add3A_395 = arith.constant 3 : i32
        %add3A_396 = arith.addi %mul3A_219, %add3A_395 : i32
        %get3A_397 = arith.index_cast %rem3A_162 : i32 to index
        %get3A_398 = arith.index_cast %add3A_396 : i32 to index
        %get3A_399 = arith.constant 0 : index
        %get3A_400 = tpu.vector_load %arg14[%get3A_397, %get3A_398, %get3A_399] {strides = array<i32>} : memref<2x128x128xbf16, #tpu.memory_space<vmem>>, vector<32xbf16>,
        %get3A_401 = arith.index_cast %rem3A_162 : i32 to index
        %get3A_402 = arith.index_cast %add3A_396 : i32 to index
        %get3A_403 = arith.constant 0 : index
        %get3A_404 = tpu.vector_load %arg15[%get3A_401, %get3A_402, %get3A_403] {strides = array<i32>} : memref<2x128x128xbf16, #tpu.memory_space<vmem>>, vector<32xbf16>,
        %add3A_405 = arith.addf %get3A_400, %get3A_404 : vector<32xbf16>
        %mul3A_406 = arith.mulf %add3A_405, %pack3A_394 : vector<32xbf16>
        %swap3A_407 = arith.index_cast %add3A_396 : i32 to index
        %swap3A_408 = arith.constant 0 : index
        %swap3A_409 = tpu.vector_load %arg16[%swap3A_407, %swap3A_408] {strides = array<i32>} : memref<128x128xbf16, #tpu.memory_space<vmem>>, vector<32xbf16>,
        tpu.vector_store %arg16[%swap3A_407, %swap3A_408], %mul3A_406 {strides = array<i32>} : memref<128x128xbf16, #tpu.memory_space<vmem>>, vector<32xbf16>,
        %get3A_410 = arith.index_cast %rem3A_162 : i32 to index
        %get3A_411 = arith.index_cast %add3A_396 : i32 to index
        %get3A_412 = arith.constant 32 : index
        %get3A_413 = tpu.vector_load %arg14[%get3A_410, %get3A_411, %get3A_412] {strides = array<i32>} : memref<2x128x128xbf16, #tpu.memory_space<vmem>>, vector<32xbf16>,
        %get3A_414 = arith.index_cast %rem3A_162 : i32 to index
        %get3A_415 = arith.index_cast %add3A_396 : i32 to index
        %get3A_416 = arith.constant 32 : index
        %get3A_417 = tpu.vector_load %arg15[%get3A_414, %get3A_415, %get3A_416] {strides = array<i32>} : memref<2x128x128xbf16, #tpu.memory_space<vmem>>, vector<32xbf16>,
        %add3A_418 = arith.addf %get3A_413, %get3A_417 : vector<32xbf16>
        %mul3A_419 = arith.mulf %add3A_418, %pack3A_394 : vector<32xbf16>
        %swap3A_420 = arith.index_cast %add3A_396 : i32 to index
        %swap3A_421 = arith.constant 32 : index
        %swap3A_422 = tpu.vector_load %arg16[%swap3A_420, %swap3A_421] {strides = array<i32>} : memref<128x128xbf16, #tpu.memory_space<vmem>>, vector<32xbf16>,
        tpu.vector_store %arg16[%swap3A_420, %swap3A_421], %mul3A_419 {strides = array<i32>} : memref<128x128xbf16, #tpu.memory_space<vmem>>, vector<32xbf16>,
        %get3A_423 = arith.index_cast %rem3A_162 : i32 to index
        %get3A_424 = arith.index_cast %add3A_396 : i32 to index
        %get3A_425 = arith.constant 64 : index
        %get3A_426 = tpu.vector_load %arg14[%get3A_423, %get3A_424, %get3A_425] {strides = array<i32>} : memref<2x128x128xbf16, #tpu.memory_space<vmem>>, vector<32xbf16>,
        %get3A_427 = arith.index_cast %rem3A_162 : i32 to index
        %get3A_428 = arith.index_cast %add3A_396 : i32 to index
        %get3A_429 = arith.constant 64 : index
        %get3A_430 = tpu.vector_load %arg15[%get3A_427, %get3A_428, %get3A_429] {strides = array<i32>} : memref<2x128x128xbf16, #tpu.memory_space<vmem>>, vector<32xbf16>,
        %add3A_431 = arith.addf %get3A_426, %get3A_430 : vector<32xbf16>
        %mul3A_432 = arith.mulf %add3A_431, %pack3A_394 : vector<32xbf16>
        %swap3A_433 = arith.index_cast %add3A_396 : i32 to index
        %swap3A_434 = arith.constant 64 : index
        %swap3A_435 = tpu.vector_load %arg16[%swap3A_433, %swap3A_434] {strides = array<i32>} : memref<128x128xbf16, #tpu.memory_space<vmem>>, vector<32xbf16>,
        tpu.vector_store %arg16[%swap3A_433, %swap3A_434], %mul3A_432 {strides = array<i32>} : memref<128x128xbf16, #tpu.memory_space<vmem>>, vector<32xbf16>,
        %get3A_436 = arith.index_cast %rem3A_162 : i32 to index
        %get3A_437 = arith.index_cast %add3A_396 : i32 to index
        %get3A_438 = arith.constant 96 : index
        %get3A_439 = tpu.vector_load %arg14[%get3A_436, %get3A_437, %get3A_438] {strides = array<i32>} : memref<2x128x128xbf16, #tpu.memory_space<vmem>>, vector<32xbf16>,
        %get3A_440 = arith.index_cast %rem3A_162 : i32 to index
        %get3A_441 = arith.index_cast %add3A_396 : i32 to index
        %get3A_442 = arith.constant 96 : index
        %get3A_443 = tpu.vector_load %arg15[%get3A_440, %get3A_441, %get3A_442] {strides = array<i32>} : memref<2x128x128xbf16, #tpu.memory_space<vmem>>, vector<32xbf16>,
        %add3A_444 = arith.addf %get3A_439, %get3A_443 : vector<32xbf16>
        %mul3A_445 = arith.mulf %add3A_444, %pack3A_394 : vector<32xbf16>
        %swap3A_446 = arith.index_cast %add3A_396 : i32 to index
        %swap3A_447 = arith.constant 96 : index
        %swap3A_448 = tpu.vector_load %arg16[%swap3A_446, %swap3A_447] {strides = array<i32>} : memref<128x128xbf16, #tpu.memory_space<vmem>>, vector<32xbf16>,
        tpu.vector_store %arg16[%swap3A_446, %swap3A_447], %mul3A_445 {strides = array<i32>} : memref<128x128xbf16, #tpu.memory_space<vmem>>, vector<32xbf16>,
        %slice3A_449 = vector.extract_strided_slice %get3A_220 {offsets = [4], sizes = [1], strides = [1]} : vector<16xf32> to vector<1xf32>
        %squeeze3A_450 = vector.extract %slice3A_449[0] : f32 from vector<1xf32>
        %broadcast_in_dim3A_451 = vector.broadcast %squeeze3A_450 : f32 to vector<16xf32>
        %pack3A_452 = tpu.pack_subelements %broadcast_in_dim3A_451, %broadcast_in_dim3A_451 {pack_format = #tpu.pack_format<interleaved>, positions = array<i32: 0, 1>} : vector<16xf32>, vector<16xf32> -> vector<32xbf16>
        %add3A_453 = arith.constant 4 : i32
        %add3A_454 = arith.addi %mul3A_219, %add3A_453 : i32
        %get3A_455 = arith.index_cast %rem3A_162 : i32 to index
        %get3A_456 = arith.index_cast %add3A_454 : i32 to index
        %get3A_457 = arith.constant 0 : index
        %get3A_458 = tpu.vector_load %arg14[%get3A_455, %get3A_456, %get3A_457] {strides = array<i32>} : memref<2x128x128xbf16, #tpu.memory_space<vmem>>, vector<32xbf16>,
        %get3A_459 = arith.index_cast %rem3A_162 : i32 to index
        %get3A_460 = arith.index_cast %add3A_454 : i32 to index
        %get3A_461 = arith.constant 0 : index
        %get3A_462 = tpu.vector_load %arg15[%get3A_459, %get3A_460, %get3A_461] {strides = array<i32>} : memref<2x128x128xbf16, #tpu.memory_space<vmem>>, vector<32xbf16>,
        %add3A_463 = arith.addf %get3A_458, %get3A_462 : vector<32xbf16>
        %mul3A_464 = arith.mulf %add3A_463, %pack3A_452 : vector<32xbf16>
        %swap3A_465 = arith.index_cast %add3A_454 : i32 to index
        %swap3A_466 = arith.constant 0 : index
        %swap3A_467 = tpu.vector_load %arg16[%swap3A_465, %swap3A_466] {strides = array<i32>} : memref<128x128xbf16, #tpu.memory_space<vmem>>, vector<32xbf16>,
        tpu.vector_store %arg16[%swap3A_465, %swap3A_466], %mul3A_464 {strides = array<i32>} : memref<128x128xbf16, #tpu.memory_space<vmem>>, vector<32xbf16>,
        %get3A_468 = arith.index_cast %rem3A_162 : i32 to index
        %get3A_469 = arith.index_cast %add3A_454 : i32 to index
        %get3A_470 = arith.constant 32 : index
        %get3A_471 = tpu.vector_load %arg14[%get3A_468, %get3A_469, %get3A_470] {strides = array<i32>} : memref<2x128x128xbf16, #tpu.memory_space<vmem>>, vector<32xbf16>,
        %get3A_472 = arith.index_cast %rem3A_162 : i32 to index
        %get3A_473 = arith.index_cast %add3A_454 : i32 to index
        %get3A_474 = arith.constant 32 : index
        %get3A_475 = tpu.vector_load %arg15[%get3A_472, %get3A_473, %get3A_474] {strides = array<i32>} : memref<2x128x128xbf16, #tpu.memory_space<vmem>>, vector<32xbf16>,
        %add3A_476 = arith.addf %get3A_471, %get3A_475 : vector<32xbf16>
        %mul3A_477 = arith.mulf %add3A_476, %pack3A_452 : vector<32xbf16>
        %swap3A_478 = arith.index_cast %add3A_454 : i32 to index
        %swap3A_479 = arith.constant 32 : index
        %swap3A_480 = tpu.vector_load %arg16[%swap3A_478, %swap3A_479] {strides = array<i32>} : memref<128x128xbf16, #tpu.memory_space<vmem>>, vector<32xbf16>,
        tpu.vector_store %arg16[%swap3A_478, %swap3A_479], %mul3A_477 {strides = array<i32>} : memref<128x128xbf16, #tpu.memory_space<vmem>>, vector<32xbf16>,
        %get3A_481 = arith.index_cast %rem3A_162 : i32 to index
        %get3A_482 = arith.index_cast %add3A_454 : i32 to index
        %get3A_483 = arith.constant 64 : index
        %get3A_484 = tpu.vector_load %arg14[%get3A_481, %get3A_482, %get3A_483] {strides = array<i32>} : memref<2x128x128xbf16, #tpu.memory_space<vmem>>, vector<32xbf16>,
        %get3A_485 = arith.index_cast %rem3A_162 : i32 to index
        %get3A_486 = arith.index_cast %add3A_454 : i32 to index
        %get3A_487 = arith.constant 64 : index
        %get3A_488 = tpu.vector_load %arg15[%get3A_485, %get3A_486, %get3A_487] {strides = array<i32>} : memref<2x128x128xbf16, #tpu.memory_space<vmem>>, vector<32xbf16>,
        %add3A_489 = arith.addf %get3A_484, %get3A_488 : vector<32xbf16>
        %mul3A_490 = arith.mulf %add3A_489, %pack3A_452 : vector<32xbf16>
        %swap3A_491 = arith.index_cast %add3A_454 : i32 to index
        %swap3A_492 = arith.constant 64 : index
        %swap3A_493 = tpu.vector_load %arg16[%swap3A_491, %swap3A_492] {strides = array<i32>} : memref<128x128xbf16, #tpu.memory_space<vmem>>, vector<32xbf16>,
        tpu.vector_store %arg16[%swap3A_491, %swap3A_492], %mul3A_490 {strides = array<i32>} : memref<128x128xbf16, #tpu.memory_space<vmem>>, vector<32xbf16>,
        %get3A_494 = arith.index_cast %rem3A_162 : i32 to index
        %get3A_495 = arith.index_cast %add3A_454 : i32 to index
        %get3A_496 = arith.constant 96 : index
        %get3A_497 = tpu.vector_load %arg14[%get3A_494, %get3A_495, %get3A_496] {strides = array<i32>} : memref<2x128x128xbf16, #tpu.memory_space<vmem>>, vector<32xbf16>,
        %get3A_498 = arith.index_cast %rem3A_162 : i32 to index
        %get3A_499 = arith.index_cast %add3A_454 : i32 to index
        %get3A_500 = arith.constant 96 : index
        %get3A_501 = tpu.vector_load %arg15[%get3A_498, %get3A_499, %get3A_500] {strides = array<i32>} : memref<2x128x128xbf16, #tpu.memory_space<vmem>>, vector<32xbf16>,
        %add3A_502 = arith.addf %get3A_497, %get3A_501 : vector<32xbf16>
        %mul3A_503 = arith.mulf %add3A_502, %pack3A_452 : vector<32xbf16>
        %swap3A_504 = arith.index_cast %add3A_454 : i32 to index
        %swap3A_505 = arith.constant 96 : index
        %swap3A_506 = tpu.vector_load %arg16[%swap3A_504, %swap3A_505] {strides = array<i32>} : memref<128x128xbf16, #tpu.memory_space<vmem>>, vector<32xbf16>,
        tpu.vector_store %arg16[%swap3A_504, %swap3A_505], %mul3A_503 {strides = array<i32>} : memref<128x128xbf16, #tpu.memory_space<vmem>>, vector<32xbf16>,
        %slice3A_507 = vector.extract_strided_slice %get3A_220 {offsets = [5], sizes = [1], strides = [1]} : vector<16xf32> to vector<1xf32>
        %squeeze3A_508 = vector.extract %slice3A_507[0] : f32 from vector<1xf32>
        %broadcast_in_dim3A_509 = vector.broadcast %squeeze3A_508 : f32 to vector<16xf32>
        %pack3A_510 = tpu.pack_subelements %broadcast_in_dim3A_509, %broadcast_in_dim3A_509 {pack_format = #tpu.pack_format<interleaved>, positions = array<i32: 0, 1>} : vector<16xf32>, vector<16xf32> -> vector<32xbf16>
        %add3A_511 = arith.constant 5 : i32
        %add3A_512 = arith.addi %mul3A_219, %add3A_511 : i32
        %get3A_513 = arith.index_cast %rem3A_162 : i32 to index
        %get3A_514 = arith.index_cast %add3A_512 : i32 to index
        %get3A_515 = arith.constant 0 : index
        %get3A_516 = tpu.vector_load %arg14[%get3A_513, %get3A_514, %get3A_515] {strides = array<i32>} : memref<2x128x128xbf16, #tpu.memory_space<vmem>>, vector<32xbf16>,
        %get3A_517 = arith.index_cast %rem3A_162 : i32 to index
        %get3A_518 = arith.index_cast %add3A_512 : i32 to index
        %get3A_519 = arith.constant 0 : index
        %get3A_520 = tpu.vector_load %arg15[%get3A_517, %get3A_518, %get3A_519] {strides = array<i32>} : memref<2x128x128xbf16, #tpu.memory_space<vmem>>, vector<32xbf16>,
        %add3A_521 = arith.addf %get3A_516, %get3A_520 : vector<32xbf16>
        %mul3A_522 = arith.mulf %add3A_521, %pack3A_510 : vector<32xbf16>
        %swap3A_523 = arith.index_cast %add3A_512 : i32 to index
        %swap3A_524 = arith.constant 0 : index
        %swap3A_525 = tpu.vector_load %arg16[%swap3A_523, %swap3A_524] {strides = array<i32>} : memref<128x128xbf16, #tpu.memory_space<vmem>>, vector<32xbf16>,
        tpu.vector_store %arg16[%swap3A_523, %swap3A_524], %mul3A_522 {strides = array<i32>} : memref<128x128xbf16, #tpu.memory_space<vmem>>, vector<32xbf16>,
        %get3A_526 = arith.index_cast %rem3A_162 : i32 to index
        %get3A_527 = arith.index_cast %add3A_512 : i32 to index
        %get3A_528 = arith.constant 32 : index
        %get3A_529 = tpu.vector_load %arg14[%get3A_526, %get3A_527, %get3A_528] {strides = array<i32>} : memref<2x128x128xbf16, #tpu.memory_space<vmem>>, vector<32xbf16>,
        %get3A_530 = arith.index_cast %rem3A_162 : i32 to index
        %get3A_531 = arith.index_cast %add3A_512 : i32 to index
        %get3A_532 = arith.constant 32 : index
        %get3A_533 = tpu.vector_load %arg15[%get3A_530, %get3A_531, %get3A_532] {strides = array<i32>} : memref<2x128x128xbf16, #tpu.memory_space<vmem>>, vector<32xbf16>,
        %add3A_534 = arith.addf %get3A_529, %get3A_533 : vector<32xbf16>
        %mul3A_535 = arith.mulf %add3A_534, %pack3A_510 : vector<32xbf16>
        %swap3A_536 = arith.index_cast %add3A_512 : i32 to index
        %swap3A_537 = arith.constant 32 : index
        %swap3A_538 = tpu.vector_load %arg16[%swap3A_536, %swap3A_537] {strides = array<i32>} : memref<128x128xbf16, #tpu.memory_space<vmem>>, vector<32xbf16>,
        tpu.vector_store %arg16[%swap3A_536, %swap3A_537], %mul3A_535 {strides = array<i32>} : memref<128x128xbf16, #tpu.memory_space<vmem>>, vector<32xbf16>,
        %get3A_539 = arith.index_cast %rem3A_162 : i32 to index
        %get3A_540 = arith.index_cast %add3A_512 : i32 to index
        %get3A_541 = arith.constant 64 : index
        %get3A_542 = tpu.vector_load %arg14[%get3A_539, %get3A_540, %get3A_541] {strides = array<i32>} : memref<2x128x128xbf16, #tpu.memory_space<vmem>>, vector<32xbf16>,
        %get3A_543 = arith.index_cast %rem3A_162 : i32 to index
        %get3A_544 = arith.index_cast %add3A_512 : i32 to index
        %get3A_545 = arith.constant 64 : index
        %get3A_546 = tpu.vector_load %arg15[%get3A_543, %get3A_544, %get3A_545] {strides = array<i32>} : memref<2x128x128xbf16, #tpu.memory_space<vmem>>, vector<32xbf16>,
        %add3A_547 = arith.addf %get3A_542, %get3A_546 : vector<32xbf16>
        %mul3A_548 = arith.mulf %add3A_547, %pack3A_510 : vector<32xbf16>
        %swap3A_549 = arith.index_cast %add3A_512 : i32 to index
        %swap3A_550 = arith.constant 64 : index
        %swap3A_551 = tpu.vector_load %arg16[%swap3A_549, %swap3A_550] {strides = array<i32>} : memref<128x128xbf16, #tpu.memory_space<vmem>>, vector<32xbf16>,
        tpu.vector_store %arg16[%swap3A_549, %swap3A_550], %mul3A_548 {strides = array<i32>} : memref<128x128xbf16, #tpu.memory_space<vmem>>, vector<32xbf16>,
        %get3A_552 = arith.index_cast %rem3A_162 : i32 to index
        %get3A_553 = arith.index_cast %add3A_512 : i32 to index
        %get3A_554 = arith.constant 96 : index
        %get3A_555 = tpu.vector_load %arg14[%get3A_552, %get3A_553, %get3A_554] {strides = array<i32>} : memref<2x128x128xbf16, #tpu.memory_space<vmem>>, vector<32xbf16>,
        %get3A_556 = arith.index_cast %rem3A_162 : i32 to index
        %get3A_557 = arith.index_cast %add3A_512 : i32 to index
        %get3A_558 = arith.constant 96 : index
        %get3A_559 = tpu.vector_load %arg15[%get3A_556, %get3A_557, %get3A_558] {strides = array<i32>} : memref<2x128x128xbf16, #tpu.memory_space<vmem>>, vector<32xbf16>,
        %add3A_560 = arith.addf %get3A_555, %get3A_559 : vector<32xbf16>
        %mul3A_561 = arith.mulf %add3A_560, %pack3A_510 : vector<32xbf16>
        %swap3A_562 = arith.index_cast %add3A_512 : i32 to index
        %swap3A_563 = arith.constant 96 : index
        %swap3A_564 = tpu.vector_load %arg16[%swap3A_562, %swap3A_563] {strides = array<i32>} : memref<128x128xbf16, #tpu.memory_space<vmem>>, vector<32xbf16>,
        tpu.vector_store %arg16[%swap3A_562, %swap3A_563], %mul3A_561 {strides = array<i32>} : memref<128x128xbf16, #tpu.memory_space<vmem>>, vector<32xbf16>,
        %slice3A_565 = vector.extract_strided_slice %get3A_220 {offsets = [6], sizes = [1], strides = [1]} : vector<16xf32> to vector<1xf32>
        %squeeze3A_566 = vector.extract %slice3A_565[0] : f32 from vector<1xf32>
        %broadcast_in_dim3A_567 = vector.broadcast %squeeze3A_566 : f32 to vector<16xf32>
        %pack3A_568 = tpu.pack_subelements %broadcast_in_dim3A_567, %broadcast_in_dim3A_567 {pack_format = #tpu.pack_format<interleaved>, positions = array<i32: 0, 1>} : vector<16xf32>, vector<16xf32> -> vector<32xbf16>
        %add3A_569 = arith.constant 6 : i32
        %add3A_570 = arith.addi %mul3A_219, %add3A_569 : i32
        %get3A_571 = arith.index_cast %rem3A_162 : i32 to index
        %get3A_572 = arith.index_cast %add3A_570 : i32 to index
        %get3A_573 = arith.constant 0 : index
        %get3A_574 = tpu.vector_load %arg14[%get3A_571, %get3A_572, %get3A_573] {strides = array<i32>} : memref<2x128x128xbf16, #tpu.memory_space<vmem>>, vector<32xbf16>,
        %get3A_575 = arith.index_cast %rem3A_162 : i32 to index
        %get3A_576 = arith.index_cast %add3A_570 : i32 to index
        %get3A_577 = arith.constant 0 : index
        %get3A_578 = tpu.vector_load %arg15[%get3A_575, %get3A_576, %get3A_577] {strides = array<i32>} : memref<2x128x128xbf16, #tpu.memory_space<vmem>>, vector<32xbf16>,
        %add3A_579 = arith.addf %get3A_574, %get3A_578 : vector<32xbf16>
        %mul3A_580 = arith.mulf %add3A_579, %pack3A_568 : vector<32xbf16>
        %swap3A_581 = arith.index_cast %add3A_570 : i32 to index
        %swap3A_582 = arith.constant 0 : index
        %swap3A_583 = tpu.vector_load %arg16[%swap3A_581, %swap3A_582] {strides = array<i32>} : memref<128x128xbf16, #tpu.memory_space<vmem>>, vector<32xbf16>,
        tpu.vector_store %arg16[%swap3A_581, %swap3A_582], %mul3A_580 {strides = array<i32>} : memref<128x128xbf16, #tpu.memory_space<vmem>>, vector<32xbf16>,
        %get3A_584 = arith.index_cast %rem3A_162 : i32 to index
        %get3A_585 = arith.index_cast %add3A_570 : i32 to index
        %get3A_586 = arith.constant 32 : index
        %get3A_587 = tpu.vector_load %arg14[%get3A_584, %get3A_585, %get3A_586] {strides = array<i32>} : memref<2x128x128xbf16, #tpu.memory_space<vmem>>, vector<32xbf16>,
        %get3A_588 = arith.index_cast %rem3A_162 : i32 to index
        %get3A_589 = arith.index_cast %add3A_570 : i32 to index
        %get3A_590 = arith.constant 32 : index
        %get3A_591 = tpu.vector_load %arg15[%get3A_588, %get3A_589, %get3A_590] {strides = array<i32>} : memref<2x128x128xbf16, #tpu.memory_space<vmem>>, vector<32xbf16>,
        %add3A_592 = arith.addf %get3A_587, %get3A_591 : vector<32xbf16>
        %mul3A_593 = arith.mulf %add3A_592, %pack3A_568 : vector<32xbf16>
        %swap3A_594 = arith.index_cast %add3A_570 : i32 to index
        %swap3A_595 = arith.constant 32 : index
        %swap3A_596 = tpu.vector_load %arg16[%swap3A_594, %swap3A_595] {strides = array<i32>} : memref<128x128xbf16, #tpu.memory_space<vmem>>, vector<32xbf16>,
        tpu.vector_store %arg16[%swap3A_594, %swap3A_595], %mul3A_593 {strides = array<i32>} : memref<128x128xbf16, #tpu.memory_space<vmem>>, vector<32xbf16>,
        %get3A_597 = arith.index_cast %rem3A_162 : i32 to index
        %get3A_598 = arith.index_cast %add3A_570 : i32 to index
        %get3A_599 = arith.constant 64 : index
        %get3A_600 = tpu.vector_load %arg14[%get3A_597, %get3A_598, %get3A_599] {strides = array<i32>} : memref<2x128x128xbf16, #tpu.memory_space<vmem>>, vector<32xbf16>,
        %get3A_601 = arith.index_cast %rem3A_162 : i32 to index
        %get3A_602 = arith.index_cast %add3A_570 : i32 to index
        %get3A_603 = arith.constant 64 : index
        %get3A_604 = tpu.vector_load %arg15[%get3A_601, %get3A_602, %get3A_603] {strides = array<i32>} : memref<2x128x128xbf16, #tpu.memory_space<vmem>>, vector<32xbf16>,
        %add3A_605 = arith.addf %get3A_600, %get3A_604 : vector<32xbf16>
        %mul3A_606 = arith.mulf %add3A_605, %pack3A_568 : vector<32xbf16>
        %swap3A_607 = arith.index_cast %add3A_570 : i32 to index
        %swap3A_608 = arith.constant 64 : index
        %swap3A_609 = tpu.vector_load %arg16[%swap3A_607, %swap3A_608] {strides = array<i32>} : memref<128x128xbf16, #tpu.memory_space<vmem>>, vector<32xbf16>,
        tpu.vector_store %arg16[%swap3A_607, %swap3A_608], %mul3A_606 {strides = array<i32>} : memref<128x128xbf16, #tpu.memory_space<vmem>>, vector<32xbf16>,
        %get3A_610 = arith.index_cast %rem3A_162 : i32 to index
        %get3A_611 = arith.index_cast %add3A_570 : i32 to index
        %get3A_612 = arith.constant 96 : index
        %get3A_613 = tpu.vector_load %arg14[%get3A_610, %get3A_611, %get3A_612] {strides = array<i32>} : memref<2x128x128xbf16, #tpu.memory_space<vmem>>, vector<32xbf16>,
        %get3A_614 = arith.index_cast %rem3A_162 : i32 to index
        %get3A_615 = arith.index_cast %add3A_570 : i32 to index
        %get3A_616 = arith.constant 96 : index
        %get3A_617 = tpu.vector_load %arg15[%get3A_614, %get3A_615, %get3A_616] {strides = array<i32>} : memref<2x128x128xbf16, #tpu.memory_space<vmem>>, vector<32xbf16>,
        %add3A_618 = arith.addf %get3A_613, %get3A_617 : vector<32xbf16>
        %mul3A_619 = arith.mulf %add3A_618, %pack3A_568 : vector<32xbf16>
        %swap3A_620 = arith.index_cast %add3A_570 : i32 to index
        %swap3A_621 = arith.constant 96 : index
        %swap3A_622 = tpu.vector_load %arg16[%swap3A_620, %swap3A_621] {strides = array<i32>} : memref<128x128xbf16, #tpu.memory_space<vmem>>, vector<32xbf16>,
        tpu.vector_store %arg16[%swap3A_620, %swap3A_621], %mul3A_619 {strides = array<i32>} : memref<128x128xbf16, #tpu.memory_space<vmem>>, vector<32xbf16>,
        %slice3A_623 = vector.extract_strided_slice %get3A_220 {offsets = [7], sizes = [1], strides = [1]} : vector<16xf32> to vector<1xf32>
        %squeeze3A_624 = vector.extract %slice3A_623[0] : f32 from vector<1xf32>
        %broadcast_in_dim3A_625 = vector.broadcast %squeeze3A_624 : f32 to vector<16xf32>
        %pack3A_626 = tpu.pack_subelements %broadcast_in_dim3A_625, %broadcast_in_dim3A_625 {pack_format = #tpu.pack_format<interleaved>, positions = array<i32: 0, 1>} : vector<16xf32>, vector<16xf32> -> vector<32xbf16>
        %add3A_627 = arith.constant 7 : i32
        %add3A_628 = arith.addi %mul3A_219, %add3A_627 : i32
        %get3A_629 = arith.index_cast %rem3A_162 : i32 to index
        %get3A_630 = arith.index_cast %add3A_628 : i32 to index
        %get3A_631 = arith.constant 0 : index
        %get3A_632 = tpu.vector_load %arg14[%get3A_629, %get3A_630, %get3A_631] {strides = array<i32>} : memref<2x128x128xbf16, #tpu.memory_space<vmem>>, vector<32xbf16>,
        %get3A_633 = arith.index_cast %rem3A_162 : i32 to index
        %get3A_634 = arith.index_cast %add3A_628 : i32 to index
        %get3A_635 = arith.constant 0 : index
        %get3A_636 = tpu.vector_load %arg15[%get3A_633, %get3A_634, %get3A_635] {strides = array<i32>} : memref<2x128x128xbf16, #tpu.memory_space<vmem>>, vector<32xbf16>,
        %add3A_637 = arith.addf %get3A_632, %get3A_636 : vector<32xbf16>
        %mul3A_638 = arith.mulf %add3A_637, %pack3A_626 : vector<32xbf16>
        %swap3A_639 = arith.index_cast %add3A_628 : i32 to index
        %swap3A_640 = arith.constant 0 : index
        %swap3A_641 = tpu.vector_load %arg16[%swap3A_639, %swap3A_640] {strides = array<i32>} : memref<128x128xbf16, #tpu.memory_space<vmem>>, vector<32xbf16>,
        tpu.vector_store %arg16[%swap3A_639, %swap3A_640], %mul3A_638 {strides = array<i32>} : memref<128x128xbf16, #tpu.memory_space<vmem>>, vector<32xbf16>,
        %get3A_642 = arith.index_cast %rem3A_162 : i32 to index
        %get3A_643 = arith.index_cast %add3A_628 : i32 to index
        %get3A_644 = arith.constant 32 : index
        %get3A_645 = tpu.vector_load %arg14[%get3A_642, %get3A_643, %get3A_644] {strides = array<i32>} : memref<2x128x128xbf16, #tpu.memory_space<vmem>>, vector<32xbf16>,
        %get3A_646 = arith.index_cast %rem3A_162 : i32 to index
        %get3A_647 = arith.index_cast %add3A_628 : i32 to index
        %get3A_648 = arith.constant 32 : index
        %get3A_649 = tpu.vector_load %arg15[%get3A_646, %get3A_647, %get3A_648] {strides = array<i32>} : memref<2x128x128xbf16, #tpu.memory_space<vmem>>, vector<32xbf16>,
        %add3A_650 = arith.addf %get3A_645, %get3A_649 : vector<32xbf16>
        %mul3A_651 = arith.mulf %add3A_650, %pack3A_626 : vector<32xbf16>
        %swap3A_652 = arith.index_cast %add3A_628 : i32 to index
        %swap3A_653 = arith.constant 32 : index
        %swap3A_654 = tpu.vector_load %arg16[%swap3A_652, %swap3A_653] {strides = array<i32>} : memref<128x128xbf16, #tpu.memory_space<vmem>>, vector<32xbf16>,
        tpu.vector_store %arg16[%swap3A_652, %swap3A_653], %mul3A_651 {strides = array<i32>} : memref<128x128xbf16, #tpu.memory_space<vmem>>, vector<32xbf16>,
        %get3A_655 = arith.index_cast %rem3A_162 : i32 to index
        %get3A_656 = arith.index_cast %add3A_628 : i32 to index
        %get3A_657 = arith.constant 64 : index
        %get3A_658 = tpu.vector_load %arg14[%get3A_655, %get3A_656, %get3A_657] {strides = array<i32>} : memref<2x128x128xbf16, #tpu.memory_space<vmem>>, vector<32xbf16>,
        %get3A_659 = arith.index_cast %rem3A_162 : i32 to index
        %get3A_660 = arith.index_cast %add3A_628 : i32 to index
        %get3A_661 = arith.constant 64 : index
        %get3A_662 = tpu.vector_load %arg15[%get3A_659, %get3A_660, %get3A_661] {strides = array<i32>} : memref<2x128x128xbf16, #tpu.memory_space<vmem>>, vector<32xbf16>,
        %add3A_663 = arith.addf %get3A_658, %get3A_662 : vector<32xbf16>
        %mul3A_664 = arith.mulf %add3A_663, %pack3A_626 : vector<32xbf16>
        %swap3A_665 = arith.index_cast %add3A_628 : i32 to index
        %swap3A_666 = arith.constant 64 : index
        %swap3A_667 = tpu.vector_load %arg16[%swap3A_665, %swap3A_666] {strides = array<i32>} : memref<128x128xbf16, #tpu.memory_space<vmem>>, vector<32xbf16>,
        tpu.vector_store %arg16[%swap3A_665, %swap3A_666], %mul3A_664 {strides = array<i32>} : memref<128x128xbf16, #tpu.memory_space<vmem>>, vector<32xbf16>,
        %get3A_668 = arith.index_cast %rem3A_162 : i32 to index
        %get3A_669 = arith.index_cast %add3A_628 : i32 to index
        %get3A_670 = arith.constant 96 : index
        %get3A_671 = tpu.vector_load %arg14[%get3A_668, %get3A_669, %get3A_670] {strides = array<i32>} : memref<2x128x128xbf16, #tpu.memory_space<vmem>>, vector<32xbf16>,
        %get3A_672 = arith.index_cast %rem3A_162 : i32 to index
        %get3A_673 = arith.index_cast %add3A_628 : i32 to index
        %get3A_674 = arith.constant 96 : index
        %get3A_675 = tpu.vector_load %arg15[%get3A_672, %get3A_673, %get3A_674] {strides = array<i32>} : memref<2x128x128xbf16, #tpu.memory_space<vmem>>, vector<32xbf16>,
        %add3A_676 = arith.addf %get3A_671, %get3A_675 : vector<32xbf16>
        %mul3A_677 = arith.mulf %add3A_676, %pack3A_626 : vector<32xbf16>
        %swap3A_678 = arith.index_cast %add3A_628 : i32 to index
        %swap3A_679 = arith.constant 96 : index
        %swap3A_680 = tpu.vector_load %arg16[%swap3A_678, %swap3A_679] {strides = array<i32>} : memref<128x128xbf16, #tpu.memory_space<vmem>>, vector<32xbf16>,
        tpu.vector_store %arg16[%swap3A_678, %swap3A_679], %mul3A_677 {strides = array<i32>} : memref<128x128xbf16, #tpu.memory_space<vmem>>, vector<32xbf16>,
        %slice3A_681 = vector.extract_strided_slice %get3A_220 {offsets = [8], sizes = [1], strides = [1]} : vector<16xf32> to vector<1xf32>
        %squeeze3A_682 = vector.extract %slice3A_681[0] : f32 from vector<1xf32>
        %broadcast_in_dim3A_683 = vector.broadcast %squeeze3A_682 : f32 to vector<16xf32>
        %pack3A_684 = tpu.pack_subelements %broadcast_in_dim3A_683, %broadcast_in_dim3A_683 {pack_format = #tpu.pack_format<interleaved>, positions = array<i32: 0, 1>} : vector<16xf32>, vector<16xf32> -> vector<32xbf16>
        %add3A_685 = arith.constant 8 : i32
        %add3A_686 = arith.addi %mul3A_219, %add3A_685 : i32
        %get3A_687 = arith.index_cast %rem3A_162 : i32 to index
        %get3A_688 = arith.index_cast %add3A_686 : i32 to index
        %get3A_689 = arith.constant 0 : index
        %get3A_690 = tpu.vector_load %arg14[%get3A_687, %get3A_688, %get3A_689] {strides = array<i32>} : memref<2x128x128xbf16, #tpu.memory_space<vmem>>, vector<32xbf16>,
        %get3A_691 = arith.index_cast %rem3A_162 : i32 to index
        %get3A_692 = arith.index_cast %add3A_686 : i32 to index
        %get3A_693 = arith.constant 0 : index
        %get3A_694 = tpu.vector_load %arg15[%get3A_691, %get3A_692, %get3A_693] {strides = array<i32>} : memref<2x128x128xbf16, #tpu.memory_space<vmem>>, vector<32xbf16>,
        %add3A_695 = arith.addf %get3A_690, %get3A_694 : vector<32xbf16>
        %mul3A_696 = arith.mulf %add3A_695, %pack3A_684 : vector<32xbf16>
        %swap3A_697 = arith.index_cast %add3A_686 : i32 to index
        %swap3A_698 = arith.constant 0 : index
        %swap3A_699 = tpu.vector_load %arg16[%swap3A_697, %swap3A_698] {strides = array<i32>} : memref<128x128xbf16, #tpu.memory_space<vmem>>, vector<32xbf16>,
        tpu.vector_store %arg16[%swap3A_697, %swap3A_698], %mul3A_696 {strides = array<i32>} : memref<128x128xbf16, #tpu.memory_space<vmem>>, vector<32xbf16>,
        %get3A_700 = arith.index_cast %rem3A_162 : i32 to index
        %get3A_701 = arith.index_cast %add3A_686 : i32 to index
        %get3A_702 = arith.constant 32 : index
        %get3A_703 = tpu.vector_load %arg14[%get3A_700, %get3A_701, %get3A_702] {strides = array<i32>} : memref<2x128x128xbf16, #tpu.memory_space<vmem>>, vector<32xbf16>,
        %get3A_704 = arith.index_cast %rem3A_162 : i32 to index
        %get3A_705 = arith.index_cast %add3A_686 : i32 to index
        %get3A_706 = arith.constant 32 : index
        %get3A_707 = tpu.vector_load %arg15[%get3A_704, %get3A_705, %get3A_706] {strides = array<i32>} : memref<2x128x128xbf16, #tpu.memory_space<vmem>>, vector<32xbf16>,
        %add3A_708 = arith.addf %get3A_703, %get3A_707 : vector<32xbf16>
        %mul3A_709 = arith.mulf %add3A_708, %pack3A_684 : vector<32xbf16>
        %swap3A_710 = arith.index_cast %add3A_686 : i32 to index
        %swap3A_711 = arith.constant 32 : index
        %swap3A_712 = tpu.vector_load %arg16[%swap3A_710, %swap3A_711] {strides = array<i32>} : memref<128x128xbf16, #tpu.memory_space<vmem>>, vector<32xbf16>,
        tpu.vector_store %arg16[%swap3A_710, %swap3A_711], %mul3A_709 {strides = array<i32>} : memref<128x128xbf16, #tpu.memory_space<vmem>>, vector<32xbf16>,
        %get3A_713 = arith.index_cast %rem3A_162 : i32 to index
        %get3A_714 = arith.index_cast %add3A_686 : i32 to index
        %get3A_715 = arith.constant 64 : index
        %get3A_716 = tpu.vector_load %arg14[%get3A_713, %get3A_714, %get3A_715] {strides = array<i32>} : memref<2x128x128xbf16, #tpu.memory_space<vmem>>, vector<32xbf16>,
        %get3A_717 = arith.index_cast %rem3A_162 : i32 to index
        %get3A_718 = arith.index_cast %add3A_686 : i32 to index
        %get3A_719 = arith.constant 64 : index
        %get3A_720 = tpu.vector_load %arg15[%get3A_717, %get3A_718, %get3A_719] {strides = array<i32>} : memref<2x128x128xbf16, #tpu.memory_space<vmem>>, vector<32xbf16>,
        %add3A_721 = arith.addf %get3A_716, %get3A_720 : vector<32xbf16>
        %mul3A_722 = arith.mulf %add3A_721, %pack3A_684 : vector<32xbf16>
        %swap3A_723 = arith.index_cast %add3A_686 : i32 to index
        %swap3A_724 = arith.constant 64 : index
        %swap3A_725 = tpu.vector_load %arg16[%swap3A_723, %swap3A_724] {strides = array<i32>} : memref<128x128xbf16, #tpu.memory_space<vmem>>, vector<32xbf16>,
        tpu.vector_store %arg16[%swap3A_723, %swap3A_724], %mul3A_722 {strides = array<i32>} : memref<128x128xbf16, #tpu.memory_space<vmem>>, vector<32xbf16>,
        %get3A_726 = arith.index_cast %rem3A_162 : i32 to index
        %get3A_727 = arith.index_cast %add3A_686 : i32 to index
        %get3A_728 = arith.constant 96 : index
        %get3A_729 = tpu.vector_load %arg14[%get3A_726, %get3A_727, %get3A_728] {strides = array<i32>} : memref<2x128x128xbf16, #tpu.memory_space<vmem>>, vector<32xbf16>,
        %get3A_730 = arith.index_cast %rem3A_162 : i32 to index
        %get3A_731 = arith.index_cast %add3A_686 : i32 to index
        %get3A_732 = arith.constant 96 : index
        %get3A_733 = tpu.vector_load %arg15[%get3A_730, %get3A_731, %get3A_732] {strides = array<i32>} : memref<2x128x128xbf16, #tpu.memory_space<vmem>>, vector<32xbf16>,
        %add3A_734 = arith.addf %get3A_729, %get3A_733 : vector<32xbf16>
        %mul3A_735 = arith.mulf %add3A_734, %pack3A_684 : vector<32xbf16>
        %swap3A_736 = arith.index_cast %add3A_686 : i32 to index
        %swap3A_737 = arith.constant 96 : index
        %swap3A_738 = tpu.vector_load %arg16[%swap3A_736, %swap3A_737] {strides = array<i32>} : memref<128x128xbf16, #tpu.memory_space<vmem>>, vector<32xbf16>,
        tpu.vector_store %arg16[%swap3A_736, %swap3A_737], %mul3A_735 {strides = array<i32>} : memref<128x128xbf16, #tpu.memory_space<vmem>>, vector<32xbf16>,
        %slice3A_739 = vector.extract_strided_slice %get3A_220 {offsets = [9], sizes = [1], strides = [1]} : vector<16xf32> to vector<1xf32>
        %squeeze3A_740 = vector.extract %slice3A_739[0] : f32 from vector<1xf32>
        %broadcast_in_dim3A_741 = vector.broadcast %squeeze3A_740 : f32 to vector<16xf32>
        %pack3A_742 = tpu.pack_subelements %broadcast_in_dim3A_741, %broadcast_in_dim3A_741 {pack_format = #tpu.pack_format<interleaved>, positions = array<i32: 0, 1>} : vector<16xf32>, vector<16xf32> -> vector<32xbf16>
        %add3A_743 = arith.constant 9 : i32
        %add3A_744 = arith.addi %mul3A_219, %add3A_743 : i32
        %get3A_745 = arith.index_cast %rem3A_162 : i32 to index
        %get3A_746 = arith.index_cast %add3A_744 : i32 to index
        %get3A_747 = arith.constant 0 : index
        %get3A_748 = tpu.vector_load %arg14[%get3A_745, %get3A_746, %get3A_747] {strides = array<i32>} : memref<2x128x128xbf16, #tpu.memory_space<vmem>>, vector<32xbf16>,
        %get3A_749 = arith.index_cast %rem3A_162 : i32 to index
        %get3A_750 = arith.index_cast %add3A_744 : i32 to index
        %get3A_751 = arith.constant 0 : index
        %get3A_752 = tpu.vector_load %arg15[%get3A_749, %get3A_750, %get3A_751] {strides = array<i32>} : memref<2x128x128xbf16, #tpu.memory_space<vmem>>, vector<32xbf16>,
        %add3A_753 = arith.addf %get3A_748, %get3A_752 : vector<32xbf16>
        %mul3A_754 = arith.mulf %add3A_753, %pack3A_742 : vector<32xbf16>
        %swap3A_755 = arith.index_cast %add3A_744 : i32 to index
        %swap3A_756 = arith.constant 0 : index
        %swap3A_757 = tpu.vector_load %arg16[%swap3A_755, %swap3A_756] {strides = array<i32>} : memref<128x128xbf16, #tpu.memory_space<vmem>>, vector<32xbf16>,
        tpu.vector_store %arg16[%swap3A_755, %swap3A_756], %mul3A_754 {strides = array<i32>} : memref<128x128xbf16, #tpu.memory_space<vmem>>, vector<32xbf16>,
        %get3A_758 = arith.index_cast %rem3A_162 : i32 to index
        %get3A_759 = arith.index_cast %add3A_744 : i32 to index
        %get3A_760 = arith.constant 32 : index
        %get3A_761 = tpu.vector_load %arg14[%get3A_758, %get3A_759, %get3A_760] {strides = array<i32>} : memref<2x128x128xbf16, #tpu.memory_space<vmem>>, vector<32xbf16>,
        %get3A_762 = arith.index_cast %rem3A_162 : i32 to index
        %get3A_763 = arith.index_cast %add3A_744 : i32 to index
        %get3A_764 = arith.constant 32 : index
        %get3A_765 = tpu.vector_load %arg15[%get3A_762, %get3A_763, %get3A_764] {strides = array<i32>} : memref<2x128x128xbf16, #tpu.memory_space<vmem>>, vector<32xbf16>,
        %add3A_766 = arith.addf %get3A_761, %get3A_765 : vector<32xbf16>
        %mul3A_767 = arith.mulf %add3A_766, %pack3A_742 : vector<32xbf16>
        %swap3A_768 = arith.index_cast %add3A_744 : i32 to index
        %swap3A_769 = arith.constant 32 : index
        %swap3A_770 = tpu.vector_load %arg16[%swap3A_768, %swap3A_769] {strides = array<i32>} : memref<128x128xbf16, #tpu.memory_space<vmem>>, vector<32xbf16>,
        tpu.vector_store %arg16[%swap3A_768, %swap3A_769], %mul3A_767 {strides = array<i32>} : memref<128x128xbf16, #tpu.memory_space<vmem>>, vector<32xbf16>,
        %get3A_771 = arith.index_cast %rem3A_162 : i32 to index
        %get3A_772 = arith.index_cast %add3A_744 : i32 to index
        %get3A_773 = arith.constant 64 : index
        %get3A_774 = tpu.vector_load %arg14[%get3A_771, %get3A_772, %get3A_773] {strides = array<i32>} : memref<2x128x128xbf16, #tpu.memory_space<vmem>>, vector<32xbf16>,
        %get3A_775 = arith.index_cast %rem3A_162 : i32 to index
        %get3A_776 = arith.index_cast %add3A_744 : i32 to index
        %get3A_777 = arith.constant 64 : index
        %get3A_778 = tpu.vector_load %arg15[%get3A_775, %get3A_776, %get3A_777] {strides = array<i32>} : memref<2x128x128xbf16, #tpu.memory_space<vmem>>, vector<32xbf16>,
        %add3A_779 = arith.addf %get3A_774, %get3A_778 : vector<32xbf16>
        %mul3A_780 = arith.mulf %add3A_779, %pack3A_742 : vector<32xbf16>
        %swap3A_781 = arith.index_cast %add3A_744 : i32 to index
        %swap3A_782 = arith.constant 64 : index
        %swap3A_783 = tpu.vector_load %arg16[%swap3A_781, %swap3A_782] {strides = array<i32>} : memref<128x128xbf16, #tpu.memory_space<vmem>>, vector<32xbf16>,
        tpu.vector_store %arg16[%swap3A_781, %swap3A_782], %mul3A_780 {strides = array<i32>} : memref<128x128xbf16, #tpu.memory_space<vmem>>, vector<32xbf16>,
        %get3A_784 = arith.index_cast %rem3A_162 : i32 to index
        %get3A_785 = arith.index_cast %add3A_744 : i32 to index
        %get3A_786 = arith.constant 96 : index
        %get3A_787 = tpu.vector_load %arg14[%get3A_784, %get3A_785, %get3A_786] {strides = array<i32>} : memref<2x128x128xbf16, #tpu.memory_space<vmem>>, vector<32xbf16>,
        %get3A_788 = arith.index_cast %rem3A_162 : i32 to index
        %get3A_789 = arith.index_cast %add3A_744 : i32 to index
        %get3A_790 = arith.constant 96 : index
        %get3A_791 = tpu.vector_load %arg15[%get3A_788, %get3A_789, %get3A_790] {strides = array<i32>} : memref<2x128x128xbf16, #tpu.memory_space<vmem>>, vector<32xbf16>,
        %add3A_792 = arith.addf %get3A_787, %get3A_791 : vector<32xbf16>
        %mul3A_793 = arith.mulf %add3A_792, %pack3A_742 : vector<32xbf16>
        %swap3A_794 = arith.index_cast %add3A_744 : i32 to index
        %swap3A_795 = arith.constant 96 : index
        %swap3A_796 = tpu.vector_load %arg16[%swap3A_794, %swap3A_795] {strides = array<i32>} : memref<128x128xbf16, #tpu.memory_space<vmem>>, vector<32xbf16>,
        tpu.vector_store %arg16[%swap3A_794, %swap3A_795], %mul3A_793 {strides = array<i32>} : memref<128x128xbf16, #tpu.memory_space<vmem>>, vector<32xbf16>,
        %slice3A_797 = vector.extract_strided_slice %get3A_220 {offsets = [10], sizes = [1], strides = [1]} : vector<16xf32> to vector<1xf32>
        %squeeze3A_798 = vector.extract %slice3A_797[0] : f32 from vector<1xf32>
        %broadcast_in_dim3A_799 = vector.broadcast %squeeze3A_798 : f32 to vector<16xf32>
        %pack3A_800 = tpu.pack_subelements %broadcast_in_dim3A_799, %broadcast_in_dim3A_799 {pack_format = #tpu.pack_format<interleaved>, positions = array<i32: 0, 1>} : vector<16xf32>, vector<16xf32> -> vector<32xbf16>
        %add3A_801 = arith.constant 10 : i32
        %add3A_802 = arith.addi %mul3A_219, %add3A_801 : i32
        %get3A_803 = arith.index_cast %rem3A_162 : i32 to index
        %get3A_804 = arith.index_cast %add3A_802 : i32 to index
        %get3A_805 = arith.constant 0 : index
        %get3A_806 = tpu.vector_load %arg14[%get3A_803, %get3A_804, %get3A_805] {strides = array<i32>} : memref<2x128x128xbf16, #tpu.memory_space<vmem>>, vector<32xbf16>,
        %get3A_807 = arith.index_cast %rem3A_162 : i32 to index
        %get3A_808 = arith.index_cast %add3A_802 : i32 to index
        %get3A_809 = arith.constant 0 : index
        %get3A_810 = tpu.vector_load %arg15[%get3A_807, %get3A_808, %get3A_809] {strides = array<i32>} : memref<2x128x128xbf16, #tpu.memory_space<vmem>>, vector<32xbf16>,
        %add3A_811 = arith.addf %get3A_806, %get3A_810 : vector<32xbf16>
        %mul3A_812 = arith.mulf %add3A_811, %pack3A_800 : vector<32xbf16>
        %swap3A_813 = arith.index_cast %add3A_802 : i32 to index
        %swap3A_814 = arith.constant 0 : index
        %swap3A_815 = tpu.vector_load %arg16[%swap3A_813, %swap3A_814] {strides = array<i32>} : memref<128x128xbf16, #tpu.memory_space<vmem>>, vector<32xbf16>,
        tpu.vector_store %arg16[%swap3A_813, %swap3A_814], %mul3A_812 {strides = array<i32>} : memref<128x128xbf16, #tpu.memory_space<vmem>>, vector<32xbf16>,
        %get3A_816 = arith.index_cast %rem3A_162 : i32 to index
        %get3A_817 = arith.index_cast %add3A_802 : i32 to index
        %get3A_818 = arith.constant 32 : index
        %get3A_819 = tpu.vector_load %arg14[%get3A_816, %get3A_817, %get3A_818] {strides = array<i32>} : memref<2x128x128xbf16, #tpu.memory_space<vmem>>, vector<32xbf16>,
        %get3A_820 = arith.index_cast %rem3A_162 : i32 to index
        %get3A_821 = arith.index_cast %add3A_802 : i32 to index
        %get3A_822 = arith.constant 32 : index
        %get3A_823 = tpu.vector_load %arg15[%get3A_820, %get3A_821, %get3A_822] {strides = array<i32>} : memref<2x128x128xbf16, #tpu.memory_space<vmem>>, vector<32xbf16>,
        %add3A_824 = arith.addf %get3A_819, %get3A_823 : vector<32xbf16>
        %mul3A_825 = arith.mulf %add3A_824, %pack3A_800 : vector<32xbf16>
        %swap3A_826 = arith.index_cast %add3A_802 : i32 to index
        %swap3A_827 = arith.constant 32 : index
        %swap3A_828 = tpu.vector_load %arg16[%swap3A_826, %swap3A_827] {strides = array<i32>} : memref<128x128xbf16, #tpu.memory_space<vmem>>, vector<32xbf16>,
        tpu.vector_store %arg16[%swap3A_826, %swap3A_827], %mul3A_825 {strides = array<i32>} : memref<128x128xbf16, #tpu.memory_space<vmem>>, vector<32xbf16>,
        %get3A_829 = arith.index_cast %rem3A_162 : i32 to index
        %get3A_830 = arith.index_cast %add3A_802 : i32 to index
        %get3A_831 = arith.constant 64 : index
        %get3A_832 = tpu.vector_load %arg14[%get3A_829, %get3A_830, %get3A_831] {strides = array<i32>} : memref<2x128x128xbf16, #tpu.memory_space<vmem>>, vector<32xbf16>,
        %get3A_833 = arith.index_cast %rem3A_162 : i32 to index
        %get3A_834 = arith.index_cast %add3A_802 : i32 to index
        %get3A_835 = arith.constant 64 : index
        %get3A_836 = tpu.vector_load %arg15[%get3A_833, %get3A_834, %get3A_835] {strides = array<i32>} : memref<2x128x128xbf16, #tpu.memory_space<vmem>>, vector<32xbf16>,
        %add3A_837 = arith.addf %get3A_832, %get3A_836 : vector<32xbf16>
        %mul3A_838 = arith.mulf %add3A_837, %pack3A_800 : vector<32xbf16>
        %swap3A_839 = arith.index_cast %add3A_802 : i32 to index
        %swap3A_840 = arith.constant 64 : index
        %swap3A_841 = tpu.vector_load %arg16[%swap3A_839, %swap3A_840] {strides = array<i32>} : memref<128x128xbf16, #tpu.memory_space<vmem>>, vector<32xbf16>,
        tpu.vector_store %arg16[%swap3A_839, %swap3A_840], %mul3A_838 {strides = array<i32>} : memref<128x128xbf16, #tpu.memory_space<vmem>>, vector<32xbf16>,
        %get3A_842 = arith.index_cast %rem3A_162 : i32 to index
        %get3A_843 = arith.index_cast %add3A_802 : i32 to index
        %get3A_844 = arith.constant 96 : index
        %get3A_845 = tpu.vector_load %arg14[%get3A_842, %get3A_843, %get3A_844] {strides = array<i32>} : memref<2x128x128xbf16, #tpu.memory_space<vmem>>, vector<32xbf16>,
        %get3A_846 = arith.index_cast %rem3A_162 : i32 to index
        %get3A_847 = arith.index_cast %add3A_802 : i32 to index
        %get3A_848 = arith.constant 96 : index
        %get3A_849 = tpu.vector_load %arg15[%get3A_846, %get3A_847, %get3A_848] {strides = array<i32>} : memref<2x128x128xbf16, #tpu.memory_space<vmem>>, vector<32xbf16>,
        %add3A_850 = arith.addf %get3A_845, %get3A_849 : vector<32xbf16>
        %mul3A_851 = arith.mulf %add3A_850, %pack3A_800 : vector<32xbf16>
        %swap3A_852 = arith.index_cast %add3A_802 : i32 to index
        %swap3A_853 = arith.constant 96 : index
        %swap3A_854 = tpu.vector_load %arg16[%swap3A_852, %swap3A_853] {strides = array<i32>} : memref<128x128xbf16, #tpu.memory_space<vmem>>, vector<32xbf16>,
        tpu.vector_store %arg16[%swap3A_852, %swap3A_853], %mul3A_851 {strides = array<i32>} : memref<128x128xbf16, #tpu.memory_space<vmem>>, vector<32xbf16>,
        %slice3A_855 = vector.extract_strided_slice %get3A_220 {offsets = [11], sizes = [1], strides = [1]} : vector<16xf32> to vector<1xf32>
        %squeeze3A_856 = vector.extract %slice3A_855[0] : f32 from vector<1xf32>
        %broadcast_in_dim3A_857 = vector.broadcast %squeeze3A_856 : f32 to vector<16xf32>
        %pack3A_858 = tpu.pack_subelements %broadcast_in_dim3A_857, %broadcast_in_dim3A_857 {pack_format = #tpu.pack_format<interleaved>, positions = array<i32: 0, 1>} : vector<16xf32>, vector<16xf32> -> vector<32xbf16>
        %add3A_859 = arith.constant 11 : i32
        %add3A_860 = arith.addi %mul3A_219, %add3A_859 : i32
        %get3A_861 = arith.index_cast %rem3A_162 : i32 to index
        %get3A_862 = arith.index_cast %add3A_860 : i32 to index
        %get3A_863 = arith.constant 0 : index
        %get3A_864 = tpu.vector_load %arg14[%get3A_861, %get3A_862, %get3A_863] {strides = array<i32>} : memref<2x128x128xbf16, #tpu.memory_space<vmem>>, vector<32xbf16>,
        %get3A_865 = arith.index_cast %rem3A_162 : i32 to index
        %get3A_866 = arith.index_cast %add3A_860 : i32 to index
        %get3A_867 = arith.constant 0 : index
        %get3A_868 = tpu.vector_load %arg15[%get3A_865, %get3A_866, %get3A_867] {strides = array<i32>} : memref<2x128x128xbf16, #tpu.memory_space<vmem>>, vector<32xbf16>,
        %add3A_869 = arith.addf %get3A_864, %get3A_868 : vector<32xbf16>
        %mul3A_870 = arith.mulf %add3A_869, %pack3A_858 : vector<32xbf16>
        %swap3A_871 = arith.index_cast %add3A_860 : i32 to index
        %swap3A_872 = arith.constant 0 : index
        %swap3A_873 = tpu.vector_load %arg16[%swap3A_871, %swap3A_872] {strides = array<i32>} : memref<128x128xbf16, #tpu.memory_space<vmem>>, vector<32xbf16>,
        tpu.vector_store %arg16[%swap3A_871, %swap3A_872], %mul3A_870 {strides = array<i32>} : memref<128x128xbf16, #tpu.memory_space<vmem>>, vector<32xbf16>,
        %get3A_874 = arith.index_cast %rem3A_162 : i32 to index
        %get3A_875 = arith.index_cast %add3A_860 : i32 to index
        %get3A_876 = arith.constant 32 : index
        %get3A_877 = tpu.vector_load %arg14[%get3A_874, %get3A_875, %get3A_876] {strides = array<i32>} : memref<2x128x128xbf16, #tpu.memory_space<vmem>>, vector<32xbf16>,
        %get3A_878 = arith.index_cast %rem3A_162 : i32 to index
        %get3A_879 = arith.index_cast %add3A_860 : i32 to index
        %get3A_880 = arith.constant 32 : index
        %get3A_881 = tpu.vector_load %arg15[%get3A_878, %get3A_879, %get3A_880] {strides = array<i32>} : memref<2x128x128xbf16, #tpu.memory_space<vmem>>, vector<32xbf16>,
        %add3A_882 = arith.addf %get3A_877, %get3A_881 : vector<32xbf16>
        %mul3A_883 = arith.mulf %add3A_882, %pack3A_858 : vector<32xbf16>
        %swap3A_884 = arith.index_cast %add3A_860 : i32 to index
        %swap3A_885 = arith.constant 32 : index
        %swap3A_886 = tpu.vector_load %arg16[%swap3A_884, %swap3A_885] {strides = array<i32>} : memref<128x128xbf16, #tpu.memory_space<vmem>>, vector<32xbf16>,
        tpu.vector_store %arg16[%swap3A_884, %swap3A_885], %mul3A_883 {strides = array<i32>} : memref<128x128xbf16, #tpu.memory_space<vmem>>, vector<32xbf16>,
        %get3A_887 = arith.index_cast %rem3A_162 : i32 to index
        %get3A_888 = arith.index_cast %add3A_860 : i32 to index
        %get3A_889 = arith.constant 64 : index
        %get3A_890 = tpu.vector_load %arg14[%get3A_887, %get3A_888, %get3A_889] {strides = array<i32>} : memref<2x128x128xbf16, #tpu.memory_space<vmem>>, vector<32xbf16>,
        %get3A_891 = arith.index_cast %rem3A_162 : i32 to index
        %get3A_892 = arith.index_cast %add3A_860 : i32 to index
        %get3A_893 = arith.constant 64 : index
        %get3A_894 = tpu.vector_load %arg15[%get3A_891, %get3A_892, %get3A_893] {strides = array<i32>} : memref<2x128x128xbf16, #tpu.memory_space<vmem>>, vector<32xbf16>,
        %add3A_895 = arith.addf %get3A_890, %get3A_894 : vector<32xbf16>
        %mul3A_896 = arith.mulf %add3A_895, %pack3A_858 : vector<32xbf16>
        %swap3A_897 = arith.index_cast %add3A_860 : i32 to index
        %swap3A_898 = arith.constant 64 : index
        %swap3A_899 = tpu.vector_load %arg16[%swap3A_897, %swap3A_898] {strides = array<i32>} : memref<128x128xbf16, #tpu.memory_space<vmem>>, vector<32xbf16>,
        tpu.vector_store %arg16[%swap3A_897, %swap3A_898], %mul3A_896 {strides = array<i32>} : memref<128x128xbf16, #tpu.memory_space<vmem>>, vector<32xbf16>,
        %get3A_900 = arith.index_cast %rem3A_162 : i32 to index
        %get3A_901 = arith.index_cast %add3A_860 : i32 to index
        %get3A_902 = arith.constant 96 : index
        %get3A_903 = tpu.vector_load %arg14[%get3A_900, %get3A_901, %get3A_902] {strides = array<i32>} : memref<2x128x128xbf16, #tpu.memory_space<vmem>>, vector<32xbf16>,
        %get3A_904 = arith.index_cast %rem3A_162 : i32 to index
        %get3A_905 = arith.index_cast %add3A_860 : i32 to index
        %get3A_906 = arith.constant 96 : index
        %get3A_907 = tpu.vector_load %arg15[%get3A_904, %get3A_905, %get3A_906] {strides = array<i32>} : memref<2x128x128xbf16, #tpu.memory_space<vmem>>, vector<32xbf16>,
        %add3A_908 = arith.addf %get3A_903, %get3A_907 : vector<32xbf16>
        %mul3A_909 = arith.mulf %add3A_908, %pack3A_858 : vector<32xbf16>
        %swap3A_910 = arith.index_cast %add3A_860 : i32 to index
        %swap3A_911 = arith.constant 96 : index
        %swap3A_912 = tpu.vector_load %arg16[%swap3A_910, %swap3A_911] {strides = array<i32>} : memref<128x128xbf16, #tpu.memory_space<vmem>>, vector<32xbf16>,
        tpu.vector_store %arg16[%swap3A_910, %swap3A_911], %mul3A_909 {strides = array<i32>} : memref<128x128xbf16, #tpu.memory_space<vmem>>, vector<32xbf16>,
        %slice3A_913 = vector.extract_strided_slice %get3A_220 {offsets = [12], sizes = [1], strides = [1]} : vector<16xf32> to vector<1xf32>
        %squeeze3A_914 = vector.extract %slice3A_913[0] : f32 from vector<1xf32>
        %broadcast_in_dim3A_915 = vector.broadcast %squeeze3A_914 : f32 to vector<16xf32>
        %pack3A_916 = tpu.pack_subelements %broadcast_in_dim3A_915, %broadcast_in_dim3A_915 {pack_format = #tpu.pack_format<interleaved>, positions = array<i32: 0, 1>} : vector<16xf32>, vector<16xf32> -> vector<32xbf16>
        %add3A_917 = arith.constant 12 : i32
        %add3A_918 = arith.addi %mul3A_219, %add3A_917 : i32
        %get3A_919 = arith.index_cast %rem3A_162 : i32 to index
        %get3A_920 = arith.index_cast %add3A_918 : i32 to index
        %get3A_921 = arith.constant 0 : index
        %get3A_922 = tpu.vector_load %arg14[%get3A_919, %get3A_920, %get3A_921] {strides = array<i32>} : memref<2x128x128xbf16, #tpu.memory_space<vmem>>, vector<32xbf16>,
        %get3A_923 = arith.index_cast %rem3A_162 : i32 to index
        %get3A_924 = arith.index_cast %add3A_918 : i32 to index
        %get3A_925 = arith.constant 0 : index
        %get3A_926 = tpu.vector_load %arg15[%get3A_923, %get3A_924, %get3A_925] {strides = array<i32>} : memref<2x128x128xbf16, #tpu.memory_space<vmem>>, vector<32xbf16>,
        %add3A_927 = arith.addf %get3A_922, %get3A_926 : vector<32xbf16>
        %mul3A_928 = arith.mulf %add3A_927, %pack3A_916 : vector<32xbf16>
        %swap3A_929 = arith.index_cast %add3A_918 : i32 to index
        %swap3A_930 = arith.constant 0 : index
        %swap3A_931 = tpu.vector_load %arg16[%swap3A_929, %swap3A_930] {strides = array<i32>} : memref<128x128xbf16, #tpu.memory_space<vmem>>, vector<32xbf16>,
        tpu.vector_store %arg16[%swap3A_929, %swap3A_930], %mul3A_928 {strides = array<i32>} : memref<128x128xbf16, #tpu.memory_space<vmem>>, vector<32xbf16>,
        %get3A_932 = arith.index_cast %rem3A_162 : i32 to index
        %get3A_933 = arith.index_cast %add3A_918 : i32 to index
        %get3A_934 = arith.constant 32 : index
        %get3A_935 = tpu.vector_load %arg14[%get3A_932, %get3A_933, %get3A_934] {strides = array<i32>} : memref<2x128x128xbf16, #tpu.memory_space<vmem>>, vector<32xbf16>,
        %get3A_936 = arith.index_cast %rem3A_162 : i32 to index
        %get3A_937 = arith.index_cast %add3A_918 : i32 to index
        %get3A_938 = arith.constant 32 : index
        %get3A_939 = tpu.vector_load %arg15[%get3A_936, %get3A_937, %get3A_938] {strides = array<i32>} : memref<2x128x128xbf16, #tpu.memory_space<vmem>>, vector<32xbf16>,
        %add3A_940 = arith.addf %get3A_935, %get3A_939 : vector<32xbf16>
        %mul3A_941 = arith.mulf %add3A_940, %pack3A_916 : vector<32xbf16>
        %swap3A_942 = arith.index_cast %add3A_918 : i32 to index
        %swap3A_943 = arith.constant 32 : index
        %swap3A_944 = tpu.vector_load %arg16[%swap3A_942, %swap3A_943] {strides = array<i32>} : memref<128x128xbf16, #tpu.memory_space<vmem>>, vector<32xbf16>,
        tpu.vector_store %arg16[%swap3A_942, %swap3A_943], %mul3A_941 {strides = array<i32>} : memref<128x128xbf16, #tpu.memory_space<vmem>>, vector<32xbf16>,
        %get3A_945 = arith.index_cast %rem3A_162 : i32 to index
        %get3A_946 = arith.index_cast %add3A_918 : i32 to index
        %get3A_947 = arith.constant 64 : index
        %get3A_948 = tpu.vector_load %arg14[%get3A_945, %get3A_946, %get3A_947] {strides = array<i32>} : memref<2x128x128xbf16, #tpu.memory_space<vmem>>, vector<32xbf16>,
        %get3A_949 = arith.index_cast %rem3A_162 : i32 to index
        %get3A_950 = arith.index_cast %add3A_918 : i32 to index
        %get3A_951 = arith.constant 64 : index
        %get3A_952 = tpu.vector_load %arg15[%get3A_949, %get3A_950, %get3A_951] {strides = array<i32>} : memref<2x128x128xbf16, #tpu.memory_space<vmem>>, vector<32xbf16>,
        %add3A_953 = arith.addf %get3A_948, %get3A_952 : vector<32xbf16>
        %mul3A_954 = arith.mulf %add3A_953, %pack3A_916 : vector<32xbf16>
        %swap3A_955 = arith.index_cast %add3A_918 : i32 to index
        %swap3A_956 = arith.constant 64 : index
        %swap3A_957 = tpu.vector_load %arg16[%swap3A_955, %swap3A_956] {strides = array<i32>} : memref<128x128xbf16, #tpu.memory_space<vmem>>, vector<32xbf16>,
        tpu.vector_store %arg16[%swap3A_955, %swap3A_956], %mul3A_954 {strides = array<i32>} : memref<128x128xbf16, #tpu.memory_space<vmem>>, vector<32xbf16>,
        %get3A_958 = arith.index_cast %rem3A_162 : i32 to index
        %get3A_959 = arith.index_cast %add3A_918 : i32 to index
        %get3A_960 = arith.constant 96 : index
        %get3A_961 = tpu.vector_load %arg14[%get3A_958, %get3A_959, %get3A_960] {strides = array<i32>} : memref<2x128x128xbf16, #tpu.memory_space<vmem>>, vector<32xbf16>,
        %get3A_962 = arith.index_cast %rem3A_162 : i32 to index
        %get3A_963 = arith.index_cast %add3A_918 : i32 to index
        %get3A_964 = arith.constant 96 : index
        %get3A_965 = tpu.vector_load %arg15[%get3A_962, %get3A_963, %get3A_964] {strides = array<i32>} : memref<2x128x128xbf16, #tpu.memory_space<vmem>>, vector<32xbf16>,
        %add3A_966 = arith.addf %get3A_961, %get3A_965 : vector<32xbf16>
        %mul3A_967 = arith.mulf %add3A_966, %pack3A_916 : vector<32xbf16>
        %swap3A_968 = arith.index_cast %add3A_918 : i32 to index
        %swap3A_969 = arith.constant 96 : index
        %swap3A_970 = tpu.vector_load %arg16[%swap3A_968, %swap3A_969] {strides = array<i32>} : memref<128x128xbf16, #tpu.memory_space<vmem>>, vector<32xbf16>,
        tpu.vector_store %arg16[%swap3A_968, %swap3A_969], %mul3A_967 {strides = array<i32>} : memref<128x128xbf16, #tpu.memory_space<vmem>>, vector<32xbf16>,
        %slice3A_971 = vector.extract_strided_slice %get3A_220 {offsets = [13], sizes = [1], strides = [1]} : vector<16xf32> to vector<1xf32>
        %squeeze3A_972 = vector.extract %slice3A_971[0] : f32 from vector<1xf32>
        %broadcast_in_dim3A_973 = vector.broadcast %squeeze3A_972 : f32 to vector<16xf32>
        %pack3A_974 = tpu.pack_subelements %broadcast_in_dim3A_973, %broadcast_in_dim3A_973 {pack_format = #tpu.pack_format<interleaved>, positions = array<i32: 0, 1>} : vector<16xf32>, vector<16xf32> -> vector<32xbf16>
        %add3A_975 = arith.constant 13 : i32
        %add3A_976 = arith.addi %mul3A_219, %add3A_975 : i32
        %get3A_977 = arith.index_cast %rem3A_162 : i32 to index
        %get3A_978 = arith.index_cast %add3A_976 : i32 to index
        %get3A_979 = arith.constant 0 : index
        %get3A_980 = tpu.vector_load %arg14[%get3A_977, %get3A_978, %get3A_979] {strides = array<i32>} : memref<2x128x128xbf16, #tpu.memory_space<vmem>>, vector<32xbf16>,
        %get3A_981 = arith.index_cast %rem3A_162 : i32 to index
        %get3A_982 = arith.index_cast %add3A_976 : i32 to index
        %get3A_983 = arith.constant 0 : index
        %get3A_984 = tpu.vector_load %arg15[%get3A_981, %get3A_982, %get3A_983] {strides = array<i32>} : memref<2x128x128xbf16, #tpu.memory_space<vmem>>, vector<32xbf16>,
        %add3A_985 = arith.addf %get3A_980, %get3A_984 : vector<32xbf16>
        %mul3A_986 = arith.mulf %add3A_985, %pack3A_974 : vector<32xbf16>
        %swap3A_987 = arith.index_cast %add3A_976 : i32 to index
        %swap3A_988 = arith.constant 0 : index
        %swap3A_989 = tpu.vector_load %arg16[%swap3A_987, %swap3A_988] {strides = array<i32>} : memref<128x128xbf16, #tpu.memory_space<vmem>>, vector<32xbf16>,
        tpu.vector_store %arg16[%swap3A_987, %swap3A_988], %mul3A_986 {strides = array<i32>} : memref<128x128xbf16, #tpu.memory_space<vmem>>, vector<32xbf16>,
        %get3A_990 = arith.index_cast %rem3A_162 : i32 to index
        %get3A_991 = arith.index_cast %add3A_976 : i32 to index
        %get3A_992 = arith.constant 32 : index
        %get3A_993 = tpu.vector_load %arg14[%get3A_990, %get3A_991, %get3A_992] {strides = array<i32>} : memref<2x128x128xbf16, #tpu.memory_space<vmem>>, vector<32xbf16>,
        %get3A_994 = arith.index_cast %rem3A_162 : i32 to index
        %get3A_995 = arith.index_cast %add3A_976 : i32 to index
        %get3A_996 = arith.constant 32 : index
        %get3A_997 = tpu.vector_load %arg15[%get3A_994, %get3A_995, %get3A_996] {strides = array<i32>} : memref<2x128x128xbf16, #tpu.memory_space<vmem>>, vector<32xbf16>,
        %add3A_998 = arith.addf %get3A_993, %get3A_997 : vector<32xbf16>
        %mul3A_999 = arith.mulf %add3A_998, %pack3A_974 : vector<32xbf16>
        %swap3A_1000 = arith.index_cast %add3A_976 : i32 to index
        %swap3A_1001 = arith.constant 32 : index
        %swap3A_1002 = tpu.vector_load %arg16[%swap3A_1000, %swap3A_1001] {strides = array<i32>} : memref<128x128xbf16, #tpu.memory_space<vmem>>, vector<32xbf16>,
        tpu.vector_store %arg16[%swap3A_1000, %swap3A_1001], %mul3A_999 {strides = array<i32>} : memref<128x128xbf16, #tpu.memory_space<vmem>>, vector<32xbf16>,
        %get3A_1003 = arith.index_cast %rem3A_162 : i32 to index
        %get3A_1004 = arith.index_cast %add3A_976 : i32 to index
        %get3A_1005 = arith.constant 64 : index
        %get3A_1006 = tpu.vector_load %arg14[%get3A_1003, %get3A_1004, %get3A_1005] {strides = array<i32>} : memref<2x128x128xbf16, #tpu.memory_space<vmem>>, vector<32xbf16>,
        %get3A_1007 = arith.index_cast %rem3A_162 : i32 to index
        %get3A_1008 = arith.index_cast %add3A_976 : i32 to index
        %get3A_1009 = arith.constant 64 : index
        %get3A_1010 = tpu.vector_load %arg15[%get3A_1007, %get3A_1008, %get3A_1009] {strides = array<i32>} : memref<2x128x128xbf16, #tpu.memory_space<vmem>>, vector<32xbf16>,
        %add3A_1011 = arith.addf %get3A_1006, %get3A_1010 : vector<32xbf16>
        %mul3A_1012 = arith.mulf %add3A_1011, %pack3A_974 : vector<32xbf16>
        %swap3A_1013 = arith.index_cast %add3A_976 : i32 to index
        %swap3A_1014 = arith.constant 64 : index
        %swap3A_1015 = tpu.vector_load %arg16[%swap3A_1013, %swap3A_1014] {strides = array<i32>} : memref<128x128xbf16, #tpu.memory_space<vmem>>, vector<32xbf16>,
        tpu.vector_store %arg16[%swap3A_1013, %swap3A_1014], %mul3A_1012 {strides = array<i32>} : memref<128x128xbf16, #tpu.memory_space<vmem>>, vector<32xbf16>,
        %get3A_1016 = arith.index_cast %rem3A_162 : i32 to index
        %get3A_1017 = arith.index_cast %add3A_976 : i32 to index
        %get3A_1018 = arith.constant 96 : index
        %get3A_1019 = tpu.vector_load %arg14[%get3A_1016, %get3A_1017, %get3A_1018] {strides = array<i32>} : memref<2x128x128xbf16, #tpu.memory_space<vmem>>, vector<32xbf16>,
        %get3A_1020 = arith.index_cast %rem3A_162 : i32 to index
        %get3A_1021 = arith.index_cast %add3A_976 : i32 to index
        %get3A_1022 = arith.constant 96 : index
        %get3A_1023 = tpu.vector_load %arg15[%get3A_1020, %get3A_1021, %get3A_1022] {strides = array<i32>} : memref<2x128x128xbf16, #tpu.memory_space<vmem>>, vector<32xbf16>,
        %add3A_1024 = arith.addf %get3A_1019, %get3A_1023 : vector<32xbf16>
        %mul3A_1025 = arith.mulf %add3A_1024, %pack3A_974 : vector<32xbf16>
        %swap3A_1026 = arith.index_cast %add3A_976 : i32 to index
        %swap3A_1027 = arith.constant 96 : index
        %swap3A_1028 = tpu.vector_load %arg16[%swap3A_1026, %swap3A_1027] {strides = array<i32>} : memref<128x128xbf16, #tpu.memory_space<vmem>>, vector<32xbf16>,
        tpu.vector_store %arg16[%swap3A_1026, %swap3A_1027], %mul3A_1025 {strides = array<i32>} : memref<128x128xbf16, #tpu.memory_space<vmem>>, vector<32xbf16>,
        %slice3A_1029 = vector.extract_strided_slice %get3A_220 {offsets = [14], sizes = [1], strides = [1]} : vector<16xf32> to vector<1xf32>
        %squeeze3A_1030 = vector.extract %slice3A_1029[0] : f32 from vector<1xf32>
        %broadcast_in_dim3A_1031 = vector.broadcast %squeeze3A_1030 : f32 to vector<16xf32>
        %pack3A_1032 = tpu.pack_subelements %broadcast_in_dim3A_1031, %broadcast_in_dim3A_1031 {pack_format = #tpu.pack_format<interleaved>, positions = array<i32: 0, 1>} : vector<16xf32>, vector<16xf32> -> vector<32xbf16>
        %add3A_1033 = arith.constant 14 : i32
        %add3A_1034 = arith.addi %mul3A_219, %add3A_1033 : i32
        %get3A_1035 = arith.index_cast %rem3A_162 : i32 to index
        %get3A_1036 = arith.index_cast %add3A_1034 : i32 to index
        %get3A_1037 = arith.constant 0 : index
        %get3A_1038 = tpu.vector_load %arg14[%get3A_1035, %get3A_1036, %get3A_1037] {strides = array<i32>} : memref<2x128x128xbf16, #tpu.memory_space<vmem>>, vector<32xbf16>,
        %get3A_1039 = arith.index_cast %rem3A_162 : i32 to index
        %get3A_1040 = arith.index_cast %add3A_1034 : i32 to index
        %get3A_1041 = arith.constant 0 : index
        %get3A_1042 = tpu.vector_load %arg15[%get3A_1039, %get3A_1040, %get3A_1041] {strides = array<i32>} : memref<2x128x128xbf16, #tpu.memory_space<vmem>>, vector<32xbf16>,
        %add3A_1043 = arith.addf %get3A_1038, %get3A_1042 : vector<32xbf16>
        %mul3A_1044 = arith.mulf %add3A_1043, %pack3A_1032 : vector<32xbf16>
        %swap3A_1045 = arith.index_cast %add3A_1034 : i32 to index
        %swap3A_1046 = arith.constant 0 : index
        %swap3A_1047 = tpu.vector_load %arg16[%swap3A_1045, %swap3A_1046] {strides = array<i32>} : memref<128x128xbf16, #tpu.memory_space<vmem>>, vector<32xbf16>,
        tpu.vector_store %arg16[%swap3A_1045, %swap3A_1046], %mul3A_1044 {strides = array<i32>} : memref<128x128xbf16, #tpu.memory_space<vmem>>, vector<32xbf16>,
        %get3A_1048 = arith.index_cast %rem3A_162 : i32 to index
        %get3A_1049 = arith.index_cast %add3A_1034 : i32 to index
        %get3A_1050 = arith.constant 32 : index
        %get3A_1051 = tpu.vector_load %arg14[%get3A_1048, %get3A_1049, %get3A_1050] {strides = array<i32>} : memref<2x128x128xbf16, #tpu.memory_space<vmem>>, vector<32xbf16>,
        %get3A_1052 = arith.index_cast %rem3A_162 : i32 to index
        %get3A_1053 = arith.index_cast %add3A_1034 : i32 to index
        %get3A_1054 = arith.constant 32 : index
        %get3A_1055 = tpu.vector_load %arg15[%get3A_1052, %get3A_1053, %get3A_1054] {strides = array<i32>} : memref<2x128x128xbf16, #tpu.memory_space<vmem>>, vector<32xbf16>,
        %add3A_1056 = arith.addf %get3A_1051, %get3A_1055 : vector<32xbf16>
        %mul3A_1057 = arith.mulf %add3A_1056, %pack3A_1032 : vector<32xbf16>
        %swap3A_1058 = arith.index_cast %add3A_1034 : i32 to index
        %swap3A_1059 = arith.constant 32 : index
        %swap3A_1060 = tpu.vector_load %arg16[%swap3A_1058, %swap3A_1059] {strides = array<i32>} : memref<128x128xbf16, #tpu.memory_space<vmem>>, vector<32xbf16>,
        tpu.vector_store %arg16[%swap3A_1058, %swap3A_1059], %mul3A_1057 {strides = array<i32>} : memref<128x128xbf16, #tpu.memory_space<vmem>>, vector<32xbf16>,
        %get3A_1061 = arith.index_cast %rem3A_162 : i32 to index
        %get3A_1062 = arith.index_cast %add3A_1034 : i32 to index
        %get3A_1063 = arith.constant 64 : index
        %get3A_1064 = tpu.vector_load %arg14[%get3A_1061, %get3A_1062, %get3A_1063] {strides = array<i32>} : memref<2x128x128xbf16, #tpu.memory_space<vmem>>, vector<32xbf16>,
        %get3A_1065 = arith.index_cast %rem3A_162 : i32 to index
        %get3A_1066 = arith.index_cast %add3A_1034 : i32 to index
        %get3A_1067 = arith.constant 64 : index
        %get3A_1068 = tpu.vector_load %arg15[%get3A_1065, %get3A_1066, %get3A_1067] {strides = array<i32>} : memref<2x128x128xbf16, #tpu.memory_space<vmem>>, vector<32xbf16>,
        %add3A_1069 = arith.addf %get3A_1064, %get3A_1068 : vector<32xbf16>
        %mul3A_1070 = arith.mulf %add3A_1069, %pack3A_1032 : vector<32xbf16>
        %swap3A_1071 = arith.index_cast %add3A_1034 : i32 to index
        %swap3A_1072 = arith.constant 64 : index
        %swap3A_1073 = tpu.vector_load %arg16[%swap3A_1071, %swap3A_1072] {strides = array<i32>} : memref<128x128xbf16, #tpu.memory_space<vmem>>, vector<32xbf16>,
        tpu.vector_store %arg16[%swap3A_1071, %swap3A_1072], %mul3A_1070 {strides = array<i32>} : memref<128x128xbf16, #tpu.memory_space<vmem>>, vector<32xbf16>,
        %get3A_1074 = arith.index_cast %rem3A_162 : i32 to index
        %get3A_1075 = arith.index_cast %add3A_1034 : i32 to index
        %get3A_1076 = arith.constant 96 : index
        %get3A_1077 = tpu.vector_load %arg14[%get3A_1074, %get3A_1075, %get3A_1076] {strides = array<i32>} : memref<2x128x128xbf16, #tpu.memory_space<vmem>>, vector<32xbf16>,
        %get3A_1078 = arith.index_cast %rem3A_162 : i32 to index
        %get3A_1079 = arith.index_cast %add3A_1034 : i32 to index
        %get3A_1080 = arith.constant 96 : index
        %get3A_1081 = tpu.vector_load %arg15[%get3A_1078, %get3A_1079, %get3A_1080] {strides = array<i32>} : memref<2x128x128xbf16, #tpu.memory_space<vmem>>, vector<32xbf16>,
        %add3A_1082 = arith.addf %get3A_1077, %get3A_1081 : vector<32xbf16>
        %mul3A_1083 = arith.mulf %add3A_1082, %pack3A_1032 : vector<32xbf16>
        %swap3A_1084 = arith.index_cast %add3A_1034 : i32 to index
        %swap3A_1085 = arith.constant 96 : index
        %swap3A_1086 = tpu.vector_load %arg16[%swap3A_1084, %swap3A_1085] {strides = array<i32>} : memref<128x128xbf16, #tpu.memory_space<vmem>>, vector<32xbf16>,
        tpu.vector_store %arg16[%swap3A_1084, %swap3A_1085], %mul3A_1083 {strides = array<i32>} : memref<128x128xbf16, #tpu.memory_space<vmem>>, vector<32xbf16>,
        %slice3A_1087 = vector.extract_strided_slice %get3A_220 {offsets = [15], sizes = [1], strides = [1]} : vector<16xf32> to vector<1xf32>
        %squeeze3A_1088 = vector.extract %slice3A_1087[0] : f32 from vector<1xf32>
        %broadcast_in_dim3A_1089 = vector.broadcast %squeeze3A_1088 : f32 to vector<16xf32>
        %pack3A_1090 = tpu.pack_subelements %broadcast_in_dim3A_1089, %broadcast_in_dim3A_1089 {pack_format = #tpu.pack_format<interleaved>, positions = array<i32: 0, 1>} : vector<16xf32>, vector<16xf32> -> vector<32xbf16>
        %add3A_1091 = arith.constant 15 : i32
        %add3A_1092 = arith.addi %mul3A_219, %add3A_1091 : i32
        %get3A_1093 = arith.index_cast %rem3A_162 : i32 to index
        %get3A_1094 = arith.index_cast %add3A_1092 : i32 to index
        %get3A_1095 = arith.constant 0 : index
        %get3A_1096 = tpu.vector_load %arg14[%get3A_1093, %get3A_1094, %get3A_1095] {strides = array<i32>} : memref<2x128x128xbf16, #tpu.memory_space<vmem>>, vector<32xbf16>,
        %get3A_1097 = arith.index_cast %rem3A_162 : i32 to index
        %get3A_1098 = arith.index_cast %add3A_1092 : i32 to index
        %get3A_1099 = arith.constant 0 : index
        %get3A_1100 = tpu.vector_load %arg15[%get3A_1097, %get3A_1098, %get3A_1099] {strides = array<i32>} : memref<2x128x128xbf16, #tpu.memory_space<vmem>>, vector<32xbf16>,
        %add3A_1101 = arith.addf %get3A_1096, %get3A_1100 : vector<32xbf16>
        %mul3A_1102 = arith.mulf %add3A_1101, %pack3A_1090 : vector<32xbf16>
        %swap3A_1103 = arith.index_cast %add3A_1092 : i32 to index
        %swap3A_1104 = arith.constant 0 : index
        %swap3A_1105 = tpu.vector_load %arg16[%swap3A_1103, %swap3A_1104] {strides = array<i32>} : memref<128x128xbf16, #tpu.memory_space<vmem>>, vector<32xbf16>,
        tpu.vector_store %arg16[%swap3A_1103, %swap3A_1104], %mul3A_1102 {strides = array<i32>} : memref<128x128xbf16, #tpu.memory_space<vmem>>, vector<32xbf16>,
        %get3A_1106 = arith.index_cast %rem3A_162 : i32 to index
        %get3A_1107 = arith.index_cast %add3A_1092 : i32 to index
        %get3A_1108 = arith.constant 32 : index
        %get3A_1109 = tpu.vector_load %arg14[%get3A_1106, %get3A_1107, %get3A_1108] {strides = array<i32>} : memref<2x128x128xbf16, #tpu.memory_space<vmem>>, vector<32xbf16>,
        %get3A_1110 = arith.index_cast %rem3A_162 : i32 to index
        %get3A_1111 = arith.index_cast %add3A_1092 : i32 to index
        %get3A_1112 = arith.constant 32 : index
        %get3A_1113 = tpu.vector_load %arg15[%get3A_1110, %get3A_1111, %get3A_1112] {strides = array<i32>} : memref<2x128x128xbf16, #tpu.memory_space<vmem>>, vector<32xbf16>,
        %add3A_1114 = arith.addf %get3A_1109, %get3A_1113 : vector<32xbf16>
        %mul3A_1115 = arith.mulf %add3A_1114, %pack3A_1090 : vector<32xbf16>
        %swap3A_1116 = arith.index_cast %add3A_1092 : i32 to index
        %swap3A_1117 = arith.constant 32 : index
        %swap3A_1118 = tpu.vector_load %arg16[%swap3A_1116, %swap3A_1117] {strides = array<i32>} : memref<128x128xbf16, #tpu.memory_space<vmem>>, vector<32xbf16>,
        tpu.vector_store %arg16[%swap3A_1116, %swap3A_1117], %mul3A_1115 {strides = array<i32>} : memref<128x128xbf16, #tpu.memory_space<vmem>>, vector<32xbf16>,
        %get3A_1119 = arith.index_cast %rem3A_162 : i32 to index
        %get3A_1120 = arith.index_cast %add3A_1092 : i32 to index
        %get3A_1121 = arith.constant 64 : index
        %get3A_1122 = tpu.vector_load %arg14[%get3A_1119, %get3A_1120, %get3A_1121] {strides = array<i32>} : memref<2x128x128xbf16, #tpu.memory_space<vmem>>, vector<32xbf16>,
        %get3A_1123 = arith.index_cast %rem3A_162 : i32 to index
        %get3A_1124 = arith.index_cast %add3A_1092 : i32 to index
        %get3A_1125 = arith.constant 64 : index
        %get3A_1126 = tpu.vector_load %arg15[%get3A_1123, %get3A_1124, %get3A_1125] {strides = array<i32>} : memref<2x128x128xbf16, #tpu.memory_space<vmem>>, vector<32xbf16>,
        %add3A_1127 = arith.addf %get3A_1122, %get3A_1126 : vector<32xbf16>
        %mul3A_1128 = arith.mulf %add3A_1127, %pack3A_1090 : vector<32xbf16>
        %swap3A_1129 = arith.index_cast %add3A_1092 : i32 to index
        %swap3A_1130 = arith.constant 64 : index
        %swap3A_1131 = tpu.vector_load %arg16[%swap3A_1129, %swap3A_1130] {strides = array<i32>} : memref<128x128xbf16, #tpu.memory_space<vmem>>, vector<32xbf16>,
        tpu.vector_store %arg16[%swap3A_1129, %swap3A_1130], %mul3A_1128 {strides = array<i32>} : memref<128x128xbf16, #tpu.memory_space<vmem>>, vector<32xbf16>,
        %get3A_1132 = arith.index_cast %rem3A_162 : i32 to index
        %get3A_1133 = arith.index_cast %add3A_1092 : i32 to index
        %get3A_1134 = arith.constant 96 : index
        %get3A_1135 = tpu.vector_load %arg14[%get3A_1132, %get3A_1133, %get3A_1134] {strides = array<i32>} : memref<2x128x128xbf16, #tpu.memory_space<vmem>>, vector<32xbf16>,
        %get3A_1136 = arith.index_cast %rem3A_162 : i32 to index
        %get3A_1137 = arith.index_cast %add3A_1092 : i32 to index
        %get3A_1138 = arith.constant 96 : index
        %get3A_1139 = tpu.vector_load %arg15[%get3A_1136, %get3A_1137, %get3A_1138] {strides = array<i32>} : memref<2x128x128xbf16, #tpu.memory_space<vmem>>, vector<32xbf16>,
        %add3A_1140 = arith.addf %get3A_1135, %get3A_1139 : vector<32xbf16>
        %mul3A_1141 = arith.mulf %add3A_1140, %pack3A_1090 : vector<32xbf16>
        %swap3A_1142 = arith.index_cast %add3A_1092 : i32 to index
        %swap3A_1143 = arith.constant 96 : index
        %swap3A_1144 = tpu.vector_load %arg16[%swap3A_1142, %swap3A_1143] {strides = array<i32>} : memref<128x128xbf16, #tpu.memory_space<vmem>>, vector<32xbf16>,
        tpu.vector_store %arg16[%swap3A_1142, %swap3A_1143], %mul3A_1141 {strides = array<i32>} : memref<128x128xbf16, #tpu.memory_space<vmem>>, vector<32xbf16>,
      }
      %scan3A_210 = arith.constant 8 : i32
      %dma_start3A_211 = arith.constant 0 : i32
      %dma_start3A_212 = tpu.memref_slice %arg9[%rem3A_160, %dma_start3A_211] : memref<3x128xi32, #tpu.memory_space<vmem>> -> memref<1x128xi32, #tpu.memory_space<vmem>>
      %dma_start3A_213 = tpu.memref_squeeze %dma_start3A_212 : memref<1x128xi32, #tpu.memory_space<vmem>> -> memref<128xi32, #tpu.memory_space<vmem>>
      %dma_start3A_214 = arith.constant 0 : i32
      %dma_start3A_215 = arith.constant 0 : i32
      %dma_start3A_216 = tpu.memref_slice %arg18[%dma_start3A_214, %dma_start3A_215] : memref<10000x128xbf16, #tpu.memory_space<vmem_shared>> -> memref<10000x128xbf16, #tpu.memory_space<vmem_shared>>
      tpu.enqueue_indirect_dma source(%arg16 : memref<128x128xbf16, #tpu.memory_space<vmem>>) target(%dma_start3A_216 : memref<10000x128xbf16, #tpu.memory_space<vmem_shared>>) offsets(%dma_start3A_213 : memref<128xi32, #tpu.memory_space<vmem>>) semaphore(%arg24 : memref<!tpu.dma_semaphore, #tpu.memory_space<semaphore_mem>>) {add = true}
    }
    %while3A_145 = arith.constant 1 : i32
    scf.for %while3A_159 = %while3A_143 to %while3A_139 step %while3A_145  : i32 {
      %rem3A = arith.constant 3 : i32
      %rem3A_160 = arith.remsi %while3A_159, %rem3A : i32
      %rem3A_161 = arith.constant 2 : i32
      %rem3A_162 = arith.remsi %while3A_159, %rem3A_161 : i32
      %dma_wait3A_163 = arith.constant 0 : i32
      %dma_wait3A_164 = arith.constant 0 : i32
      %dma_wait3A_165 = tpu.memref_slice %arg14[%rem3A_162, %dma_wait3A_163, %dma_wait3A_164] : memref<2x128x128xbf16, #tpu.memory_space<vmem>> -> memref<1x128x128xbf16, #tpu.memory_space<vmem>>
      %dma_wait3A_166 = tpu.memref_squeeze %dma_wait3A_165 : memref<1x128x128xbf16, #tpu.memory_space<vmem>> -> memref<128x128xbf16, #tpu.memory_space<vmem>>
      %dma_wait3A_167 = arith.constant 0 : i32
      %dma_wait3A_168 = tpu.memref_slice %arg10[%rem3A_160, %dma_wait3A_167] : memref<3x128xi32, #tpu.memory_space<vmem>> -> memref<1x128xi32, #tpu.memory_space<vmem>>
      %dma_wait3A_169 = tpu.memref_squeeze %dma_wait3A_168 : memref<1x128xi32, #tpu.memory_space<vmem>> -> memref<128xi32, #tpu.memory_space<vmem>>
      %dma_wait3A_170 = arith.constant 0 : i32
      %dma_wait3A_171 = arith.constant 0 : i32
      %dma_wait3A_172 = tpu.memref_slice %arg5[%dma_wait3A_170, %dma_wait3A_171] : memref<30000x128xbf16, #tpu.memory_space<hbm>> -> memref<30000x128xbf16, #tpu.memory_space<hbm>>
      tpu.wait_indirect_dma semaphore(%arg22 : memref<!tpu.dma_semaphore, #tpu.memory_space<semaphore_mem>>) src(%dma_wait3A_172 : memref<30000x128xbf16, #tpu.memory_space<hbm>>) dst(%dma_wait3A_166 : memref<128x128xbf16, #tpu.memory_space<vmem>>)
      %dma_wait3A_173 = arith.constant 0 : i32
      %dma_wait3A_174 = arith.constant 0 : i32
      %dma_wait3A_175 = tpu.memref_slice %arg15[%rem3A_162, %dma_wait3A_173, %dma_wait3A_174] : memref<2x128x128xbf16, #tpu.memory_space<vmem>> -> memref<1x128x128xbf16, #tpu.memory_space<vmem>>
      %dma_wait3A_176 = tpu.memref_squeeze %dma_wait3A_175 : memref<1x128x128xbf16, #tpu.memory_space<vmem>> -> memref<128x128xbf16, #tpu.memory_space<vmem>>
      %dma_wait3A_177 = arith.constant 0 : i32
      %dma_wait3A_178 = tpu.memref_slice %arg11[%rem3A_160, %dma_wait3A_177] : memref<3x128xi32, #tpu.memory_space<vmem>> -> memref<1x128xi32, #tpu.memory_space<vmem>>
      %dma_wait3A_179 = tpu.memref_squeeze %dma_wait3A_178 : memref<1x128xi32, #tpu.memory_space<vmem>> -> memref<128xi32, #tpu.memory_space<vmem>>
      %dma_wait3A_180 = arith.constant 0 : i32
      %dma_wait3A_181 = arith.constant 0 : i32
      %dma_wait3A_182 = tpu.memref_slice %arg5[%dma_wait3A_180, %dma_wait3A_181] : memref<30000x128xbf16, #tpu.memory_space<hbm>> -> memref<30000x128xbf16, #tpu.memory_space<hbm>>
      tpu.wait_indirect_dma semaphore(%arg23 : memref<!tpu.dma_semaphore, #tpu.memory_space<semaphore_mem>>) src(%dma_wait3A_182 : memref<30000x128xbf16, #tpu.memory_space<hbm>>) dst(%dma_wait3A_176 : memref<128x128xbf16, #tpu.memory_space<vmem>>)
      %add3A_183 = arith.constant 1 : i32
      %add3A_184 = arith.addi %while3A_159, %add3A_183 : i32
      %lt3A_185 = arith.cmpi slt, %add3A_184, %add3A_4 : i32
      %convert_element_type3A_186 = arith.extui %lt3A_185 : i1 to i32
      %cond3A_187 = arith.constant 0 : i32
      %cond3A_188 = arith.cmpi ne, %convert_element_type3A_186, %cond3A_187 : i32
      scf.if %cond3A_188 {
        %add3A_217 = arith.constant 1 : i32
        %add3A_218 = arith.addi %while3A_159, %add3A_217 : i32
        %rem3A_219 = arith.constant 3 : i32
        %rem3A_220 = arith.remsi %add3A_218, %rem3A_219 : i32
        %dma_wait3A_221 = arith.constant 0 : i32
        %dma_wait3A_222 = tpu.memref_slice %arg9[%rem3A_220, %dma_wait3A_221] : memref<3x128xi32, #tpu.memory_space<vmem>> -> memref<1x128xi32, #tpu.memory_space<vmem>>
        %dma_wait3A_223 = tpu.memref_squeeze %dma_wait3A_222 : memref<1x128xi32, #tpu.memory_space<vmem>> -> memref<128xi32, #tpu.memory_space<vmem>>
        %dma_wait3A_224 = arith.constant 0 : i32
        %dma_wait3A_225 = tpu.memref_slice %arg2[%dma_wait3A_224] : memref<320000xi32, #tpu.memory_space<hbm>> -> memref<128xi32, #tpu.memory_space<hbm>>
        %dma_wait3A_226 = arith.constant 0 : i32
        %dma_wait3A_227 = tpu.memref_slice %arg9[%rem3A_220, %dma_wait3A_226] : memref<3x128xi32, #tpu.memory_space<vmem>> -> memref<1x128xi32, #tpu.memory_space<vmem>>
        %dma_wait3A_228 = tpu.memref_squeeze %dma_wait3A_227 : memref<1x128xi32, #tpu.memory_space<vmem>> -> memref<128xi32, #tpu.memory_space<vmem>>
        %dma_wait3A_229 = arith.constant 0 : i32
        %dma_wait3A_230 = tpu.memref_slice %arg2[%dma_wait3A_229] : memref<320000xi32, #tpu.memory_space<hbm>> -> memref<128xi32, #tpu.memory_space<hbm>>
        tpu.wait_dma2 semaphore(%arg19 : memref<!tpu.dma_semaphore, #tpu.memory_space<semaphore_mem>>) src(%dma_wait3A_230 : memref<128xi32, #tpu.memory_space<hbm>>) dst(%dma_wait3A_228 : memref<128xi32, #tpu.memory_space<vmem>>)
        %dma_wait3A_231 = arith.constant 0 : i32
        %dma_wait3A_232 = tpu.memref_slice %arg10[%rem3A_220, %dma_wait3A_231] : memref<3x128xi32, #tpu.memory_space<vmem>> -> memref<1x128xi32, #tpu.memory_space<vmem>>
        %dma_wait3A_233 = tpu.memref_squeeze %dma_wait3A_232 : memref<1x128xi32, #tpu.memory_space<vmem>> -> memref<128xi32, #tpu.memory_space<vmem>>
        %dma_wait3A_234 = arith.constant 0 : i32
        %dma_wait3A_235 = tpu.memref_slice %arg3[%dma_wait3A_234] : memref<320000xi32, #tpu.memory_space<hbm>> -> memref<128xi32, #tpu.memory_space<hbm>>
        %dma_wait3A_236 = arith.constant 0 : i32
        %dma_wait3A_237 = tpu.memref_slice %arg10[%rem3A_220, %dma_wait3A_236] : memref<3x128xi32, #tpu.memory_space<vmem>> -> memref<1x128xi32, #tpu.memory_space<vmem>>
        %dma_wait3A_238 = tpu.memref_squeeze %dma_wait3A_237 : memref<1x128xi32, #tpu.memory_space<vmem>> -> memref<128xi32, #tpu.memory_space<vmem>>
        %dma_wait3A_239 = arith.constant 0 : i32
        %dma_wait3A_240 = tpu.memref_slice %arg3[%dma_wait3A_239] : memref<320000xi32, #tpu.memory_space<hbm>> -> memref<128xi32, #tpu.memory_space<hbm>>
        tpu.wait_dma2 semaphore(%arg20 : memref<!tpu.dma_semaphore, #tpu.memory_space<semaphore_mem>>) src(%dma_wait3A_240 : memref<128xi32, #tpu.memory_space<hbm>>) dst(%dma_wait3A_238 : memref<128xi32, #tpu.memory_space<vmem>>)
        %dma_wait3A_241 = arith.constant 0 : i32
        %dma_wait3A_242 = tpu.memref_slice %arg11[%rem3A_220, %dma_wait3A_241] : memref<3x128xi32, #tpu.memory_space<vmem>> -> memref<1x128xi32, #tpu.memory_space<vmem>>
        %dma_wait3A_243 = tpu.memref_squeeze %dma_wait3A_242 : memref<1x128xi32, #tpu.memory_space<vmem>> -> memref<128xi32, #tpu.memory_space<vmem>>
        %dma_wait3A_244 = arith.constant 0 : i32
        %dma_wait3A_245 = tpu.memref_slice %arg4[%dma_wait3A_244] : memref<320000xi32, #tpu.memory_space<hbm>> -> memref<128xi32, #tpu.memory_space<hbm>>
        %dma_wait3A_246 = arith.constant 0 : i32
        %dma_wait3A_247 = tpu.memref_slice %arg11[%rem3A_220, %dma_wait3A_246] : memref<3x128xi32, #tpu.memory_space<vmem>> -> memref<1x128xi32, #tpu.memory_space<vmem>>
        %dma_wait3A_248 = tpu.memref_squeeze %dma_wait3A_247 : memref<1x128xi32, #tpu.memory_space<vmem>> -> memref<128xi32, #tpu.memory_space<vmem>>
        %dma_wait3A_249 = arith.constant 0 : i32
        %dma_wait3A_250 = tpu.memref_slice %arg4[%dma_wait3A_249] : memref<320000xi32, #tpu.memory_space<hbm>> -> memref<128xi32, #tpu.memory_space<hbm>>
        tpu.wait_dma2 semaphore(%arg21 : memref<!tpu.dma_semaphore, #tpu.memory_space<semaphore_mem>>) src(%dma_wait3A_250 : memref<128xi32, #tpu.memory_space<hbm>>) dst(%dma_wait3A_248 : memref<128xi32, #tpu.memory_space<vmem>>)
        %add3A_251 = arith.constant 1 : i32
        %add3A_252 = arith.addi %while3A_159, %add3A_251 : i32
        %rem3A_253 = arith.constant 3 : i32
        %rem3A_254 = arith.remsi %add3A_252, %rem3A_253 : i32
        %sub3A = arith.constant 1 : i32
        %sub3A_255 = arith.subi %sub3A, %rem3A_162 : i32
        %dma_start3A_256 = arith.constant 0 : i32
        %dma_start3A_257 = arith.constant 0 : i32
        %dma_start3A_258 = tpu.memref_slice %arg14[%sub3A_255, %dma_start3A_256, %dma_start3A_257] : memref<2x128x128xbf16, #tpu.memory_space<vmem>> -> memref<1x128x128xbf16, #tpu.memory_space<vmem>>
        %dma_start3A_259 = tpu.memref_squeeze %dma_start3A_258 : memref<1x128x128xbf16, #tpu.memory_space<vmem>> -> memref<128x128xbf16, #tpu.memory_space<vmem>>
        %dma_start3A_260 = arith.constant 0 : i32
        %dma_start3A_261 = tpu.memref_slice %arg10[%rem3A_254, %dma_start3A_260] : memref<3x128xi32, #tpu.memory_space<vmem>> -> memref<1x128xi32, #tpu.memory_space<vmem>>
        %dma_start3A_262 = tpu.memref_squeeze %dma_start3A_261 : memref<1x128xi32, #tpu.memory_space<vmem>> -> memref<128xi32, #tpu.memory_space<vmem>>
        %dma_start3A_263 = arith.constant 0 : i32
        %dma_start3A_264 = arith.constant 0 : i32
        %dma_start3A_265 = tpu.memref_slice %arg5[%dma_start3A_263, %dma_start3A_264] : memref<30000x128xbf16, #tpu.memory_space<hbm>> -> memref<30000x128xbf16, #tpu.memory_space<hbm>>
        tpu.enqueue_indirect_dma source(%dma_start3A_265 : memref<30000x128xbf16, #tpu.memory_space<hbm>>) target(%dma_start3A_259 : memref<128x128xbf16, #tpu.memory_space<vmem>>) offsets(%dma_start3A_262 : memref<128xi32, #tpu.memory_space<vmem>>) semaphore(%arg22 : memref<!tpu.dma_semaphore, #tpu.memory_space<semaphore_mem>>)
        %dma_start3A_266 = arith.constant 0 : i32
        %dma_start3A_267 = arith.constant 0 : i32
        %dma_start3A_268 = tpu.memref_slice %arg15[%sub3A_255, %dma_start3A_266, %dma_start3A_267] : memref<2x128x128xbf16, #tpu.memory_space<vmem>> -> memref<1x128x128xbf16, #tpu.memory_space<vmem>>
        %dma_start3A_269 = tpu.memref_squeeze %dma_start3A_268 : memref<1x128x128xbf16, #tpu.memory_space<vmem>> -> memref<128x128xbf16, #tpu.memory_space<vmem>>
        %dma_start3A_270 = arith.constant 0 : i32
        %dma_start3A_271 = tpu.memref_slice %arg11[%rem3A_254, %dma_start3A_270] : memref<3x128xi32, #tpu.memory_space<vmem>> -> memref<1x128xi32, #tpu.memory_space<vmem>>
        %dma_start3A_272 = tpu.memref_squeeze %dma_start3A_271 : memref<1x128xi32, #tpu.memory_space<vmem>> -> memref<128xi32, #tpu.memory_space<vmem>>
        %dma_start3A_273 = arith.constant 0 : i32
        %dma_start3A_274 = arith.constant 0 : i32
        %dma_start3A_275 = tpu.memref_slice %arg5[%dma_start3A_273, %dma_start3A_274] : memref<30000x128xbf16, #tpu.memory_space<hbm>> -> memref<30000x128xbf16, #tpu.memory_space<hbm>>
        tpu.enqueue_indirect_dma source(%dma_start3A_275 : memref<30000x128xbf16, #tpu.memory_space<hbm>>) target(%dma_start3A_269 : memref<128x128xbf16, #tpu.memory_space<vmem>>) offsets(%dma_start3A_272 : memref<128xi32, #tpu.memory_space<vmem>>) semaphore(%arg23 : memref<!tpu.dma_semaphore, #tpu.memory_space<semaphore_mem>>)
      } else {
      }
      %gt3A = arith.constant 0 : i32
      %gt3A_189 = arith.cmpi sgt, %while3A_159, %gt3A : i32
      %convert_element_type3A_190 = arith.extui %gt3A_189 : i1 to i32
      %cond3A_191 = arith.constant 0 : i32
      %cond3A_192 = arith.cmpi ne, %convert_element_type3A_190, %cond3A_191 : i32
      scf.if %cond3A_192 {
        %dma_wait3A_217 = arith.constant 0 : i32
        %dma_wait3A_218 = tpu.memref_slice %arg9[%rem3A_160, %dma_wait3A_217] : memref<3x128xi32, #tpu.memory_space<vmem>> -> memref<1x128xi32, #tpu.memory_space<vmem>>
        %dma_wait3A_219 = tpu.memref_squeeze %dma_wait3A_218 : memref<1x128xi32, #tpu.memory_space<vmem>> -> memref<128xi32, #tpu.memory_space<vmem>>
        %dma_wait3A_220 = arith.constant 0 : i32
        %dma_wait3A_221 = arith.constant 0 : i32
        %dma_wait3A_222 = tpu.memref_slice %arg18[%dma_wait3A_220, %dma_wait3A_221] : memref<10000x128xbf16, #tpu.memory_space<vmem_shared>> -> memref<10000x128xbf16, #tpu.memory_space<vmem_shared>>
        tpu.wait_indirect_dma semaphore(%arg24 : memref<!tpu.dma_semaphore, #tpu.memory_space<semaphore_mem>>) src(%arg16 : memref<128x128xbf16, #tpu.memory_space<vmem>>) dst(%dma_wait3A_222 : memref<10000x128xbf16, #tpu.memory_space<vmem_shared>>)
      } else {
      }
      %add3A_193 = arith.constant 2 : i32
      %add3A_194 = arith.addi %while3A_159, %add3A_193 : i32
      %lt3A_195 = arith.cmpi slt, %add3A_194, %add3A_4 : i32
      %convert_element_type3A_196 = arith.extui %lt3A_195 : i1 to i32
      %cond3A_197 = arith.constant 0 : i32
      %cond3A_198 = arith.cmpi ne, %convert_element_type3A_196, %cond3A_197 : i32
      scf.if %cond3A_198 {
        %add3A_217 = arith.constant 2 : i32
        %add3A_218 = arith.addi %while3A_159, %add3A_217 : i32
        %mul3A_219 = arith.constant 32 : i32
        %mul3A_220 = arith.muli %mul3A_219, %add3A_218 : i32
        %add3A_221 = arith.addi %add3A, %mul3A_220 : i32
        %add3A_222 = arith.constant 2 : i32
        %add3A_223 = arith.addi %while3A_159, %add3A_222 : i32
        %rem3A_224 = arith.constant 3 : i32
        %rem3A_225 = arith.remsi %add3A_223, %rem3A_224 : i32
        %mul3A_226 = arith.constant 128 : i32
        %mul3A_227 = arith.muli %add3A_221, %mul3A_226 : i32
        %dma_start3A_228 = arith.constant 0 : i32
        %dma_start3A_229 = tpu.memref_slice %arg9[%rem3A_225, %dma_start3A_228] : memref<3x128xi32, #tpu.memory_space<vmem>> -> memref<1x128xi32, #tpu.memory_space<vmem>>
        %dma_start3A_230 = tpu.memref_squeeze %dma_start3A_229 : memref<1x128xi32, #tpu.memory_space<vmem>> -> memref<128xi32, #tpu.memory_space<vmem>>
        %dma_start3A_231 = tpu.memref_slice %arg2[%mul3A_227] : memref<320000xi32, #tpu.memory_space<hbm>> -> memref<128xi32, #tpu.memory_space<hbm>>
        %dma_start3A_232 = arith.constant 0 : i32
        %dma_start3A_233 = tpu.memref_slice %arg9[%rem3A_225, %dma_start3A_232] : memref<3x128xi32, #tpu.memory_space<vmem>> -> memref<1x128xi32, #tpu.memory_space<vmem>>
        %dma_start3A_234 = tpu.memref_squeeze %dma_start3A_233 : memref<1x128xi32, #tpu.memory_space<vmem>> -> memref<128xi32, #tpu.memory_space<vmem>>
        %dma_start3A_235 = tpu.memref_slice %arg2[%mul3A_227] : memref<320000xi32, #tpu.memory_space<hbm>> -> memref<128xi32, #tpu.memory_space<hbm>>
        tpu.enqueue_dma source(%dma_start3A_235 : memref<128xi32, #tpu.memory_space<hbm>>) target(%dma_start3A_234 : memref<128xi32, #tpu.memory_space<vmem>>) target_semaphore(%arg19 : memref<!tpu.dma_semaphore, #tpu.memory_space<semaphore_mem>>)
        %dma_start3A_236 = arith.constant 0 : i32
        %dma_start3A_237 = tpu.memref_slice %arg10[%rem3A_225, %dma_start3A_236] : memref<3x128xi32, #tpu.memory_space<vmem>> -> memref<1x128xi32, #tpu.memory_space<vmem>>
        %dma_start3A_238 = tpu.memref_squeeze %dma_start3A_237 : memref<1x128xi32, #tpu.memory_space<vmem>> -> memref<128xi32, #tpu.memory_space<vmem>>
        %dma_start3A_239 = tpu.memref_slice %arg3[%mul3A_227] : memref<320000xi32, #tpu.memory_space<hbm>> -> memref<128xi32, #tpu.memory_space<hbm>>
        %dma_start3A_240 = arith.constant 0 : i32
        %dma_start3A_241 = tpu.memref_slice %arg10[%rem3A_225, %dma_start3A_240] : memref<3x128xi32, #tpu.memory_space<vmem>> -> memref<1x128xi32, #tpu.memory_space<vmem>>
        %dma_start3A_242 = tpu.memref_squeeze %dma_start3A_241 : memref<1x128xi32, #tpu.memory_space<vmem>> -> memref<128xi32, #tpu.memory_space<vmem>>
        %dma_start3A_243 = tpu.memref_slice %arg3[%mul3A_227] : memref<320000xi32, #tpu.memory_space<hbm>> -> memref<128xi32, #tpu.memory_space<hbm>>
        tpu.enqueue_dma source(%dma_start3A_243 : memref<128xi32, #tpu.memory_space<hbm>>) target(%dma_start3A_242 : memref<128xi32, #tpu.memory_space<vmem>>) target_semaphore(%arg20 : memref<!tpu.dma_semaphore, #tpu.memory_space<semaphore_mem>>)
        %dma_start3A_244 = arith.constant 0 : i32
        %dma_start3A_245 = tpu.memref_slice %arg11[%rem3A_225, %dma_start3A_244] : memref<3x128xi32, #tpu.memory_space<vmem>> -> memref<1x128xi32, #tpu.memory_space<vmem>>
        %dma_start3A_246 = tpu.memref_squeeze %dma_start3A_245 : memref<1x128xi32, #tpu.memory_space<vmem>> -> memref<128xi32, #tpu.memory_space<vmem>>
        %dma_start3A_247 = tpu.memref_slice %arg4[%mul3A_227] : memref<320000xi32, #tpu.memory_space<hbm>> -> memref<128xi32, #tpu.memory_space<hbm>>
        %dma_start3A_248 = arith.constant 0 : i32
        %dma_start3A_249 = tpu.memref_slice %arg11[%rem3A_225, %dma_start3A_248] : memref<3x128xi32, #tpu.memory_space<vmem>> -> memref<1x128xi32, #tpu.memory_space<vmem>>
        %dma_start3A_250 = tpu.memref_squeeze %dma_start3A_249 : memref<1x128xi32, #tpu.memory_space<vmem>> -> memref<128xi32, #tpu.memory_space<vmem>>
        %dma_start3A_251 = tpu.memref_slice %arg4[%mul3A_227] : memref<320000xi32, #tpu.memory_space<hbm>> -> memref<128xi32, #tpu.memory_space<hbm>>
        tpu.enqueue_dma source(%dma_start3A_251 : memref<128xi32, #tpu.memory_space<hbm>>) target(%dma_start3A_250 : memref<128xi32, #tpu.memory_space<vmem>>) target_semaphore(%arg21 : memref<!tpu.dma_semaphore, #tpu.memory_space<semaphore_mem>>)
      } else {
      }
      %scan3A_199 = arith.constant 0 : i32
      %scan3A_200 = arith.constant 0 : i32
      %scan3A_201 = arith.constant 8 : i32
      %scan3A_202 = arith.addi %scan3A_200, %scan3A_201 : i32
      %scan3A_203 = arith.constant 1 : i32
      scf.for %scan3A_217 = %scan3A_200 to %scan3A_202 step %scan3A_203  : i32 {
        %mul3A_218 = arith.constant 16 : i32
        %mul3A_219 = arith.muli %scan3A_217, %mul3A_218 : i32
        %get3A = arith.index_cast %rem3A_160 : i32 to index
        %get3A_220 = arith.index_cast %mul3A_219 : i32 to index
        %get3A_221 = tpu.vector_load %arg9[%get3A, %get3A_220] {strides = array<i32>} : memref<3x128xi32, #tpu.memory_space<vmem>>, vector<16xi32>,
        %gather3A = tpu.vector_load_idx %arg12[%get3A_221] : memref<30000xf32, #tpu.memory_space<vmem>>[vector<16xi32>], vector<16xf32>,
        %get3A_222 = arith.index_cast %rem3A_160 : i32 to index
        %get3A_223 = arith.index_cast %mul3A_219 : i32 to index
        %get3A_224 = tpu.vector_load %arg10[%get3A_222, %get3A_223] {strides = array<i32>} : memref<3x128xi32, #tpu.memory_space<vmem>>, vector<16xi32>,
        %gather3A_225 = tpu.vector_load_idx %arg12[%get3A_224] : memref<30000xf32, #tpu.memory_space<vmem>>[vector<16xi32>], vector<16xf32>,
        %get3A_226 = arith.index_cast %rem3A_160 : i32 to index
        %get3A_227 = arith.index_cast %mul3A_219 : i32 to index
        %get3A_228 = tpu.vector_load %arg11[%get3A_226, %get3A_227] {strides = array<i32>} : memref<3x128xi32, #tpu.memory_space<vmem>>, vector<16xi32>,
        %gather3A_229 = tpu.vector_load_idx %arg12[%get3A_228] : memref<30000xf32, #tpu.memory_space<vmem>>[vector<16xi32>], vector<16xf32>,
        %add3A_230 = arith.addf %gather3A, %gather3A_225 : vector<16xf32>
        %add3A_231 = arith.addf %add3A_230, %gather3A_229 : vector<16xf32>
        %add3A_232 = arith.addf %add3A_231, %add3A_231 : vector<16xf32>
        %exp3A = math.exp %add3A_232 : vector<16xf32>
        %add3A_233 = arith.constant 1.000000e+00 : f32
        %add3A_234 = vector.broadcast %add3A_233 : f32 to vector<16xf32>
        %add3A_235 = arith.addf %exp3A, %add3A_234 : vector<16xf32>
        %div3A = arith.constant 2.000000e+00 : f32
        %div3A_236 = vector.broadcast %div3A : f32 to vector<16xf32>
        %div3A_237 = arith.divf %div3A_236, %add3A_235 : vector<16xf32>
        %sub3A = arith.constant 1.000000e+00 : f32
        %sub3A_238 = vector.broadcast %sub3A : f32 to vector<16xf32>
        %sub3A_239 = arith.subf %sub3A_238, %div3A_237 : vector<16xf32>
        %exp3A_240 = math.exp %sub3A_239 : vector<16xf32>
        %swap3A = arith.index_cast %mul3A_219 : i32 to index
        %swap3A_241 = tpu.vector_load %arg13[%swap3A] {strides = array<i32>} : memref<128xf32, #tpu.memory_space<vmem>>, vector<16xf32>,
        tpu.vector_store %arg13[%swap3A], %exp3A_240 {strides = array<i32>} : memref<128xf32, #tpu.memory_space<vmem>>, vector<16xf32>,
        %eq3A = arith.constant 0 : i32
        %eq3A_242 = vector.broadcast %eq3A : i32 to vector<16xi32>
        %eq3A_243 = arith.cmpi eq, %iota3A, %eq3A_242 : vector<16xi32>
        tpu.vector_store_idx %arg17[%get3A_221], %exp3A_240 masked %eq3A_243 {add = true} : memref<10000xf32, #tpu.memory_space<vmem>>[vector<16xi32>], vector<16xf32>, vector<16xi1>
        %eq3A_244 = arith.constant 1 : i32
        %eq3A_245 = vector.broadcast %eq3A_244 : i32 to vector<16xi32>
        %eq3A_246 = arith.cmpi eq, %iota3A, %eq3A_245 : vector<16xi32>
        tpu.vector_store_idx %arg17[%get3A_221], %exp3A_240 masked %eq3A_246 {add = true} : memref<10000xf32, #tpu.memory_space<vmem>>[vector<16xi32>], vector<16xf32>, vector<16xi1>
        %eq3A_247 = arith.constant 2 : i32
        %eq3A_248 = vector.broadcast %eq3A_247 : i32 to vector<16xi32>
        %eq3A_249 = arith.cmpi eq, %iota3A, %eq3A_248 : vector<16xi32>
        tpu.vector_store_idx %arg17[%get3A_221], %exp3A_240 masked %eq3A_249 {add = true} : memref<10000xf32, #tpu.memory_space<vmem>>[vector<16xi32>], vector<16xf32>, vector<16xi1>
        %eq3A_250 = arith.constant 3 : i32
        %eq3A_251 = vector.broadcast %eq3A_250 : i32 to vector<16xi32>
        %eq3A_252 = arith.cmpi eq, %iota3A, %eq3A_251 : vector<16xi32>
        tpu.vector_store_idx %arg17[%get3A_221], %exp3A_240 masked %eq3A_252 {add = true} : memref<10000xf32, #tpu.memory_space<vmem>>[vector<16xi32>], vector<16xf32>, vector<16xi1>
        %eq3A_253 = arith.constant 4 : i32
        %eq3A_254 = vector.broadcast %eq3A_253 : i32 to vector<16xi32>
        %eq3A_255 = arith.cmpi eq, %iota3A, %eq3A_254 : vector<16xi32>
        tpu.vector_store_idx %arg17[%get3A_221], %exp3A_240 masked %eq3A_255 {add = true} : memref<10000xf32, #tpu.memory_space<vmem>>[vector<16xi32>], vector<16xf32>, vector<16xi1>
        %eq3A_256 = arith.constant 5 : i32
        %eq3A_257 = vector.broadcast %eq3A_256 : i32 to vector<16xi32>
        %eq3A_258 = arith.cmpi eq, %iota3A, %eq3A_257 : vector<16xi32>
        tpu.vector_store_idx %arg17[%get3A_221], %exp3A_240 masked %eq3A_258 {add = true} : memref<10000xf32, #tpu.memory_space<vmem>>[vector<16xi32>], vector<16xf32>, vector<16xi1>
        %eq3A_259 = arith.constant 6 : i32
        %eq3A_260 = vector.broadcast %eq3A_259 : i32 to vector<16xi32>
        %eq3A_261 = arith.cmpi eq, %iota3A, %eq3A_260 : vector<16xi32>
        tpu.vector_store_idx %arg17[%get3A_221], %exp3A_240 masked %eq3A_261 {add = true} : memref<10000xf32, #tpu.memory_space<vmem>>[vector<16xi32>], vector<16xf32>, vector<16xi1>
        %eq3A_262 = arith.constant 7 : i32
        %eq3A_263 = vector.broadcast %eq3A_262 : i32 to vector<16xi32>
        %eq3A_264 = arith.cmpi eq, %iota3A, %eq3A_263 : vector<16xi32>
        tpu.vector_store_idx %arg17[%get3A_221], %exp3A_240 masked %eq3A_264 {add = true} : memref<10000xf32, #tpu.memory_space<vmem>>[vector<16xi32>], vector<16xf32>, vector<16xi1>
        %eq3A_265 = arith.constant 8 : i32
        %eq3A_266 = vector.broadcast %eq3A_265 : i32 to vector<16xi32>
        %eq3A_267 = arith.cmpi eq, %iota3A, %eq3A_266 : vector<16xi32>
        tpu.vector_store_idx %arg17[%get3A_221], %exp3A_240 masked %eq3A_267 {add = true} : memref<10000xf32, #tpu.memory_space<vmem>>[vector<16xi32>], vector<16xf32>, vector<16xi1>
        %eq3A_268 = arith.constant 9 : i32
        %eq3A_269 = vector.broadcast %eq3A_268 : i32 to vector<16xi32>
        %eq3A_270 = arith.cmpi eq, %iota3A, %eq3A_269 : vector<16xi32>
        tpu.vector_store_idx %arg17[%get3A_221], %exp3A_240 masked %eq3A_270 {add = true} : memref<10000xf32, #tpu.memory_space<vmem>>[vector<16xi32>], vector<16xf32>, vector<16xi1>
        %eq3A_271 = arith.constant 10 : i32
        %eq3A_272 = vector.broadcast %eq3A_271 : i32 to vector<16xi32>
        %eq3A_273 = arith.cmpi eq, %iota3A, %eq3A_272 : vector<16xi32>
        tpu.vector_store_idx %arg17[%get3A_221], %exp3A_240 masked %eq3A_273 {add = true} : memref<10000xf32, #tpu.memory_space<vmem>>[vector<16xi32>], vector<16xf32>, vector<16xi1>
        %eq3A_274 = arith.constant 11 : i32
        %eq3A_275 = vector.broadcast %eq3A_274 : i32 to vector<16xi32>
        %eq3A_276 = arith.cmpi eq, %iota3A, %eq3A_275 : vector<16xi32>
        tpu.vector_store_idx %arg17[%get3A_221], %exp3A_240 masked %eq3A_276 {add = true} : memref<10000xf32, #tpu.memory_space<vmem>>[vector<16xi32>], vector<16xf32>, vector<16xi1>
        %eq3A_277 = arith.constant 12 : i32
        %eq3A_278 = vector.broadcast %eq3A_277 : i32 to vector<16xi32>
        %eq3A_279 = arith.cmpi eq, %iota3A, %eq3A_278 : vector<16xi32>
        tpu.vector_store_idx %arg17[%get3A_221], %exp3A_240 masked %eq3A_279 {add = true} : memref<10000xf32, #tpu.memory_space<vmem>>[vector<16xi32>], vector<16xf32>, vector<16xi1>
        %eq3A_280 = arith.constant 13 : i32
        %eq3A_281 = vector.broadcast %eq3A_280 : i32 to vector<16xi32>
        %eq3A_282 = arith.cmpi eq, %iota3A, %eq3A_281 : vector<16xi32>
        tpu.vector_store_idx %arg17[%get3A_221], %exp3A_240 masked %eq3A_282 {add = true} : memref<10000xf32, #tpu.memory_space<vmem>>[vector<16xi32>], vector<16xf32>, vector<16xi1>
        %eq3A_283 = arith.constant 14 : i32
        %eq3A_284 = vector.broadcast %eq3A_283 : i32 to vector<16xi32>
        %eq3A_285 = arith.cmpi eq, %iota3A, %eq3A_284 : vector<16xi32>
        tpu.vector_store_idx %arg17[%get3A_221], %exp3A_240 masked %eq3A_285 {add = true} : memref<10000xf32, #tpu.memory_space<vmem>>[vector<16xi32>], vector<16xf32>, vector<16xi1>
        %eq3A_286 = arith.constant 15 : i32
        %eq3A_287 = vector.broadcast %eq3A_286 : i32 to vector<16xi32>
        %eq3A_288 = arith.cmpi eq, %iota3A, %eq3A_287 : vector<16xi32>
        tpu.vector_store_idx %arg17[%get3A_221], %exp3A_240 masked %eq3A_288 {add = true} : memref<10000xf32, #tpu.memory_space<vmem>>[vector<16xi32>], vector<16xf32>, vector<16xi1>
      }
      %scan3A_204 = arith.constant 8 : i32
      %scan3A_205 = arith.constant 0 : i32
      %scan3A_206 = arith.constant 0 : i32
      %scan3A_207 = arith.constant 8 : i32
      %scan3A_208 = arith.addi %scan3A_206, %scan3A_207 : i32
      %scan3A_209 = arith.constant 1 : i32
      scf.for %scan3A_217 = %scan3A_206 to %scan3A_208 step %scan3A_209  : i32 {
        %mul3A_218 = arith.constant 16 : i32
        %mul3A_219 = arith.muli %scan3A_217, %mul3A_218 : i32
        %get3A = arith.index_cast %mul3A_219 : i32 to index
        %get3A_220 = tpu.vector_load %arg13[%get3A] {strides = array<i32>} : memref<128xf32, #tpu.memory_space<vmem>>, vector<16xf32>,
        %slice3A = vector.extract_strided_slice %get3A_220 {offsets = [0], sizes = [1], strides = [1]} : vector<16xf32> to vector<1xf32>
        %squeeze3A = vector.extract %slice3A[0] : f32 from vector<1xf32>
        %broadcast_in_dim3A_221 = vector.broadcast %squeeze3A : f32 to vector<16xf32>
        %pack3A = tpu.pack_subelements %broadcast_in_dim3A_221, %broadcast_in_dim3A_221 {pack_format = #tpu.pack_format<interleaved>, positions = array<i32: 0, 1>} : vector<16xf32>, vector<16xf32> -> vector<32xbf16>
        %add3A_222 = arith.constant 0 : i32
        %add3A_223 = arith.addi %mul3A_219, %add3A_222 : i32
        %get3A_224 = arith.index_cast %rem3A_162 : i32 to index
        %get3A_225 = arith.index_cast %add3A_223 : i32 to index
        %get3A_226 = arith.constant 0 : index
        %get3A_227 = tpu.vector_load %arg14[%get3A_224, %get3A_225, %get3A_226] {strides = array<i32>} : memref<2x128x128xbf16, #tpu.memory_space<vmem>>, vector<32xbf16>,
        %get3A_228 = arith.index_cast %rem3A_162 : i32 to index
        %get3A_229 = arith.index_cast %add3A_223 : i32 to index
        %get3A_230 = arith.constant 0 : index
        %get3A_231 = tpu.vector_load %arg15[%get3A_228, %get3A_229, %get3A_230] {strides = array<i32>} : memref<2x128x128xbf16, #tpu.memory_space<vmem>>, vector<32xbf16>,
        %add3A_232 = arith.addf %get3A_227, %get3A_231 : vector<32xbf16>
        %mul3A_233 = arith.mulf %add3A_232, %pack3A : vector<32xbf16>
        %swap3A = arith.index_cast %add3A_223 : i32 to index
        %swap3A_234 = arith.constant 0 : index
        %swap3A_235 = tpu.vector_load %arg16[%swap3A, %swap3A_234] {strides = array<i32>} : memref<128x128xbf16, #tpu.memory_space<vmem>>, vector<32xbf16>,
        tpu.vector_store %arg16[%swap3A, %swap3A_234], %mul3A_233 {strides = array<i32>} : memref<128x128xbf16, #tpu.memory_space<vmem>>, vector<32xbf16>,
        %get3A_236 = arith.index_cast %rem3A_162 : i32 to index
        %get3A_237 = arith.index_cast %add3A_223 : i32 to index
        %get3A_238 = arith.constant 32 : index
        %get3A_239 = tpu.vector_load %arg14[%get3A_236, %get3A_237, %get3A_238] {strides = array<i32>} : memref<2x128x128xbf16, #tpu.memory_space<vmem>>, vector<32xbf16>,
        %get3A_240 = arith.index_cast %rem3A_162 : i32 to index
        %get3A_241 = arith.index_cast %add3A_223 : i32 to index
        %get3A_242 = arith.constant 32 : index
        %get3A_243 = tpu.vector_load %arg15[%get3A_240, %get3A_241, %get3A_242] {strides = array<i32>} : memref<2x128x128xbf16, #tpu.memory_space<vmem>>, vector<32xbf16>,
        %add3A_244 = arith.addf %get3A_239, %get3A_243 : vector<32xbf16>
        %mul3A_245 = arith.mulf %add3A_244, %pack3A : vector<32xbf16>
        %swap3A_246 = arith.index_cast %add3A_223 : i32 to index
        %swap3A_247 = arith.constant 32 : index
        %swap3A_248 = tpu.vector_load %arg16[%swap3A_246, %swap3A_247] {strides = array<i32>} : memref<128x128xbf16, #tpu.memory_space<vmem>>, vector<32xbf16>,
        tpu.vector_store %arg16[%swap3A_246, %swap3A_247], %mul3A_245 {strides = array<i32>} : memref<128x128xbf16, #tpu.memory_space<vmem>>, vector<32xbf16>,
        %get3A_249 = arith.index_cast %rem3A_162 : i32 to index
        %get3A_250 = arith.index_cast %add3A_223 : i32 to index
        %get3A_251 = arith.constant 64 : index
        %get3A_252 = tpu.vector_load %arg14[%get3A_249, %get3A_250, %get3A_251] {strides = array<i32>} : memref<2x128x128xbf16, #tpu.memory_space<vmem>>, vector<32xbf16>,
        %get3A_253 = arith.index_cast %rem3A_162 : i32 to index
        %get3A_254 = arith.index_cast %add3A_223 : i32 to index
        %get3A_255 = arith.constant 64 : index
        %get3A_256 = tpu.vector_load %arg15[%get3A_253, %get3A_254, %get3A_255] {strides = array<i32>} : memref<2x128x128xbf16, #tpu.memory_space<vmem>>, vector<32xbf16>,
        %add3A_257 = arith.addf %get3A_252, %get3A_256 : vector<32xbf16>
        %mul3A_258 = arith.mulf %add3A_257, %pack3A : vector<32xbf16>
        %swap3A_259 = arith.index_cast %add3A_223 : i32 to index
        %swap3A_260 = arith.constant 64 : index
        %swap3A_261 = tpu.vector_load %arg16[%swap3A_259, %swap3A_260] {strides = array<i32>} : memref<128x128xbf16, #tpu.memory_space<vmem>>, vector<32xbf16>,
        tpu.vector_store %arg16[%swap3A_259, %swap3A_260], %mul3A_258 {strides = array<i32>} : memref<128x128xbf16, #tpu.memory_space<vmem>>, vector<32xbf16>,
        %get3A_262 = arith.index_cast %rem3A_162 : i32 to index
        %get3A_263 = arith.index_cast %add3A_223 : i32 to index
        %get3A_264 = arith.constant 96 : index
        %get3A_265 = tpu.vector_load %arg14[%get3A_262, %get3A_263, %get3A_264] {strides = array<i32>} : memref<2x128x128xbf16, #tpu.memory_space<vmem>>, vector<32xbf16>,
        %get3A_266 = arith.index_cast %rem3A_162 : i32 to index
        %get3A_267 = arith.index_cast %add3A_223 : i32 to index
        %get3A_268 = arith.constant 96 : index
        %get3A_269 = tpu.vector_load %arg15[%get3A_266, %get3A_267, %get3A_268] {strides = array<i32>} : memref<2x128x128xbf16, #tpu.memory_space<vmem>>, vector<32xbf16>,
        %add3A_270 = arith.addf %get3A_265, %get3A_269 : vector<32xbf16>
        %mul3A_271 = arith.mulf %add3A_270, %pack3A : vector<32xbf16>
        %swap3A_272 = arith.index_cast %add3A_223 : i32 to index
        %swap3A_273 = arith.constant 96 : index
        %swap3A_274 = tpu.vector_load %arg16[%swap3A_272, %swap3A_273] {strides = array<i32>} : memref<128x128xbf16, #tpu.memory_space<vmem>>, vector<32xbf16>,
        tpu.vector_store %arg16[%swap3A_272, %swap3A_273], %mul3A_271 {strides = array<i32>} : memref<128x128xbf16, #tpu.memory_space<vmem>>, vector<32xbf16>,
        %slice3A_275 = vector.extract_strided_slice %get3A_220 {offsets = [1], sizes = [1], strides = [1]} : vector<16xf32> to vector<1xf32>
        %squeeze3A_276 = vector.extract %slice3A_275[0] : f32 from vector<1xf32>
        %broadcast_in_dim3A_277 = vector.broadcast %squeeze3A_276 : f32 to vector<16xf32>
        %pack3A_278 = tpu.pack_subelements %broadcast_in_dim3A_277, %broadcast_in_dim3A_277 {pack_format = #tpu.pack_format<interleaved>, positions = array<i32: 0, 1>} : vector<16xf32>, vector<16xf32> -> vector<32xbf16>
        %add3A_279 = arith.constant 1 : i32
        %add3A_280 = arith.addi %mul3A_219, %add3A_279 : i32
        %get3A_281 = arith.index_cast %rem3A_162 : i32 to index
        %get3A_282 = arith.index_cast %add3A_280 : i32 to index
        %get3A_283 = arith.constant 0 : index
        %get3A_284 = tpu.vector_load %arg14[%get3A_281, %get3A_282, %get3A_283] {strides = array<i32>} : memref<2x128x128xbf16, #tpu.memory_space<vmem>>, vector<32xbf16>,
        %get3A_285 = arith.index_cast %rem3A_162 : i32 to index
        %get3A_286 = arith.index_cast %add3A_280 : i32 to index
        %get3A_287 = arith.constant 0 : index
        %get3A_288 = tpu.vector_load %arg15[%get3A_285, %get3A_286, %get3A_287] {strides = array<i32>} : memref<2x128x128xbf16, #tpu.memory_space<vmem>>, vector<32xbf16>,
        %add3A_289 = arith.addf %get3A_284, %get3A_288 : vector<32xbf16>
        %mul3A_290 = arith.mulf %add3A_289, %pack3A_278 : vector<32xbf16>
        %swap3A_291 = arith.index_cast %add3A_280 : i32 to index
        %swap3A_292 = arith.constant 0 : index
        %swap3A_293 = tpu.vector_load %arg16[%swap3A_291, %swap3A_292] {strides = array<i32>} : memref<128x128xbf16, #tpu.memory_space<vmem>>, vector<32xbf16>,
        tpu.vector_store %arg16[%swap3A_291, %swap3A_292], %mul3A_290 {strides = array<i32>} : memref<128x128xbf16, #tpu.memory_space<vmem>>, vector<32xbf16>,
        %get3A_294 = arith.index_cast %rem3A_162 : i32 to index
        %get3A_295 = arith.index_cast %add3A_280 : i32 to index
        %get3A_296 = arith.constant 32 : index
        %get3A_297 = tpu.vector_load %arg14[%get3A_294, %get3A_295, %get3A_296] {strides = array<i32>} : memref<2x128x128xbf16, #tpu.memory_space<vmem>>, vector<32xbf16>,
        %get3A_298 = arith.index_cast %rem3A_162 : i32 to index
        %get3A_299 = arith.index_cast %add3A_280 : i32 to index
        %get3A_300 = arith.constant 32 : index
        %get3A_301 = tpu.vector_load %arg15[%get3A_298, %get3A_299, %get3A_300] {strides = array<i32>} : memref<2x128x128xbf16, #tpu.memory_space<vmem>>, vector<32xbf16>,
        %add3A_302 = arith.addf %get3A_297, %get3A_301 : vector<32xbf16>
        %mul3A_303 = arith.mulf %add3A_302, %pack3A_278 : vector<32xbf16>
        %swap3A_304 = arith.index_cast %add3A_280 : i32 to index
        %swap3A_305 = arith.constant 32 : index
        %swap3A_306 = tpu.vector_load %arg16[%swap3A_304, %swap3A_305] {strides = array<i32>} : memref<128x128xbf16, #tpu.memory_space<vmem>>, vector<32xbf16>,
        tpu.vector_store %arg16[%swap3A_304, %swap3A_305], %mul3A_303 {strides = array<i32>} : memref<128x128xbf16, #tpu.memory_space<vmem>>, vector<32xbf16>,
        %get3A_307 = arith.index_cast %rem3A_162 : i32 to index
        %get3A_308 = arith.index_cast %add3A_280 : i32 to index
        %get3A_309 = arith.constant 64 : index
        %get3A_310 = tpu.vector_load %arg14[%get3A_307, %get3A_308, %get3A_309] {strides = array<i32>} : memref<2x128x128xbf16, #tpu.memory_space<vmem>>, vector<32xbf16>,
        %get3A_311 = arith.index_cast %rem3A_162 : i32 to index
        %get3A_312 = arith.index_cast %add3A_280 : i32 to index
        %get3A_313 = arith.constant 64 : index
        %get3A_314 = tpu.vector_load %arg15[%get3A_311, %get3A_312, %get3A_313] {strides = array<i32>} : memref<2x128x128xbf16, #tpu.memory_space<vmem>>, vector<32xbf16>,
        %add3A_315 = arith.addf %get3A_310, %get3A_314 : vector<32xbf16>
        %mul3A_316 = arith.mulf %add3A_315, %pack3A_278 : vector<32xbf16>
        %swap3A_317 = arith.index_cast %add3A_280 : i32 to index
        %swap3A_318 = arith.constant 64 : index
        %swap3A_319 = tpu.vector_load %arg16[%swap3A_317, %swap3A_318] {strides = array<i32>} : memref<128x128xbf16, #tpu.memory_space<vmem>>, vector<32xbf16>,
        tpu.vector_store %arg16[%swap3A_317, %swap3A_318], %mul3A_316 {strides = array<i32>} : memref<128x128xbf16, #tpu.memory_space<vmem>>, vector<32xbf16>,
        %get3A_320 = arith.index_cast %rem3A_162 : i32 to index
        %get3A_321 = arith.index_cast %add3A_280 : i32 to index
        %get3A_322 = arith.constant 96 : index
        %get3A_323 = tpu.vector_load %arg14[%get3A_320, %get3A_321, %get3A_322] {strides = array<i32>} : memref<2x128x128xbf16, #tpu.memory_space<vmem>>, vector<32xbf16>,
        %get3A_324 = arith.index_cast %rem3A_162 : i32 to index
        %get3A_325 = arith.index_cast %add3A_280 : i32 to index
        %get3A_326 = arith.constant 96 : index
        %get3A_327 = tpu.vector_load %arg15[%get3A_324, %get3A_325, %get3A_326] {strides = array<i32>} : memref<2x128x128xbf16, #tpu.memory_space<vmem>>, vector<32xbf16>,
        %add3A_328 = arith.addf %get3A_323, %get3A_327 : vector<32xbf16>
        %mul3A_329 = arith.mulf %add3A_328, %pack3A_278 : vector<32xbf16>
        %swap3A_330 = arith.index_cast %add3A_280 : i32 to index
        %swap3A_331 = arith.constant 96 : index
        %swap3A_332 = tpu.vector_load %arg16[%swap3A_330, %swap3A_331] {strides = array<i32>} : memref<128x128xbf16, #tpu.memory_space<vmem>>, vector<32xbf16>,
        tpu.vector_store %arg16[%swap3A_330, %swap3A_331], %mul3A_329 {strides = array<i32>} : memref<128x128xbf16, #tpu.memory_space<vmem>>, vector<32xbf16>,
        %slice3A_333 = vector.extract_strided_slice %get3A_220 {offsets = [2], sizes = [1], strides = [1]} : vector<16xf32> to vector<1xf32>
        %squeeze3A_334 = vector.extract %slice3A_333[0] : f32 from vector<1xf32>
        %broadcast_in_dim3A_335 = vector.broadcast %squeeze3A_334 : f32 to vector<16xf32>
        %pack3A_336 = tpu.pack_subelements %broadcast_in_dim3A_335, %broadcast_in_dim3A_335 {pack_format = #tpu.pack_format<interleaved>, positions = array<i32: 0, 1>} : vector<16xf32>, vector<16xf32> -> vector<32xbf16>
        %add3A_337 = arith.constant 2 : i32
        %add3A_338 = arith.addi %mul3A_219, %add3A_337 : i32
        %get3A_339 = arith.index_cast %rem3A_162 : i32 to index
        %get3A_340 = arith.index_cast %add3A_338 : i32 to index
        %get3A_341 = arith.constant 0 : index
        %get3A_342 = tpu.vector_load %arg14[%get3A_339, %get3A_340, %get3A_341] {strides = array<i32>} : memref<2x128x128xbf16, #tpu.memory_space<vmem>>, vector<32xbf16>,
        %get3A_343 = arith.index_cast %rem3A_162 : i32 to index
        %get3A_344 = arith.index_cast %add3A_338 : i32 to index
        %get3A_345 = arith.constant 0 : index
        %get3A_346 = tpu.vector_load %arg15[%get3A_343, %get3A_344, %get3A_345] {strides = array<i32>} : memref<2x128x128xbf16, #tpu.memory_space<vmem>>, vector<32xbf16>,
        %add3A_347 = arith.addf %get3A_342, %get3A_346 : vector<32xbf16>
        %mul3A_348 = arith.mulf %add3A_347, %pack3A_336 : vector<32xbf16>
        %swap3A_349 = arith.index_cast %add3A_338 : i32 to index
        %swap3A_350 = arith.constant 0 : index
        %swap3A_351 = tpu.vector_load %arg16[%swap3A_349, %swap3A_350] {strides = array<i32>} : memref<128x128xbf16, #tpu.memory_space<vmem>>, vector<32xbf16>,
        tpu.vector_store %arg16[%swap3A_349, %swap3A_350], %mul3A_348 {strides = array<i32>} : memref<128x128xbf16, #tpu.memory_space<vmem>>, vector<32xbf16>,
        %get3A_352 = arith.index_cast %rem3A_162 : i32 to index
        %get3A_353 = arith.index_cast %add3A_338 : i32 to index
        %get3A_354 = arith.constant 32 : index
        %get3A_355 = tpu.vector_load %arg14[%get3A_352, %get3A_353, %get3A_354] {strides = array<i32>} : memref<2x128x128xbf16, #tpu.memory_space<vmem>>, vector<32xbf16>,
        %get3A_356 = arith.index_cast %rem3A_162 : i32 to index
        %get3A_357 = arith.index_cast %add3A_338 : i32 to index
        %get3A_358 = arith.constant 32 : index
        %get3A_359 = tpu.vector_load %arg15[%get3A_356, %get3A_357, %get3A_358] {strides = array<i32>} : memref<2x128x128xbf16, #tpu.memory_space<vmem>>, vector<32xbf16>,
        %add3A_360 = arith.addf %get3A_355, %get3A_359 : vector<32xbf16>
        %mul3A_361 = arith.mulf %add3A_360, %pack3A_336 : vector<32xbf16>
        %swap3A_362 = arith.index_cast %add3A_338 : i32 to index
        %swap3A_363 = arith.constant 32 : index
        %swap3A_364 = tpu.vector_load %arg16[%swap3A_362, %swap3A_363] {strides = array<i32>} : memref<128x128xbf16, #tpu.memory_space<vmem>>, vector<32xbf16>,
        tpu.vector_store %arg16[%swap3A_362, %swap3A_363], %mul3A_361 {strides = array<i32>} : memref<128x128xbf16, #tpu.memory_space<vmem>>, vector<32xbf16>,
        %get3A_365 = arith.index_cast %rem3A_162 : i32 to index
        %get3A_366 = arith.index_cast %add3A_338 : i32 to index
        %get3A_367 = arith.constant 64 : index
        %get3A_368 = tpu.vector_load %arg14[%get3A_365, %get3A_366, %get3A_367] {strides = array<i32>} : memref<2x128x128xbf16, #tpu.memory_space<vmem>>, vector<32xbf16>,
        %get3A_369 = arith.index_cast %rem3A_162 : i32 to index
        %get3A_370 = arith.index_cast %add3A_338 : i32 to index
        %get3A_371 = arith.constant 64 : index
        %get3A_372 = tpu.vector_load %arg15[%get3A_369, %get3A_370, %get3A_371] {strides = array<i32>} : memref<2x128x128xbf16, #tpu.memory_space<vmem>>, vector<32xbf16>,
        %add3A_373 = arith.addf %get3A_368, %get3A_372 : vector<32xbf16>
        %mul3A_374 = arith.mulf %add3A_373, %pack3A_336 : vector<32xbf16>
        %swap3A_375 = arith.index_cast %add3A_338 : i32 to index
        %swap3A_376 = arith.constant 64 : index
        %swap3A_377 = tpu.vector_load %arg16[%swap3A_375, %swap3A_376] {strides = array<i32>} : memref<128x128xbf16, #tpu.memory_space<vmem>>, vector<32xbf16>,
        tpu.vector_store %arg16[%swap3A_375, %swap3A_376], %mul3A_374 {strides = array<i32>} : memref<128x128xbf16, #tpu.memory_space<vmem>>, vector<32xbf16>,
        %get3A_378 = arith.index_cast %rem3A_162 : i32 to index
        %get3A_379 = arith.index_cast %add3A_338 : i32 to index
        %get3A_380 = arith.constant 96 : index
        %get3A_381 = tpu.vector_load %arg14[%get3A_378, %get3A_379, %get3A_380] {strides = array<i32>} : memref<2x128x128xbf16, #tpu.memory_space<vmem>>, vector<32xbf16>,
        %get3A_382 = arith.index_cast %rem3A_162 : i32 to index
        %get3A_383 = arith.index_cast %add3A_338 : i32 to index
        %get3A_384 = arith.constant 96 : index
        %get3A_385 = tpu.vector_load %arg15[%get3A_382, %get3A_383, %get3A_384] {strides = array<i32>} : memref<2x128x128xbf16, #tpu.memory_space<vmem>>, vector<32xbf16>,
        %add3A_386 = arith.addf %get3A_381, %get3A_385 : vector<32xbf16>
        %mul3A_387 = arith.mulf %add3A_386, %pack3A_336 : vector<32xbf16>
        %swap3A_388 = arith.index_cast %add3A_338 : i32 to index
        %swap3A_389 = arith.constant 96 : index
        %swap3A_390 = tpu.vector_load %arg16[%swap3A_388, %swap3A_389] {strides = array<i32>} : memref<128x128xbf16, #tpu.memory_space<vmem>>, vector<32xbf16>,
        tpu.vector_store %arg16[%swap3A_388, %swap3A_389], %mul3A_387 {strides = array<i32>} : memref<128x128xbf16, #tpu.memory_space<vmem>>, vector<32xbf16>,
        %slice3A_391 = vector.extract_strided_slice %get3A_220 {offsets = [3], sizes = [1], strides = [1]} : vector<16xf32> to vector<1xf32>
        %squeeze3A_392 = vector.extract %slice3A_391[0] : f32 from vector<1xf32>
        %broadcast_in_dim3A_393 = vector.broadcast %squeeze3A_392 : f32 to vector<16xf32>
        %pack3A_394 = tpu.pack_subelements %broadcast_in_dim3A_393, %broadcast_in_dim3A_393 {pack_format = #tpu.pack_format<interleaved>, positions = array<i32: 0, 1>} : vector<16xf32>, vector<16xf32> -> vector<32xbf16>
        %add3A_395 = arith.constant 3 : i32
        %add3A_396 = arith.addi %mul3A_219, %add3A_395 : i32
        %get3A_397 = arith.index_cast %rem3A_162 : i32 to index
        %get3A_398 = arith.index_cast %add3A_396 : i32 to index
        %get3A_399 = arith.constant 0 : index
        %get3A_400 = tpu.vector_load %arg14[%get3A_397, %get3A_398, %get3A_399] {strides = array<i32>} : memref<2x128x128xbf16, #tpu.memory_space<vmem>>, vector<32xbf16>,
        %get3A_401 = arith.index_cast %rem3A_162 : i32 to index
        %get3A_402 = arith.index_cast %add3A_396 : i32 to index
        %get3A_403 = arith.constant 0 : index
        %get3A_404 = tpu.vector_load %arg15[%get3A_401, %get3A_402, %get3A_403] {strides = array<i32>} : memref<2x128x128xbf16, #tpu.memory_space<vmem>>, vector<32xbf16>,
        %add3A_405 = arith.addf %get3A_400, %get3A_404 : vector<32xbf16>
        %mul3A_406 = arith.mulf %add3A_405, %pack3A_394 : vector<32xbf16>
        %swap3A_407 = arith.index_cast %add3A_396 : i32 to index
        %swap3A_408 = arith.constant 0 : index
        %swap3A_409 = tpu.vector_load %arg16[%swap3A_407, %swap3A_408] {strides = array<i32>} : memref<128x128xbf16, #tpu.memory_space<vmem>>, vector<32xbf16>,
        tpu.vector_store %arg16[%swap3A_407, %swap3A_408], %mul3A_406 {strides = array<i32>} : memref<128x128xbf16, #tpu.memory_space<vmem>>, vector<32xbf16>,
        %get3A_410 = arith.index_cast %rem3A_162 : i32 to index
        %get3A_411 = arith.index_cast %add3A_396 : i32 to index
        %get3A_412 = arith.constant 32 : index
        %get3A_413 = tpu.vector_load %arg14[%get3A_410, %get3A_411, %get3A_412] {strides = array<i32>} : memref<2x128x128xbf16, #tpu.memory_space<vmem>>, vector<32xbf16>,
        %get3A_414 = arith.index_cast %rem3A_162 : i32 to index
        %get3A_415 = arith.index_cast %add3A_396 : i32 to index
        %get3A_416 = arith.constant 32 : index
        %get3A_417 = tpu.vector_load %arg15[%get3A_414, %get3A_415, %get3A_416] {strides = array<i32>} : memref<2x128x128xbf16, #tpu.memory_space<vmem>>, vector<32xbf16>,
        %add3A_418 = arith.addf %get3A_413, %get3A_417 : vector<32xbf16>
        %mul3A_419 = arith.mulf %add3A_418, %pack3A_394 : vector<32xbf16>
        %swap3A_420 = arith.index_cast %add3A_396 : i32 to index
        %swap3A_421 = arith.constant 32 : index
        %swap3A_422 = tpu.vector_load %arg16[%swap3A_420, %swap3A_421] {strides = array<i32>} : memref<128x128xbf16, #tpu.memory_space<vmem>>, vector<32xbf16>,
        tpu.vector_store %arg16[%swap3A_420, %swap3A_421], %mul3A_419 {strides = array<i32>} : memref<128x128xbf16, #tpu.memory_space<vmem>>, vector<32xbf16>,
        %get3A_423 = arith.index_cast %rem3A_162 : i32 to index
        %get3A_424 = arith.index_cast %add3A_396 : i32 to index
        %get3A_425 = arith.constant 64 : index
        %get3A_426 = tpu.vector_load %arg14[%get3A_423, %get3A_424, %get3A_425] {strides = array<i32>} : memref<2x128x128xbf16, #tpu.memory_space<vmem>>, vector<32xbf16>,
        %get3A_427 = arith.index_cast %rem3A_162 : i32 to index
        %get3A_428 = arith.index_cast %add3A_396 : i32 to index
        %get3A_429 = arith.constant 64 : index
        %get3A_430 = tpu.vector_load %arg15[%get3A_427, %get3A_428, %get3A_429] {strides = array<i32>} : memref<2x128x128xbf16, #tpu.memory_space<vmem>>, vector<32xbf16>,
        %add3A_431 = arith.addf %get3A_426, %get3A_430 : vector<32xbf16>
        %mul3A_432 = arith.mulf %add3A_431, %pack3A_394 : vector<32xbf16>
        %swap3A_433 = arith.index_cast %add3A_396 : i32 to index
        %swap3A_434 = arith.constant 64 : index
        %swap3A_435 = tpu.vector_load %arg16[%swap3A_433, %swap3A_434] {strides = array<i32>} : memref<128x128xbf16, #tpu.memory_space<vmem>>, vector<32xbf16>,
        tpu.vector_store %arg16[%swap3A_433, %swap3A_434], %mul3A_432 {strides = array<i32>} : memref<128x128xbf16, #tpu.memory_space<vmem>>, vector<32xbf16>,
        %get3A_436 = arith.index_cast %rem3A_162 : i32 to index
        %get3A_437 = arith.index_cast %add3A_396 : i32 to index
        %get3A_438 = arith.constant 96 : index
        %get3A_439 = tpu.vector_load %arg14[%get3A_436, %get3A_437, %get3A_438] {strides = array<i32>} : memref<2x128x128xbf16, #tpu.memory_space<vmem>>, vector<32xbf16>,
        %get3A_440 = arith.index_cast %rem3A_162 : i32 to index
        %get3A_441 = arith.index_cast %add3A_396 : i32 to index
        %get3A_442 = arith.constant 96 : index
        %get3A_443 = tpu.vector_load %arg15[%get3A_440, %get3A_441, %get3A_442] {strides = array<i32>} : memref<2x128x128xbf16, #tpu.memory_space<vmem>>, vector<32xbf16>,
        %add3A_444 = arith.addf %get3A_439, %get3A_443 : vector<32xbf16>
        %mul3A_445 = arith.mulf %add3A_444, %pack3A_394 : vector<32xbf16>
        %swap3A_446 = arith.index_cast %add3A_396 : i32 to index
        %swap3A_447 = arith.constant 96 : index
        %swap3A_448 = tpu.vector_load %arg16[%swap3A_446, %swap3A_447] {strides = array<i32>} : memref<128x128xbf16, #tpu.memory_space<vmem>>, vector<32xbf16>,
        tpu.vector_store %arg16[%swap3A_446, %swap3A_447], %mul3A_445 {strides = array<i32>} : memref<128x128xbf16, #tpu.memory_space<vmem>>, vector<32xbf16>,
        %slice3A_449 = vector.extract_strided_slice %get3A_220 {offsets = [4], sizes = [1], strides = [1]} : vector<16xf32> to vector<1xf32>
        %squeeze3A_450 = vector.extract %slice3A_449[0] : f32 from vector<1xf32>
        %broadcast_in_dim3A_451 = vector.broadcast %squeeze3A_450 : f32 to vector<16xf32>
        %pack3A_452 = tpu.pack_subelements %broadcast_in_dim3A_451, %broadcast_in_dim3A_451 {pack_format = #tpu.pack_format<interleaved>, positions = array<i32: 0, 1>} : vector<16xf32>, vector<16xf32> -> vector<32xbf16>
        %add3A_453 = arith.constant 4 : i32
        %add3A_454 = arith.addi %mul3A_219, %add3A_453 : i32
        %get3A_455 = arith.index_cast %rem3A_162 : i32 to index
        %get3A_456 = arith.index_cast %add3A_454 : i32 to index
        %get3A_457 = arith.constant 0 : index
        %get3A_458 = tpu.vector_load %arg14[%get3A_455, %get3A_456, %get3A_457] {strides = array<i32>} : memref<2x128x128xbf16, #tpu.memory_space<vmem>>, vector<32xbf16>,
        %get3A_459 = arith.index_cast %rem3A_162 : i32 to index
        %get3A_460 = arith.index_cast %add3A_454 : i32 to index
        %get3A_461 = arith.constant 0 : index
        %get3A_462 = tpu.vector_load %arg15[%get3A_459, %get3A_460, %get3A_461] {strides = array<i32>} : memref<2x128x128xbf16, #tpu.memory_space<vmem>>, vector<32xbf16>,
        %add3A_463 = arith.addf %get3A_458, %get3A_462 : vector<32xbf16>
        %mul3A_464 = arith.mulf %add3A_463, %pack3A_452 : vector<32xbf16>
        %swap3A_465 = arith.index_cast %add3A_454 : i32 to index
        %swap3A_466 = arith.constant 0 : index
        %swap3A_467 = tpu.vector_load %arg16[%swap3A_465, %swap3A_466] {strides = array<i32>} : memref<128x128xbf16, #tpu.memory_space<vmem>>, vector<32xbf16>,
        tpu.vector_store %arg16[%swap3A_465, %swap3A_466], %mul3A_464 {strides = array<i32>} : memref<128x128xbf16, #tpu.memory_space<vmem>>, vector<32xbf16>,
        %get3A_468 = arith.index_cast %rem3A_162 : i32 to index
        %get3A_469 = arith.index_cast %add3A_454 : i32 to index
        %get3A_470 = arith.constant 32 : index
        %get3A_471 = tpu.vector_load %arg14[%get3A_468, %get3A_469, %get3A_470] {strides = array<i32>} : memref<2x128x128xbf16, #tpu.memory_space<vmem>>, vector<32xbf16>,
        %get3A_472 = arith.index_cast %rem3A_162 : i32 to index
        %get3A_473 = arith.index_cast %add3A_454 : i32 to index
        %get3A_474 = arith.constant 32 : index
        %get3A_475 = tpu.vector_load %arg15[%get3A_472, %get3A_473, %get3A_474] {strides = array<i32>} : memref<2x128x128xbf16, #tpu.memory_space<vmem>>, vector<32xbf16>,
        %add3A_476 = arith.addf %get3A_471, %get3A_475 : vector<32xbf16>
        %mul3A_477 = arith.mulf %add3A_476, %pack3A_452 : vector<32xbf16>
        %swap3A_478 = arith.index_cast %add3A_454 : i32 to index
        %swap3A_479 = arith.constant 32 : index
        %swap3A_480 = tpu.vector_load %arg16[%swap3A_478, %swap3A_479] {strides = array<i32>} : memref<128x128xbf16, #tpu.memory_space<vmem>>, vector<32xbf16>,
        tpu.vector_store %arg16[%swap3A_478, %swap3A_479], %mul3A_477 {strides = array<i32>} : memref<128x128xbf16, #tpu.memory_space<vmem>>, vector<32xbf16>,
        %get3A_481 = arith.index_cast %rem3A_162 : i32 to index
        %get3A_482 = arith.index_cast %add3A_454 : i32 to index
        %get3A_483 = arith.constant 64 : index
        %get3A_484 = tpu.vector_load %arg14[%get3A_481, %get3A_482, %get3A_483] {strides = array<i32>} : memref<2x128x128xbf16, #tpu.memory_space<vmem>>, vector<32xbf16>,
        %get3A_485 = arith.index_cast %rem3A_162 : i32 to index
        %get3A_486 = arith.index_cast %add3A_454 : i32 to index
        %get3A_487 = arith.constant 64 : index
        %get3A_488 = tpu.vector_load %arg15[%get3A_485, %get3A_486, %get3A_487] {strides = array<i32>} : memref<2x128x128xbf16, #tpu.memory_space<vmem>>, vector<32xbf16>,
        %add3A_489 = arith.addf %get3A_484, %get3A_488 : vector<32xbf16>
        %mul3A_490 = arith.mulf %add3A_489, %pack3A_452 : vector<32xbf16>
        %swap3A_491 = arith.index_cast %add3A_454 : i32 to index
        %swap3A_492 = arith.constant 64 : index
        %swap3A_493 = tpu.vector_load %arg16[%swap3A_491, %swap3A_492] {strides = array<i32>} : memref<128x128xbf16, #tpu.memory_space<vmem>>, vector<32xbf16>,
        tpu.vector_store %arg16[%swap3A_491, %swap3A_492], %mul3A_490 {strides = array<i32>} : memref<128x128xbf16, #tpu.memory_space<vmem>>, vector<32xbf16>,
        %get3A_494 = arith.index_cast %rem3A_162 : i32 to index
        %get3A_495 = arith.index_cast %add3A_454 : i32 to index
        %get3A_496 = arith.constant 96 : index
        %get3A_497 = tpu.vector_load %arg14[%get3A_494, %get3A_495, %get3A_496] {strides = array<i32>} : memref<2x128x128xbf16, #tpu.memory_space<vmem>>, vector<32xbf16>,
        %get3A_498 = arith.index_cast %rem3A_162 : i32 to index
        %get3A_499 = arith.index_cast %add3A_454 : i32 to index
        %get3A_500 = arith.constant 96 : index
        %get3A_501 = tpu.vector_load %arg15[%get3A_498, %get3A_499, %get3A_500] {strides = array<i32>} : memref<2x128x128xbf16, #tpu.memory_space<vmem>>, vector<32xbf16>,
        %add3A_502 = arith.addf %get3A_497, %get3A_501 : vector<32xbf16>
        %mul3A_503 = arith.mulf %add3A_502, %pack3A_452 : vector<32xbf16>
        %swap3A_504 = arith.index_cast %add3A_454 : i32 to index
        %swap3A_505 = arith.constant 96 : index
        %swap3A_506 = tpu.vector_load %arg16[%swap3A_504, %swap3A_505] {strides = array<i32>} : memref<128x128xbf16, #tpu.memory_space<vmem>>, vector<32xbf16>,
        tpu.vector_store %arg16[%swap3A_504, %swap3A_505], %mul3A_503 {strides = array<i32>} : memref<128x128xbf16, #tpu.memory_space<vmem>>, vector<32xbf16>,
        %slice3A_507 = vector.extract_strided_slice %get3A_220 {offsets = [5], sizes = [1], strides = [1]} : vector<16xf32> to vector<1xf32>
        %squeeze3A_508 = vector.extract %slice3A_507[0] : f32 from vector<1xf32>
        %broadcast_in_dim3A_509 = vector.broadcast %squeeze3A_508 : f32 to vector<16xf32>
        %pack3A_510 = tpu.pack_subelements %broadcast_in_dim3A_509, %broadcast_in_dim3A_509 {pack_format = #tpu.pack_format<interleaved>, positions = array<i32: 0, 1>} : vector<16xf32>, vector<16xf32> -> vector<32xbf16>
        %add3A_511 = arith.constant 5 : i32
        %add3A_512 = arith.addi %mul3A_219, %add3A_511 : i32
        %get3A_513 = arith.index_cast %rem3A_162 : i32 to index
        %get3A_514 = arith.index_cast %add3A_512 : i32 to index
        %get3A_515 = arith.constant 0 : index
        %get3A_516 = tpu.vector_load %arg14[%get3A_513, %get3A_514, %get3A_515] {strides = array<i32>} : memref<2x128x128xbf16, #tpu.memory_space<vmem>>, vector<32xbf16>,
        %get3A_517 = arith.index_cast %rem3A_162 : i32 to index
        %get3A_518 = arith.index_cast %add3A_512 : i32 to index
        %get3A_519 = arith.constant 0 : index
        %get3A_520 = tpu.vector_load %arg15[%get3A_517, %get3A_518, %get3A_519] {strides = array<i32>} : memref<2x128x128xbf16, #tpu.memory_space<vmem>>, vector<32xbf16>,
        %add3A_521 = arith.addf %get3A_516, %get3A_520 : vector<32xbf16>
        %mul3A_522 = arith.mulf %add3A_521, %pack3A_510 : vector<32xbf16>
        %swap3A_523 = arith.index_cast %add3A_512 : i32 to index
        %swap3A_524 = arith.constant 0 : index
        %swap3A_525 = tpu.vector_load %arg16[%swap3A_523, %swap3A_524] {strides = array<i32>} : memref<128x128xbf16, #tpu.memory_space<vmem>>, vector<32xbf16>,
        tpu.vector_store %arg16[%swap3A_523, %swap3A_524], %mul3A_522 {strides = array<i32>} : memref<128x128xbf16, #tpu.memory_space<vmem>>, vector<32xbf16>,
        %get3A_526 = arith.index_cast %rem3A_162 : i32 to index
        %get3A_527 = arith.index_cast %add3A_512 : i32 to index
        %get3A_528 = arith.constant 32 : index
        %get3A_529 = tpu.vector_load %arg14[%get3A_526, %get3A_527, %get3A_528] {strides = array<i32>} : memref<2x128x128xbf16, #tpu.memory_space<vmem>>, vector<32xbf16>,
        %get3A_530 = arith.index_cast %rem3A_162 : i32 to index
        %get3A_531 = arith.index_cast %add3A_512 : i32 to index
        %get3A_532 = arith.constant 32 : index
        %get3A_533 = tpu.vector_load %arg15[%get3A_530, %get3A_531, %get3A_532] {strides = array<i32>} : memref<2x128x128xbf16, #tpu.memory_space<vmem>>, vector<32xbf16>,
        %add3A_534 = arith.addf %get3A_529, %get3A_533 : vector<32xbf16>
        %mul3A_535 = arith.mulf %add3A_534, %pack3A_510 : vector<32xbf16>
        %swap3A_536 = arith.index_cast %add3A_512 : i32 to index
        %swap3A_537 = arith.constant 32 : index
        %swap3A_538 = tpu.vector_load %arg16[%swap3A_536, %swap3A_537] {strides = array<i32>} : memref<128x128xbf16, #tpu.memory_space<vmem>>, vector<32xbf16>,
        tpu.vector_store %arg16[%swap3A_536, %swap3A_537], %mul3A_535 {strides = array<i32>} : memref<128x128xbf16, #tpu.memory_space<vmem>>, vector<32xbf16>,
        %get3A_539 = arith.index_cast %rem3A_162 : i32 to index
        %get3A_540 = arith.index_cast %add3A_512 : i32 to index
        %get3A_541 = arith.constant 64 : index
        %get3A_542 = tpu.vector_load %arg14[%get3A_539, %get3A_540, %get3A_541] {strides = array<i32>} : memref<2x128x128xbf16, #tpu.memory_space<vmem>>, vector<32xbf16>,
        %get3A_543 = arith.index_cast %rem3A_162 : i32 to index
        %get3A_544 = arith.index_cast %add3A_512 : i32 to index
        %get3A_545 = arith.constant 64 : index
        %get3A_546 = tpu.vector_load %arg15[%get3A_543, %get3A_544, %get3A_545] {strides = array<i32>} : memref<2x128x128xbf16, #tpu.memory_space<vmem>>, vector<32xbf16>,
        %add3A_547 = arith.addf %get3A_542, %get3A_546 : vector<32xbf16>
        %mul3A_548 = arith.mulf %add3A_547, %pack3A_510 : vector<32xbf16>
        %swap3A_549 = arith.index_cast %add3A_512 : i32 to index
        %swap3A_550 = arith.constant 64 : index
        %swap3A_551 = tpu.vector_load %arg16[%swap3A_549, %swap3A_550] {strides = array<i32>} : memref<128x128xbf16, #tpu.memory_space<vmem>>, vector<32xbf16>,
        tpu.vector_store %arg16[%swap3A_549, %swap3A_550], %mul3A_548 {strides = array<i32>} : memref<128x128xbf16, #tpu.memory_space<vmem>>, vector<32xbf16>,
        %get3A_552 = arith.index_cast %rem3A_162 : i32 to index
        %get3A_553 = arith.index_cast %add3A_512 : i32 to index
        %get3A_554 = arith.constant 96 : index
        %get3A_555 = tpu.vector_load %arg14[%get3A_552, %get3A_553, %get3A_554] {strides = array<i32>} : memref<2x128x128xbf16, #tpu.memory_space<vmem>>, vector<32xbf16>,
        %get3A_556 = arith.index_cast %rem3A_162 : i32 to index
        %get3A_557 = arith.index_cast %add3A_512 : i32 to index
        %get3A_558 = arith.constant 96 : index
        %get3A_559 = tpu.vector_load %arg15[%get3A_556, %get3A_557, %get3A_558] {strides = array<i32>} : memref<2x128x128xbf16, #tpu.memory_space<vmem>>, vector<32xbf16>,
        %add3A_560 = arith.addf %get3A_555, %get3A_559 : vector<32xbf16>
        %mul3A_561 = arith.mulf %add3A_560, %pack3A_510 : vector<32xbf16>
        %swap3A_562 = arith.index_cast %add3A_512 : i32 to index
        %swap3A_563 = arith.constant 96 : index
        %swap3A_564 = tpu.vector_load %arg16[%swap3A_562, %swap3A_563] {strides = array<i32>} : memref<128x128xbf16, #tpu.memory_space<vmem>>, vector<32xbf16>,
        tpu.vector_store %arg16[%swap3A_562, %swap3A_563], %mul3A_561 {strides = array<i32>} : memref<128x128xbf16, #tpu.memory_space<vmem>>, vector<32xbf16>,
        %slice3A_565 = vector.extract_strided_slice %get3A_220 {offsets = [6], sizes = [1], strides = [1]} : vector<16xf32> to vector<1xf32>
        %squeeze3A_566 = vector.extract %slice3A_565[0] : f32 from vector<1xf32>
        %broadcast_in_dim3A_567 = vector.broadcast %squeeze3A_566 : f32 to vector<16xf32>
        %pack3A_568 = tpu.pack_subelements %broadcast_in_dim3A_567, %broadcast_in_dim3A_567 {pack_format = #tpu.pack_format<interleaved>, positions = array<i32: 0, 1>} : vector<16xf32>, vector<16xf32> -> vector<32xbf16>
        %add3A_569 = arith.constant 6 : i32
        %add3A_570 = arith.addi %mul3A_219, %add3A_569 : i32
        %get3A_571 = arith.index_cast %rem3A_162 : i32 to index
        %get3A_572 = arith.index_cast %add3A_570 : i32 to index
        %get3A_573 = arith.constant 0 : index
        %get3A_574 = tpu.vector_load %arg14[%get3A_571, %get3A_572, %get3A_573] {strides = array<i32>} : memref<2x128x128xbf16, #tpu.memory_space<vmem>>, vector<32xbf16>,
        %get3A_575 = arith.index_cast %rem3A_162 : i32 to index
        %get3A_576 = arith.index_cast %add3A_570 : i32 to index
        %get3A_577 = arith.constant 0 : index
        %get3A_578 = tpu.vector_load %arg15[%get3A_575, %get3A_576, %get3A_577] {strides = array<i32>} : memref<2x128x128xbf16, #tpu.memory_space<vmem>>, vector<32xbf16>,
        %add3A_579 = arith.addf %get3A_574, %get3A_578 : vector<32xbf16>
        %mul3A_580 = arith.mulf %add3A_579, %pack3A_568 : vector<32xbf16>
        %swap3A_581 = arith.index_cast %add3A_570 : i32 to index
        %swap3A_582 = arith.constant 0 : index
        %swap3A_583 = tpu.vector_load %arg16[%swap3A_581, %swap3A_582] {strides = array<i32>} : memref<128x128xbf16, #tpu.memory_space<vmem>>, vector<32xbf16>,
        tpu.vector_store %arg16[%swap3A_581, %swap3A_582], %mul3A_580 {strides = array<i32>} : memref<128x128xbf16, #tpu.memory_space<vmem>>, vector<32xbf16>,
        %get3A_584 = arith.index_cast %rem3A_162 : i32 to index
        %get3A_585 = arith.index_cast %add3A_570 : i32 to index
        %get3A_586 = arith.constant 32 : index
        %get3A_587 = tpu.vector_load %arg14[%get3A_584, %get3A_585, %get3A_586] {strides = array<i32>} : memref<2x128x128xbf16, #tpu.memory_space<vmem>>, vector<32xbf16>,
        %get3A_588 = arith.index_cast %rem3A_162 : i32 to index
        %get3A_589 = arith.index_cast %add3A_570 : i32 to index
        %get3A_590 = arith.constant 32 : index
        %get3A_591 = tpu.vector_load %arg15[%get3A_588, %get3A_589, %get3A_590] {strides = array<i32>} : memref<2x128x128xbf16, #tpu.memory_space<vmem>>, vector<32xbf16>,
        %add3A_592 = arith.addf %get3A_587, %get3A_591 : vector<32xbf16>
        %mul3A_593 = arith.mulf %add3A_592, %pack3A_568 : vector<32xbf16>
        %swap3A_594 = arith.index_cast %add3A_570 : i32 to index
        %swap3A_595 = arith.constant 32 : index
        %swap3A_596 = tpu.vector_load %arg16[%swap3A_594, %swap3A_595] {strides = array<i32>} : memref<128x128xbf16, #tpu.memory_space<vmem>>, vector<32xbf16>,
        tpu.vector_store %arg16[%swap3A_594, %swap3A_595], %mul3A_593 {strides = array<i32>} : memref<128x128xbf16, #tpu.memory_space<vmem>>, vector<32xbf16>,
        %get3A_597 = arith.index_cast %rem3A_162 : i32 to index
        %get3A_598 = arith.index_cast %add3A_570 : i32 to index
        %get3A_599 = arith.constant 64 : index
        %get3A_600 = tpu.vector_load %arg14[%get3A_597, %get3A_598, %get3A_599] {strides = array<i32>} : memref<2x128x128xbf16, #tpu.memory_space<vmem>>, vector<32xbf16>,
        %get3A_601 = arith.index_cast %rem3A_162 : i32 to index
        %get3A_602 = arith.index_cast %add3A_570 : i32 to index
        %get3A_603 = arith.constant 64 : index
        %get3A_604 = tpu.vector_load %arg15[%get3A_601, %get3A_602, %get3A_603] {strides = array<i32>} : memref<2x128x128xbf16, #tpu.memory_space<vmem>>, vector<32xbf16>,
        %add3A_605 = arith.addf %get3A_600, %get3A_604 : vector<32xbf16>
        %mul3A_606 = arith.mulf %add3A_605, %pack3A_568 : vector<32xbf16>
        %swap3A_607 = arith.index_cast %add3A_570 : i32 to index
        %swap3A_608 = arith.constant 64 : index
        %swap3A_609 = tpu.vector_load %arg16[%swap3A_607, %swap3A_608] {strides = array<i32>} : memref<128x128xbf16, #tpu.memory_space<vmem>>, vector<32xbf16>,
        tpu.vector_store %arg16[%swap3A_607, %swap3A_608], %mul3A_606 {strides = array<i32>} : memref<128x128xbf16, #tpu.memory_space<vmem>>, vector<32xbf16>,
        %get3A_610 = arith.index_cast %rem3A_162 : i32 to index
        %get3A_611 = arith.index_cast %add3A_570 : i32 to index
        %get3A_612 = arith.constant 96 : index
        %get3A_613 = tpu.vector_load %arg14[%get3A_610, %get3A_611, %get3A_612] {strides = array<i32>} : memref<2x128x128xbf16, #tpu.memory_space<vmem>>, vector<32xbf16>,
        %get3A_614 = arith.index_cast %rem3A_162 : i32 to index
        %get3A_615 = arith.index_cast %add3A_570 : i32 to index
        %get3A_616 = arith.constant 96 : index
        %get3A_617 = tpu.vector_load %arg15[%get3A_614, %get3A_615, %get3A_616] {strides = array<i32>} : memref<2x128x128xbf16, #tpu.memory_space<vmem>>, vector<32xbf16>,
        %add3A_618 = arith.addf %get3A_613, %get3A_617 : vector<32xbf16>
        %mul3A_619 = arith.mulf %add3A_618, %pack3A_568 : vector<32xbf16>
        %swap3A_620 = arith.index_cast %add3A_570 : i32 to index
        %swap3A_621 = arith.constant 96 : index
        %swap3A_622 = tpu.vector_load %arg16[%swap3A_620, %swap3A_621] {strides = array<i32>} : memref<128x128xbf16, #tpu.memory_space<vmem>>, vector<32xbf16>,
        tpu.vector_store %arg16[%swap3A_620, %swap3A_621], %mul3A_619 {strides = array<i32>} : memref<128x128xbf16, #tpu.memory_space<vmem>>, vector<32xbf16>,
        %slice3A_623 = vector.extract_strided_slice %get3A_220 {offsets = [7], sizes = [1], strides = [1]} : vector<16xf32> to vector<1xf32>
        %squeeze3A_624 = vector.extract %slice3A_623[0] : f32 from vector<1xf32>
        %broadcast_in_dim3A_625 = vector.broadcast %squeeze3A_624 : f32 to vector<16xf32>
        %pack3A_626 = tpu.pack_subelements %broadcast_in_dim3A_625, %broadcast_in_dim3A_625 {pack_format = #tpu.pack_format<interleaved>, positions = array<i32: 0, 1>} : vector<16xf32>, vector<16xf32> -> vector<32xbf16>
        %add3A_627 = arith.constant 7 : i32
        %add3A_628 = arith.addi %mul3A_219, %add3A_627 : i32
        %get3A_629 = arith.index_cast %rem3A_162 : i32 to index
        %get3A_630 = arith.index_cast %add3A_628 : i32 to index
        %get3A_631 = arith.constant 0 : index
        %get3A_632 = tpu.vector_load %arg14[%get3A_629, %get3A_630, %get3A_631] {strides = array<i32>} : memref<2x128x128xbf16, #tpu.memory_space<vmem>>, vector<32xbf16>,
        %get3A_633 = arith.index_cast %rem3A_162 : i32 to index
        %get3A_634 = arith.index_cast %add3A_628 : i32 to index
        %get3A_635 = arith.constant 0 : index
        %get3A_636 = tpu.vector_load %arg15[%get3A_633, %get3A_634, %get3A_635] {strides = array<i32>} : memref<2x128x128xbf16, #tpu.memory_space<vmem>>, vector<32xbf16>,
        %add3A_637 = arith.addf %get3A_632, %get3A_636 : vector<32xbf16>
        %mul3A_638 = arith.mulf %add3A_637, %pack3A_626 : vector<32xbf16>
        %swap3A_639 = arith.index_cast %add3A_628 : i32 to index
        %swap3A_640 = arith.constant 0 : index
        %swap3A_641 = tpu.vector_load %arg16[%swap3A_639, %swap3A_640] {strides = array<i32>} : memref<128x128xbf16, #tpu.memory_space<vmem>>, vector<32xbf16>,
        tpu.vector_store %arg16[%swap3A_639, %swap3A_640], %mul3A_638 {strides = array<i32>} : memref<128x128xbf16, #tpu.memory_space<vmem>>, vector<32xbf16>,
        %get3A_642 = arith.index_cast %rem3A_162 : i32 to index
        %get3A_643 = arith.index_cast %add3A_628 : i32 to index
        %get3A_644 = arith.constant 32 : index
        %get3A_645 = tpu.vector_load %arg14[%get3A_642, %get3A_643, %get3A_644] {strides = array<i32>} : memref<2x128x128xbf16, #tpu.memory_space<vmem>>, vector<32xbf16>,
        %get3A_646 = arith.index_cast %rem3A_162 : i32 to index
        %get3A_647 = arith.index_cast %add3A_628 : i32 to index
        %get3A_648 = arith.constant 32 : index
        %get3A_649 = tpu.vector_load %arg15[%get3A_646, %get3A_647, %get3A_648] {strides = array<i32>} : memref<2x128x128xbf16, #tpu.memory_space<vmem>>, vector<32xbf16>,
        %add3A_650 = arith.addf %get3A_645, %get3A_649 : vector<32xbf16>
        %mul3A_651 = arith.mulf %add3A_650, %pack3A_626 : vector<32xbf16>
        %swap3A_652 = arith.index_cast %add3A_628 : i32 to index
        %swap3A_653 = arith.constant 32 : index
        %swap3A_654 = tpu.vector_load %arg16[%swap3A_652, %swap3A_653] {strides = array<i32>} : memref<128x128xbf16, #tpu.memory_space<vmem>>, vector<32xbf16>,
        tpu.vector_store %arg16[%swap3A_652, %swap3A_653], %mul3A_651 {strides = array<i32>} : memref<128x128xbf16, #tpu.memory_space<vmem>>, vector<32xbf16>,
        %get3A_655 = arith.index_cast %rem3A_162 : i32 to index
        %get3A_656 = arith.index_cast %add3A_628 : i32 to index
        %get3A_657 = arith.constant 64 : index
        %get3A_658 = tpu.vector_load %arg14[%get3A_655, %get3A_656, %get3A_657] {strides = array<i32>} : memref<2x128x128xbf16, #tpu.memory_space<vmem>>, vector<32xbf16>,
        %get3A_659 = arith.index_cast %rem3A_162 : i32 to index
        %get3A_660 = arith.index_cast %add3A_628 : i32 to index
        %get3A_661 = arith.constant 64 : index
        %get3A_662 = tpu.vector_load %arg15[%get3A_659, %get3A_660, %get3A_661] {strides = array<i32>} : memref<2x128x128xbf16, #tpu.memory_space<vmem>>, vector<32xbf16>,
        %add3A_663 = arith.addf %get3A_658, %get3A_662 : vector<32xbf16>
        %mul3A_664 = arith.mulf %add3A_663, %pack3A_626 : vector<32xbf16>
        %swap3A_665 = arith.index_cast %add3A_628 : i32 to index
        %swap3A_666 = arith.constant 64 : index
        %swap3A_667 = tpu.vector_load %arg16[%swap3A_665, %swap3A_666] {strides = array<i32>} : memref<128x128xbf16, #tpu.memory_space<vmem>>, vector<32xbf16>,
        tpu.vector_store %arg16[%swap3A_665, %swap3A_666], %mul3A_664 {strides = array<i32>} : memref<128x128xbf16, #tpu.memory_space<vmem>>, vector<32xbf16>,
        %get3A_668 = arith.index_cast %rem3A_162 : i32 to index
        %get3A_669 = arith.index_cast %add3A_628 : i32 to index
        %get3A_670 = arith.constant 96 : index
        %get3A_671 = tpu.vector_load %arg14[%get3A_668, %get3A_669, %get3A_670] {strides = array<i32>} : memref<2x128x128xbf16, #tpu.memory_space<vmem>>, vector<32xbf16>,
        %get3A_672 = arith.index_cast %rem3A_162 : i32 to index
        %get3A_673 = arith.index_cast %add3A_628 : i32 to index
        %get3A_674 = arith.constant 96 : index
        %get3A_675 = tpu.vector_load %arg15[%get3A_672, %get3A_673, %get3A_674] {strides = array<i32>} : memref<2x128x128xbf16, #tpu.memory_space<vmem>>, vector<32xbf16>,
        %add3A_676 = arith.addf %get3A_671, %get3A_675 : vector<32xbf16>
        %mul3A_677 = arith.mulf %add3A_676, %pack3A_626 : vector<32xbf16>
        %swap3A_678 = arith.index_cast %add3A_628 : i32 to index
        %swap3A_679 = arith.constant 96 : index
        %swap3A_680 = tpu.vector_load %arg16[%swap3A_678, %swap3A_679] {strides = array<i32>} : memref<128x128xbf16, #tpu.memory_space<vmem>>, vector<32xbf16>,
        tpu.vector_store %arg16[%swap3A_678, %swap3A_679], %mul3A_677 {strides = array<i32>} : memref<128x128xbf16, #tpu.memory_space<vmem>>, vector<32xbf16>,
        %slice3A_681 = vector.extract_strided_slice %get3A_220 {offsets = [8], sizes = [1], strides = [1]} : vector<16xf32> to vector<1xf32>
        %squeeze3A_682 = vector.extract %slice3A_681[0] : f32 from vector<1xf32>
        %broadcast_in_dim3A_683 = vector.broadcast %squeeze3A_682 : f32 to vector<16xf32>
        %pack3A_684 = tpu.pack_subelements %broadcast_in_dim3A_683, %broadcast_in_dim3A_683 {pack_format = #tpu.pack_format<interleaved>, positions = array<i32: 0, 1>} : vector<16xf32>, vector<16xf32> -> vector<32xbf16>
        %add3A_685 = arith.constant 8 : i32
        %add3A_686 = arith.addi %mul3A_219, %add3A_685 : i32
        %get3A_687 = arith.index_cast %rem3A_162 : i32 to index
        %get3A_688 = arith.index_cast %add3A_686 : i32 to index
        %get3A_689 = arith.constant 0 : index
        %get3A_690 = tpu.vector_load %arg14[%get3A_687, %get3A_688, %get3A_689] {strides = array<i32>} : memref<2x128x128xbf16, #tpu.memory_space<vmem>>, vector<32xbf16>,
        %get3A_691 = arith.index_cast %rem3A_162 : i32 to index
        %get3A_692 = arith.index_cast %add3A_686 : i32 to index
        %get3A_693 = arith.constant 0 : index
        %get3A_694 = tpu.vector_load %arg15[%get3A_691, %get3A_692, %get3A_693] {strides = array<i32>} : memref<2x128x128xbf16, #tpu.memory_space<vmem>>, vector<32xbf16>,
        %add3A_695 = arith.addf %get3A_690, %get3A_694 : vector<32xbf16>
        %mul3A_696 = arith.mulf %add3A_695, %pack3A_684 : vector<32xbf16>
        %swap3A_697 = arith.index_cast %add3A_686 : i32 to index
        %swap3A_698 = arith.constant 0 : index
        %swap3A_699 = tpu.vector_load %arg16[%swap3A_697, %swap3A_698] {strides = array<i32>} : memref<128x128xbf16, #tpu.memory_space<vmem>>, vector<32xbf16>,
        tpu.vector_store %arg16[%swap3A_697, %swap3A_698], %mul3A_696 {strides = array<i32>} : memref<128x128xbf16, #tpu.memory_space<vmem>>, vector<32xbf16>,
        %get3A_700 = arith.index_cast %rem3A_162 : i32 to index
        %get3A_701 = arith.index_cast %add3A_686 : i32 to index
        %get3A_702 = arith.constant 32 : index
        %get3A_703 = tpu.vector_load %arg14[%get3A_700, %get3A_701, %get3A_702] {strides = array<i32>} : memref<2x128x128xbf16, #tpu.memory_space<vmem>>, vector<32xbf16>,
        %get3A_704 = arith.index_cast %rem3A_162 : i32 to index
        %get3A_705 = arith.index_cast %add3A_686 : i32 to index
        %get3A_706 = arith.constant 32 : index
        %get3A_707 = tpu.vector_load %arg15[%get3A_704, %get3A_705, %get3A_706] {strides = array<i32>} : memref<2x128x128xbf16, #tpu.memory_space<vmem>>, vector<32xbf16>,
        %add3A_708 = arith.addf %get3A_703, %get3A_707 : vector<32xbf16>
        %mul3A_709 = arith.mulf %add3A_708, %pack3A_684 : vector<32xbf16>
        %swap3A_710 = arith.index_cast %add3A_686 : i32 to index
        %swap3A_711 = arith.constant 32 : index
        %swap3A_712 = tpu.vector_load %arg16[%swap3A_710, %swap3A_711] {strides = array<i32>} : memref<128x128xbf16, #tpu.memory_space<vmem>>, vector<32xbf16>,
        tpu.vector_store %arg16[%swap3A_710, %swap3A_711], %mul3A_709 {strides = array<i32>} : memref<128x128xbf16, #tpu.memory_space<vmem>>, vector<32xbf16>,
        %get3A_713 = arith.index_cast %rem3A_162 : i32 to index
        %get3A_714 = arith.index_cast %add3A_686 : i32 to index
        %get3A_715 = arith.constant 64 : index
        %get3A_716 = tpu.vector_load %arg14[%get3A_713, %get3A_714, %get3A_715] {strides = array<i32>} : memref<2x128x128xbf16, #tpu.memory_space<vmem>>, vector<32xbf16>,
        %get3A_717 = arith.index_cast %rem3A_162 : i32 to index
        %get3A_718 = arith.index_cast %add3A_686 : i32 to index
        %get3A_719 = arith.constant 64 : index
        %get3A_720 = tpu.vector_load %arg15[%get3A_717, %get3A_718, %get3A_719] {strides = array<i32>} : memref<2x128x128xbf16, #tpu.memory_space<vmem>>, vector<32xbf16>,
        %add3A_721 = arith.addf %get3A_716, %get3A_720 : vector<32xbf16>
        %mul3A_722 = arith.mulf %add3A_721, %pack3A_684 : vector<32xbf16>
        %swap3A_723 = arith.index_cast %add3A_686 : i32 to index
        %swap3A_724 = arith.constant 64 : index
        %swap3A_725 = tpu.vector_load %arg16[%swap3A_723, %swap3A_724] {strides = array<i32>} : memref<128x128xbf16, #tpu.memory_space<vmem>>, vector<32xbf16>,
        tpu.vector_store %arg16[%swap3A_723, %swap3A_724], %mul3A_722 {strides = array<i32>} : memref<128x128xbf16, #tpu.memory_space<vmem>>, vector<32xbf16>,
        %get3A_726 = arith.index_cast %rem3A_162 : i32 to index
        %get3A_727 = arith.index_cast %add3A_686 : i32 to index
        %get3A_728 = arith.constant 96 : index
        %get3A_729 = tpu.vector_load %arg14[%get3A_726, %get3A_727, %get3A_728] {strides = array<i32>} : memref<2x128x128xbf16, #tpu.memory_space<vmem>>, vector<32xbf16>,
        %get3A_730 = arith.index_cast %rem3A_162 : i32 to index
        %get3A_731 = arith.index_cast %add3A_686 : i32 to index
        %get3A_732 = arith.constant 96 : index
        %get3A_733 = tpu.vector_load %arg15[%get3A_730, %get3A_731, %get3A_732] {strides = array<i32>} : memref<2x128x128xbf16, #tpu.memory_space<vmem>>, vector<32xbf16>,
        %add3A_734 = arith.addf %get3A_729, %get3A_733 : vector<32xbf16>
        %mul3A_735 = arith.mulf %add3A_734, %pack3A_684 : vector<32xbf16>
        %swap3A_736 = arith.index_cast %add3A_686 : i32 to index
        %swap3A_737 = arith.constant 96 : index
        %swap3A_738 = tpu.vector_load %arg16[%swap3A_736, %swap3A_737] {strides = array<i32>} : memref<128x128xbf16, #tpu.memory_space<vmem>>, vector<32xbf16>,
        tpu.vector_store %arg16[%swap3A_736, %swap3A_737], %mul3A_735 {strides = array<i32>} : memref<128x128xbf16, #tpu.memory_space<vmem>>, vector<32xbf16>,
        %slice3A_739 = vector.extract_strided_slice %get3A_220 {offsets = [9], sizes = [1], strides = [1]} : vector<16xf32> to vector<1xf32>
        %squeeze3A_740 = vector.extract %slice3A_739[0] : f32 from vector<1xf32>
        %broadcast_in_dim3A_741 = vector.broadcast %squeeze3A_740 : f32 to vector<16xf32>
        %pack3A_742 = tpu.pack_subelements %broadcast_in_dim3A_741, %broadcast_in_dim3A_741 {pack_format = #tpu.pack_format<interleaved>, positions = array<i32: 0, 1>} : vector<16xf32>, vector<16xf32> -> vector<32xbf16>
        %add3A_743 = arith.constant 9 : i32
        %add3A_744 = arith.addi %mul3A_219, %add3A_743 : i32
        %get3A_745 = arith.index_cast %rem3A_162 : i32 to index
        %get3A_746 = arith.index_cast %add3A_744 : i32 to index
        %get3A_747 = arith.constant 0 : index
        %get3A_748 = tpu.vector_load %arg14[%get3A_745, %get3A_746, %get3A_747] {strides = array<i32>} : memref<2x128x128xbf16, #tpu.memory_space<vmem>>, vector<32xbf16>,
        %get3A_749 = arith.index_cast %rem3A_162 : i32 to index
        %get3A_750 = arith.index_cast %add3A_744 : i32 to index
        %get3A_751 = arith.constant 0 : index
        %get3A_752 = tpu.vector_load %arg15[%get3A_749, %get3A_750, %get3A_751] {strides = array<i32>} : memref<2x128x128xbf16, #tpu.memory_space<vmem>>, vector<32xbf16>,
        %add3A_753 = arith.addf %get3A_748, %get3A_752 : vector<32xbf16>
        %mul3A_754 = arith.mulf %add3A_753, %pack3A_742 : vector<32xbf16>
        %swap3A_755 = arith.index_cast %add3A_744 : i32 to index
        %swap3A_756 = arith.constant 0 : index
        %swap3A_757 = tpu.vector_load %arg16[%swap3A_755, %swap3A_756] {strides = array<i32>} : memref<128x128xbf16, #tpu.memory_space<vmem>>, vector<32xbf16>,
        tpu.vector_store %arg16[%swap3A_755, %swap3A_756], %mul3A_754 {strides = array<i32>} : memref<128x128xbf16, #tpu.memory_space<vmem>>, vector<32xbf16>,
        %get3A_758 = arith.index_cast %rem3A_162 : i32 to index
        %get3A_759 = arith.index_cast %add3A_744 : i32 to index
        %get3A_760 = arith.constant 32 : index
        %get3A_761 = tpu.vector_load %arg14[%get3A_758, %get3A_759, %get3A_760] {strides = array<i32>} : memref<2x128x128xbf16, #tpu.memory_space<vmem>>, vector<32xbf16>,
        %get3A_762 = arith.index_cast %rem3A_162 : i32 to index
        %get3A_763 = arith.index_cast %add3A_744 : i32 to index
        %get3A_764 = arith.constant 32 : index
        %get3A_765 = tpu.vector_load %arg15[%get3A_762, %get3A_763, %get3A_764] {strides = array<i32>} : memref<2x128x128xbf16, #tpu.memory_space<vmem>>, vector<32xbf16>,
        %add3A_766 = arith.addf %get3A_761, %get3A_765 : vector<32xbf16>
        %mul3A_767 = arith.mulf %add3A_766, %pack3A_742 : vector<32xbf16>
        %swap3A_768 = arith.index_cast %add3A_744 : i32 to index
        %swap3A_769 = arith.constant 32 : index
        %swap3A_770 = tpu.vector_load %arg16[%swap3A_768, %swap3A_769] {strides = array<i32>} : memref<128x128xbf16, #tpu.memory_space<vmem>>, vector<32xbf16>,
        tpu.vector_store %arg16[%swap3A_768, %swap3A_769], %mul3A_767 {strides = array<i32>} : memref<128x128xbf16, #tpu.memory_space<vmem>>, vector<32xbf16>,
        %get3A_771 = arith.index_cast %rem3A_162 : i32 to index
        %get3A_772 = arith.index_cast %add3A_744 : i32 to index
        %get3A_773 = arith.constant 64 : index
        %get3A_774 = tpu.vector_load %arg14[%get3A_771, %get3A_772, %get3A_773] {strides = array<i32>} : memref<2x128x128xbf16, #tpu.memory_space<vmem>>, vector<32xbf16>,
        %get3A_775 = arith.index_cast %rem3A_162 : i32 to index
        %get3A_776 = arith.index_cast %add3A_744 : i32 to index
        %get3A_777 = arith.constant 64 : index
        %get3A_778 = tpu.vector_load %arg15[%get3A_775, %get3A_776, %get3A_777] {strides = array<i32>} : memref<2x128x128xbf16, #tpu.memory_space<vmem>>, vector<32xbf16>,
        %add3A_779 = arith.addf %get3A_774, %get3A_778 : vector<32xbf16>
        %mul3A_780 = arith.mulf %add3A_779, %pack3A_742 : vector<32xbf16>
        %swap3A_781 = arith.index_cast %add3A_744 : i32 to index
        %swap3A_782 = arith.constant 64 : index
        %swap3A_783 = tpu.vector_load %arg16[%swap3A_781, %swap3A_782] {strides = array<i32>} : memref<128x128xbf16, #tpu.memory_space<vmem>>, vector<32xbf16>,
        tpu.vector_store %arg16[%swap3A_781, %swap3A_782], %mul3A_780 {strides = array<i32>} : memref<128x128xbf16, #tpu.memory_space<vmem>>, vector<32xbf16>,
        %get3A_784 = arith.index_cast %rem3A_162 : i32 to index
        %get3A_785 = arith.index_cast %add3A_744 : i32 to index
        %get3A_786 = arith.constant 96 : index
        %get3A_787 = tpu.vector_load %arg14[%get3A_784, %get3A_785, %get3A_786] {strides = array<i32>} : memref<2x128x128xbf16, #tpu.memory_space<vmem>>, vector<32xbf16>,
        %get3A_788 = arith.index_cast %rem3A_162 : i32 to index
        %get3A_789 = arith.index_cast %add3A_744 : i32 to index
        %get3A_790 = arith.constant 96 : index
        %get3A_791 = tpu.vector_load %arg15[%get3A_788, %get3A_789, %get3A_790] {strides = array<i32>} : memref<2x128x128xbf16, #tpu.memory_space<vmem>>, vector<32xbf16>,
        %add3A_792 = arith.addf %get3A_787, %get3A_791 : vector<32xbf16>
        %mul3A_793 = arith.mulf %add3A_792, %pack3A_742 : vector<32xbf16>
        %swap3A_794 = arith.index_cast %add3A_744 : i32 to index
        %swap3A_795 = arith.constant 96 : index
        %swap3A_796 = tpu.vector_load %arg16[%swap3A_794, %swap3A_795] {strides = array<i32>} : memref<128x128xbf16, #tpu.memory_space<vmem>>, vector<32xbf16>,
        tpu.vector_store %arg16[%swap3A_794, %swap3A_795], %mul3A_793 {strides = array<i32>} : memref<128x128xbf16, #tpu.memory_space<vmem>>, vector<32xbf16>,
        %slice3A_797 = vector.extract_strided_slice %get3A_220 {offsets = [10], sizes = [1], strides = [1]} : vector<16xf32> to vector<1xf32>
        %squeeze3A_798 = vector.extract %slice3A_797[0] : f32 from vector<1xf32>
        %broadcast_in_dim3A_799 = vector.broadcast %squeeze3A_798 : f32 to vector<16xf32>
        %pack3A_800 = tpu.pack_subelements %broadcast_in_dim3A_799, %broadcast_in_dim3A_799 {pack_format = #tpu.pack_format<interleaved>, positions = array<i32: 0, 1>} : vector<16xf32>, vector<16xf32> -> vector<32xbf16>
        %add3A_801 = arith.constant 10 : i32
        %add3A_802 = arith.addi %mul3A_219, %add3A_801 : i32
        %get3A_803 = arith.index_cast %rem3A_162 : i32 to index
        %get3A_804 = arith.index_cast %add3A_802 : i32 to index
        %get3A_805 = arith.constant 0 : index
        %get3A_806 = tpu.vector_load %arg14[%get3A_803, %get3A_804, %get3A_805] {strides = array<i32>} : memref<2x128x128xbf16, #tpu.memory_space<vmem>>, vector<32xbf16>,
        %get3A_807 = arith.index_cast %rem3A_162 : i32 to index
        %get3A_808 = arith.index_cast %add3A_802 : i32 to index
        %get3A_809 = arith.constant 0 : index
        %get3A_810 = tpu.vector_load %arg15[%get3A_807, %get3A_808, %get3A_809] {strides = array<i32>} : memref<2x128x128xbf16, #tpu.memory_space<vmem>>, vector<32xbf16>,
        %add3A_811 = arith.addf %get3A_806, %get3A_810 : vector<32xbf16>
        %mul3A_812 = arith.mulf %add3A_811, %pack3A_800 : vector<32xbf16>
        %swap3A_813 = arith.index_cast %add3A_802 : i32 to index
        %swap3A_814 = arith.constant 0 : index
        %swap3A_815 = tpu.vector_load %arg16[%swap3A_813, %swap3A_814] {strides = array<i32>} : memref<128x128xbf16, #tpu.memory_space<vmem>>, vector<32xbf16>,
        tpu.vector_store %arg16[%swap3A_813, %swap3A_814], %mul3A_812 {strides = array<i32>} : memref<128x128xbf16, #tpu.memory_space<vmem>>, vector<32xbf16>,
        %get3A_816 = arith.index_cast %rem3A_162 : i32 to index
        %get3A_817 = arith.index_cast %add3A_802 : i32 to index
        %get3A_818 = arith.constant 32 : index
        %get3A_819 = tpu.vector_load %arg14[%get3A_816, %get3A_817, %get3A_818] {strides = array<i32>} : memref<2x128x128xbf16, #tpu.memory_space<vmem>>, vector<32xbf16>,
        %get3A_820 = arith.index_cast %rem3A_162 : i32 to index
        %get3A_821 = arith.index_cast %add3A_802 : i32 to index
        %get3A_822 = arith.constant 32 : index
        %get3A_823 = tpu.vector_load %arg15[%get3A_820, %get3A_821, %get3A_822] {strides = array<i32>} : memref<2x128x128xbf16, #tpu.memory_space<vmem>>, vector<32xbf16>,
        %add3A_824 = arith.addf %get3A_819, %get3A_823 : vector<32xbf16>
        %mul3A_825 = arith.mulf %add3A_824, %pack3A_800 : vector<32xbf16>
        %swap3A_826 = arith.index_cast %add3A_802 : i32 to index
        %swap3A_827 = arith.constant 32 : index
        %swap3A_828 = tpu.vector_load %arg16[%swap3A_826, %swap3A_827] {strides = array<i32>} : memref<128x128xbf16, #tpu.memory_space<vmem>>, vector<32xbf16>,
        tpu.vector_store %arg16[%swap3A_826, %swap3A_827], %mul3A_825 {strides = array<i32>} : memref<128x128xbf16, #tpu.memory_space<vmem>>, vector<32xbf16>,
        %get3A_829 = arith.index_cast %rem3A_162 : i32 to index
        %get3A_830 = arith.index_cast %add3A_802 : i32 to index
        %get3A_831 = arith.constant 64 : index
        %get3A_832 = tpu.vector_load %arg14[%get3A_829, %get3A_830, %get3A_831] {strides = array<i32>} : memref<2x128x128xbf16, #tpu.memory_space<vmem>>, vector<32xbf16>,
        %get3A_833 = arith.index_cast %rem3A_162 : i32 to index
        %get3A_834 = arith.index_cast %add3A_802 : i32 to index
        %get3A_835 = arith.constant 64 : index
        %get3A_836 = tpu.vector_load %arg15[%get3A_833, %get3A_834, %get3A_835] {strides = array<i32>} : memref<2x128x128xbf16, #tpu.memory_space<vmem>>, vector<32xbf16>,
        %add3A_837 = arith.addf %get3A_832, %get3A_836 : vector<32xbf16>
        %mul3A_838 = arith.mulf %add3A_837, %pack3A_800 : vector<32xbf16>
        %swap3A_839 = arith.index_cast %add3A_802 : i32 to index
        %swap3A_840 = arith.constant 64 : index
        %swap3A_841 = tpu.vector_load %arg16[%swap3A_839, %swap3A_840] {strides = array<i32>} : memref<128x128xbf16, #tpu.memory_space<vmem>>, vector<32xbf16>,
        tpu.vector_store %arg16[%swap3A_839, %swap3A_840], %mul3A_838 {strides = array<i32>} : memref<128x128xbf16, #tpu.memory_space<vmem>>, vector<32xbf16>,
        %get3A_842 = arith.index_cast %rem3A_162 : i32 to index
        %get3A_843 = arith.index_cast %add3A_802 : i32 to index
        %get3A_844 = arith.constant 96 : index
        %get3A_845 = tpu.vector_load %arg14[%get3A_842, %get3A_843, %get3A_844] {strides = array<i32>} : memref<2x128x128xbf16, #tpu.memory_space<vmem>>, vector<32xbf16>,
        %get3A_846 = arith.index_cast %rem3A_162 : i32 to index
        %get3A_847 = arith.index_cast %add3A_802 : i32 to index
        %get3A_848 = arith.constant 96 : index
        %get3A_849 = tpu.vector_load %arg15[%get3A_846, %get3A_847, %get3A_848] {strides = array<i32>} : memref<2x128x128xbf16, #tpu.memory_space<vmem>>, vector<32xbf16>,
        %add3A_850 = arith.addf %get3A_845, %get3A_849 : vector<32xbf16>
        %mul3A_851 = arith.mulf %add3A_850, %pack3A_800 : vector<32xbf16>
        %swap3A_852 = arith.index_cast %add3A_802 : i32 to index
        %swap3A_853 = arith.constant 96 : index
        %swap3A_854 = tpu.vector_load %arg16[%swap3A_852, %swap3A_853] {strides = array<i32>} : memref<128x128xbf16, #tpu.memory_space<vmem>>, vector<32xbf16>,
        tpu.vector_store %arg16[%swap3A_852, %swap3A_853], %mul3A_851 {strides = array<i32>} : memref<128x128xbf16, #tpu.memory_space<vmem>>, vector<32xbf16>,
        %slice3A_855 = vector.extract_strided_slice %get3A_220 {offsets = [11], sizes = [1], strides = [1]} : vector<16xf32> to vector<1xf32>
        %squeeze3A_856 = vector.extract %slice3A_855[0] : f32 from vector<1xf32>
        %broadcast_in_dim3A_857 = vector.broadcast %squeeze3A_856 : f32 to vector<16xf32>
        %pack3A_858 = tpu.pack_subelements %broadcast_in_dim3A_857, %broadcast_in_dim3A_857 {pack_format = #tpu.pack_format<interleaved>, positions = array<i32: 0, 1>} : vector<16xf32>, vector<16xf32> -> vector<32xbf16>
        %add3A_859 = arith.constant 11 : i32
        %add3A_860 = arith.addi %mul3A_219, %add3A_859 : i32
        %get3A_861 = arith.index_cast %rem3A_162 : i32 to index
        %get3A_862 = arith.index_cast %add3A_860 : i32 to index
        %get3A_863 = arith.constant 0 : index
        %get3A_864 = tpu.vector_load %arg14[%get3A_861, %get3A_862, %get3A_863] {strides = array<i32>} : memref<2x128x128xbf16, #tpu.memory_space<vmem>>, vector<32xbf16>,
        %get3A_865 = arith.index_cast %rem3A_162 : i32 to index
        %get3A_866 = arith.index_cast %add3A_860 : i32 to index
        %get3A_867 = arith.constant 0 : index
        %get3A_868 = tpu.vector_load %arg15[%get3A_865, %get3A_866, %get3A_867] {strides = array<i32>} : memref<2x128x128xbf16, #tpu.memory_space<vmem>>, vector<32xbf16>,
        %add3A_869 = arith.addf %get3A_864, %get3A_868 : vector<32xbf16>
        %mul3A_870 = arith.mulf %add3A_869, %pack3A_858 : vector<32xbf16>
        %swap3A_871 = arith.index_cast %add3A_860 : i32 to index
        %swap3A_872 = arith.constant 0 : index
        %swap3A_873 = tpu.vector_load %arg16[%swap3A_871, %swap3A_872] {strides = array<i32>} : memref<128x128xbf16, #tpu.memory_space<vmem>>, vector<32xbf16>,
        tpu.vector_store %arg16[%swap3A_871, %swap3A_872], %mul3A_870 {strides = array<i32>} : memref<128x128xbf16, #tpu.memory_space<vmem>>, vector<32xbf16>,
        %get3A_874 = arith.index_cast %rem3A_162 : i32 to index
        %get3A_875 = arith.index_cast %add3A_860 : i32 to index
        %get3A_876 = arith.constant 32 : index
        %get3A_877 = tpu.vector_load %arg14[%get3A_874, %get3A_875, %get3A_876] {strides = array<i32>} : memref<2x128x128xbf16, #tpu.memory_space<vmem>>, vector<32xbf16>,
        %get3A_878 = arith.index_cast %rem3A_162 : i32 to index
        %get3A_879 = arith.index_cast %add3A_860 : i32 to index
        %get3A_880 = arith.constant 32 : index
        %get3A_881 = tpu.vector_load %arg15[%get3A_878, %get3A_879, %get3A_880] {strides = array<i32>} : memref<2x128x128xbf16, #tpu.memory_space<vmem>>, vector<32xbf16>,
        %add3A_882 = arith.addf %get3A_877, %get3A_881 : vector<32xbf16>
        %mul3A_883 = arith.mulf %add3A_882, %pack3A_858 : vector<32xbf16>
        %swap3A_884 = arith.index_cast %add3A_860 : i32 to index
        %swap3A_885 = arith.constant 32 : index
        %swap3A_886 = tpu.vector_load %arg16[%swap3A_884, %swap3A_885] {strides = array<i32>} : memref<128x128xbf16, #tpu.memory_space<vmem>>, vector<32xbf16>,
        tpu.vector_store %arg16[%swap3A_884, %swap3A_885], %mul3A_883 {strides = array<i32>} : memref<128x128xbf16, #tpu.memory_space<vmem>>, vector<32xbf16>,
        %get3A_887 = arith.index_cast %rem3A_162 : i32 to index
        %get3A_888 = arith.index_cast %add3A_860 : i32 to index
        %get3A_889 = arith.constant 64 : index
        %get3A_890 = tpu.vector_load %arg14[%get3A_887, %get3A_888, %get3A_889] {strides = array<i32>} : memref<2x128x128xbf16, #tpu.memory_space<vmem>>, vector<32xbf16>,
        %get3A_891 = arith.index_cast %rem3A_162 : i32 to index
        %get3A_892 = arith.index_cast %add3A_860 : i32 to index
        %get3A_893 = arith.constant 64 : index
        %get3A_894 = tpu.vector_load %arg15[%get3A_891, %get3A_892, %get3A_893] {strides = array<i32>} : memref<2x128x128xbf16, #tpu.memory_space<vmem>>, vector<32xbf16>,
        %add3A_895 = arith.addf %get3A_890, %get3A_894 : vector<32xbf16>
        %mul3A_896 = arith.mulf %add3A_895, %pack3A_858 : vector<32xbf16>
        %swap3A_897 = arith.index_cast %add3A_860 : i32 to index
        %swap3A_898 = arith.constant 64 : index
        %swap3A_899 = tpu.vector_load %arg16[%swap3A_897, %swap3A_898] {strides = array<i32>} : memref<128x128xbf16, #tpu.memory_space<vmem>>, vector<32xbf16>,
        tpu.vector_store %arg16[%swap3A_897, %swap3A_898], %mul3A_896 {strides = array<i32>} : memref<128x128xbf16, #tpu.memory_space<vmem>>, vector<32xbf16>,
        %get3A_900 = arith.index_cast %rem3A_162 : i32 to index
        %get3A_901 = arith.index_cast %add3A_860 : i32 to index
        %get3A_902 = arith.constant 96 : index
        %get3A_903 = tpu.vector_load %arg14[%get3A_900, %get3A_901, %get3A_902] {strides = array<i32>} : memref<2x128x128xbf16, #tpu.memory_space<vmem>>, vector<32xbf16>,
        %get3A_904 = arith.index_cast %rem3A_162 : i32 to index
        %get3A_905 = arith.index_cast %add3A_860 : i32 to index
        %get3A_906 = arith.constant 96 : index
        %get3A_907 = tpu.vector_load %arg15[%get3A_904, %get3A_905, %get3A_906] {strides = array<i32>} : memref<2x128x128xbf16, #tpu.memory_space<vmem>>, vector<32xbf16>,
        %add3A_908 = arith.addf %get3A_903, %get3A_907 : vector<32xbf16>
        %mul3A_909 = arith.mulf %add3A_908, %pack3A_858 : vector<32xbf16>
        %swap3A_910 = arith.index_cast %add3A_860 : i32 to index
        %swap3A_911 = arith.constant 96 : index
        %swap3A_912 = tpu.vector_load %arg16[%swap3A_910, %swap3A_911] {strides = array<i32>} : memref<128x128xbf16, #tpu.memory_space<vmem>>, vector<32xbf16>,
        tpu.vector_store %arg16[%swap3A_910, %swap3A_911], %mul3A_909 {strides = array<i32>} : memref<128x128xbf16, #tpu.memory_space<vmem>>, vector<32xbf16>,
        %slice3A_913 = vector.extract_strided_slice %get3A_220 {offsets = [12], sizes = [1], strides = [1]} : vector<16xf32> to vector<1xf32>
        %squeeze3A_914 = vector.extract %slice3A_913[0] : f32 from vector<1xf32>
        %broadcast_in_dim3A_915 = vector.broadcast %squeeze3A_914 : f32 to vector<16xf32>
        %pack3A_916 = tpu.pack_subelements %broadcast_in_dim3A_915, %broadcast_in_dim3A_915 {pack_format = #tpu.pack_format<interleaved>, positions = array<i32: 0, 1>} : vector<16xf32>, vector<16xf32> -> vector<32xbf16>
        %add3A_917 = arith.constant 12 : i32
        %add3A_918 = arith.addi %mul3A_219, %add3A_917 : i32
        %get3A_919 = arith.index_cast %rem3A_162 : i32 to index
        %get3A_920 = arith.index_cast %add3A_918 : i32 to index
        %get3A_921 = arith.constant 0 : index
        %get3A_922 = tpu.vector_load %arg14[%get3A_919, %get3A_920, %get3A_921] {strides = array<i32>} : memref<2x128x128xbf16, #tpu.memory_space<vmem>>, vector<32xbf16>,
        %get3A_923 = arith.index_cast %rem3A_162 : i32 to index
        %get3A_924 = arith.index_cast %add3A_918 : i32 to index
        %get3A_925 = arith.constant 0 : index
        %get3A_926 = tpu.vector_load %arg15[%get3A_923, %get3A_924, %get3A_925] {strides = array<i32>} : memref<2x128x128xbf16, #tpu.memory_space<vmem>>, vector<32xbf16>,
        %add3A_927 = arith.addf %get3A_922, %get3A_926 : vector<32xbf16>
        %mul3A_928 = arith.mulf %add3A_927, %pack3A_916 : vector<32xbf16>
        %swap3A_929 = arith.index_cast %add3A_918 : i32 to index
        %swap3A_930 = arith.constant 0 : index
        %swap3A_931 = tpu.vector_load %arg16[%swap3A_929, %swap3A_930] {strides = array<i32>} : memref<128x128xbf16, #tpu.memory_space<vmem>>, vector<32xbf16>,
        tpu.vector_store %arg16[%swap3A_929, %swap3A_930], %mul3A_928 {strides = array<i32>} : memref<128x128xbf16, #tpu.memory_space<vmem>>, vector<32xbf16>,
        %get3A_932 = arith.index_cast %rem3A_162 : i32 to index
        %get3A_933 = arith.index_cast %add3A_918 : i32 to index
        %get3A_934 = arith.constant 32 : index
        %get3A_935 = tpu.vector_load %arg14[%get3A_932, %get3A_933, %get3A_934] {strides = array<i32>} : memref<2x128x128xbf16, #tpu.memory_space<vmem>>, vector<32xbf16>,
        %get3A_936 = arith.index_cast %rem3A_162 : i32 to index
        %get3A_937 = arith.index_cast %add3A_918 : i32 to index
        %get3A_938 = arith.constant 32 : index
        %get3A_939 = tpu.vector_load %arg15[%get3A_936, %get3A_937, %get3A_938] {strides = array<i32>} : memref<2x128x128xbf16, #tpu.memory_space<vmem>>, vector<32xbf16>,
        %add3A_940 = arith.addf %get3A_935, %get3A_939 : vector<32xbf16>
        %mul3A_941 = arith.mulf %add3A_940, %pack3A_916 : vector<32xbf16>
        %swap3A_942 = arith.index_cast %add3A_918 : i32 to index
        %swap3A_943 = arith.constant 32 : index
        %swap3A_944 = tpu.vector_load %arg16[%swap3A_942, %swap3A_943] {strides = array<i32>} : memref<128x128xbf16, #tpu.memory_space<vmem>>, vector<32xbf16>,
        tpu.vector_store %arg16[%swap3A_942, %swap3A_943], %mul3A_941 {strides = array<i32>} : memref<128x128xbf16, #tpu.memory_space<vmem>>, vector<32xbf16>,
        %get3A_945 = arith.index_cast %rem3A_162 : i32 to index
        %get3A_946 = arith.index_cast %add3A_918 : i32 to index
        %get3A_947 = arith.constant 64 : index
        %get3A_948 = tpu.vector_load %arg14[%get3A_945, %get3A_946, %get3A_947] {strides = array<i32>} : memref<2x128x128xbf16, #tpu.memory_space<vmem>>, vector<32xbf16>,
        %get3A_949 = arith.index_cast %rem3A_162 : i32 to index
        %get3A_950 = arith.index_cast %add3A_918 : i32 to index
        %get3A_951 = arith.constant 64 : index
        %get3A_952 = tpu.vector_load %arg15[%get3A_949, %get3A_950, %get3A_951] {strides = array<i32>} : memref<2x128x128xbf16, #tpu.memory_space<vmem>>, vector<32xbf16>,
        %add3A_953 = arith.addf %get3A_948, %get3A_952 : vector<32xbf16>
        %mul3A_954 = arith.mulf %add3A_953, %pack3A_916 : vector<32xbf16>
        %swap3A_955 = arith.index_cast %add3A_918 : i32 to index
        %swap3A_956 = arith.constant 64 : index
        %swap3A_957 = tpu.vector_load %arg16[%swap3A_955, %swap3A_956] {strides = array<i32>} : memref<128x128xbf16, #tpu.memory_space<vmem>>, vector<32xbf16>,
        tpu.vector_store %arg16[%swap3A_955, %swap3A_956], %mul3A_954 {strides = array<i32>} : memref<128x128xbf16, #tpu.memory_space<vmem>>, vector<32xbf16>,
        %get3A_958 = arith.index_cast %rem3A_162 : i32 to index
        %get3A_959 = arith.index_cast %add3A_918 : i32 to index
        %get3A_960 = arith.constant 96 : index
        %get3A_961 = tpu.vector_load %arg14[%get3A_958, %get3A_959, %get3A_960] {strides = array<i32>} : memref<2x128x128xbf16, #tpu.memory_space<vmem>>, vector<32xbf16>,
        %get3A_962 = arith.index_cast %rem3A_162 : i32 to index
        %get3A_963 = arith.index_cast %add3A_918 : i32 to index
        %get3A_964 = arith.constant 96 : index
        %get3A_965 = tpu.vector_load %arg15[%get3A_962, %get3A_963, %get3A_964] {strides = array<i32>} : memref<2x128x128xbf16, #tpu.memory_space<vmem>>, vector<32xbf16>,
        %add3A_966 = arith.addf %get3A_961, %get3A_965 : vector<32xbf16>
        %mul3A_967 = arith.mulf %add3A_966, %pack3A_916 : vector<32xbf16>
        %swap3A_968 = arith.index_cast %add3A_918 : i32 to index
        %swap3A_969 = arith.constant 96 : index
        %swap3A_970 = tpu.vector_load %arg16[%swap3A_968, %swap3A_969] {strides = array<i32>} : memref<128x128xbf16, #tpu.memory_space<vmem>>, vector<32xbf16>,
        tpu.vector_store %arg16[%swap3A_968, %swap3A_969], %mul3A_967 {strides = array<i32>} : memref<128x128xbf16, #tpu.memory_space<vmem>>, vector<32xbf16>,
        %slice3A_971 = vector.extract_strided_slice %get3A_220 {offsets = [13], sizes = [1], strides = [1]} : vector<16xf32> to vector<1xf32>
        %squeeze3A_972 = vector.extract %slice3A_971[0] : f32 from vector<1xf32>
        %broadcast_in_dim3A_973 = vector.broadcast %squeeze3A_972 : f32 to vector<16xf32>
        %pack3A_974 = tpu.pack_subelements %broadcast_in_dim3A_973, %broadcast_in_dim3A_973 {pack_format = #tpu.pack_format<interleaved>, positions = array<i32: 0, 1>} : vector<16xf32>, vector<16xf32> -> vector<32xbf16>
        %add3A_975 = arith.constant 13 : i32
        %add3A_976 = arith.addi %mul3A_219, %add3A_975 : i32
        %get3A_977 = arith.index_cast %rem3A_162 : i32 to index
        %get3A_978 = arith.index_cast %add3A_976 : i32 to index
        %get3A_979 = arith.constant 0 : index
        %get3A_980 = tpu.vector_load %arg14[%get3A_977, %get3A_978, %get3A_979] {strides = array<i32>} : memref<2x128x128xbf16, #tpu.memory_space<vmem>>, vector<32xbf16>,
        %get3A_981 = arith.index_cast %rem3A_162 : i32 to index
        %get3A_982 = arith.index_cast %add3A_976 : i32 to index
        %get3A_983 = arith.constant 0 : index
        %get3A_984 = tpu.vector_load %arg15[%get3A_981, %get3A_982, %get3A_983] {strides = array<i32>} : memref<2x128x128xbf16, #tpu.memory_space<vmem>>, vector<32xbf16>,
        %add3A_985 = arith.addf %get3A_980, %get3A_984 : vector<32xbf16>
        %mul3A_986 = arith.mulf %add3A_985, %pack3A_974 : vector<32xbf16>
        %swap3A_987 = arith.index_cast %add3A_976 : i32 to index
        %swap3A_988 = arith.constant 0 : index
        %swap3A_989 = tpu.vector_load %arg16[%swap3A_987, %swap3A_988] {strides = array<i32>} : memref<128x128xbf16, #tpu.memory_space<vmem>>, vector<32xbf16>,
        tpu.vector_store %arg16[%swap3A_987, %swap3A_988], %mul3A_986 {strides = array<i32>} : memref<128x128xbf16, #tpu.memory_space<vmem>>, vector<32xbf16>,
        %get3A_990 = arith.index_cast %rem3A_162 : i32 to index
        %get3A_991 = arith.index_cast %add3A_976 : i32 to index
        %get3A_992 = arith.constant 32 : index
        %get3A_993 = tpu.vector_load %arg14[%get3A_990, %get3A_991, %get3A_992] {strides = array<i32>} : memref<2x128x128xbf16, #tpu.memory_space<vmem>>, vector<32xbf16>,
        %get3A_994 = arith.index_cast %rem3A_162 : i32 to index
        %get3A_995 = arith.index_cast %add3A_976 : i32 to index
        %get3A_996 = arith.constant 32 : index
        %get3A_997 = tpu.vector_load %arg15[%get3A_994, %get3A_995, %get3A_996] {strides = array<i32>} : memref<2x128x128xbf16, #tpu.memory_space<vmem>>, vector<32xbf16>,
        %add3A_998 = arith.addf %get3A_993, %get3A_997 : vector<32xbf16>
        %mul3A_999 = arith.mulf %add3A_998, %pack3A_974 : vector<32xbf16>
        %swap3A_1000 = arith.index_cast %add3A_976 : i32 to index
        %swap3A_1001 = arith.constant 32 : index
        %swap3A_1002 = tpu.vector_load %arg16[%swap3A_1000, %swap3A_1001] {strides = array<i32>} : memref<128x128xbf16, #tpu.memory_space<vmem>>, vector<32xbf16>,
        tpu.vector_store %arg16[%swap3A_1000, %swap3A_1001], %mul3A_999 {strides = array<i32>} : memref<128x128xbf16, #tpu.memory_space<vmem>>, vector<32xbf16>,
        %get3A_1003 = arith.index_cast %rem3A_162 : i32 to index
        %get3A_1004 = arith.index_cast %add3A_976 : i32 to index
        %get3A_1005 = arith.constant 64 : index
        %get3A_1006 = tpu.vector_load %arg14[%get3A_1003, %get3A_1004, %get3A_1005] {strides = array<i32>} : memref<2x128x128xbf16, #tpu.memory_space<vmem>>, vector<32xbf16>,
        %get3A_1007 = arith.index_cast %rem3A_162 : i32 to index
        %get3A_1008 = arith.index_cast %add3A_976 : i32 to index
        %get3A_1009 = arith.constant 64 : index
        %get3A_1010 = tpu.vector_load %arg15[%get3A_1007, %get3A_1008, %get3A_1009] {strides = array<i32>} : memref<2x128x128xbf16, #tpu.memory_space<vmem>>, vector<32xbf16>,
        %add3A_1011 = arith.addf %get3A_1006, %get3A_1010 : vector<32xbf16>
        %mul3A_1012 = arith.mulf %add3A_1011, %pack3A_974 : vector<32xbf16>
        %swap3A_1013 = arith.index_cast %add3A_976 : i32 to index
        %swap3A_1014 = arith.constant 64 : index
        %swap3A_1015 = tpu.vector_load %arg16[%swap3A_1013, %swap3A_1014] {strides = array<i32>} : memref<128x128xbf16, #tpu.memory_space<vmem>>, vector<32xbf16>,
        tpu.vector_store %arg16[%swap3A_1013, %swap3A_1014], %mul3A_1012 {strides = array<i32>} : memref<128x128xbf16, #tpu.memory_space<vmem>>, vector<32xbf16>,
        %get3A_1016 = arith.index_cast %rem3A_162 : i32 to index
        %get3A_1017 = arith.index_cast %add3A_976 : i32 to index
        %get3A_1018 = arith.constant 96 : index
        %get3A_1019 = tpu.vector_load %arg14[%get3A_1016, %get3A_1017, %get3A_1018] {strides = array<i32>} : memref<2x128x128xbf16, #tpu.memory_space<vmem>>, vector<32xbf16>,
        %get3A_1020 = arith.index_cast %rem3A_162 : i32 to index
        %get3A_1021 = arith.index_cast %add3A_976 : i32 to index
        %get3A_1022 = arith.constant 96 : index
        %get3A_1023 = tpu.vector_load %arg15[%get3A_1020, %get3A_1021, %get3A_1022] {strides = array<i32>} : memref<2x128x128xbf16, #tpu.memory_space<vmem>>, vector<32xbf16>,
        %add3A_1024 = arith.addf %get3A_1019, %get3A_1023 : vector<32xbf16>
        %mul3A_1025 = arith.mulf %add3A_1024, %pack3A_974 : vector<32xbf16>
        %swap3A_1026 = arith.index_cast %add3A_976 : i32 to index
        %swap3A_1027 = arith.constant 96 : index
        %swap3A_1028 = tpu.vector_load %arg16[%swap3A_1026, %swap3A_1027] {strides = array<i32>} : memref<128x128xbf16, #tpu.memory_space<vmem>>, vector<32xbf16>,
        tpu.vector_store %arg16[%swap3A_1026, %swap3A_1027], %mul3A_1025 {strides = array<i32>} : memref<128x128xbf16, #tpu.memory_space<vmem>>, vector<32xbf16>,
        %slice3A_1029 = vector.extract_strided_slice %get3A_220 {offsets = [14], sizes = [1], strides = [1]} : vector<16xf32> to vector<1xf32>
        %squeeze3A_1030 = vector.extract %slice3A_1029[0] : f32 from vector<1xf32>
        %broadcast_in_dim3A_1031 = vector.broadcast %squeeze3A_1030 : f32 to vector<16xf32>
        %pack3A_1032 = tpu.pack_subelements %broadcast_in_dim3A_1031, %broadcast_in_dim3A_1031 {pack_format = #tpu.pack_format<interleaved>, positions = array<i32: 0, 1>} : vector<16xf32>, vector<16xf32> -> vector<32xbf16>
        %add3A_1033 = arith.constant 14 : i32
        %add3A_1034 = arith.addi %mul3A_219, %add3A_1033 : i32
        %get3A_1035 = arith.index_cast %rem3A_162 : i32 to index
        %get3A_1036 = arith.index_cast %add3A_1034 : i32 to index
        %get3A_1037 = arith.constant 0 : index
        %get3A_1038 = tpu.vector_load %arg14[%get3A_1035, %get3A_1036, %get3A_1037] {strides = array<i32>} : memref<2x128x128xbf16, #tpu.memory_space<vmem>>, vector<32xbf16>,
        %get3A_1039 = arith.index_cast %rem3A_162 : i32 to index
        %get3A_1040 = arith.index_cast %add3A_1034 : i32 to index
        %get3A_1041 = arith.constant 0 : index
        %get3A_1042 = tpu.vector_load %arg15[%get3A_1039, %get3A_1040, %get3A_1041] {strides = array<i32>} : memref<2x128x128xbf16, #tpu.memory_space<vmem>>, vector<32xbf16>,
        %add3A_1043 = arith.addf %get3A_1038, %get3A_1042 : vector<32xbf16>
        %mul3A_1044 = arith.mulf %add3A_1043, %pack3A_1032 : vector<32xbf16>
        %swap3A_1045 = arith.index_cast %add3A_1034 : i32 to index
        %swap3A_1046 = arith.constant 0 : index
        %swap3A_1047 = tpu.vector_load %arg16[%swap3A_1045, %swap3A_1046] {strides = array<i32>} : memref<128x128xbf16, #tpu.memory_space<vmem>>, vector<32xbf16>,
        tpu.vector_store %arg16[%swap3A_1045, %swap3A_1046], %mul3A_1044 {strides = array<i32>} : memref<128x128xbf16, #tpu.memory_space<vmem>>, vector<32xbf16>,
        %get3A_1048 = arith.index_cast %rem3A_162 : i32 to index
        %get3A_1049 = arith.index_cast %add3A_1034 : i32 to index
        %get3A_1050 = arith.constant 32 : index
        %get3A_1051 = tpu.vector_load %arg14[%get3A_1048, %get3A_1049, %get3A_1050] {strides = array<i32>} : memref<2x128x128xbf16, #tpu.memory_space<vmem>>, vector<32xbf16>,
        %get3A_1052 = arith.index_cast %rem3A_162 : i32 to index
        %get3A_1053 = arith.index_cast %add3A_1034 : i32 to index
        %get3A_1054 = arith.constant 32 : index
        %get3A_1055 = tpu.vector_load %arg15[%get3A_1052, %get3A_1053, %get3A_1054] {strides = array<i32>} : memref<2x128x128xbf16, #tpu.memory_space<vmem>>, vector<32xbf16>,
        %add3A_1056 = arith.addf %get3A_1051, %get3A_1055 : vector<32xbf16>
        %mul3A_1057 = arith.mulf %add3A_1056, %pack3A_1032 : vector<32xbf16>
        %swap3A_1058 = arith.index_cast %add3A_1034 : i32 to index
        %swap3A_1059 = arith.constant 32 : index
        %swap3A_1060 = tpu.vector_load %arg16[%swap3A_1058, %swap3A_1059] {strides = array<i32>} : memref<128x128xbf16, #tpu.memory_space<vmem>>, vector<32xbf16>,
        tpu.vector_store %arg16[%swap3A_1058, %swap3A_1059], %mul3A_1057 {strides = array<i32>} : memref<128x128xbf16, #tpu.memory_space<vmem>>, vector<32xbf16>,
        %get3A_1061 = arith.index_cast %rem3A_162 : i32 to index
        %get3A_1062 = arith.index_cast %add3A_1034 : i32 to index
        %get3A_1063 = arith.constant 64 : index
        %get3A_1064 = tpu.vector_load %arg14[%get3A_1061, %get3A_1062, %get3A_1063] {strides = array<i32>} : memref<2x128x128xbf16, #tpu.memory_space<vmem>>, vector<32xbf16>,
        %get3A_1065 = arith.index_cast %rem3A_162 : i32 to index
        %get3A_1066 = arith.index_cast %add3A_1034 : i32 to index
        %get3A_1067 = arith.constant 64 : index
        %get3A_1068 = tpu.vector_load %arg15[%get3A_1065, %get3A_1066, %get3A_1067] {strides = array<i32>} : memref<2x128x128xbf16, #tpu.memory_space<vmem>>, vector<32xbf16>,
        %add3A_1069 = arith.addf %get3A_1064, %get3A_1068 : vector<32xbf16>
        %mul3A_1070 = arith.mulf %add3A_1069, %pack3A_1032 : vector<32xbf16>
        %swap3A_1071 = arith.index_cast %add3A_1034 : i32 to index
        %swap3A_1072 = arith.constant 64 : index
        %swap3A_1073 = tpu.vector_load %arg16[%swap3A_1071, %swap3A_1072] {strides = array<i32>} : memref<128x128xbf16, #tpu.memory_space<vmem>>, vector<32xbf16>,
        tpu.vector_store %arg16[%swap3A_1071, %swap3A_1072], %mul3A_1070 {strides = array<i32>} : memref<128x128xbf16, #tpu.memory_space<vmem>>, vector<32xbf16>,
        %get3A_1074 = arith.index_cast %rem3A_162 : i32 to index
        %get3A_1075 = arith.index_cast %add3A_1034 : i32 to index
        %get3A_1076 = arith.constant 96 : index
        %get3A_1077 = tpu.vector_load %arg14[%get3A_1074, %get3A_1075, %get3A_1076] {strides = array<i32>} : memref<2x128x128xbf16, #tpu.memory_space<vmem>>, vector<32xbf16>,
        %get3A_1078 = arith.index_cast %rem3A_162 : i32 to index
        %get3A_1079 = arith.index_cast %add3A_1034 : i32 to index
        %get3A_1080 = arith.constant 96 : index
        %get3A_1081 = tpu.vector_load %arg15[%get3A_1078, %get3A_1079, %get3A_1080] {strides = array<i32>} : memref<2x128x128xbf16, #tpu.memory_space<vmem>>, vector<32xbf16>,
        %add3A_1082 = arith.addf %get3A_1077, %get3A_1081 : vector<32xbf16>
        %mul3A_1083 = arith.mulf %add3A_1082, %pack3A_1032 : vector<32xbf16>
        %swap3A_1084 = arith.index_cast %add3A_1034 : i32 to index
        %swap3A_1085 = arith.constant 96 : index
        %swap3A_1086 = tpu.vector_load %arg16[%swap3A_1084, %swap3A_1085] {strides = array<i32>} : memref<128x128xbf16, #tpu.memory_space<vmem>>, vector<32xbf16>,
        tpu.vector_store %arg16[%swap3A_1084, %swap3A_1085], %mul3A_1083 {strides = array<i32>} : memref<128x128xbf16, #tpu.memory_space<vmem>>, vector<32xbf16>,
        %slice3A_1087 = vector.extract_strided_slice %get3A_220 {offsets = [15], sizes = [1], strides = [1]} : vector<16xf32> to vector<1xf32>
        %squeeze3A_1088 = vector.extract %slice3A_1087[0] : f32 from vector<1xf32>
        %broadcast_in_dim3A_1089 = vector.broadcast %squeeze3A_1088 : f32 to vector<16xf32>
        %pack3A_1090 = tpu.pack_subelements %broadcast_in_dim3A_1089, %broadcast_in_dim3A_1089 {pack_format = #tpu.pack_format<interleaved>, positions = array<i32: 0, 1>} : vector<16xf32>, vector<16xf32> -> vector<32xbf16>
        %add3A_1091 = arith.constant 15 : i32
        %add3A_1092 = arith.addi %mul3A_219, %add3A_1091 : i32
        %get3A_1093 = arith.index_cast %rem3A_162 : i32 to index
        %get3A_1094 = arith.index_cast %add3A_1092 : i32 to index
        %get3A_1095 = arith.constant 0 : index
        %get3A_1096 = tpu.vector_load %arg14[%get3A_1093, %get3A_1094, %get3A_1095] {strides = array<i32>} : memref<2x128x128xbf16, #tpu.memory_space<vmem>>, vector<32xbf16>,
        %get3A_1097 = arith.index_cast %rem3A_162 : i32 to index
        %get3A_1098 = arith.index_cast %add3A_1092 : i32 to index
        %get3A_1099 = arith.constant 0 : index
        %get3A_1100 = tpu.vector_load %arg15[%get3A_1097, %get3A_1098, %get3A_1099] {strides = array<i32>} : memref<2x128x128xbf16, #tpu.memory_space<vmem>>, vector<32xbf16>,
        %add3A_1101 = arith.addf %get3A_1096, %get3A_1100 : vector<32xbf16>
        %mul3A_1102 = arith.mulf %add3A_1101, %pack3A_1090 : vector<32xbf16>
        %swap3A_1103 = arith.index_cast %add3A_1092 : i32 to index
        %swap3A_1104 = arith.constant 0 : index
        %swap3A_1105 = tpu.vector_load %arg16[%swap3A_1103, %swap3A_1104] {strides = array<i32>} : memref<128x128xbf16, #tpu.memory_space<vmem>>, vector<32xbf16>,
        tpu.vector_store %arg16[%swap3A_1103, %swap3A_1104], %mul3A_1102 {strides = array<i32>} : memref<128x128xbf16, #tpu.memory_space<vmem>>, vector<32xbf16>,
        %get3A_1106 = arith.index_cast %rem3A_162 : i32 to index
        %get3A_1107 = arith.index_cast %add3A_1092 : i32 to index
        %get3A_1108 = arith.constant 32 : index
        %get3A_1109 = tpu.vector_load %arg14[%get3A_1106, %get3A_1107, %get3A_1108] {strides = array<i32>} : memref<2x128x128xbf16, #tpu.memory_space<vmem>>, vector<32xbf16>,
        %get3A_1110 = arith.index_cast %rem3A_162 : i32 to index
        %get3A_1111 = arith.index_cast %add3A_1092 : i32 to index
        %get3A_1112 = arith.constant 32 : index
        %get3A_1113 = tpu.vector_load %arg15[%get3A_1110, %get3A_1111, %get3A_1112] {strides = array<i32>} : memref<2x128x128xbf16, #tpu.memory_space<vmem>>, vector<32xbf16>,
        %add3A_1114 = arith.addf %get3A_1109, %get3A_1113 : vector<32xbf16>
        %mul3A_1115 = arith.mulf %add3A_1114, %pack3A_1090 : vector<32xbf16>
        %swap3A_1116 = arith.index_cast %add3A_1092 : i32 to index
        %swap3A_1117 = arith.constant 32 : index
        %swap3A_1118 = tpu.vector_load %arg16[%swap3A_1116, %swap3A_1117] {strides = array<i32>} : memref<128x128xbf16, #tpu.memory_space<vmem>>, vector<32xbf16>,
        tpu.vector_store %arg16[%swap3A_1116, %swap3A_1117], %mul3A_1115 {strides = array<i32>} : memref<128x128xbf16, #tpu.memory_space<vmem>>, vector<32xbf16>,
        %get3A_1119 = arith.index_cast %rem3A_162 : i32 to index
        %get3A_1120 = arith.index_cast %add3A_1092 : i32 to index
        %get3A_1121 = arith.constant 64 : index
        %get3A_1122 = tpu.vector_load %arg14[%get3A_1119, %get3A_1120, %get3A_1121] {strides = array<i32>} : memref<2x128x128xbf16, #tpu.memory_space<vmem>>, vector<32xbf16>,
        %get3A_1123 = arith.index_cast %rem3A_162 : i32 to index
        %get3A_1124 = arith.index_cast %add3A_1092 : i32 to index
        %get3A_1125 = arith.constant 64 : index
        %get3A_1126 = tpu.vector_load %arg15[%get3A_1123, %get3A_1124, %get3A_1125] {strides = array<i32>} : memref<2x128x128xbf16, #tpu.memory_space<vmem>>, vector<32xbf16>,
        %add3A_1127 = arith.addf %get3A_1122, %get3A_1126 : vector<32xbf16>
        %mul3A_1128 = arith.mulf %add3A_1127, %pack3A_1090 : vector<32xbf16>
        %swap3A_1129 = arith.index_cast %add3A_1092 : i32 to index
        %swap3A_1130 = arith.constant 64 : index
        %swap3A_1131 = tpu.vector_load %arg16[%swap3A_1129, %swap3A_1130] {strides = array<i32>} : memref<128x128xbf16, #tpu.memory_space<vmem>>, vector<32xbf16>,
        tpu.vector_store %arg16[%swap3A_1129, %swap3A_1130], %mul3A_1128 {strides = array<i32>} : memref<128x128xbf16, #tpu.memory_space<vmem>>, vector<32xbf16>,
        %get3A_1132 = arith.index_cast %rem3A_162 : i32 to index
        %get3A_1133 = arith.index_cast %add3A_1092 : i32 to index
        %get3A_1134 = arith.constant 96 : index
        %get3A_1135 = tpu.vector_load %arg14[%get3A_1132, %get3A_1133, %get3A_1134] {strides = array<i32>} : memref<2x128x128xbf16, #tpu.memory_space<vmem>>, vector<32xbf16>,
        %get3A_1136 = arith.index_cast %rem3A_162 : i32 to index
        %get3A_1137 = arith.index_cast %add3A_1092 : i32 to index
        %get3A_1138 = arith.constant 96 : index
        %get3A_1139 = tpu.vector_load %arg15[%get3A_1136, %get3A_1137, %get3A_1138] {strides = array<i32>} : memref<2x128x128xbf16, #tpu.memory_space<vmem>>, vector<32xbf16>,
        %add3A_1140 = arith.addf %get3A_1135, %get3A_1139 : vector<32xbf16>
        %mul3A_1141 = arith.mulf %add3A_1140, %pack3A_1090 : vector<32xbf16>
        %swap3A_1142 = arith.index_cast %add3A_1092 : i32 to index
        %swap3A_1143 = arith.constant 96 : index
        %swap3A_1144 = tpu.vector_load %arg16[%swap3A_1142, %swap3A_1143] {strides = array<i32>} : memref<128x128xbf16, #tpu.memory_space<vmem>>, vector<32xbf16>,
        tpu.vector_store %arg16[%swap3A_1142, %swap3A_1143], %mul3A_1141 {strides = array<i32>} : memref<128x128xbf16, #tpu.memory_space<vmem>>, vector<32xbf16>,
      }
      %scan3A_210 = arith.constant 8 : i32
      %dma_start3A_211 = arith.constant 0 : i32
      %dma_start3A_212 = tpu.memref_slice %arg9[%rem3A_160, %dma_start3A_211] : memref<3x128xi32, #tpu.memory_space<vmem>> -> memref<1x128xi32, #tpu.memory_space<vmem>>
      %dma_start3A_213 = tpu.memref_squeeze %dma_start3A_212 : memref<1x128xi32, #tpu.memory_space<vmem>> -> memref<128xi32, #tpu.memory_space<vmem>>
      %dma_start3A_214 = arith.constant 0 : i32
      %dma_start3A_215 = arith.constant 0 : i32
      %dma_start3A_216 = tpu.memref_slice %arg18[%dma_start3A_214, %dma_start3A_215] : memref<10000x128xbf16, #tpu.memory_space<vmem_shared>> -> memref<10000x128xbf16, #tpu.memory_space<vmem_shared>>
      tpu.enqueue_indirect_dma source(%arg16 : memref<128x128xbf16, #tpu.memory_space<vmem>>) target(%dma_start3A_216 : memref<10000x128xbf16, #tpu.memory_space<vmem_shared>>) offsets(%dma_start3A_213 : memref<128xi32, #tpu.memory_space<vmem>>) semaphore(%arg24 : memref<!tpu.dma_semaphore, #tpu.memory_space<semaphore_mem>>) {add = true}
    }
    %dma_wait3A_146 = arith.constant 0 : i32
    %dma_wait3A_147 = arith.constant 0 : i32
    %dma_wait3A_148 = tpu.memref_slice %arg9[%dma_wait3A_146, %dma_wait3A_147] : memref<3x128xi32, #tpu.memory_space<vmem>> -> memref<1x128xi32, #tpu.memory_space<vmem>>
    %dma_wait3A_149 = tpu.memref_squeeze %dma_wait3A_148 : memref<1x128xi32, #tpu.memory_space<vmem>> -> memref<128xi32, #tpu.memory_space<vmem>>
    %dma_wait3A_150 = arith.constant 0 : i32
    %dma_wait3A_151 = arith.constant 0 : i32
    %dma_wait3A_152 = tpu.memref_slice %arg18[%dma_wait3A_150, %dma_wait3A_151] : memref<10000x128xbf16, #tpu.memory_space<vmem_shared>> -> memref<10000x128xbf16, #tpu.memory_space<vmem_shared>>
    tpu.wait_indirect_dma semaphore(%arg24 : memref<!tpu.dma_semaphore, #tpu.memory_space<semaphore_mem>>) src(%arg16 : memref<128x128xbf16, #tpu.memory_space<vmem>>) dst(%dma_wait3A_152 : memref<10000x128xbf16, #tpu.memory_space<vmem_shared>>)
    "tpu.region"() ({
      %run_scoped3A = tpu.sem_alloc : memref<!tpu.dma_semaphore, #tpu.memory_space<semaphore_mem>>
      %dma_start3A_159 = arith.constant 0 : i32
      %dma_start3A_160 = tpu.memref_slice %arg8[%add3A, %dma_start3A_159] : memref<32x10000xf32, #tpu.memory_space<hbm>> -> memref<1x10000xf32, #tpu.memory_space<hbm>>
      %dma_start3A_161 = tpu.memref_squeeze %dma_start3A_160 : memref<1x10000xf32, #tpu.memory_space<hbm>> -> memref<10000xf32, #tpu.memory_space<hbm>>
      %dma_start3A_162 = arith.constant 0 : i32
      %dma_start3A_163 = tpu.memref_slice %arg8[%add3A, %dma_start3A_162] : memref<32x10000xf32, #tpu.memory_space<hbm>> -> memref<1x10000xf32, #tpu.memory_space<hbm>>
      %dma_start3A_164 = tpu.memref_squeeze %dma_start3A_163 : memref<1x10000xf32, #tpu.memory_space<hbm>> -> memref<10000xf32, #tpu.memory_space<hbm>>
      tpu.enqueue_dma source(%arg17 : memref<10000xf32, #tpu.memory_space<vmem>>) target(%dma_start3A_164 : memref<10000xf32, #tpu.memory_space<hbm>>) target_semaphore(%run_scoped3A : memref<!tpu.dma_semaphore, #tpu.memory_space<semaphore_mem>>)
      %dma_wait3A_165 = arith.constant 0 : i32
      %dma_wait3A_166 = tpu.memref_slice %arg8[%add3A, %dma_wait3A_165] : memref<32x10000xf32, #tpu.memory_space<hbm>> -> memref<1x10000xf32, #tpu.memory_space<hbm>>
      %dma_wait3A_167 = tpu.memref_squeeze %dma_wait3A_166 : memref<1x10000xf32, #tpu.memory_space<hbm>> -> memref<10000xf32, #tpu.memory_space<hbm>>
      %dma_wait3A_168 = arith.constant 0 : i32
      %dma_wait3A_169 = tpu.memref_slice %arg8[%add3A, %dma_wait3A_168] : memref<32x10000xf32, #tpu.memory_space<hbm>> -> memref<1x10000xf32, #tpu.memory_space<hbm>>
      %dma_wait3A_170 = tpu.memref_squeeze %dma_wait3A_169 : memref<1x10000xf32, #tpu.memory_space<hbm>> -> memref<10000xf32, #tpu.memory_space<hbm>>
      tpu.wait_dma2 semaphore(%run_scoped3A : memref<!tpu.dma_semaphore, #tpu.memory_space<semaphore_mem>>) src(%arg17 : memref<10000xf32, #tpu.memory_space<vmem>>) dst(%dma_wait3A_170 : memref<10000xf32, #tpu.memory_space<hbm>>)
      tpu.yield
    }) : () -> ()
    %barrier3A_153 = arith.constant 0 : index
    tpu.barrier barrier_id(%barrier3A_153)
    %lt3A_154 = arith.constant 10 : i32
    %lt3A_155 = arith.cmpi slt, %arg1, %lt3A_154 : i32
    %convert_element_type3A_156 = arith.extui %lt3A_155 : i1 to i32
    %cond3A_157 = arith.constant 0 : i32
    %cond3A_158 = arith.cmpi ne, %convert_element_type3A_156, %cond3A_157 : i32
    scf.if %cond3A_158 {
      %mul3A_159 = arith.constant 1000 : i32
      %mul3A_160 = arith.muli %arg1, %mul3A_159 : i32
      %mul3A_161 = arith.constant 1000 : i32
      %mul3A_162 = arith.muli %arg1, %mul3A_161 : i32
      "tpu.region"() ({
        %run_scoped3A = tpu.sem_alloc : memref<!tpu.dma_semaphore, #tpu.memory_space<semaphore_mem>>
        %dma_start3A_163 = arith.constant 0 : i32
        %dma_start3A_164 = arith.constant 0 : i32
        %dma_start3A_165 = tpu.memref_slice %arg7[%arg0, %dma_start3A_163, %dma_start3A_164] : memref<2x10000x128xbf16, #tpu.memory_space<hbm>> -> memref<1x10000x128xbf16, #tpu.memory_space<hbm>>
        %dma_start3A_166 = tpu.memref_squeeze %dma_start3A_165 : memref<1x10000x128xbf16, #tpu.memory_space<hbm>> -> memref<10000x128xbf16, #tpu.memory_space<hbm>>
        %dma_start3A_167 = arith.constant 0 : i32
        %dma_start3A_168 = tpu.memref_slice %dma_start3A_166[%mul3A_162, %dma_start3A_167] : memref<10000x128xbf16, #tpu.memory_space<hbm>> -> memref<1000x128xbf16, #tpu.memory_space<hbm>>
        %dma_start3A_169 = arith.constant 0 : i32
        %dma_start3A_170 = tpu.memref_slice %arg18[%mul3A_160, %dma_start3A_169] : memref<10000x128xbf16, #tpu.memory_space<vmem_shared>> -> memref<1000x128xbf16, #tpu.memory_space<vmem_shared>>
        tpu.enqueue_dma source(%dma_start3A_170 : memref<1000x128xbf16, #tpu.memory_space<vmem_shared>>) target(%dma_start3A_168 : memref<1000x128xbf16, #tpu.memory_space<hbm>>) target_semaphore(%run_scoped3A : memref<!tpu.dma_semaphore, #tpu.memory_space<semaphore_mem>>)
        %dma_wait3A_171 = arith.constant 0 : i32
        %dma_wait3A_172 = arith.constant 0 : i32
        %dma_wait3A_173 = tpu.memref_slice %arg7[%arg0, %dma_wait3A_171, %dma_wait3A_172] : memref<2x10000x128xbf16, #tpu.memory_space<hbm>> -> memref<1x10000x128xbf16, #tpu.memory_space<hbm>>
        %dma_wait3A_174 = tpu.memref_squeeze %dma_wait3A_173 : memref<1x10000x128xbf16, #tpu.memory_space<hbm>> -> memref<10000x128xbf16, #tpu.memory_space<hbm>>
        %dma_wait3A_175 = arith.constant 0 : i32
        %dma_wait3A_176 = tpu.memref_slice %dma_wait3A_174[%mul3A_162, %dma_wait3A_175] : memref<10000x128xbf16, #tpu.memory_space<hbm>> -> memref<1000x128xbf16, #tpu.memory_space<hbm>>
        %dma_wait3A_177 = arith.constant 0 : i32
        %dma_wait3A_178 = tpu.memref_slice %arg18[%mul3A_160, %dma_wait3A_177] : memref<10000x128xbf16, #tpu.memory_space<vmem_shared>> -> memref<1000x128xbf16, #tpu.memory_space<vmem_shared>>
        tpu.wait_dma2 semaphore(%run_scoped3A : memref<!tpu.dma_semaphore, #tpu.memory_space<semaphore_mem>>) src(%dma_wait3A_178 : memref<1000x128xbf16, #tpu.memory_space<vmem_shared>>) dst(%dma_wait3A_176 : memref<1000x128xbf16, #tpu.memory_space<hbm>>)
        tpu.yield
      }) : () -> ()
    } else {
    }
    return
  }
}

module attributes {stable_mosaic.version = 14 : i64} {
  func.func @_tc_prep(%arg0: i32, %arg1: memref<1x10000x128xf32, #tpu.memory_space<vmem>>, %arg2: memref<128x128xf32, #tpu.memory_space<vmem>>, %arg3: memref<1x128xf32, #tpu.memory_space<vmem>>, %arg4: memref<1x1x128xf32, #tpu.memory_space<vmem>>, %arg5: memref<1x1xf32, #tpu.memory_space<vmem>>, %arg6: memref<1x10000x128xf32, #tpu.memory_space<vmem>>, %arg7: memref<1x10000x128xbf16, #tpu.memory_space<vmem>>, %arg8: memref<1x1x10000xf32, #tpu.memory_space<vmem>>) attributes {dimension_semantics = [#tpu.dimension_semantics<arbitrary>], iteration_bounds = array<i64: 3>, scalar_prefetch = 0 : i64, scratch_operands = 0 : i64, tpu.core_type = #tpu.core_type<tc>, window_params = [{transform_indices = @transform_0, window_bounds = array<i64: 1, 10000, 128>}, {pipeline_mode = #tpu.pipeline_mode<synchronous>, transform_indices = @transform_1, window_bounds = array<i64: 128, 128>}, {pipeline_mode = #tpu.pipeline_mode<synchronous>, transform_indices = @transform_2, window_bounds = array<i64: 1, 128>}, {transform_indices = @transform_3, window_bounds = array<i64: 1, 1, 128>}, {pipeline_mode = #tpu.pipeline_mode<synchronous>, transform_indices = @transform_4, window_bounds = array<i64: 1, 1>}, {transform_indices = @transform_5, window_bounds = array<i64: 1, 10000, 128>}, {transform_indices = @transform_6, window_bounds = array<i64: 1, 10000, 128>}, {transform_indices = @transform_7, window_bounds = array<i64: 1, 1, 10000>}]} {
    %get3A = arith.constant 0 : index
    %get3A_0 = arith.constant 0 : index
    %get3A_1 = arith.constant 0 : index
    %get3A_2 = vector.load %arg1[%get3A, %get3A_0, %get3A_1] : memref<1x10000x128xf32, #tpu.memory_space<vmem>>, vector<1x10000x128xf32>
    %get3A_3 = vector.shape_cast %get3A_2 : vector<1x10000x128xf32> to vector<10000x128xf32>
    %get3A_4 = arith.constant 0 : index
    %get3A_5 = arith.constant 0 : index
    %get3A_6 = vector.load %arg2[%get3A_4, %get3A_5] : memref<128x128xf32, #tpu.memory_space<vmem>>, vector<128x128xf32>
    %transpose3A = tpu.transpose %get3A_6, [1, 0] : vector<128x128xf32> -> vector<128x128xf32>
    %dot_general3A = arith.constant dense<0.000000e+00> : vector<10000x128xf32>
    %dot_general3A_7 = tpu.matmul %get3A_3, %transpose3A, %dot_general3A {dimension_numbers = #tpu.dot_dimension_numbers<[1], [0], [0], [1], [0, 0, 1, 1], [], []>, transpose_lhs_hint = false} : vector<10000x128xf32>, vector<128x128xf32>, vector<10000x128xf32> -> vector<10000x128xf32>
    %get3A_8 = arith.constant 0 : index
    %get3A_9 = arith.constant 0 : index
    %get3A_10 = vector.load %arg3[%get3A_8, %get3A_9] : memref<1x128xf32, #tpu.memory_space<vmem>>, vector<1x128xf32>
    %add3A = vector.broadcast %get3A_10 : vector<1x128xf32> to vector<10000x128xf32>
    %add3A_11 = arith.addf %dot_general3A_7, %add3A : vector<10000x128xf32>
    %swap3A = arith.constant 0 : index
    %swap3A_12 = arith.constant 0 : index
    %swap3A_13 = arith.constant 0 : index
    %swap3A_14 = vector.load %arg6[%swap3A, %swap3A_12, %swap3A_13] : memref<1x10000x128xf32, #tpu.memory_space<vmem>>, vector<1x10000x128xf32>
    %swap3A_15 = vector.shape_cast %swap3A_14 : vector<1x10000x128xf32> to vector<10000x128xf32>
    %swap3A_16 = vector.shape_cast %add3A_11 : vector<10000x128xf32> to vector<1x10000x128xf32>
    tpu.vector_store %arg6[%swap3A, %swap3A_12, %swap3A_13], %swap3A_16 {strides = array<i32>} : memref<1x10000x128xf32, #tpu.memory_space<vmem>>, vector<1x10000x128xf32>,
    %convert_element_type3A = arith.truncf %add3A_11 : vector<10000x128xf32> to vector<10000x128xbf16>
    %swap3A_17 = arith.constant 0 : index
    %swap3A_18 = arith.constant 0 : index
    %swap3A_19 = arith.constant 0 : index
    %swap3A_20 = vector.load %arg7[%swap3A_17, %swap3A_18, %swap3A_19] : memref<1x10000x128xbf16, #tpu.memory_space<vmem>>, vector<1x10000x128xbf16>
    %swap3A_21 = vector.shape_cast %swap3A_20 : vector<1x10000x128xbf16> to vector<10000x128xbf16>
    %swap3A_22 = vector.shape_cast %convert_element_type3A : vector<10000x128xbf16> to vector<1x10000x128xbf16>
    tpu.vector_store %arg7[%swap3A_17, %swap3A_18, %swap3A_19], %swap3A_22 {strides = array<i32>} : memref<1x10000x128xbf16, #tpu.memory_space<vmem>>, vector<1x10000x128xbf16>,
    %get3A_23 = arith.constant 0 : index
    %get3A_24 = arith.constant 0 : index
    %get3A_25 = arith.constant 0 : index
    %get3A_26 = vector.load %arg4[%get3A_23, %get3A_24, %get3A_25] : memref<1x1x128xf32, #tpu.memory_space<vmem>>, vector<1x1x128xf32>
    %get3A_27 = vector.shape_cast %get3A_26 : vector<1x1x128xf32> to vector<128xf32>
    %broadcast_in_dim3A = vector.shape_cast %get3A_27 : vector<128xf32> to vector<128x1xf32>
    %dot_general3A_28 = arith.constant dense<0.000000e+00> : vector<10000x1xf32>
    %dot_general3A_29 = tpu.matmul %add3A_11, %broadcast_in_dim3A, %dot_general3A_28 {dimension_numbers = #tpu.dot_dimension_numbers<[1], [0], [0], [1], [0, 0, 1, 1], [], []>, transpose_lhs_hint = false} : vector<10000x128xf32>, vector<128x1xf32>, vector<10000x1xf32> -> vector<10000x1xf32>
    %squeeze3A = vector.shape_cast %dot_general3A_29 : vector<10000x1xf32> to vector<10000xf32>
    %eq3A = arith.constant 0 : i32
    %eq3A_30 = arith.cmpi eq, %arg0, %eq3A : i32
    %get3A_31 = arith.constant 0 : index
    %get3A_32 = arith.constant 0 : index
    %get3A_33 = vector.load %arg5[%get3A_31, %get3A_32] : memref<1x1xf32, #tpu.memory_space<vmem>>, vector<1x1xf32>
    %get3A_34 = vector.extract %get3A_33[0, 0] : f32 from vector<1x1xf32>
    %jit3A = arith.constant 0.000000e+00 : f32
    %select_n3A = arith.select %eq3A_30, %get3A_34, %jit3A : f32
    %add3A_35 = vector.broadcast %select_n3A : f32 to vector<10000xf32>
    %add3A_36 = arith.addf %squeeze3A, %add3A_35 : vector<10000xf32>
    %swap3A_37 = arith.constant 0 : index
    %swap3A_38 = arith.constant 0 : index
    %swap3A_39 = arith.constant 0 : index
    %swap3A_40 = vector.load %arg8[%swap3A_37, %swap3A_38, %swap3A_39] : memref<1x1x10000xf32, #tpu.memory_space<vmem>>, vector<1x1x10000xf32>
    %swap3A_41 = vector.shape_cast %swap3A_40 : vector<1x1x10000xf32> to vector<10000xf32>
    %swap3A_42 = vector.shape_cast %add3A_36 : vector<10000xf32> to vector<1x1x10000xf32>
    tpu.vector_store %arg8[%swap3A_37, %swap3A_38, %swap3A_39], %swap3A_42 {strides = array<i32>} : memref<1x1x10000xf32, #tpu.memory_space<vmem>>, vector<1x1x10000xf32>,
    return
  }
  func.func @transform_0(%arg0: i32) -> (i32, i32, i32) {
    %c0_i32 = arith.constant 0 : i32
    %c0_i32_0 = arith.constant 0 : i32
    %c0_i32_1 = arith.constant 0 : i32
    return %arg0, %c0_i32, %c0_i32_0 : i32, i32, i32
  }
  func.func @transform_1(%arg0: i32) -> (i32, i32) {
    %c0_i32 = arith.constant 0 : i32
    %c0_i32_0 = arith.constant 0 : i32
    %c0_i32_1 = arith.constant 0 : i32
    return %c0_i32, %c0_i32_0 : i32, i32
  }
  func.func @transform_2(%arg0: i32) -> (i32, i32) {
    %c0_i32 = arith.constant 0 : i32
    %c0_i32_0 = arith.constant 0 : i32
    %c0_i32_1 = arith.constant 0 : i32
    return %c0_i32, %c0_i32_0 : i32, i32
  }
  func.func @transform_3(%arg0: i32) -> (i32, i32, i32) {
    %c0_i32 = arith.constant 0 : i32
    %c0_i32_0 = arith.constant 0 : i32
    %c0_i32_1 = arith.constant 0 : i32
    return %arg0, %c0_i32, %c0_i32_0 : i32, i32, i32
  }
  func.func @transform_4(%arg0: i32) -> (i32, i32) {
    %c0_i32 = arith.constant 0 : i32
    %c0_i32_0 = arith.constant 0 : i32
    %c0_i32_1 = arith.constant 0 : i32
    return %c0_i32, %c0_i32_0 : i32, i32
  }
  func.func @transform_5(%arg0: i32) -> (i32, i32, i32) {
    %c0_i32 = arith.constant 0 : i32
    %c0_i32_0 = arith.constant 0 : i32
    %c0_i32_1 = arith.constant 0 : i32
    return %arg0, %c0_i32, %c0_i32_0 : i32, i32, i32
  }
  func.func @transform_6(%arg0: i32) -> (i32, i32, i32) {
    %c0_i32 = arith.constant 0 : i32
    %c0_i32_0 = arith.constant 0 : i32
    %c0_i32_1 = arith.constant 0 : i32
    return %arg0, %c0_i32, %c0_i32_0 : i32, i32, i32
  }
  func.func @transform_7(%arg0: i32) -> (i32, i32, i32) {
    %c0_i32 = arith.constant 0 : i32
    %c0_i32_0 = arith.constant 0 : i32
    %c0_i32_1 = arith.constant 0 : i32
    return %arg0, %c0_i32, %c0_i32_0 : i32, i32, i32
  }
}

module attributes {stable_mosaic.version = 14 : i64} {
  func.func @_tc_fin(%arg0: i32, %arg1: memref<1x10000x128xf32, #tpu.memory_space<vmem>>, %arg2: memref<2x10000x128xbf16, #tpu.memory_space<vmem>>, %arg3: memref<32x10000xf32, #tpu.memory_space<vmem>>, %arg4: memref<1x128xf32, #tpu.memory_space<vmem>>, %arg5: memref<10000x128xf32, #tpu.memory_space<vmem>>) attributes {dimension_semantics = [#tpu.dimension_semantics<arbitrary>], iteration_bounds = array<i64: 1>, scalar_prefetch = 0 : i64, scratch_operands = 0 : i64, tpu.core_type = #tpu.core_type<tc>, window_params = [{transform_indices = @transform_0, window_bounds = array<i64: 1, 10000, 128>}, {pipeline_mode = #tpu.pipeline_mode<synchronous>, transform_indices = @transform_1, window_bounds = array<i64: 2, 10000, 128>}, {pipeline_mode = #tpu.pipeline_mode<synchronous>, transform_indices = @transform_2, window_bounds = array<i64: 32, 10000>}, {pipeline_mode = #tpu.pipeline_mode<synchronous>, transform_indices = @transform_3, window_bounds = array<i64: 1, 128>}, {pipeline_mode = #tpu.pipeline_mode<synchronous>, transform_indices = @transform_4, window_bounds = array<i64: 10000, 128>}]} {
    %get3A = arith.constant 0 : index
    %get3A_0 = arith.constant 0 : index
    %get3A_1 = vector.load %arg3[%get3A, %get3A_0] : memref<32x10000xf32, #tpu.memory_space<vmem>>, vector<32x10000xf32>
    %reduce_sum3A = arith.constant dense<0.000000e+00> : vector<10000xf32>
    %reduce_sum3A_2 = vector.multi_reduction <add>, %get3A_1, %reduce_sum3A [0] : vector<32x10000xf32> to vector<10000xf32>
    %get3A_3 = arith.constant 0 : index
    %get3A_4 = arith.constant 0 : index
    %get3A_5 = arith.constant 0 : index
    %get3A_6 = vector.load %arg2[%get3A_3, %get3A_4, %get3A_5] : memref<2x10000x128xbf16, #tpu.memory_space<vmem>>, vector<1x10000x128xbf16>
    %get3A_7 = vector.shape_cast %get3A_6 : vector<1x10000x128xbf16> to vector<10000x128xbf16>
    %convert_element_type3A = arith.extf %get3A_7 : vector<10000x128xbf16> to vector<10000x128xf32>
    %get3A_8 = arith.constant 1 : index
    %get3A_9 = arith.constant 0 : index
    %get3A_10 = arith.constant 0 : index
    %get3A_11 = vector.load %arg2[%get3A_8, %get3A_9, %get3A_10] : memref<2x10000x128xbf16, #tpu.memory_space<vmem>>, vector<1x10000x128xbf16>
    %get3A_12 = vector.shape_cast %get3A_11 : vector<1x10000x128xbf16> to vector<10000x128xbf16>
    %convert_element_type3A_13 = arith.extf %get3A_12 : vector<10000x128xbf16> to vector<10000x128xf32>
    %add3A = arith.addf %convert_element_type3A, %convert_element_type3A_13 : vector<10000x128xf32>
    %get3A_14 = arith.constant 0 : index
    %get3A_15 = arith.constant 0 : index
    %get3A_16 = arith.constant 0 : index
    %get3A_17 = vector.load %arg1[%get3A_14, %get3A_15, %get3A_16] : memref<1x10000x128xf32, #tpu.memory_space<vmem>>, vector<1x10000x128xf32>
    %get3A_18 = vector.shape_cast %get3A_17 : vector<1x10000x128xf32> to vector<10000x128xf32>
    %gt3A = arith.constant 0.000000e+00 : f32
    %gt3A_19 = vector.broadcast %gt3A : f32 to vector<10000xf32>
    %gt3A_20 = arith.cmpf ogt, %reduce_sum3A_2, %gt3A_19 : vector<10000xf32>
    %jit3A = arith.constant 1.000000e+00 : f32
    %jit3A_21 = arith.constant 0.000000e+00 : f32
    %broadcast_in_dim3A = vector.broadcast %jit3A : f32 to vector<10000xf32>
    %broadcast_in_dim3A_22 = vector.broadcast %jit3A_21 : f32 to vector<10000xf32>
    %select_n3A = arith.select %gt3A_20, %broadcast_in_dim3A, %broadcast_in_dim3A_22 : vector<10000xi1>, vector<10000xf32>
    %max3A = arith.constant 1.000000e-16 : f32
    %max3A_23 = vector.broadcast %max3A : f32 to vector<10000xf32>
    %max3A_24 = arith.maximumf %reduce_sum3A_2, %max3A_23 : vector<10000xf32>
    %div3A = arith.constant 1.000000e+00 : f32
    %div3A_25 = vector.broadcast %div3A : f32 to vector<10000xf32>
    %div3A_26 = arith.divf %div3A_25, %max3A_24 : vector<10000xf32>
    %broadcast_in_dim3A_27 = vector.shape_cast %select_n3A : vector<10000xf32> to vector<10000x1xf32>
    %mul3A = vector.broadcast %broadcast_in_dim3A_27 : vector<10000x1xf32> to vector<10000x128xf32>
    %mul3A_28 = arith.mulf %get3A_18, %mul3A : vector<10000x128xf32>
    %broadcast_in_dim3A_29 = vector.shape_cast %div3A_26 : vector<10000xf32> to vector<10000x1xf32>
    %mul3A_30 = vector.broadcast %broadcast_in_dim3A_29 : vector<10000x1xf32> to vector<10000x128xf32>
    %mul3A_31 = arith.mulf %add3A, %mul3A_30 : vector<10000x128xf32>
    %add3A_32 = arith.addf %mul3A_28, %mul3A_31 : vector<10000x128xf32>
    %mul3A_33 = arith.constant 0.333333343 : f32
    %mul3A_34 = vector.broadcast %mul3A_33 : f32 to vector<10000x128xf32>
    %mul3A_35 = arith.mulf %add3A_32, %mul3A_34 : vector<10000x128xf32>
    %get3A_36 = arith.constant 0 : index
    %get3A_37 = arith.constant 0 : index
    %get3A_38 = vector.load %arg4[%get3A_36, %get3A_37] : memref<1x128xf32, #tpu.memory_space<vmem>>, vector<1x128xf32>
    %add3A_39 = vector.broadcast %get3A_38 : vector<1x128xf32> to vector<10000x128xf32>
    %add3A_40 = arith.addf %mul3A_35, %add3A_39 : vector<10000x128xf32>
    %swap3A = arith.constant 0 : index
    %swap3A_41 = arith.constant 0 : index
    %swap3A_42 = vector.load %arg5[%swap3A, %swap3A_41] : memref<10000x128xf32, #tpu.memory_space<vmem>>, vector<10000x128xf32>
    tpu.vector_store %arg5[%swap3A, %swap3A_41], %add3A_40 {strides = array<i32>} : memref<10000x128xf32, #tpu.memory_space<vmem>>, vector<10000x128xf32>,
    return
  }
  func.func @transform_0(%arg0: i32) -> (i32, i32, i32) {
    %c0_i32 = arith.constant 0 : i32
    %c0_i32_0 = arith.constant 0 : i32
    %c0_i32_1 = arith.constant 0 : i32
    %c0_i32_2 = arith.constant 0 : i32
    return %c0_i32, %c0_i32_0, %c0_i32_1 : i32, i32, i32
  }
  func.func @transform_1(%arg0: i32) -> (i32, i32, i32) {
    %c0_i32 = arith.constant 0 : i32
    %c0_i32_0 = arith.constant 0 : i32
    %c0_i32_1 = arith.constant 0 : i32
    %c0_i32_2 = arith.constant 0 : i32
    return %c0_i32, %c0_i32_0, %c0_i32_1 : i32, i32, i32
  }
  func.func @transform_2(%arg0: i32) -> (i32, i32) {
    %c0_i32 = arith.constant 0 : i32
    %c0_i32_0 = arith.constant 0 : i32
    %c0_i32_1 = arith.constant 0 : i32
    return %c0_i32, %c0_i32_0 : i32, i32
  }
  func.func @transform_3(%arg0: i32) -> (i32, i32) {
    %c0_i32 = arith.constant 0 : i32
    %c0_i32_0 = arith.constant 0 : i32
    %c0_i32_1 = arith.constant 0 : i32
    return %c0_i32, %c0_i32_0 : i32, i32
  }
  func.func @transform_4(%arg0: i32) -> (i32, i32) {
    %c0_i32 = arith.constant 0 : i32
    %c0_i32_0 = arith.constant 0 : i32
    %c0_i32_1 = arith.constant 0 : i32
    return %c0_i32, %c0_i32_0 : i32, i32
  }
}

</mosaic_0001>

<sc_bundles>
// kernel: kernel.5.cloned.1.call-start
scs
__scs_entry_jumppad:
0x0: {  	(pc) =	sbr.rel $0x88, $3  }
0x1: {  	(tag) =	ssettag $0x0;
	lr =	simm.s32 $0x1  }
0x2: {  	[smem:$0x3F9A] =	sst lr;
	_ =	strace $0xD0000000  }
0x3: {  	_ = 	snop  }
0x4: {  	_ = 	snop  }
0x5: {  	_ = 	snop  }
0x6: {  	_ = 	snop  }
0x7: {  	_ = 	snop  }
__scs_overlays_trampoline_lowered:
0x8: {  	[smem:$0x3FA9] =	sst s0  }
0x9: {  	[smem:$0x3FAA] =	sst s1  }
0xa: {  	[smem:$0x3FAB] =	sst s2  }
0xb: {  	[smem:$0x3FAC] =	sst s3  }
0xc: {  	[smem:$0x3FAD] =	sst s4  }
0xd: {  	[smem:$0x3FAE] =	sst s5  }
0xe: {  	[smem:$0x3FAF] =	sst s6  }
0xf: {  	[smem:$0x3FB0] =	sst s7  }
0x10: {  	[smem:$0x3FB1] =	sst s8  }
0x11: {  	[smem:$0x3FB2] =	sst s9;
	s0 =	simm.s32 @!p0 $0x0  }
0x12: {  	s1 =	sld [smem:$0x3F98];
	s0 =	simm.s32 @p0 $0x1  }
0x13: {  	[smem:$0x3FB3] =	sst s0;
	s0 =	simm.s32 @!p1 $0x0  }
0x14: {  	s2 =	sld [smem:$0x3F97];
	s0 =	simm.s32 @p1 $0x1  }
0x15: {  	[smem:$0x3FB4] =	sst s0;
	s0 =	simm.s32 @!p2 $0x0  }
0x16: {  	s3 =	sld [smem:$0x3FDB];
	s0 =	simm.s32 @p2 $0x1  }
0x17: {  	s4 =	simm.s32 $0x1BF5;
	[smem:$0x3FB6] =	sst s0  }
0x18: {  	s0 =	sld [smem:$0x3F99];
	_ =	swait.ge [sflag:s4], $0x0  }
0x19: {  	s7 =	sld [smem:$0x3F9A]  }
0x1a: {  	s8 =	sadd.s32 $0xFFFFE003, lr  }
0x1b: {  	s9 =	sadd.s32 $0xFFFFFEF7, lr;
	s5 =	simm.s32 $0xFFFFFFFF;
	p2 =	slt.u32 s8, $0xFFFFF086  }
0x1c: {  	p1 =	slt.u32 s9, $0xF7A;
	s5 =	simm.s32 @!p2 $0x0  }
0x1d: {  	s5 =	simm.s32 @p1 $0x1;
	p0 =	seq.s32 s7, s2  }
0x1e: {  	s7 =	smul.u32 @!p0 $0xF7A, s2;
	p2 =	seq.s32 @!p0 s5, $0x0  }
0x1f: {  	s9 =	smul.u32 $0xF7A, s1;
	s8 =	simm.s32 @!p0 $0x1BF5;
	p2 =	por !p2, p0  }
0x20: {  	[sflag:s8] =	ssyncset.s32 @!p0 $0xFFFFF086;
	s6 =	sadd.s32 @!p0 s3, s7;
	s7 =	simm.s32 @!p0 $0x108  }
0x21: {  	s3 =	sadd.s32 s3, s9;
	s6 =	sadd.s32 @!p0 $0x88, s6;
	s7 =	simm.s32 @p2 $0x1082  }
0x22: {  	[simem:s7], [sflag:s8] =	dma.local @!p0 [hbm:s6], $0xF7A  }
0x23: {  	s9 =	sor.u32 $0xD0000000, s2;
	s6 =	simm.s32 $0x108;
	_ =	swait.ge @!p0 [sflag:s8], $0x0  }
0x24: {  	s3 =	sadd.s32 $0x88, s3;
	s6 =	simm.s32 @!p1 $0x1082;
	[sflag:s4] =	ssyncset.s32 $0xFFFFF086  }
0x25: {  	[simem:s6], [sflag:s4] =	dma.local [hbm:s3], $0xF7A  }
0x26: {  	[smem:$0x3F9A] =	sst s1;
	(tag) =	ssettag s2;
	_ =	strace s9  }
0x27: {  	s1 =	sld [smem:$0x3FAA]  }
0x28: {  	s2 =	sld [smem:$0x3FAB]  }
0x29: {  	s4 =	sld [smem:$0x3FAD]  }
0x2a: {  	p0 =	seq.s32 s5, $0x0;
	s5 =	sld [smem:$0x3FAE]  }
0x2b: {  	s6 =	sld [smem:$0x3FAF]  }
0x2c: {  	s7 =	sld [smem:$0x3FB0]  }
0x2d: {  	s3 =	simm.s32 $0x108;
	s8 =	sld [smem:$0x3FB1]  }
0x2e: {  	s3 =	simm.s32 @!p0 $0x1082;
	s9 =	sld [smem:$0x3FB2]  }
0x2f: {  	lr =	sadd.s32 s0, s3;
	s0 =	sld [smem:$0x3FA9]  }
0x30: {  	s3 =	sld [smem:$0x3FAC]  }
0x31: {  	[smem:$0x3FB5] =	sst s10  }
0x32: {  	s10 =	sld [smem:$0x3FB3];
	_ =	sdelay $0x3  }
0x33: {  	p0 =	seq.s32 s10, $0x1;
	s10 =	sld [smem:$0x3FB5];
	_ =	sdelay $0x3  }
0x34: {  	[smem:$0x3FB5] =	sst s10  }
0x35: {  	s10 =	sld [smem:$0x3FB4];
	_ =	sdelay $0x3  }
0x36: {  	p1 =	seq.s32 s10, $0x1;
	s10 =	sld [smem:$0x3FB5];
	_ =	sdelay $0x3  }
0x37: {  	[smem:$0x3FB5] =	sst s10  }
0x38: {  	s10 =	sld [smem:$0x3FB6]  }
0x39: {  	_ = 	snop;
	(pc) =	sbr.ind lr, $3  }
0x3a: {  	_ = 	snop  }
0x3b: {  	_ = 	snop  }
0x3c: {  	p2 =	seq.s32 s10, $0x1;
	s10 =	sld [smem:$0x3FB5]  }
0x3d: {  	_ =	shalt  }
0x3e: {  	_ =	shalt  }
0x3f: {  	_ =	shalt  }
0x40: {  	_ =	shalt  }
0x41: {  	_ =	shalt  }
0x42: {  	_ =	shalt  }
0x43: {  	_ =	shalt  }
0x44: {  	_ =	shalt  }
0x45: {  	_ =	shalt  }
0x46: {  	_ =	shalt  }
0x47: {  	_ =	shalt  }
0x48: {  	_ =	shalt  }
0x49: {  	_ =	shalt  }
0x4a: {  	_ =	shalt  }
0x4b: {  	_ =	shalt  }
0x4c: {  	_ =	shalt  }
0x4d: {  	_ =	shalt  }
0x4e: {  	_ =	shalt  }
0x4f: {  	_ =	shalt  }
0x50: {  	_ =	shalt  }
0x51: {  	_ =	shalt  }
0x52: {  	_ =	shalt  }
0x53: {  	_ =	shalt  }
0x54: {  	_ =	shalt  }
0x55: {  	_ =	shalt  }
0x56: {  	_ =	shalt  }
0x57: {  	_ =	shalt  }
0x58: {  	_ =	shalt  }
0x59: {  	_ =	shalt  }
0x5a: {  	_ =	shalt  }
0x5b: {  	_ =	shalt  }
0x5c: {  	_ =	shalt  }
0x5d: {  	_ =	shalt  }
0x5e: {  	_ =	shalt  }
0x5f: {  	_ =	shalt  }
0x60: {  	_ =	shalt  }
0x61: {  	_ =	shalt  }
0x62: {  	_ =	shalt  }
0x63: {  	_ =	shalt  }
0x64: {  	_ =	shalt  }
0x65: {  	_ =	shalt  }
0x66: {  	_ =	shalt  }
0x67: {  	_ =	shalt  }
0x68: {  	_ =	shalt  }
0x69: {  	_ =	shalt  }
0x6a: {  	_ =	shalt  }
0x6b: {  	_ =	shalt  }
0x6c: {  	_ =	shalt  }
0x6d: {  	_ =	shalt  }
0x6e: {  	_ =	shalt  }
0x6f: {  	_ =	shalt  }
0x70: {  	_ =	shalt  }
0x71: {  	_ =	shalt  }
0x72: {  	_ =	shalt  }
0x73: {  	_ =	shalt  }
0x74: {  	_ =	shalt  }
0x75: {  	_ =	shalt  }
0x76: {  	_ =	shalt  }
0x77: {  	_ =	shalt  }
0x78: {  	_ =	shalt  }
0x79: {  	_ =	shalt  }
0x7a: {  	_ =	shalt  }
0x7b: {  	_ =	shalt  }
0x7c: {  	_ =	shalt  }
0x7d: {  	_ =	shalt  }
0x7e: {  	_ =	shalt  }
0x7f: {  	_ =	shalt  }
0x80: {  	_ =	shalt  }
0x81: {  	_ =	shalt  }
0x82: {  	_ =	shalt  }
0x83: {  	_ =	shalt  }
0x84: {  	_ =	shalt  }
0x85: {  	_ =	shalt  }
0x86: {  	_ =	shalt  }
0x87: {  	_ =	shalt  }
.Lfunc_end0:
.L_simem_size_0:
called_computation_lowered:
.L_overlay_start_0:
0x88: {  	s2 =	sld [smem:$0x3FD9]  }
0x89: {  	s3 =	sld [smem:$0x3FFE];
	_ =	sdelay $0x1  }
0x8a: {  	s1 =	srdreg.scid  }
0x8b: {  	s0 =	sand.u32 $0x1, s1  }
0x8c: {  	s17 =	sshll.u32 s0, $0xA;
	s2 =	sadd.s32 s3, s2  }
0x8d: {  	s2 =	sadd.s32 s2, s17  }
0x8e: {  	[smem:$0x3FC1] =	sst s2  }
0x8f: {  	_ = 	snop  }
0x90: {  	s2 =	sld [smem:$0x3FD0];
	(tm) =	ssettm $0x1  }
0x91: {  	s18 =	sld [smem:$0x3FFB];
	_ =	sdelay $0x3  }
0x92: {  	_ =	strace s18  }
0x93: {  	s3 =	sld [smem:$0x3FFC];
	_ =	sdelay $0x3  }
0x94: {  	_ =	strace s3  }
0x95: {  	s3 =	sld [smem:$0x3FFD];
	_ =	sdelay $0x3  }
0x96: {  	_ =	strace s3  }
0x97: {  	_ =	strace $0x8FFFFFFF  }
0x98: {  	s19 =	sld [smem:$0x3FDB];
	_ =	sdelay $0x1  }
0x99: {  	s4 =	simm.s32 $_scs_section_size  }
0x9a: {  	s5 =	simm.s32 $_size__tile_overlayer_lowered;
	s6 =	simm.s32 $_tile_overlayer_lowered  }
0x9b: {  	s22 =	simm.s32 $0x1BFF;
	s21 =	sshll.u32 s6, $0x1;
	s3 =	sadd.s32 s4, s19  }
0x9c: {  	s7 =	simm.s32 $0x0;
	s20 =	sshll.u32 s5, $0x1;
	s5 =	sadd.s32 s21, s3  }
0x9d: {  	[timem:s7], [sflag:s22] =	dma.local [hbm:s5], s20  }
0x9e: {  	_ =	swait.ge [sflag:s22], s20  }
0x9f: {  	s4 =	ssub.s32 $0x0, s20;
	[sflag:s22] =	ssyncset.done $0x0  }
0xa0: {  	[sflag:s22] =	ssyncadd.s32 s4;
	_ =	sdelay $0x1  }
0xa1: {  	s23 =	simm.s32 $0x1B8B  }
0xa2: {  	_ =	swait.ge [sflag:s23], $0x1  }
0xa3: {  	[sflag:s23] =	ssyncset.done $0x0  }
0xa4: {  	s25 =	simm.s32 $0x1B8E;
	s24 =	sld [smem:$0x3FFE];
	[sflag:s23] =	ssyncadd.s32 $0xFFFFFFFF  }
0xa5: {  	s26 =	simm.s32 $execute0_lowered;
	[smem:$0x3FD2] =	sst s25  }
0xa6: {  	s5 =	sshll.u32 s26, $0x1;
	_ =	strace $0x80000046;
	[dreg:$0x1] =	wrdreg $0xFFFFFFFF  }
0xa7: {  	s28 =	simm.s32 $_size_execute0_lowered;
	s3 =	sadd.s32 s3, s5;
	[dreg:$0x0] =	wrdreg $0x0  }
0xa8: {  	s5 =	sshll.u32 s28, $0x1;
	[dreg:$0x2] =	wrdreg s3  }
0xa9: {  	[dreg:$0x3] =	wrdreg s5  }
0xaa: {  	[dreg:$0x4] =	wrdreg $0xC0  }
0xab: {  	_ =	task [dreg:s7], $0x5FFFF  }
0xac: {  	[dreg:$0x1] =	wrdreg $0xFFFFFFFF  }
0xad: {  	[dreg:$0x0] =	wrdreg $0x60  }
0xae: {  	[dreg:$0x2] =	wrdreg s24  }
0xaf: {  	[dreg:$0x3] =	wrdreg s2  }
0xb0: {  	[dreg:$0x4] =	wrdreg $0x141400  }
0xb1: {  	[dreg:$0x5] =	wrdreg $0x9  }
0xb2: {  	_ =	task.clear_ibuf [dreg:s7], $0x6FFFF;
	_ =	strace $0x90000046  }
0xb3: {  	s29 =	simm.s32 $0x9;
	_ =	strace $0x80000048  }
0xb4: {  	_ =	swait.ge [sflag:s29], $0x1  }
0xb5: {  	[sflag:s29] =	ssyncadd.s32 $0xFFFFFFFF  }
0xb6: {  	_ =	strace $0x90000048  }
0xb7: {  	_ =	sfence  }
0xb8: {  	s30 =	sld [smem:$0x0];
	_ =	sdelay $0x2  }
0xb9: {  	s31 =	sshll.u32 s1, $0xD;
	s1 =	sshrl.u32 s1, $0x2  }
0xba: {  	s3 =	sand.u32 $0x4000, s31;
	s1 =	sadd.s32 s1, s30  }
0xbb: {  	s0 =	sor.u32 s3, s0;
	s1 =	sshll.u32 s1, $0x11  }
0xbc: {  	s0 =	sor.u32 s1, s0  }
0xbd: {  	s0 =	sadd.s32 $0x8F2B, s0  }
0xbe: {  	[sflag:s0] =	ssyncadd.remote.s32 $0x1  }
0xbf: {  	_ =	sfence.sel $0xFFFF  }
0xc0: {  	[dreg:$0x0] =	wrdreg $0xFFFFFFFF;
	(pc) =	sbr.abs _section_cstart, $3  }
0xc1: {  	[dreg:$0x1] =	wrdreg $0xFFFFFFFF  }
0xc2: {  	_ =	task.clear_ibuf [dreg:s7], $0x2FFFF;
	_ =	strace $0x9FFFFFFF  }
0xc3: {  	(tm) =	ssettm $0x7FFFFFFF  }
tec
execute0_lowered:
.L_overlay_start_1:
0x0: {  	(tag) =	ssettag $0x1  }
0x1: {  	s0 =	rddreg [dreg:$0x0]  }
0x2: {  	s1 =	rddreg [dreg:$0x1]  }
0x3: {  	s2 =	rddreg [dreg:$0x2]  }
0x4: {  	s3 =	srdreg.scid;
	s14 =	stileid.u32  }
0x5: {  	s17 =	simm.s32 $0x0;
	s30 =	simm.s32 $0x480;
	s31 =	simm.s32 $0x7  }
0x6: {  	s3 =	sand.u32 $0x1, s3;
	s4 =	sshll.u32 s14, $0x1;
	[smem:$0x7FF] =	sst s17  }
0x7: {  	s5 =	sadd.s32 $0xBC400, s0;
	s6 =	sadd.s32 $0xB2600, s0;
	s7 =	sadd.s32 $0x76C00, s0  }
0x8: {  	s10 =	sadd.s32 $0xB1600, s0;
	p0 =	slt.u32 s14, $0x2;
	s16 =	smul.u32 $0x1F400, s14  }
0x9: {  	s19 =	smul.u32 $0x3E800, s14;
	s8 =	sor.u32 s3, s4;
	_ =	strace $0x80000047  }
0xa: {  	s4 =	sadd.s32 $0xC6200, s0;
	s28 =	ssub.s32 $0x2, s3;
	s3 =	smul.u32 $0x13880, s3  }
0xb: {  	[dreg:$0x4] =	wrdreg s10;
	s9 =	smul.u32 $0x4E2, s8;
	s29 =	sshll.u32 s8, $0x4  }
0xc: {  	s11 =	sshrl.u32 s28, $0x1;
	s20 =	sshrl.u32 s16, $0x1;
	s12 =	sadd.s32 s4, s29  }
0xd: {  	s10 =	ssub.s32 s28, s11;
	s13 =	sadd.s32 s5, s29;
	[dreg:$0x5] =	wrdreg s12  }
0xe: {  	s15 =	sadd.s32 s6, s29;
	s11 =	sor.u32 $0x200, s29;
	[dreg:$0x6] =	wrdreg s13  }
0xf: {  	s21 =	sshrl.u32 s19, $0x2;
	[dreg:$0x7] =	wrdreg s15;
	s18 =	sadd.s32 s4, s11  }
0x10: {  	s0 =	sadd.s32 s9, s0;
	s15 =	sadd.s32 s5, s11;
	[dreg:$0x8] =	wrdreg s18  }
0x11: {  	s9 =	simm.s32 $0x4F;
	s11 =	sadd.s32 s6, s11;
	[dreg:$0x9] =	wrdreg s15  }
0x12: {  	s13 =	sshll.u32 s8, $0x7;
	s10 =	smax.u32 s10, $0x1;
	[dreg:$0xa] =	wrdreg s11  }
0x13: {  	s8 =	sshrl.u32 s16, $0x4;
	s0 =	sadd.s32 $0xD0000, s0;
	[dreg:$0xd] =	wrdreg s10  }
0x14: {  	[dreg:$0xb] =	wrdreg s0;
	s0 =	sadd.s32 s1, s3;
	s3 =	sadd.s32 s21, s2  }
0x15: {  	s12 =	simm.s32 $0x11A30;
	s22 =	sadd.s32 $0x1F40, s3;
	[dreg:$0xc] =	wrdreg s3  }
0x16: {  	s9 =	simm.s32 @!p0 $0x4E;
	s23 =	sadd.s32 $0x3E80, s3;
	[dreg:$0xe] =	wrdreg s22  }
0x17: {  	p0 =	sgt.u32 s14, $0x9;
	s24 =	sadd.s32 $0x5DC0, s3;
	[dreg:$0xf] =	wrdreg s23  }
0x18: {  	s16 =	simm.s32 $0x0;
	s0 =	sadd.s32 @!p0 s8, s0;
	[dreg:$0x10] =	wrdreg s24  }
0x19: {  	v0 =	vimm.f32 $0.0e+00;
	v1 =	vimm.bf16 $0.0e+00;
	s10 =	simm.s32 $0x4;
	s25 =	sadd.s32 $0x7D00, s3;
	[dreg:$0x11] =	wrdreg s0  }
0x1a: {  	vm0 =	vcmask $0x704;
	vm1 =	vcmask $0xB08;
	vm2 =	vcmask $0xF0C;
	s11 =	simm.s32 $0x5;
	s26 =	sadd.s32 $0x9C40, s3;
	[dreg:$0x12] =	wrdreg s25  }
0x1b: {  	vm3 =	vcmask $0x1310;
	vm4 =	vcmask $0x1714;
	vm5 =	vcmask $0x1B18;
	s14 =	simm.s32 $0xFA30;
	s28 =	sadd.s32 $0xBB80, s3;
	[dreg:$0x14] =	wrdreg s26  }
0x1c: {  	vm6 =	vcmask $0x1F1C;
	vm7 =	vcmask $0x2320;
	vm8 =	vcmask $0x2724;
	s1 =	sadd.s32 s20, s2;
	s29 =	sadd.s32 $0xDAC0, s3;
	[dreg:$0x15] =	wrdreg s28  }
0x1d: {  	vm9 =	vcmask $0x2B28;
	vm10 =	vcmask $0x2F2C;
	vm11 =	vcmask $0x3330;
	s15 =	simm.s32 $0x6;
	s0 =	sshrl.u32 @!p0 s1, $0x3;
	[dreg:$0x16] =	wrdreg s29  }
0x1e: {  	vm12 =	vcmask $0x3734;
	vm13 =	vcmask $0x3B38;
	vm14 =	vcmask $0x3F3C;
	s3 =	simm.s32 $0x3;
	s8 =	simm.s32 $0x80;
	[dreg:$0x13] =	wrdreg s0  }
.LBB2_1:
0x1f: {  	s0 =	rddreg [dreg:$0x4]  }
0x20: {  	[tilespmem:s30], [sflag:$0x7] =	stream.linear.gather [hbm4b:s0+s17], $0x7530, $0x38;
	[tilespmem:$0x1DD80] =	vst v63  }
0x21: {  	_ =	swait.ge [sflag:s31], $0x7530  }
0x22: {  	[sflag:s31] =	ssyncset.done $0x0  }
0x23: {  	s17 =	simm.s32 $0x0;
	[sflag:s31] =	ssyncadd.s32 $0xFFFF8AD0  }
.LBB2_2:
0x24: {  	p1 =	sne.s32 s17, $0x9C00  }
.Ltmp0:
0x25: {  	_ = 	snop;
	(pc) =	sbr.rel @p1 .LBB2_2-.Ltmp0, $3  }
0x26: {  	_ =	sdelay $0x1  }
0x27: {  	s19 =	sshra.s32 s17, $0x2  }
0x28: {  	s17 =	sadd.s32 $0x40, s17;
	[tilespmem:s19+$0x11A30] =	vst v0  }
0x29: {  	s19 =	simm.s32 $0x100;
	s17 =	simm.s32 $0x0  }
.LBB2_4:
0x2a: {  	p1 =	sne.s32 s19, $0x7F00;
	[tilespmem:s17+$0xFA60] =	vst v1;
	s20 =	smov.u32 s19;
	s19 =	sadd.s32 $0x100, s19  }
.Ltmp1:
0x2b: {  	[tilespmem:s17+$0xFA50] =	vst v1;
	(pc) =	sbr.rel @p1 .LBB2_4-.Ltmp1, $3  }
0x2c: {  	[tilespmem:s17+$0xFA30] =	vst v1  }
0x2d: {  	[tilespmem:s17+$0xFA40] =	vst v1;
	_ =	sdelay $0x1  }
0x2e: {  	s17 =	sshra.s32 s20, $0x2  }
0x2f: {  	[tilespmem:s17+$0xFA60] =	vst v1  }
0x30: {  	[tilespmem:s17+$0xFA50] =	vst v1  }
0x31: {  	[tilespmem:s17+$0xFA30] =	vst v1  }
0x32: {  	[tilespmem:s17+$0xFA40] =	vst v1;
	s17 =	simm.s32 @!p0 $0xFA30;
	s0 =	rddreg [dreg:$0xc];
	s19 =	simm.s32 @!p0 $0x7  }
0x33: {  	[spmem:s0] =	stream.linear.scatter @!p0 [tilespmem:s17], [sflag:$0x7], $0x1F40, $0x38;
	[tilespmem:$0x1DD80] =	vst v63  }
0x34: {  	_ =	swait.ge @!p0 [sflag:s19], $0x1F40  }
0x35: {  	[sflag:s19] =	ssyncset.done @!p0 $0x0  }
0x36: {  	s0 =	rddreg [dreg:$0xe];
	[sflag:s19] =	ssyncadd.s32 @!p0 $0xFFFFE0C0  }
0x37: {  	[spmem:s0] =	stream.linear.scatter @!p0 [tilespmem:s17], [sflag:$0x7], $0x1F40, $0x38;
	[tilespmem:$0x1DD80] =	vst v63  }
0x38: {  	_ =	swait.ge @!p0 [sflag:s19], $0x1F40  }
0x39: {  	[sflag:s19] =	ssyncset.done @!p0 $0x0  }
0x3a: {  	s0 =	rddreg [dreg:$0xf];
	[sflag:s19] =	ssyncadd.s32 @!p0 $0xFFFFE0C0  }
0x3b: {  	[spmem:s0] =	stream.linear.scatter @!p0 [tilespmem:s17], [sflag:$0x7], $0x1F40, $0x38;
	[tilespmem:$0x1DD80] =	vst v63  }
0x3c: {  	_ =	swait.ge @!p0 [sflag:s19], $0x1F40  }
0x3d: {  	[sflag:s19] =	ssyncset.done @!p0 $0x0  }
0x3e: {  	s0 =	rddreg [dreg:$0x10];
	[sflag:s19] =	ssyncadd.s32 @!p0 $0xFFFFE0C0  }
0x3f: {  	[spmem:s0] =	stream.linear.scatter @!p0 [tilespmem:s17], [sflag:$0x7], $0x1F40, $0x38;
	[tilespmem:$0x1DD80] =	vst v63  }
0x40: {  	_ =	swait.ge @!p0 [sflag:s19], $0x1F40  }
0x41: {  	[sflag:s19] =	ssyncset.done @!p0 $0x0  }
0x42: {  	s0 =	rddreg [dreg:$0x12];
	[sflag:s19] =	ssyncadd.s32 @!p0 $0xFFFFE0C0  }
0x43: {  	[spmem:s0] =	stream.linear.scatter @!p0 [tilespmem:s17], [sflag:$0x7], $0x1F40, $0x38;
	[tilespmem:$0x1DD80] =	vst v63  }
0x44: {  	_ =	swait.ge @!p0 [sflag:s19], $0x1F40  }
0x45: {  	[sflag:s19] =	ssyncset.done @!p0 $0x0  }
0x46: {  	s0 =	rddreg [dreg:$0x14];
	[sflag:s19] =	ssyncadd.s32 @!p0 $0xFFFFE0C0  }
0x47: {  	[spmem:s0] =	stream.linear.scatter @!p0 [tilespmem:s17], [sflag:$0x7], $0x1F40, $0x38;
	[tilespmem:$0x1DD80] =	vst v63  }
0x48: {  	_ =	swait.ge @!p0 [sflag:s19], $0x1F40  }
0x49: {  	[sflag:s19] =	ssyncset.done @!p0 $0x0  }
0x4a: {  	s0 =	rddreg [dreg:$0x15];
	[sflag:s19] =	ssyncadd.s32 @!p0 $0xFFFFE0C0  }
0x4b: {  	[spmem:s0] =	stream.linear.scatter @!p0 [tilespmem:s17], [sflag:$0x7], $0x1F40, $0x38;
	[tilespmem:$0x1DD80] =	vst v63  }
0x4c: {  	_ =	swait.ge @!p0 [sflag:s19], $0x1F40  }
0x4d: {  	[sflag:s19] =	ssyncset.done @!p0 $0x0  }
0x4e: {  	s0 =	rddreg [dreg:$0x16];
	[sflag:s19] =	ssyncadd.s32 @!p0 $0xFFFFE0C0  }
0x4f: {  	[spmem:s0] =	stream.linear.scatter @!p0 [tilespmem:s17], [sflag:$0x7], $0x1F40, $0x38;
	[tilespmem:$0x1DD80] =	vst v63  }
0x50: {  	_ =	swait.ge @!p0 [sflag:s19], $0x1F40  }
0x51: {  	[sflag:s19] =	ssyncset.done @!p0 $0x0  }
0x52: {  	[sflag:s19] =	ssyncadd.s32 @!p0 $0xFFFFE0C0  }
0x53: {  	[bflag:$0x0] =	sbarrier.arrive $0xFFFF  }
0x54: {  	s19 =	simm.s32 $0x0;
	s29 =	rddreg [dreg:$0x5]  }
0x55: {  	[tilespmem:s19], [sflag:$0x1] =	stream.linear.gather [hbm4b:s29+s19], $0x80, $0x38;
	[tilespmem:$0x1DD80] =	vst v63  }
0x56: {  	s17 =	simm.s32 $0x180;
	s1 =	rddreg [dreg:$0x6]  }
0x57: {  	[tilespmem:s17], [sflag:$0x2] =	stream.linear.gather [hbm4b:s1+s19], $0x80, $0x38;
	[tilespmem:$0x1DD80] =	vst v63  }
0x58: {  	s20 =	simm.s32 $0x300;
	s21 =	simm.s32 $0x1;
	s18 =	rddreg [dreg:$0x7]  }
0x59: {  	[tilespmem:s20], [sflag:$0x3] =	stream.linear.gather [hbm4b:s18+s19], $0x80, $0x38;
	[tilespmem:$0x1DD80] =	vst v63  }
0x5a: {  	_ =	swait.ge [sflag:s21], $0x80  }
0x5b: {  	[sflag:s21] =	ssyncset.done $0x0  }
0x5c: {  	s22 =	simm.s32 $0x2;
	[sflag:s21] =	ssyncadd.s32 $0xFFFFFF80  }
0x5d: {  	_ =	swait.ge [sflag:s22], $0x80  }
0x5e: {  	[sflag:s22] =	ssyncset.done $0x0  }
0x5f: {  	[sflag:s22] =	ssyncadd.s32 $0xFFFFFF80  }
0x60: {  	_ =	swait.ge [sflag:s3], $0x80  }
0x61: {  	[sflag:s3] =	ssyncset.done $0x0  }
0x62: {  	s23 =	simm.s32 $0x7A30;
	[sflag:s3] =	ssyncadd.s32 $0xFFFFFF80  }
0x63: {  	[tilespmem:s23], [sflag:$0x4] =	stream.indirect.gather [hbm4b:s7+s8], $0x40, s17, s8, $0xb8;
	[tilespmem:$0x1DD80] =	vst v63  }
0x64: {  	s24 =	simm.s32 $0xBA30  }
0x65: {  	[tilespmem:s24], [sflag:$0x5] =	stream.indirect.gather [hbm4b:s7+s8], $0x40, s20, s8, $0xb8;
	[tilespmem:$0x1DD80] =	vst v63  }
0x66: {  	s25 =	rddreg [dreg:$0x8]  }
0x67: {  	[tilespmem:s8], [sflag:$0x1] =	stream.linear.gather [hbm4b:s25+s19], $0x80, $0x38;
	[tilespmem:$0x1DD80] =	vst v63  }
0x68: {  	p1 =	por $0x0, $0x0;
	s1 =	simm.s32 $0x200;
	s26 =	rddreg [dreg:$0x9]  }
0x69: {  	[tilespmem:s1], [sflag:$0x2] =	stream.linear.gather [hbm4b:s26+s19], $0x80, $0x38;
	[tilespmem:$0x1DD80] =	vst v63  }
0x6a: {  	s29 =	simm.s32 $0x380;
	s21 =	simm.s32 $0x0;
	s28 =	rddreg [dreg:$0xa]  }
0x6b: {  	[tilespmem:s29], [sflag:$0x3] =	stream.linear.gather [hbm4b:s28+s19], $0x80, $0x38;
	[tilespmem:$0x1DD80] =	vst v63  }
.LBB2_6:
0x6c: {  	_ =	swait.ge [sflag:s10], $0x2000  }
0x6d: {  	[sflag:s10] =	ssyncset.done $0x0  }
0x6e: {  	[sflag:s10] =	ssyncadd.s32 $0xFFFFE000  }
0x6f: {  	s22 =	smov.u32 s19;
	s19 =	sadd.s32 $0x1, s19;
	_ =	swait.ge [sflag:s11], $0x2000  }
0x70: {  	p2 =	sge.u32 s19, s9;
	[sflag:s11] =	ssyncset.done $0x0  }
0x71: {  	s23 =	simm.s32 @!p2 $0x1;
	[sflag:s11] =	ssyncadd.s32 $0xFFFFE000  }
0x72: {  	_ =	swait.ge @!p2 [sflag:s23], $0x80  }
0x73: {  	s24 =	smulhi.u32 @!p2 $0xAAAAAAAB, s19;
	[sflag:s23] =	ssyncset.done @!p2 $0x0  }
0x74: {  	[sflag:s23] =	ssyncadd.s32 @!p2 $0xFFFFFF80;
	s23 =	simm.s32 @!p2 $0x2  }
0x75: {  	s24 =	sshrl.u32 @!p2 s24, $0x1;
	_ =	swait.ge @!p2 [sflag:s23], $0x80  }
0x76: {  	s25 =	sand.u32 $0x1, s22;
	s24 =	smul.u32 @!p2 $0x3, s24;
	[sflag:s23] =	ssyncset.done @!p2 $0x0  }
0x77: {  	s25 =	sshll.u32 @!p2 s25, $0xD;
	[sflag:s23] =	ssyncadd.s32 @!p2 $0xFFFFFF80;
	s23 =	simm.s32 @!p2 $0x3  }
0x78: {  	s28 =	simm.s32 @!p2 $0x80;
	s24 =	ssub.s32 @!p2 s19, s24;
	_ =	swait.ge @!p2 [sflag:s23], $0x80  }
0x79: {  	s25 =	sxor.u32 @!p2 $0x2000, s25;
	s24 =	sshll.u32 @!p2 s24, $0x7;
	[sflag:s23] =	ssyncset.done @!p2 $0x0  }
0x7a: {  	s26 =	sadd.s32 @!p2 $0x180, s24;
	[sflag:s23] =	ssyncadd.s32 @!p2 $0xFFFFFF80;
	s23 =	sadd.s32 @!p2 $0x7A30, s25  }
0x7b: {  	[tilespmem:s23], [sflag:$0x4] =	stream.indirect.gather @!p2 [hbm4b:s7+s28], $0x40, s26, s28, $0xb8;
	[tilespmem:$0x1DD80] =	vst v63  }
0x7c: {  	s23 =	sadd.s32 @!p2 $0x300, s24;
	s24 =	sadd.s32 @!p2 $0xBA30, s25  }
0x7d: {  	[tilespmem:s24], [sflag:$0x5] =	stream.indirect.gather @!p2 [hbm4b:s7+s28], $0x40, s23, s28, $0xb8;
	[tilespmem:$0x1DD80] =	vst v63  }
0x7e: {  	s18 =	smulhi.u32 $0xAAAAAAAB, s22;
	s24 =	sadd.s32 $0x2, s22  }
0x7f: {  	p2 =	sge.u32 s24, s9  }
0x80: {  	p3 =	seq.s32 s22, $0x0;
	s26 =	sshrl.u32 s18, $0x1;
	s25 =	smulhi.u32 @!p2 $0xAAAAAAAB, s24  }
0x81: {  	s18 =	smul.u32 $0xFFFFFA00, s26;
	s23 =	simm.s32 @!p3 $0x6  }
0x82: {  	_ =	swait.ge @!p3 [sflag:s23], $0x2000;
	s25 =	sshrl.u32 @!p2 s25, $0x1  }
0x83: {  	s18 =	sshra.s32 s18, $0x2;
	s29 =	sshll.u32 @!p2 s24, $0xC;
	s28 =	smul.u32 @!p2 $0x3, s25  }
0x84: {  	[sflag:s23] =	ssyncset.done @!p3 $0x0;
	s0 =	simm.s32 @!p2 $0x0;
	s29 =	sor.u32 @!p2 s13, s29  }
0x85: {  	[sflag:s23] =	ssyncadd.s32 @!p3 $0xFFFFE000;
	s24 =	ssub.s32 @!p2 s24, s28;
	s28 =	sshrl.u32 @!p2 s29, $0x3  }
0x86: {  	s23 =	simm.s32 $0x1;
	s24 =	sshll.u32 @!p2 s24, $0x7;
	s29 =	sadd.s32 @!p2 s4, s28  }
0x87: {  	[tilespmem:s24], [sflag:$0x1] =	stream.linear.gather @!p2 [hbm4b:s29+s0], $0x80, $0x38;
	[tilespmem:$0x1DD80] =	vst v63  }
0x88: {  	s23 =	simm.s32 @!p1 $0x0;
	s1 =	sadd.s32 @!p2 s5, s28;
	s29 =	sadd.s32 @!p2 $0x180, s24  }
0x89: {  	[tilespmem:s29], [sflag:$0x2] =	stream.linear.gather @!p2 [hbm4b:s1+s0], $0x80, $0x38;
	[tilespmem:$0x1DD80] =	vst v63  }
0x8a: {  	s1 =	smul.u32 $0x3, s26;
	s26 =	sadd.s32 @!p2 s6, s28;
	s28 =	sadd.s32 s18, s21  }
0x8b: {  	s23 =	sshll.u32 s23, $0xD;
	s29 =	sadd.s32 s18, s17;
	v2 =	vmov s28  }
0x8c: {  	s25 =	sadd.s32 $0xBE20, s23;
	s24 =	sadd.s32 @!p2 $0x300, s24;
	s18 =	sadd.s32 s18, s20;
	v3 =	vmov s29  }
0x8d: {  	[tilespmem:s24], [sflag:$0x3] =	stream.linear.gather @!p2 [hbm4b:s26+s0], $0x80, $0x38;
	[tilespmem:$0x1DD80] =	vst v63  }
0x8e: {  	v4 =	vmov s18;
	s26 =	sadd.s32 $0x7E20, s23;
	s22 =	ssub.s32 s22, s1;
	s23 =	simm.s32 $0x0  }
.LBB2_7:
0x8f: {  	s0 =	sshra.s32 s23, $0x2  }
0x90: {  	v5 =	vld.idx.msk [tilespmem:v2+s0+$0x0 ss:$0x1], $0xffff  }
0x91: {  	v6 =	vld.idx.msk [tilespmem:v3+s0+$0x0 ss:$0x1], $0xffff;
	_ =	sdelay $0x1  }
0x92: {  	v7 =	vld.idx.msk [tilespmem:v4+s0+$0x0 ss:$0x1], $0xffff;
	_ =	sdelay $0x4  }
0x93: {  	v8 =	vld.idx.msk [tilespmem:v5+s30+$0x0], $0xffff  }
0x94: {  	v6 =	vld.idx.msk [tilespmem:v6+s30+$0x0], $0xffff;
	_ =	sdelay $0x1  }
0x95: {  	v7 =	vld.idx.msk [tilespmem:v7+s30+$0x0], $0xffff;
	_ =	sdelay $0x2  }
0x96: {  	v6 =	vadd.f32 v6, v8;
	_ =	sdelay $0x1  }
0x97: {  	v6 =	vadd.f32 v7, v6;
	_ =	sdelay $0x1  }
0x98: {  	v6 =	vadd.f32 v6, v6;
	_ =	sdelay $0x1  }
0x99: {  	v6 =	vmul.f32 $1.442695020e+00, v6;
	_ =	sdelay $0x1  }
0x9a: {  	(erf) = vpow2.f32 v6;
	_ =	sdelay $0x8  }
0x9b: {  	v6 =	vpop (erf)  }
0x9c: {  	v6 =	vadd.f32 $1.000000000e+00, v6;
	_ =	sdelay $0x1  }
0x9d: {  	(erf) = vrcp.f32 v6;
	_ =	sdelay $0x8  }
0x9e: {  	v6 =	vpop (erf)  }
0x9f: {  	v6 =	vadd.f32 v6, v6;
	_ =	sdelay $0x1  }
0xa0: {  	v6 =	vsub.f32 $1.000000000e+00, v6;
	_ =	sdelay $0x1  }
0xa1: {  	v6 =	vmul.f32 $1.442695020e+00, v6;
	_ =	sdelay $0x1  }
0xa2: {  	(erf) = vpow2.f32 v6;
	_ =	sdelay $0x8  }
0xa3: {  	v6 =	vpop (erf)  }
0xa4: {  	[tilespmem:s0+$0x79B0] =	vst v6  }
0xa5: {  	[tilespmem:v5+s12+$0x0] =	vst.idx.add.f32.msk $0x1, v6  }
0xa6: {  	[tilespmem:v5+s12+$0x0] =	vst.idx.add.f32.msk vm0, v6  }
0xa7: {  	[tilespmem:v5+s12+$0x0] =	vst.idx.add.f32.msk vm1, v6  }
0xa8: {  	[tilespmem:v5+s12+$0x0] =	vst.idx.add.f32.msk vm2, v6  }
0xa9: {  	[tilespmem:v5+s12+$0x0] =	vst.idx.add.f32.msk vm3, v6  }
0xaa: {  	[tilespmem:v5+s12+$0x0] =	vst.idx.add.f32.msk vm4, v6  }
0xab: {  	[tilespmem:v5+s12+$0x0] =	vst.idx.add.f32.msk vm5, v6  }
0xac: {  	[tilespmem:v5+s12+$0x0] =	vst.idx.add.f32.msk vm6, v6  }
0xad: {  	[tilespmem:v5+s12+$0x0] =	vst.idx.add.f32.msk vm7, v6  }
0xae: {  	[tilespmem:v5+s12+$0x0] =	vst.idx.add.f32.msk vm8, v6  }
0xaf: {  	p2 =	sne.s32 s23, $0x1C0;
	[tilespmem:v5+s12+$0x0] =	vst.idx.add.f32.msk vm9, v6  }
.Ltmp2:
0xb0: {  	[tilespmem:v5+s12+$0x0] =	vst.idx.add.f32.msk vm10, v6;
	(pc) =	sbr.rel @p2 .LBB2_7-.Ltmp2, $4  }
0xb1: {  	[tilespmem:v5+s12+$0x0] =	vst.idx.add.f32.msk vm11, v6  }
0xb2: {  	[tilespmem:v5+s12+$0x0] =	vst.idx.add.f32.msk vm12, v6  }
0xb3: {  	[tilespmem:v5+s12+$0x0] =	vst.idx.add.f32.msk vm13, v6  }
0xb4: {  	s23 =	sadd.s32 $0x40, s23;
	[tilespmem:v5+s12+$0x0] =	vst.idx.add.f32.msk vm14, v6  }
0xb5: {  	v2 =	vmov s26  }
0xb6: {  	v3 =	vmov s25;
	_ =	sdelay $0x1  }
0xb7: {  	s23 =	simm.s32 $0x0;
	s24 =	simm.s32 $0x79B0  }
.LBB2_9:
0xb8: {  	v4 =	vld [tilespmem:s24+$0x0];
	s25 =	sshra.s32 s23, $0x2  }
0xb9: {  	v5 =	vld.idx.msk [tilespmem:v2+s25+$0xFFFFFC10 ss:$0x1], $0xffff  }
0xba: {  	v6 =	vld.idx.msk [tilespmem:v3+s25+$0xFFFFFC10 ss:$0x1], $0xffff;
	_ =	sdelay $0x3  }
0xbb: {  	v7 =	vbroadcast v4, $0x0  }
0xbc: {  	v5 =	vadd.bf16 v6, v5  }
0xbd: {  	v27 =	vpack.i.f32.bf16 v7, v7  }
0xbe: {  	v5 =	vmul.bf16 v5, v27;
	_ =	sdelay $0x1  }
0xbf: {  	[tilespmem:s25+$0xFA30] =	vst v5  }
0xc0: {  	v5 =	vld.idx.msk [tilespmem:v2+s25+$0xFFFFFC20 ss:$0x1], $0xffff  }
0xc1: {  	v28 =	vld.idx.msk [tilespmem:v3+s25+$0xFFFFFC20 ss:$0x1], $0xffff;
	_ =	sdelay $0x4  }
0xc2: {  	v5 =	vadd.bf16 v28, v5;
	_ =	sdelay $0x1  }
0xc3: {  	v5 =	vmul.bf16 v5, v27;
	_ =	sdelay $0x1  }
0xc4: {  	[tilespmem:s25+$0xFA40] =	vst v5  }
0xc5: {  	v5 =	vld.idx.msk [tilespmem:v2+s25+$0xFFFFFC30 ss:$0x1], $0xffff  }
0xc6: {  	v29 =	vld.idx.msk [tilespmem:v3+s25+$0xFFFFFC30 ss:$0x1], $0xffff;
	_ =	sdelay $0x4  }
0xc7: {  	v5 =	vadd.bf16 v29, v5;
	_ =	sdelay $0x1  }
0xc8: {  	v5 =	vmul.bf16 v5, v27;
	_ =	sdelay $0x1  }
0xc9: {  	[tilespmem:s25+$0xFA50] =	vst v5  }
0xca: {  	v5 =	vld.idx.msk [tilespmem:v2+s25+$0xFFFFFC40 ss:$0x1], $0xffff  }
0xcb: {  	v30 =	vld.idx.msk [tilespmem:v3+s25+$0xFFFFFC40 ss:$0x1], $0xffff;
	_ =	sdelay $0x4  }
0xcc: {  	v5 =	vadd.bf16 v30, v5;
	_ =	sdelay $0x1  }
0xcd: {  	v5 =	vmul.bf16 v5, v27;
	_ =	sdelay $0x1  }
0xce: {  	[tilespmem:s25+$0xFA60] =	vst v5  }
0xcf: {  	v5 =	vld.idx.msk [tilespmem:v2+s25+$0xFFFFFC50 ss:$0x1], $0xffff  }
0xd0: {  	v31 =	vld.idx.msk [tilespmem:v3+s25+$0xFFFFFC50 ss:$0x1], $0xffff;
	_ =	sdelay $0x3  }
0xd1: {  	v32 =	vbroadcast v4, $0x1  }
0xd2: {  	v5 =	vadd.bf16 v31, v5  }
0xd3: {  	v33 =	vpack.i.f32.bf16 v32, v32  }
0xd4: {  	v5 =	vmul.bf16 v5, v33;
	_ =	sdelay $0x1  }
0xd5: {  	[tilespmem:s25+$0xFA70] =	vst v5  }
0xd6: {  	v5 =	vld.idx.msk [tilespmem:v2+s25+$0xFFFFFC60 ss:$0x1], $0xffff  }
0xd7: {  	v34 =	vld.idx.msk [tilespmem:v3+s25+$0xFFFFFC60 ss:$0x1], $0xffff;
	_ =	sdelay $0x4  }
0xd8: {  	v5 =	vadd.bf16 v34, v5;
	_ =	sdelay $0x1  }
0xd9: {  	v5 =	vmul.bf16 v5, v33;
	_ =	sdelay $0x1  }
0xda: {  	[tilespmem:s25+$0xFA80] =	vst v5  }
0xdb: {  	v5 =	vld.idx.msk [tilespmem:v2+s25+$0xFFFFFC70 ss:$0x1], $0xffff  }
0xdc: {  	v35 =	vld.idx.msk [tilespmem:v3+s25+$0xFFFFFC70 ss:$0x1], $0xffff;
	_ =	sdelay $0x4  }
0xdd: {  	v5 =	vadd.bf16 v35, v5;
	_ =	sdelay $0x1  }
0xde: {  	v5 =	vmul.bf16 v5, v33;
	_ =	sdelay $0x1  }
0xdf: {  	[tilespmem:s25+$0xFA90] =	vst v5  }
0xe0: {  	v5 =	vld.idx.msk [tilespmem:v2+s25+$0xFFFFFC80 ss:$0x1], $0xffff  }
0xe1: {  	v36 =	vld.idx.msk [tilespmem:v3+s25+$0xFFFFFC80 ss:$0x1], $0xffff;
	_ =	sdelay $0x4  }
0xe2: {  	v5 =	vadd.bf16 v36, v5;
	_ =	sdelay $0x1  }
0xe3: {  	v5 =	vmul.bf16 v5, v33;
	_ =	sdelay $0x1  }
0xe4: {  	[tilespmem:s25+$0xFAA0] =	vst v5  }
0xe5: {  	v5 =	vld.idx.msk [tilespmem:v2+s25+$0xFFFFFC90 ss:$0x1], $0xffff  }
0xe6: {  	v37 =	vld.idx.msk [tilespmem:v3+s25+$0xFFFFFC90 ss:$0x1], $0xffff;
	_ =	sdelay $0x3  }
0xe7: {  	v38 =	vbroadcast v4, $0x2  }
0xe8: {  	v5 =	vadd.bf16 v37, v5  }
0xe9: {  	v39 =	vpack.i.f32.bf16 v38, v38  }
0xea: {  	v5 =	vmul.bf16 v5, v39;
	_ =	sdelay $0x1  }
0xeb: {  	[tilespmem:s25+$0xFAB0] =	vst v5  }
0xec: {  	v5 =	vld.idx.msk [tilespmem:v2+s25+$0xFFFFFCA0 ss:$0x1], $0xffff  }
0xed: {  	v40 =	vld.idx.msk [tilespmem:v3+s25+$0xFFFFFCA0 ss:$0x1], $0xffff;
	_ =	sdelay $0x4  }
0xee: {  	v5 =	vadd.bf16 v40, v5;
	_ =	sdelay $0x1  }
0xef: {  	v5 =	vmul.bf16 v5, v39;
	_ =	sdelay $0x1  }
0xf0: {  	[tilespmem:s25+$0xFAC0] =	vst v5  }
0xf1: {  	v5 =	vld.idx.msk [tilespmem:v2+s25+$0xFFFFFCB0 ss:$0x1], $0xffff  }
0xf2: {  	v41 =	vld.idx.msk [tilespmem:v3+s25+$0xFFFFFCB0 ss:$0x1], $0xffff;
	_ =	sdelay $0x4  }
0xf3: {  	v5 =	vadd.bf16 v41, v5;
	_ =	sdelay $0x1  }
0xf4: {  	v5 =	vmul.bf16 v5, v39;
	_ =	sdelay $0x1  }
0xf5: {  	[tilespmem:s25+$0xFAD0] =	vst v5  }
0xf6: {  	v5 =	vld.idx.msk [tilespmem:v2+s25+$0xFFFFFCC0 ss:$0x1], $0xffff  }
0xf7: {  	v42 =	vld.idx.msk [tilespmem:v3+s25+$0xFFFFFCC0 ss:$0x1], $0xffff;
	_ =	sdelay $0x4  }
0xf8: {  	v5 =	vadd.bf16 v42, v5;
	_ =	sdelay $0x1  }
0xf9: {  	v5 =	vmul.bf16 v5, v39;
	_ =	sdelay $0x1  }
0xfa: {  	[tilespmem:s25+$0xFAE0] =	vst v5  }
0xfb: {  	v5 =	vld.idx.msk [tilespmem:v2+s25+$0xFFFFFCD0 ss:$0x1], $0xffff  }
0xfc: {  	v43 =	vld.idx.msk [tilespmem:v3+s25+$0xFFFFFCD0 ss:$0x1], $0xffff;
	_ =	sdelay $0x3  }
0xfd: {  	v44 =	vbroadcast v4, $0x3  }
0xfe: {  	v5 =	vadd.bf16 v43, v5  }
0xff: {  	v45 =	vpack.i.f32.bf16 v44, v44  }
0x100: {  	v5 =	vmul.bf16 v5, v45;
	_ =	sdelay $0x1  }
0x101: {  	[tilespmem:s25+$0xFAF0] =	vst v5  }
0x102: {  	v5 =	vld.idx.msk [tilespmem:v2+s25+$0xFFFFFCE0 ss:$0x1], $0xffff  }
0x103: {  	v46 =	vld.idx.msk [tilespmem:v3+s25+$0xFFFFFCE0 ss:$0x1], $0xffff;
	_ =	sdelay $0x4  }
0x104: {  	v5 =	vadd.bf16 v46, v5;
	_ =	sdelay $0x1  }
0x105: {  	v5 =	vmul.bf16 v5, v45;
	_ =	sdelay $0x1  }
0x106: {  	[tilespmem:s25+$0xFB00] =	vst v5  }
0x107: {  	v5 =	vld.idx.msk [tilespmem:v2+s25+$0xFFFFFCF0 ss:$0x1], $0xffff  }
0x108: {  	v47 =	vld.idx.msk [tilespmem:v3+s25+$0xFFFFFCF0 ss:$0x1], $0xffff;
	_ =	sdelay $0x4  }
0x109: {  	v5 =	vadd.bf16 v47, v5;
	_ =	sdelay $0x1  }
0x10a: {  	v5 =	vmul.bf16 v5, v45;
	_ =	sdelay $0x1  }
0x10b: {  	[tilespmem:s25+$0xFB10] =	vst v5  }
0x10c: {  	v5 =	vld.idx.msk [tilespmem:v2+s25+$0xFFFFFD00 ss:$0x1], $0xffff  }
0x10d: {  	v48 =	vld.idx.msk [tilespmem:v3+s25+$0xFFFFFD00 ss:$0x1], $0xffff;
	_ =	sdelay $0x4  }
0x10e: {  	v5 =	vadd.bf16 v48, v5;
	_ =	sdelay $0x1  }
0x10f: {  	v5 =	vmul.bf16 v5, v45;
	_ =	sdelay $0x1  }
0x110: {  	[tilespmem:s25+$0xFB20] =	vst v5  }
0x111: {  	v5 =	vld.idx.msk [tilespmem:v2+s25+$0xFFFFFD10 ss:$0x1], $0xffff  }
0x112: {  	v49 =	vld.idx.msk [tilespmem:v3+s25+$0xFFFFFD10 ss:$0x1], $0xffff;
	_ =	sdelay $0x3  }
0x113: {  	v50 =	vbroadcast v4, $0x4  }
0x114: {  	v5 =	vadd.bf16 v49, v5  }
0x115: {  	v51 =	vpack.i.f32.bf16 v50, v50  }
0x116: {  	v5 =	vmul.bf16 v5, v51;
	_ =	sdelay $0x1  }
0x117: {  	[tilespmem:s25+$0xFB30] =	vst v5  }
0x118: {  	v5 =	vld.idx.msk [tilespmem:v2+s25+$0xFFFFFD20 ss:$0x1], $0xffff  }
0x119: {  	v52 =	vld.idx.msk [tilespmem:v3+s25+$0xFFFFFD20 ss:$0x1], $0xffff;
	_ =	sdelay $0x4  }
0x11a: {  	v5 =	vadd.bf16 v52, v5;
	_ =	sdelay $0x1  }
0x11b: {  	v5 =	vmul.bf16 v5, v51;
	_ =	sdelay $0x1  }
0x11c: {  	[tilespmem:s25+$0xFB40] =	vst v5  }
0x11d: {  	v5 =	vld.idx.msk [tilespmem:v2+s25+$0xFFFFFD30 ss:$0x1], $0xffff  }
0x11e: {  	v53 =	vld.idx.msk [tilespmem:v3+s25+$0xFFFFFD30 ss:$0x1], $0xffff;
	_ =	sdelay $0x4  }
0x11f: {  	v5 =	vadd.bf16 v53, v5;
	_ =	sdelay $0x1  }
0x120: {  	v5 =	vmul.bf16 v5, v51;
	_ =	sdelay $0x1  }
0x121: {  	[tilespmem:s25+$0xFB50] =	vst v5  }
0x122: {  	v5 =	vld.idx.msk [tilespmem:v2+s25+$0xFFFFFD40 ss:$0x1], $0xffff  }
0x123: {  	v54 =	vld.idx.msk [tilespmem:v3+s25+$0xFFFFFD40 ss:$0x1], $0xffff;
	_ =	sdelay $0x4  }
0x124: {  	v5 =	vadd.bf16 v54, v5;
	_ =	sdelay $0x1  }
0x125: {  	v5 =	vmul.bf16 v5, v51;
	_ =	sdelay $0x1  }
0x126: {  	[tilespmem:s25+$0xFB60] =	vst v5  }
0x127: {  	v5 =	vld.idx.msk [tilespmem:v2+s25+$0xFFFFFD50 ss:$0x1], $0xffff  }
0x128: {  	v55 =	vld.idx.msk [tilespmem:v3+s25+$0xFFFFFD50 ss:$0x1], $0xffff;
	_ =	sdelay $0x3  }
0x129: {  	v56 =	vbroadcast v4, $0x5  }
0x12a: {  	v5 =	vadd.bf16 v55, v5  }
0x12b: {  	v57 =	vpack.i.f32.bf16 v56, v56  }
0x12c: {  	v5 =	vmul.bf16 v5, v57;
	_ =	sdelay $0x1  }
0x12d: {  	[tilespmem:s25+$0xFB70] =	vst v5  }
0x12e: {  	v5 =	vld.idx.msk [tilespmem:v2+s25+$0xFFFFFD60 ss:$0x1], $0xffff  }
0x12f: {  	v58 =	vld.idx.msk [tilespmem:v3+s25+$0xFFFFFD60 ss:$0x1], $0xffff;
	_ =	sdelay $0x4  }
0x130: {  	v5 =	vadd.bf16 v58, v5;
	_ =	sdelay $0x1  }
0x131: {  	v5 =	vmul.bf16 v5, v57;
	_ =	sdelay $0x1  }
0x132: {  	[tilespmem:s25+$0xFB80] =	vst v5  }
0x133: {  	v5 =	vld.idx.msk [tilespmem:v2+s25+$0xFFFFFD70 ss:$0x1], $0xffff  }
0x134: {  	v59 =	vld.idx.msk [tilespmem:v3+s25+$0xFFFFFD70 ss:$0x1], $0xffff;
	_ =	sdelay $0x4  }
0x135: {  	v5 =	vadd.bf16 v59, v5;
	_ =	sdelay $0x1  }
0x136: {  	v5 =	vmul.bf16 v5, v57;
	_ =	sdelay $0x1  }
0x137: {  	[tilespmem:s25+$0xFB90] =	vst v5  }
0x138: {  	v5 =	vld.idx.msk [tilespmem:v2+s25+$0xFFFFFD80 ss:$0x1], $0xffff  }
0x139: {  	v60 =	vld.idx.msk [tilespmem:v3+s25+$0xFFFFFD80 ss:$0x1], $0xffff;
	_ =	sdelay $0x4  }
0x13a: {  	v5 =	vadd.bf16 v60, v5;
	_ =	sdelay $0x1  }
0x13b: {  	v5 =	vmul.bf16 v5, v57;
	_ =	sdelay $0x1  }
0x13c: {  	[tilespmem:s25+$0xFBA0] =	vst v5  }
0x13d: {  	v5 =	vld.idx.msk [tilespmem:v2+s25+$0xFFFFFD90 ss:$0x1], $0xffff  }
0x13e: {  	v61 =	vld.idx.msk [tilespmem:v3+s25+$0xFFFFFD90 ss:$0x1], $0xffff;
	_ =	sdelay $0x3  }
0x13f: {  	v62 =	vbroadcast v4, $0x6  }
0x140: {  	v5 =	vadd.bf16 v61, v5  }
0x141: {  	v63 =	vpack.i.f32.bf16 v62, v62  }
0x142: {  	v5 =	vmul.bf16 v5, v63;
	_ =	sdelay $0x1  }
0x143: {  	[tilespmem:s25+$0xFBB0] =	vst v5  }
0x144: {  	v5 =	vld.idx.msk [tilespmem:v2+s25+$0xFFFFFDA0 ss:$0x1], $0xffff  }
0x145: {  	v9 =	vld.idx.msk [tilespmem:v3+s25+$0xFFFFFDA0 ss:$0x1], $0xffff;
	_ =	sdelay $0x4  }
0x146: {  	v5 =	vadd.bf16 v9, v5;
	_ =	sdelay $0x1  }
0x147: {  	v5 =	vmul.bf16 v5, v63;
	_ =	sdelay $0x1  }
0x148: {  	[tilespmem:s25+$0xFBC0] =	vst v5  }
0x149: {  	v5 =	vld.idx.msk [tilespmem:v2+s25+$0xFFFFFDB0 ss:$0x1], $0xffff  }
0x14a: {  	v10 =	vld.idx.msk [tilespmem:v3+s25+$0xFFFFFDB0 ss:$0x1], $0xffff;
	_ =	sdelay $0x4  }
0x14b: {  	v5 =	vadd.bf16 v10, v5;
	_ =	sdelay $0x1  }
0x14c: {  	v5 =	vmul.bf16 v5, v63;
	_ =	sdelay $0x1  }
0x14d: {  	[tilespmem:s25+$0xFBD0] =	vst v5  }
0x14e: {  	v5 =	vld.idx.msk [tilespmem:v2+s25+$0xFFFFFDC0 ss:$0x1], $0xffff  }
0x14f: {  	v11 =	vld.idx.msk [tilespmem:v3+s25+$0xFFFFFDC0 ss:$0x1], $0xffff;
	_ =	sdelay $0x4  }
0x150: {  	v5 =	vadd.bf16 v11, v5;
	_ =	sdelay $0x1  }
0x151: {  	v5 =	vmul.bf16 v5, v63;
	_ =	sdelay $0x1  }
0x152: {  	[tilespmem:s25+$0xFBE0] =	vst v5  }
0x153: {  	v5 =	vld.idx.msk [tilespmem:v2+s25+$0xFFFFFDD0 ss:$0x1], $0xffff  }
0x154: {  	v12 =	vld.idx.msk [tilespmem:v3+s25+$0xFFFFFDD0 ss:$0x1], $0xffff;
	_ =	sdelay $0x3  }
0x155: {  	v13 =	vbroadcast v4, $0x7  }
0x156: {  	v5 =	vadd.bf16 v12, v5  }
0x157: {  	v14 =	vpack.i.f32.bf16 v13, v13  }
0x158: {  	v5 =	vmul.bf16 v5, v14;
	_ =	sdelay $0x1  }
0x159: {  	[tilespmem:s25+$0xFBF0] =	vst v5  }
0x15a: {  	v5 =	vld.idx.msk [tilespmem:v2+s25+$0xFFFFFDE0 ss:$0x1], $0xffff  }
0x15b: {  	v15 =	vld.idx.msk [tilespmem:v3+s25+$0xFFFFFDE0 ss:$0x1], $0xffff;
	_ =	sdelay $0x4  }
0x15c: {  	v5 =	vadd.bf16 v15, v5;
	_ =	sdelay $0x1  }
0x15d: {  	v5 =	vmul.bf16 v5, v14;
	_ =	sdelay $0x1  }
0x15e: {  	[tilespmem:s25+$0xFC00] =	vst v5  }
0x15f: {  	v5 =	vld.idx.msk [tilespmem:v2+s25+$0xFFFFFDF0 ss:$0x1], $0xffff  }
0x160: {  	v16 =	vld.idx.msk [tilespmem:v3+s25+$0xFFFFFDF0 ss:$0x1], $0xffff;
	_ =	sdelay $0x4  }
0x161: {  	v5 =	vadd.bf16 v16, v5;
	_ =	sdelay $0x1  }
0x162: {  	v5 =	vmul.bf16 v5, v14;
	_ =	sdelay $0x1  }
0x163: {  	[tilespmem:s25+$0xFC10] =	vst v5  }
0x164: {  	v5 =	vld.idx.msk [tilespmem:v2+s25+$0xFFFFFE00 ss:$0x1], $0xffff  }
0x165: {  	v17 =	vld.idx.msk [tilespmem:v3+s25+$0xFFFFFE00 ss:$0x1], $0xffff;
	_ =	sdelay $0x4  }
0x166: {  	v5 =	vadd.bf16 v17, v5;
	_ =	sdelay $0x1  }
0x167: {  	v5 =	vmul.bf16 v5, v14;
	_ =	sdelay $0x1  }
0x168: {  	[tilespmem:s25+$0xFC20] =	vst v5  }
0x169: {  	v5 =	vld.idx.msk [tilespmem:v2+s25+$0xFFFFFE10 ss:$0x1], $0xffff  }
0x16a: {  	v18 =	vld.idx.msk [tilespmem:v3+s25+$0xFFFFFE10 ss:$0x1], $0xffff;
	_ =	sdelay $0x3  }
0x16b: {  	v19 =	vbroadcast v4, $0x8  }
0x16c: {  	v5 =	vadd.bf16 v18, v5  }
0x16d: {  	v20 =	vpack.i.f32.bf16 v19, v19  }
0x16e: {  	v5 =	vmul.bf16 v5, v20;
	_ =	sdelay $0x1  }
0x16f: {  	[tilespmem:s25+$0xFC30] =	vst v5  }
0x170: {  	v5 =	vld.idx.msk [tilespmem:v2+s25+$0xFFFFFE20 ss:$0x1], $0xffff  }
0x171: {  	v21 =	vld.idx.msk [tilespmem:v3+s25+$0xFFFFFE20 ss:$0x1], $0xffff;
	_ =	sdelay $0x4  }
0x172: {  	v5 =	vadd.bf16 v21, v5;
	_ =	sdelay $0x1  }
0x173: {  	v5 =	vmul.bf16 v5, v20;
	_ =	sdelay $0x1  }
0x174: {  	[tilespmem:s25+$0xFC40] =	vst v5  }
0x175: {  	v5 =	vld.idx.msk [tilespmem:v2+s25+$0xFFFFFE30 ss:$0x1], $0xffff  }
0x176: {  	v22 =	vld.idx.msk [tilespmem:v3+s25+$0xFFFFFE30 ss:$0x1], $0xffff;
	_ =	sdelay $0x4  }
0x177: {  	v5 =	vadd.bf16 v22, v5;
	_ =	sdelay $0x1  }
0x178: {  	v5 =	vmul.bf16 v5, v20;
	_ =	sdelay $0x1  }
0x179: {  	[tilespmem:s25+$0xFC50] =	vst v5  }
0x17a: {  	v5 =	vld.idx.msk [tilespmem:v2+s25+$0xFFFFFE40 ss:$0x1], $0xffff  }
0x17b: {  	v23 =	vld.idx.msk [tilespmem:v3+s25+$0xFFFFFE40 ss:$0x1], $0xffff;
	_ =	sdelay $0x4  }
0x17c: {  	v5 =	vadd.bf16 v23, v5;
	_ =	sdelay $0x1  }
0x17d: {  	v5 =	vmul.bf16 v5, v20;
	_ =	sdelay $0x1  }
0x17e: {  	[tilespmem:s25+$0xFC60] =	vst v5  }
0x17f: {  	v5 =	vld.idx.msk [tilespmem:v2+s25+$0xFFFFFE50 ss:$0x1], $0xffff  }
0x180: {  	v24 =	vld.idx.msk [tilespmem:v3+s25+$0xFFFFFE50 ss:$0x1], $0xffff;
	_ =	sdelay $0x3  }
0x181: {  	v25 =	vbroadcast v4, $0x9  }
0x182: {  	v5 =	vadd.bf16 v24, v5  }
0x183: {  	v26 =	vpack.i.f32.bf16 v25, v25  }
0x184: {  	v5 =	vmul.bf16 v5, v26;
	_ =	sdelay $0x1  }
0x185: {  	[tilespmem:s25+$0xFC70] =	vst v5  }
0x186: {  	v5 =	vld.idx.msk [tilespmem:v2+s25+$0xFFFFFE60 ss:$0x1], $0xffff  }
0x187: {  	v27 =	vld.idx.msk [tilespmem:v3+s25+$0xFFFFFE60 ss:$0x1], $0xffff;
	_ =	sdelay $0x4  }
0x188: {  	v5 =	vadd.bf16 v27, v5;
	_ =	sdelay $0x1  }
0x189: {  	v5 =	vmul.bf16 v5, v26;
	_ =	sdelay $0x1  }
0x18a: {  	[tilespmem:s25+$0xFC80] =	vst v5  }
0x18b: {  	v5 =	vld.idx.msk [tilespmem:v2+s25+$0xFFFFFE70 ss:$0x1], $0xffff  }
0x18c: {  	v28 =	vld.idx.msk [tilespmem:v3+s25+$0xFFFFFE70 ss:$0x1], $0xffff;
	_ =	sdelay $0x4  }
0x18d: {  	v5 =	vadd.bf16 v28, v5;
	_ =	sdelay $0x1  }
0x18e: {  	v5 =	vmul.bf16 v5, v26;
	_ =	sdelay $0x1  }
0x18f: {  	[tilespmem:s25+$0xFC90] =	vst v5  }
0x190: {  	v5 =	vld.idx.msk [tilespmem:v2+s25+$0xFFFFFE80 ss:$0x1], $0xffff  }
0x191: {  	v29 =	vld.idx.msk [tilespmem:v3+s25+$0xFFFFFE80 ss:$0x1], $0xffff;
	_ =	sdelay $0x4  }
0x192: {  	v5 =	vadd.bf16 v29, v5;
	_ =	sdelay $0x1  }
0x193: {  	v5 =	vmul.bf16 v5, v26;
	_ =	sdelay $0x1  }
0x194: {  	[tilespmem:s25+$0xFCA0] =	vst v5  }
0x195: {  	v5 =	vld.idx.msk [tilespmem:v2+s25+$0xFFFFFE90 ss:$0x1], $0xffff  }
0x196: {  	v30 =	vld.idx.msk [tilespmem:v3+s25+$0xFFFFFE90 ss:$0x1], $0xffff;
	_ =	sdelay $0x3  }
0x197: {  	v31 =	vbroadcast v4, $0xA  }
0x198: {  	v5 =	vadd.bf16 v30, v5  }
0x199: {  	v32 =	vpack.i.f32.bf16 v31, v31  }
0x19a: {  	v5 =	vmul.bf16 v5, v32;
	_ =	sdelay $0x1  }
0x19b: {  	[tilespmem:s25+$0xFCB0] =	vst v5  }
0x19c: {  	v5 =	vld.idx.msk [tilespmem:v2+s25+$0xFFFFFEA0 ss:$0x1], $0xffff  }
0x19d: {  	v33 =	vld.idx.msk [tilespmem:v3+s25+$0xFFFFFEA0 ss:$0x1], $0xffff;
	_ =	sdelay $0x4  }
0x19e: {  	v5 =	vadd.bf16 v33, v5;
	_ =	sdelay $0x1  }
0x19f: {  	v5 =	vmul.bf16 v5, v32;
	_ =	sdelay $0x1  }
0x1a0: {  	[tilespmem:s25+$0xFCC0] =	vst v5  }
0x1a1: {  	v5 =	vld.idx.msk [tilespmem:v2+s25+$0xFFFFFEB0 ss:$0x1], $0xffff  }
0x1a2: {  	v34 =	vld.idx.msk [tilespmem:v3+s25+$0xFFFFFEB0 ss:$0x1], $0xffff;
	_ =	sdelay $0x4  }
0x1a3: {  	v5 =	vadd.bf16 v34, v5;
	_ =	sdelay $0x1  }
0x1a4: {  	v5 =	vmul.bf16 v5, v32;
	_ =	sdelay $0x1  }
0x1a5: {  	[tilespmem:s25+$0xFCD0] =	vst v5  }
0x1a6: {  	v5 =	vld.idx.msk [tilespmem:v2+s25+$0xFFFFFEC0 ss:$0x1], $0xffff  }
0x1a7: {  	v35 =	vld.idx.msk [tilespmem:v3+s25+$0xFFFFFEC0 ss:$0x1], $0xffff;
	_ =	sdelay $0x4  }
0x1a8: {  	v5 =	vadd.bf16 v35, v5;
	_ =	sdelay $0x1  }
0x1a9: {  	v5 =	vmul.bf16 v5, v32;
	_ =	sdelay $0x1  }
0x1aa: {  	[tilespmem:s25+$0xFCE0] =	vst v5  }
0x1ab: {  	v5 =	vld.idx.msk [tilespmem:v2+s25+$0xFFFFFED0 ss:$0x1], $0xffff  }
0x1ac: {  	v36 =	vld.idx.msk [tilespmem:v3+s25+$0xFFFFFED0 ss:$0x1], $0xffff;
	_ =	sdelay $0x3  }
0x1ad: {  	v37 =	vbroadcast v4, $0xB  }
0x1ae: {  	v5 =	vadd.bf16 v36, v5  }
0x1af: {  	v38 =	vpack.i.f32.bf16 v37, v37  }
0x1b0: {  	v5 =	vmul.bf16 v5, v38;
	_ =	sdelay $0x1  }
0x1b1: {  	[tilespmem:s25+$0xFCF0] =	vst v5  }
0x1b2: {  	v5 =	vld.idx.msk [tilespmem:v2+s25+$0xFFFFFEE0 ss:$0x1], $0xffff  }
0x1b3: {  	v39 =	vld.idx.msk [tilespmem:v3+s25+$0xFFFFFEE0 ss:$0x1], $0xffff;
	_ =	sdelay $0x4  }
0x1b4: {  	v5 =	vadd.bf16 v39, v5;
	_ =	sdelay $0x1  }
0x1b5: {  	v5 =	vmul.bf16 v5, v38;
	_ =	sdelay $0x1  }
0x1b6: {  	[tilespmem:s25+$0xFD00] =	vst v5  }
0x1b7: {  	v5 =	vld.idx.msk [tilespmem:v2+s25+$0xFFFFFEF0 ss:$0x1], $0xffff  }
0x1b8: {  	v40 =	vld.idx.msk [tilespmem:v3+s25+$0xFFFFFEF0 ss:$0x1], $0xffff;
	_ =	sdelay $0x4  }
0x1b9: {  	v5 =	vadd.bf16 v40, v5;
	_ =	sdelay $0x1  }
0x1ba: {  	v5 =	vmul.bf16 v5, v38;
	_ =	sdelay $0x1  }
0x1bb: {  	[tilespmem:s25+$0xFD10] =	vst v5  }
0x1bc: {  	v5 =	vld.idx.msk [tilespmem:v2+s25+$0xFFFFFF00 ss:$0x1], $0xffff  }
0x1bd: {  	v41 =	vld.idx.msk [tilespmem:v3+s25+$0xFFFFFF00 ss:$0x1], $0xffff;
	_ =	sdelay $0x4  }
0x1be: {  	v5 =	vadd.bf16 v41, v5;
	_ =	sdelay $0x1  }
0x1bf: {  	v5 =	vmul.bf16 v5, v38;
	_ =	sdelay $0x1  }
0x1c0: {  	[tilespmem:s25+$0xFD20] =	vst v5  }
0x1c1: {  	v5 =	vld.idx.msk [tilespmem:v2+s25+$0xFFFFFF10 ss:$0x1], $0xffff  }
0x1c2: {  	v42 =	vld.idx.msk [tilespmem:v3+s25+$0xFFFFFF10 ss:$0x1], $0xffff;
	_ =	sdelay $0x3  }
0x1c3: {  	v43 =	vbroadcast v4, $0xC  }
0x1c4: {  	v5 =	vadd.bf16 v42, v5  }
0x1c5: {  	v44 =	vpack.i.f32.bf16 v43, v43  }
0x1c6: {  	v5 =	vmul.bf16 v5, v44;
	_ =	sdelay $0x1  }
0x1c7: {  	[tilespmem:s25+$0xFD30] =	vst v5  }
0x1c8: {  	v5 =	vld.idx.msk [tilespmem:v2+s25+$0xFFFFFF20 ss:$0x1], $0xffff  }
0x1c9: {  	v45 =	vld.idx.msk [tilespmem:v3+s25+$0xFFFFFF20 ss:$0x1], $0xffff;
	_ =	sdelay $0x4  }
0x1ca: {  	v5 =	vadd.bf16 v45, v5;
	_ =	sdelay $0x1  }
0x1cb: {  	v5 =	vmul.bf16 v5, v44;
	_ =	sdelay $0x1  }
0x1cc: {  	[tilespmem:s25+$0xFD40] =	vst v5  }
0x1cd: {  	v5 =	vld.idx.msk [tilespmem:v2+s25+$0xFFFFFF30 ss:$0x1], $0xffff  }
0x1ce: {  	v46 =	vld.idx.msk [tilespmem:v3+s25+$0xFFFFFF30 ss:$0x1], $0xffff;
	_ =	sdelay $0x4  }
0x1cf: {  	v5 =	vadd.bf16 v46, v5;
	_ =	sdelay $0x1  }
0x1d0: {  	v5 =	vmul.bf16 v5, v44;
	_ =	sdelay $0x1  }
0x1d1: {  	[tilespmem:s25+$0xFD50] =	vst v5  }
0x1d2: {  	v5 =	vld.idx.msk [tilespmem:v2+s25+$0xFFFFFF40 ss:$0x1], $0xffff  }
0x1d3: {  	v47 =	vld.idx.msk [tilespmem:v3+s25+$0xFFFFFF40 ss:$0x1], $0xffff;
	_ =	sdelay $0x4  }
0x1d4: {  	v5 =	vadd.bf16 v47, v5;
	_ =	sdelay $0x1  }
0x1d5: {  	v5 =	vmul.bf16 v5, v44;
	_ =	sdelay $0x1  }
0x1d6: {  	[tilespmem:s25+$0xFD60] =	vst v5  }
0x1d7: {  	v5 =	vld.idx.msk [tilespmem:v2+s25+$0xFFFFFF50 ss:$0x1], $0xffff  }
0x1d8: {  	v48 =	vld.idx.msk [tilespmem:v3+s25+$0xFFFFFF50 ss:$0x1], $0xffff;
	_ =	sdelay $0x3  }
0x1d9: {  	v49 =	vbroadcast v4, $0xD  }
0x1da: {  	v5 =	vadd.bf16 v48, v5  }
0x1db: {  	v50 =	vpack.i.f32.bf16 v49, v49  }
0x1dc: {  	v5 =	vmul.bf16 v5, v50;
	_ =	sdelay $0x1  }
0x1dd: {  	[tilespmem:s25+$0xFD70] =	vst v5  }
0x1de: {  	v5 =	vld.idx.msk [tilespmem:v2+s25+$0xFFFFFF60 ss:$0x1], $0xffff  }
0x1df: {  	v51 =	vld.idx.msk [tilespmem:v3+s25+$0xFFFFFF60 ss:$0x1], $0xffff;
	_ =	sdelay $0x4  }
0x1e0: {  	v5 =	vadd.bf16 v51, v5;
	_ =	sdelay $0x1  }
0x1e1: {  	v5 =	vmul.bf16 v5, v50;
	_ =	sdelay $0x1  }
0x1e2: {  	[tilespmem:s25+$0xFD80] =	vst v5  }
0x1e3: {  	v5 =	vld.idx.msk [tilespmem:v2+s25+$0xFFFFFF70 ss:$0x1], $0xffff  }
0x1e4: {  	v52 =	vld.idx.msk [tilespmem:v3+s25+$0xFFFFFF70 ss:$0x1], $0xffff;
	_ =	sdelay $0x4  }
0x1e5: {  	v5 =	vadd.bf16 v52, v5;
	_ =	sdelay $0x1  }
0x1e6: {  	v5 =	vmul.bf16 v5, v50;
	_ =	sdelay $0x1  }
0x1e7: {  	[tilespmem:s25+$0xFD90] =	vst v5  }
0x1e8: {  	v5 =	vld.idx.msk [tilespmem:v2+s25+$0xFFFFFF80 ss:$0x1], $0xffff  }
0x1e9: {  	v53 =	vld.idx.msk [tilespmem:v3+s25+$0xFFFFFF80 ss:$0x1], $0xffff;
	_ =	sdelay $0x4  }
0x1ea: {  	v5 =	vadd.bf16 v53, v5;
	_ =	sdelay $0x1  }
0x1eb: {  	v5 =	vmul.bf16 v5, v50;
	_ =	sdelay $0x1  }
0x1ec: {  	[tilespmem:s25+$0xFDA0] =	vst v5  }
0x1ed: {  	v5 =	vld.idx.msk [tilespmem:v2+s25+$0xFFFFFF90 ss:$0x1], $0xffff  }
0x1ee: {  	v54 =	vld.idx.msk [tilespmem:v3+s25+$0xFFFFFF90 ss:$0x1], $0xffff;
	_ =	sdelay $0x3  }
0x1ef: {  	v55 =	vbroadcast v4, $0xE  }
0x1f0: {  	v5 =	vadd.bf16 v54, v5  }
0x1f1: {  	v56 =	vpack.i.f32.bf16 v55, v55  }
0x1f2: {  	v5 =	vmul.bf16 v5, v56;
	_ =	sdelay $0x1  }
0x1f3: {  	[tilespmem:s25+$0xFDB0] =	vst v5  }
0x1f4: {  	v5 =	vld.idx.msk [tilespmem:v2+s25+$0xFFFFFFA0 ss:$0x1], $0xffff  }
0x1f5: {  	v57 =	vld.idx.msk [tilespmem:v3+s25+$0xFFFFFFA0 ss:$0x1], $0xffff;
	_ =	sdelay $0x4  }
0x1f6: {  	v5 =	vadd.bf16 v57, v5;
	_ =	sdelay $0x1  }
0x1f7: {  	v5 =	vmul.bf16 v5, v56;
	_ =	sdelay $0x1  }
0x1f8: {  	[tilespmem:s25+$0xFDC0] =	vst v5  }
0x1f9: {  	v5 =	vld.idx.msk [tilespmem:v2+s25+$0xFFFFFFB0 ss:$0x1], $0xffff  }
0x1fa: {  	v58 =	vld.idx.msk [tilespmem:v3+s25+$0xFFFFFFB0 ss:$0x1], $0xffff;
	_ =	sdelay $0x4  }
0x1fb: {  	v5 =	vadd.bf16 v58, v5;
	_ =	sdelay $0x1  }
0x1fc: {  	v5 =	vmul.bf16 v5, v56;
	_ =	sdelay $0x1  }
0x1fd: {  	[tilespmem:s25+$0xFDD0] =	vst v5  }
0x1fe: {  	v5 =	vld.idx.msk [tilespmem:v2+s25+$0xFFFFFFC0 ss:$0x1], $0xffff  }
0x1ff: {  	v59 =	vld.idx.msk [tilespmem:v3+s25+$0xFFFFFFC0 ss:$0x1], $0xffff;
	_ =	sdelay $0x4  }
0x200: {  	v5 =	vadd.bf16 v59, v5;
	_ =	sdelay $0x1  }
0x201: {  	v5 =	vmul.bf16 v5, v56;
	_ =	sdelay $0x1  }
0x202: {  	[tilespmem:s25+$0xFDE0] =	vst v5  }
0x203: {  	v5 =	vld.idx.msk [tilespmem:v2+s25+$0xFFFFFFD0 ss:$0x1], $0xffff  }
0x204: {  	v60 =	vld.idx.msk [tilespmem:v3+s25+$0xFFFFFFD0 ss:$0x1], $0xffff;
	_ =	sdelay $0x3  }
0x205: {  	v4 =	vbroadcast v4, $0xF  }
0x206: {  	v5 =	vadd.bf16 v60, v5  }
0x207: {  	v4 =	vpack.i.f32.bf16 v4, v4  }
0x208: {  	v5 =	vmul.bf16 v5, v4;
	_ =	sdelay $0x1  }
0x209: {  	[tilespmem:s25+$0xFDF0] =	vst v5  }
0x20a: {  	v5 =	vld.idx.msk [tilespmem:v2+s25+$0xFFFFFFE0 ss:$0x1], $0xffff  }
0x20b: {  	v61 =	vld.idx.msk [tilespmem:v3+s25+$0xFFFFFFE0 ss:$0x1], $0xffff;
	_ =	sdelay $0x4  }
0x20c: {  	v5 =	vadd.bf16 v61, v5;
	_ =	sdelay $0x1  }
0x20d: {  	v5 =	vmul.bf16 v5, v4;
	_ =	sdelay $0x1  }
0x20e: {  	[tilespmem:s25+$0xFE00] =	vst v5  }
0x20f: {  	v5 =	vld.idx.msk [tilespmem:v2+s25+$0xFFFFFFF0 ss:$0x1], $0xffff  }
0x210: {  	v62 =	vld.idx.msk [tilespmem:v3+s25+$0xFFFFFFF0 ss:$0x1], $0xffff;
	_ =	sdelay $0x4  }
0x211: {  	v5 =	vadd.bf16 v62, v5;
	_ =	sdelay $0x1  }
0x212: {  	v5 =	vmul.bf16 v5, v4;
	_ =	sdelay $0x1  }
0x213: {  	[tilespmem:s25+$0xFE10] =	vst v5  }
0x214: {  	v5 =	vld.idx.msk [tilespmem:v2+s25+$0x0 ss:$0x1], $0xffff  }
0x215: {  	v63 =	vld.idx.msk [tilespmem:v3+s25+$0x0 ss:$0x1], $0xffff;
	_ =	sdelay $0x3  }
0x216: {  	p2 =	sne.s32 s23, $0x7000  }
.Ltmp3:
0x217: {  	v5 =	vadd.bf16 v63, v5;
	(pc) =	sbr.rel @p2 .LBB2_9-.Ltmp3, $3  }
0x218: {  	_ = 	snop  }
0x219: {  	v4 =	vmul.bf16 v5, v4;
	_ =	sdelay $0x1  }
0x21a: {  	s24 =	sadd.s32 $0x10, s24;
	s23 =	sadd.s32 $0x1000, s23;
	[tilespmem:s25+$0xFE20] =	vst v4  }
0x21b: {  	p2 =	sne.s32 s19, s9  }
.Ltmp4:
0x21c: {  	_ = 	snop;
	(pc) =	sbr.rel @p2 .LBB2_6-.Ltmp4, $4  }
0x21d: {  	_ = 	snop  }
0x21e: {  	s0 =	sshll.u32 s22, $0x7;
	s21 =	sadd.s32 $0x80, s21;
	s17 =	sadd.s32 $0x80, s17  }
0x21f: {  	s20 =	sadd.s32 $0x80, s20;
	p1 =	por !p1, !p1;
	s0 =	sand.u32 $0x3FFFFF80, s0  }
0x220: {  	[spmem:s2] =	stream.indirect.scatter.add.bf16 [tilespmem:s14], [sflag:$0x6], $0x40, s0, s8, $0xb8;
	[tilespmem:$0x1DD80] =	vst v63  }
0x221: {  	_ =	swait.ge [sflag:s15], $0x2000  }
0x222: {  	[sflag:s15] =	ssyncset.done $0x0  }
0x223: {  	s17 =	simm.s32 $0x0;
	s0 =	rddreg [dreg:$0xb];
	[sflag:s15] =	ssyncadd.s32 $0xFFFFE000  }
0x224: {  	[hbm4b:s0+s17] =	stream.linear.scatter [tilespmem:s12], [sflag:$0x7], $0x2710, $0x38;
	[tilespmem:$0x1DD80] =	vst v63  }
0x225: {  	_ =	swait.ge [sflag:s31], $0x2710  }
0x226: {  	[sflag:s31] =	ssyncset.done $0x0  }
0x227: {  	[sflag:s31] =	ssyncadd.s32 $0xFFFFD8F0  }
0x228: {  	s0 =	stileid.u32;
	[bflag:$0x0] =	sbarrier.arrive $0xFFFF  }
0x229: {  	s0 =	sshll.u32 @!p0 s0, $0x6;
	s1 =	rddreg [dreg:$0x11]  }
0x22a: {  	s0 =	sor.u32 @!p0 $0x1C07, s0;
	s18 =	rddreg [dreg:$0x13]  }
0x22b: {  	[hbm:s1], [sflag:s0] =	dma.local @!p0 [spmem:s18], $0x1F40  }
0x22c: {  	s0 =	simm.s32 @!p0 $0x7  }
0x22d: {  	_ =	swait.ge @!p0 [sflag:s0], $0x1F40  }
0x22e: {  	s16 =	sadd.s32 $0x1, s16;
	s29 =	rddreg [dreg:$0xd]  }
0x22f: {  	p1 =	sne.s32 s16, s29  }
.Ltmp5:
0x230: {  	_ = 	snop;
	(pc) =	sbr.rel @p1 .LBB2_1-.Ltmp5, $3  }
0x231: {  	_ =	sdelay $0x1  }
0x232: {  	[sflag:s0] =	ssyncset.done @!p0 $0x0  }
0x233: {  	[sflag:s0] =	ssyncadd.s32 @!p0 $0xFFFFE0C0  }
0x234: {  	_ =	sfence.sel $0x180000  }
0x235: {  	[bflag:$0x0] =	sbarrier.arrive $0xFFFF  }
0x236: {  	_ =	strace $0x90000047  }
0x237: {  	s0 =	stileid.u32;
	[bflag:$0x2] =	sbarrier.arrive $0xFFFF  }
0x238: {  	p0 =	sne.s32 s0, $0x0;
	s0 =	rddreg [dreg:$0x3]  }
0x239: {  	s0 =	sadd.s32 @!p0 $0x100000, s0  }
0x23a: {  	[sflag:s0] =	ssyncadd.tile.s32 @!p0 $0x1;
	_ =	shalt  }
.Lfunc_end2:
_tile_overlayer_lowered:
.L_overlay_start_2:
0x23b: {  	(tag) =	ssettag $0x2  }
0x23c: {  	s0 =	rddreg [dreg:$0x0];
	s2 =	stileid.u32  }
0x23d: {  	s1 =	rddreg [dreg:$0x1];
	p0 =	sne.s32 s2, $0x0  }
0x23e: {  	s3 =	rddreg [dreg:$0x2];
	[bflag:$0x3] =	sbarrier.arrive $0xFFFF;
	s2 =	simm.s32 @!p0 $0x1C07  }
0x23f: {  	[timem:s3], [sflag:s2] =	dma.local @!p0 [hbm:s0], s1  }
0x240: {  	s0 =	simm.s32 @!p0 $0x7  }
0x241: {  	_ =	swait.ge @!p0 [sflag:s0], s1  }
0x242: {  	s1 =	ssub.s32 @!p0 $0x0, s1;
	[sflag:s0] =	ssyncset.done @!p0 $0x0  }
0x243: {  	[sflag:s0] =	ssyncadd.s32 @!p0 s1  }
0x244: {  	[bflag:$0x3] =	sbarrier.arrive $0xFFFF  }
0x245: {  	_ =	shalt  }

</sc_bundles>
